<compile_context>
chip_gen: v7x
topology: tpu7x:2x2x1
jax: 0.10.2.dev20260603
libtpu: 0.0.44.dev20260713+nightly
codegen_flags: <defaults>
</compile_context>

<pallas_src>
import jax
import jax.numpy as jnp
from jax import lax
from jax.experimental import pallas as pl
from jax.experimental.pallas import tpu as pltpu
from jax.experimental.pallas import tpu_sc as plsc

N = 10000
D = 128
H = D // 2
E = 320000
ALPHA = 0.1
CK = 0.45

NC = 2
NS = 16
C = 128
KB = 2
KR = 4
NCH = 160
NPH = NCH // KR
E_PAD = NS * NCH * C
N_PAD = 10240
RPT = N_PAD // NS
TPC = RPT // C

_f32 = jnp.float32
_mesh = plsc.VectorSubcoreMesh(core_axis_name="c", subcore_axis_name="s")
_sc_params = pltpu.CompilerParams(use_tc_tiling_on_sc=False,
                                  needs_layout_passes=False)


def _hist_body(coli_hbm, z16_hbm, out_hbm, colidx_v, ones_v, acc_sh, *sems):
    c = lax.axis_index("c")
    s = lax.axis_index("s")
    w = c * NS + s
    pltpu.sync_copy(coli_hbm.at[w], colidx_v)

    def fill(i, carry):
        ones_v[i, :] = jnp.ones((16,), _f32)
        return carry

    lax.fori_loop(0, C, fill, 0)
    pltpu.sync_copy(z16_hbm.at[pl.ds(s * RPT, RPT)],
                    acc_sh.at[pl.ds(s * RPT, RPT)])
    plsc.subcore_barrier()

    def phase(p, carry):
        descs = [
            pltpu.async_copy(ones_v, acc_sh.at[colidx_v.at[p * KB + j]],
                             sems[j], add=True)
            for j in range(KB)
        ]
        for d in descs:
            d.wait()
        return carry

    lax.fori_loop(0, (NCH // NC) // KB, phase, 0)
    plsc.subcore_barrier()
    pltpu.sync_copy(acc_sh.at[pl.ds(s * RPT, RPT)],
                    out_hbm.at[c, pl.ds(s * RPT, RPT)])


_hist_kernel = pl.kernel(
    _hist_body,
    out_type=jax.ShapeDtypeStruct((NC, N_PAD, 16), _f32),
    mesh=_mesh,
    scratch_types=[
        pltpu.VMEM((NCH // NC, C), jnp.int32),
        pltpu.VMEM((C, 16), _f32),
        pltpu.VMEM_SHARED((N_PAD, 16), _f32),
    ] + [pltpu.SemaphoreType.DMA] * KB,
    compiler_params=_sc_params,
)


def _mega_body(x_hbm, rc_hbm, hist_hbm,
               gsrc_hbm, o1_hbm, fin_hbm,
               ia_v, ib_v, a0, a1, a2, a3, b0, b1, b2, b3,
               disb_v, invcb_v, acc_sh, gsa, ssa, gsb, ssb, isa, isb):
    abufs = (a0, a1, a2, a3)
    bbufs = (b0, b1, b2, b3)
    c = lax.axis_index("c")
    s = lax.axis_index("s")

    pltpu.sync_copy(hist_hbm.at[0, pl.ds(s * RPT, RPT)], disb_v)
    pltpu.sync_copy(hist_hbm.at[1, pl.ds(s * RPT, RPT)], invcb_v)

    def normf(i, carry):
        cnt = disb_v[i, :] + invcb_v[i, :]
        y = cnt + 1.0
        iv = lax.sub(jnp.full((16,), 0x5F3759DF, jnp.int32),
                     lax.shift_right_logical(
                         plsc.bitcast(y, jnp.int32),
                         jnp.ones((16,), jnp.int32)))
        seed = plsc.bitcast(iv, _f32)
        for _ in range(3):
            seed = seed * (1.5 - 0.5 * y * seed * seed)
        disb_v[i, :] = seed
        invcb_v[i, :] = 1.0 / jnp.maximum(cnt, 1.0)
        return carry

    lax.fori_loop(0, RPT, normf, 0)

    def gathers(bufs, idxv, sem):
        return [
            pltpu.async_copy(gsrc_hbm.at[idxv.at[j]], bufs[j], sem)
            for j in range(KR)
        ]

    def scatters(bufs, idxv, sem):
        return [
            pltpu.async_copy(bufs[j], acc_sh.at[idxv.at[KR + j]],
                             sem, add=True)
            for j in range(KR)
        ]

    def wait_all(descs):
        for d in descs:
            d.wait()

    def scatter_loop():
        pltpu.sync_copy(rc_hbm.at[c, s, 0], ia_v)
        wait_all(gathers(abufs, ia_v, gsa))
        pltpu.sync_copy(rc_hbm.at[c, s, 1], ib_v)

        def pair(q, carry):
            pa = 2 * q
            pb = 2 * q + 1
            sa = scatters(abufs, ia_v, ssa)
            gb = gathers(bbufs, ib_v, gsb)
            wait_all(sa)
            ia = pltpu.async_copy(rc_hbm.at[c, s, pa + 2], ia_v, isa)
            wait_all(gb)
            sb = scatters(bbufs, ib_v, ssb)
            ia.wait()
            ga = gathers(abufs, ia_v, gsa)
            wait_all(sb)
            ib = pltpu.async_copy(rc_hbm.at[c, s, pb + 2], ib_v, isb)
            wait_all(ga)
            ib.wait()
            return carry

        lax.fori_loop(0, NPH // 2 - 1, pair, 0)
        sa = scatters(abufs, ia_v, ssa)
        gb = gathers(bbufs, ib_v, gsb)
        wait_all(sa)
        wait_all(gb)
        wait_all(scatters(bbufs, ib_v, ssb))

    def initc(t, carry):
        lrow = s * RPT + t * C
        grow = c * N_PAD + lrow
        pltpu.sync_copy(x_hbm.at[pl.ds(grow, C)], a0)

        def rowf(r, carry2):
            dv = disb_v[t * C + r, :]
            for q in range(H // 16):
                sl = pl.ds(q * 16, 16)
                a0[r, sl] = dv * a0[r, sl]
            return carry2

        lax.fori_loop(0, C, rowf, 0)
        pltpu.sync_copy(a0, gsrc_hbm.at[pl.ds(grow, C)])
        pltpu.sync_copy(a0, acc_sh.at[pl.ds(lrow, C)])
        return carry

    lax.fori_loop(0, TPC, initc, 0)
    plsc.subcore_barrier()
    scatter_loop()
    plsc.subcore_barrier()

    def tr1(t, carry):
        lrow = s * RPT + t * C
        grow = c * N_PAD + lrow
        pltpu.sync_copy(acc_sh.at[pl.ds(lrow, C)], a0)
        pltpu.sync_copy(x_hbm.at[pl.ds(grow, C)], b0)

        def rowf(r, carry2):
            dv = disb_v[t * C + r, :]
            for q in range(H // 16):
                sl = pl.ds(q * 16, 16)
                h = dv * a0[r, sl]
                a0[r, sl] = dv * h
                b0[r, sl] = ALPHA * b0[r, sl] + CK * h
            return carry2

        lax.fori_loop(0, C, rowf, 0)
        pltpu.sync_copy(a0, gsrc_hbm.at[pl.ds(grow, C)])
        pltpu.sync_copy(a0, acc_sh.at[pl.ds(lrow, C)])
        pltpu.sync_copy(b0, o1_hbm.at[pl.ds(grow, C)])
        return carry

    lax.fori_loop(0, TPC, tr1, 0)
    plsc.subcore_barrier()
    scatter_loop()
    plsc.subcore_barrier()

    def tr2(t, carry):
        lrow = s * RPT + t * C
        grow = c * N_PAD + lrow
        pltpu.sync_copy(acc_sh.at[pl.ds(lrow, C)], a0)
        pltpu.sync_copy(o1_hbm.at[pl.ds(grow, C)], b0)

        def rowf(r, carry2):
            dv = disb_v[t * C + r, :]
            for q in range(H // 16):
                sl = pl.ds(q * 16, 16)
                a0[r, sl] = jnp.maximum(b0[r, sl] + CK * (dv * a0[r, sl]),
                                        0.0)
                b0[r, sl] = jnp.zeros((16,), _f32)
            return carry2

        lax.fori_loop(0, C, rowf, 0)
        pltpu.sync_copy(a0, gsrc_hbm.at[pl.ds(grow, C)])
        pltpu.sync_copy(b0, acc_sh.at[pl.ds(lrow, C)])
        return carry

    lax.fori_loop(0, TPC, tr2, 0)
    plsc.subcore_barrier()
    scatter_loop()
    plsc.subcore_barrier()

    def tr3(t, carry):
        lrow = s * RPT + t * C
        grow = c * N_PAD + lrow
        pltpu.sync_copy(acc_sh.at[pl.ds(lrow, C)], a0)
        pltpu.sync_copy(x_hbm.at[pl.ds(grow, C)], b0)

        def rowf(r, carry2):
            iv = invcb_v[t * C + r, :]
            for q in range(H // 16):
                sl = pl.ds(q * 16, 16)
                a0[r, sl] = jnp.maximum(iv * a0[r, sl] + b0[r, sl], 0.0)
            return carry2

        lax.fori_loop(0, C, rowf, 0)
        pltpu.sync_copy(a0, fin_hbm.at[c, pl.ds(lrow, C)])
        return carry

    lax.fori_loop(0, TPC, tr3, 0)


_flat_shape = jax.ShapeDtypeStruct((NC * N_PAD, H), _f32)
_mega_kernel = pl.kernel(
    _mega_body,
    out_type=[_flat_shape, _flat_shape,
              jax.ShapeDtypeStruct((NC, N_PAD, H), _f32)],
    mesh=_mesh,
    scratch_types=[
        pltpu.VMEM((2 * KR, C), jnp.int32),
        pltpu.VMEM((2 * KR, C), jnp.int32),
    ] + [pltpu.VMEM((C, H), _f32)] * (2 * KR) + [
        pltpu.VMEM((RPT, 16), _f32),
        pltpu.VMEM((RPT, 16), _f32),
        pltpu.VMEM_SHARED((N_PAD, H), _f32),
    ] + [pltpu.SemaphoreType.DMA] * 6,
    compiler_params=_sc_params,
)


@jax.jit
def kernel(x, edge_index):
    row = edge_index[0]
    col = edge_index[1]
    fill = (jnp.arange(E_PAD - E, dtype=jnp.int32) % (N_PAD - N)) + N
    row_flat = jnp.concatenate([row, fill])
    col_flat = jnp.concatenate([col, fill])
    row_p = jnp.stack([row_flat, row_flat + N_PAD]).reshape(NC, NS, NPH, KR, C)
    col_p = jnp.broadcast_to(
        col_flat.reshape(1, NS, NPH, KR, C), (NC, NS, NPH, KR, C))
    rc_p = jnp.concatenate([row_p, col_p], axis=3)
    x_p = jnp.pad(x, ((0, N_PAD - N), (0, 0)))
    x2 = jnp.stack([x_p[:, :H], x_p[:, H:]]).reshape(NC * N_PAD, H)
    z16 = jnp.zeros((N_PAD, 16), _f32)

    hist = _hist_kernel(col_flat.reshape(NC * NS, NCH // NC, C), z16)
    _, _, fin = _mega_kernel(x2, rc_p, hist)
    return jnp.concatenate([fin[0, :N], fin[1, :N]], axis=1)

# --- scband reference (transcript-rebuilt; emitter-appended) ---
"""Pipeline reference for scband-simple-graph-residual-31980326486703 (READ-ONLY COPY).

The authoritative reference and input builder live on the scoring server;
editing this copy changes nothing except your own understanding.
"""

import jax, jax.numpy as jnp
import numpy as np

N = 10000
E = 320000
D = 128
ALPHA = 0.1
K = 2


def setup_inputs(seed: int = 0) -> dict:
    key = jax.random.key(seed)
    k1, k2 = jax.random.split(key)
    x = jax.random.normal(k1, (N, D), dtype=jnp.float32)
    edge_index = jax.random.randint(k2, (2, E), 0, N, dtype=jnp.int32)
    return {"x": x, "edge_index": edge_index}


def gcn_norm(edge_index, num_nodes):
    # add self loops (fill_value=1, improved=False), symmetric normalization
    row, col = edge_index[0], edge_index[1]
    loop = jnp.arange(num_nodes, dtype=row.dtype)
    row = jnp.concatenate([row, loop])
    col = jnp.concatenate([col, loop])
    ew = jnp.ones(row.shape[0], dtype=jnp.float32)
    deg = jnp.zeros((num_nodes,), jnp.float32).at[col].add(ew)
    deg_inv_sqrt = jnp.where(deg > 0, deg ** -0.5, 0.0)
    norm = deg_inv_sqrt[row] * ew * deg_inv_sqrt[col]
    return row, col, norm


def ssg_conv(x, row, col, norm):
    # SSGConv forward with aggr_type='ssgc', norm_type=False; note self.lin is never applied in forward
    out = ALPHA * x
    h = x
    for _ in range(K):
        msg = norm[:, None] * h[row]           # message: edge_weight * x_j (gather)
        h = jnp.zeros_like(x).at[col].add(msg)  # scatter-add aggregation
        out = out + (1.0 - ALPHA) / K * h
    return out


def mean_conv(x, edge_index):
    # SimpleConv(aggr='mean'): mean of source features at each destination node
    row, col = edge_index[0], edge_index[1]
    s = jnp.zeros_like(x).at[col].add(x[row])
    cnt = jnp.zeros((x.shape[0],), jnp.float32).at[col].add(1.0)
    return s / jnp.clip(cnt, 1.0, None)[:, None]


def reference(x, edge_index):
    x0 = x
    row, col, norm = gcn_norm(edge_index, x.shape[0])
    h = jax.nn.relu(ssg_conv(x, row, col, norm))
    out = mean_conv(h, edge_index) + x0
    return jax.nn.relu(out)

if __name__ == "__main__":
    import jax
    _d = setup_inputs()
    print(jax.jit(kernel)(*tuple(_d.values())))

</pallas_src>

<mosaic_0001>
#map = affine_map<(d0, d1) -> (0, 0, 0)>
#map1 = affine_map<(d0, d1) -> (0, 0)>
module attributes {stable_mosaic.version = 14 : i64} {
  func.func @_hist_body(%arg0: i32, %arg1: i32, %arg2: memref<32x80x128xi32, #tpu.memory_space<hbm>>, %arg3: memref<10240x16xf32, #tpu.memory_space<hbm>>, %arg4: memref<2x10240x16xf32, #tpu.memory_space<hbm>>, %arg5: memref<80x128xi32, #tpu.memory_space<vmem>>, %arg6: memref<128x16xf32, #tpu.memory_space<vmem>>, %arg7: memref<10240x16xf32, #tpu.memory_space<vmem_shared>>, %arg8: memref<!tpu.dma_semaphore, #tpu.memory_space<semaphore_mem>>, %arg9: memref<!tpu.dma_semaphore, #tpu.memory_space<semaphore_mem>>) attributes {dimension_semantics = [#tpu.dimension_semantics<core_parallel>, #tpu.dimension_semantics<subcore_parallel>], iteration_bounds = array<i64: 2, 16>, scalar_prefetch = 0 : i64, scratch_operands = 5 : i64, tpu.core_type = #tpu.core_type<sc_vector_subcore>, window_params = [{transform_indices = #map}, {transform_indices = #map1}, {transform_indices = #map}]} {
    %mul3A = arith.constant 16 : i32
    %mul3A_0 = arith.muli %arg0, %mul3A : i32
    %add3A = arith.addi %mul3A_0, %arg1 : i32
    "tpu.region"() ({
      %run_scoped3A = tpu.sem_alloc : memref<!tpu.dma_semaphore, #tpu.memory_space<semaphore_mem>>
      %dma_start3A = arith.constant 0 : i32
      %dma_start3A_21 = arith.constant 0 : i32
      %dma_start3A_22 = tpu.memref_slice %arg2[%add3A, %dma_start3A, %dma_start3A_21] : memref<32x80x128xi32, #tpu.memory_space<hbm>> -> memref<1x80x128xi32, #tpu.memory_space<hbm>>
      %dma_start3A_23 = tpu.memref_squeeze %dma_start3A_22 : memref<1x80x128xi32, #tpu.memory_space<hbm>> -> memref<80x128xi32, #tpu.memory_space<hbm>>
      %dma_start3A_24 = arith.constant 0 : i32
      %dma_start3A_25 = arith.constant 0 : i32
      %dma_start3A_26 = tpu.memref_slice %arg2[%add3A, %dma_start3A_24, %dma_start3A_25] : memref<32x80x128xi32, #tpu.memory_space<hbm>> -> memref<1x80x128xi32, #tpu.memory_space<hbm>>
      %dma_start3A_27 = tpu.memref_squeeze %dma_start3A_26 : memref<1x80x128xi32, #tpu.memory_space<hbm>> -> memref<80x128xi32, #tpu.memory_space<hbm>>
      tpu.enqueue_dma source(%dma_start3A_27 : memref<80x128xi32, #tpu.memory_space<hbm>>) target(%arg5 : memref<80x128xi32, #tpu.memory_space<vmem>>) target_semaphore(%run_scoped3A : memref<!tpu.dma_semaphore, #tpu.memory_space<semaphore_mem>>)
      %dma_wait3A = arith.constant 0 : i32
      %dma_wait3A_28 = arith.constant 0 : i32
      %dma_wait3A_29 = tpu.memref_slice %arg2[%add3A, %dma_wait3A, %dma_wait3A_28] : memref<32x80x128xi32, #tpu.memory_space<hbm>> -> memref<1x80x128xi32, #tpu.memory_space<hbm>>
      %dma_wait3A_30 = tpu.memref_squeeze %dma_wait3A_29 : memref<1x80x128xi32, #tpu.memory_space<hbm>> -> memref<80x128xi32, #tpu.memory_space<hbm>>
      %dma_wait3A_31 = arith.constant 0 : i32
      %dma_wait3A_32 = arith.constant 0 : i32
      %dma_wait3A_33 = tpu.memref_slice %arg2[%add3A, %dma_wait3A_31, %dma_wait3A_32] : memref<32x80x128xi32, #tpu.memory_space<hbm>> -> memref<1x80x128xi32, #tpu.memory_space<hbm>>
      %dma_wait3A_34 = tpu.memref_squeeze %dma_wait3A_33 : memref<1x80x128xi32, #tpu.memory_space<hbm>> -> memref<80x128xi32, #tpu.memory_space<hbm>>
      tpu.wait_dma2 semaphore(%run_scoped3A : memref<!tpu.dma_semaphore, #tpu.memory_space<semaphore_mem>>) src(%dma_wait3A_34 : memref<80x128xi32, #tpu.memory_space<hbm>>) dst(%arg5 : memref<80x128xi32, #tpu.memory_space<vmem>>)
      tpu.yield
    }) : () -> ()
    %scan3A = arith.constant 0 : i32
    %scan3A_1 = arith.constant 0 : i32
    %scan3A_2 = arith.constant 128 : i32
    %scan3A_3 = arith.addi %scan3A_1, %scan3A_2 : i32
    %scan3A_4 = arith.constant 1 : i32
    scf.for %scan3A_21 = %scan3A_1 to %scan3A_3 step %scan3A_4  : i32 {
      %broadcast_in_dim3A = arith.constant 1.000000e+00 : f32
      %broadcast_in_dim3A_22 = vector.broadcast %broadcast_in_dim3A : f32 to vector<16xf32>
      %swap3A = arith.index_cast %scan3A_21 : i32 to index
      %swap3A_23 = arith.constant 0 : index
      %swap3A_24 = tpu.vector_load %arg6[%swap3A, %swap3A_23] {strides = array<i32>} : memref<128x16xf32, #tpu.memory_space<vmem>>, vector<16xf32>,
      tpu.vector_store %arg6[%swap3A, %swap3A_23], %broadcast_in_dim3A_22 {strides = array<i32>} : memref<128x16xf32, #tpu.memory_space<vmem>>, vector<16xf32>,
    }
    %scan3A_5 = arith.constant 128 : i32
    %mul3A_6 = arith.constant 640 : i32
    %mul3A_7 = arith.muli %arg1, %mul3A_6 : i32
    %mul3A_8 = arith.constant 640 : i32
    %mul3A_9 = arith.muli %arg1, %mul3A_8 : i32
    "tpu.region"() ({
      %run_scoped3A = tpu.sem_alloc : memref<!tpu.dma_semaphore, #tpu.memory_space<semaphore_mem>>
      %dma_start3A = arith.constant 0 : i32
      %dma_start3A_21 = tpu.memref_slice %arg7[%mul3A_9, %dma_start3A] : memref<10240x16xf32, #tpu.memory_space<vmem_shared>> -> memref<640x16xf32, #tpu.memory_space<vmem_shared>>
      %dma_start3A_22 = arith.constant 0 : i32
      %dma_start3A_23 = tpu.memref_slice %arg3[%mul3A_7, %dma_start3A_22] : memref<10240x16xf32, #tpu.memory_space<hbm>> -> memref<640x16xf32, #tpu.memory_space<hbm>>
      tpu.enqueue_dma source(%dma_start3A_23 : memref<640x16xf32, #tpu.memory_space<hbm>>) target(%dma_start3A_21 : memref<640x16xf32, #tpu.memory_space<vmem_shared>>) target_semaphore(%run_scoped3A : memref<!tpu.dma_semaphore, #tpu.memory_space<semaphore_mem>>)
      %dma_wait3A = arith.constant 0 : i32
      %dma_wait3A_24 = tpu.memref_slice %arg7[%mul3A_9, %dma_wait3A] : memref<10240x16xf32, #tpu.memory_space<vmem_shared>> -> memref<640x16xf32, #tpu.memory_space<vmem_shared>>
      %dma_wait3A_25 = arith.constant 0 : i32
      %dma_wait3A_26 = tpu.memref_slice %arg3[%mul3A_7, %dma_wait3A_25] : memref<10240x16xf32, #tpu.memory_space<hbm>> -> memref<640x16xf32, #tpu.memory_space<hbm>>
      tpu.wait_dma2 semaphore(%run_scoped3A : memref<!tpu.dma_semaphore, #tpu.memory_space<semaphore_mem>>) src(%dma_wait3A_26 : memref<640x16xf32, #tpu.memory_space<hbm>>) dst(%dma_wait3A_24 : memref<640x16xf32, #tpu.memory_space<vmem_shared>>)
      tpu.yield
    }) : () -> ()
    %barrier3A = arith.constant 0 : index
    tpu.barrier barrier_id(%barrier3A)
    %scan3A_10 = arith.constant 0 : i32
    %scan3A_11 = arith.constant 0 : i32
    %scan3A_12 = arith.constant 40 : i32
    %scan3A_13 = arith.addi %scan3A_11, %scan3A_12 : i32
    %scan3A_14 = arith.constant 1 : i32
    scf.for %scan3A_21 = %scan3A_11 to %scan3A_13 step %scan3A_14  : i32 {
      %mul3A_22 = arith.constant 2 : i32
      %mul3A_23 = arith.muli %scan3A_21, %mul3A_22 : i32
      %add3A_24 = arith.constant 0 : i32
      %add3A_25 = arith.addi %mul3A_23, %add3A_24 : i32
      %dma_start3A = arith.constant 0 : i32
      %dma_start3A_26 = tpu.memref_slice %arg5[%add3A_25, %dma_start3A] : memref<80x128xi32, #tpu.memory_space<vmem>> -> memref<1x128xi32, #tpu.memory_space<vmem>>
      %dma_start3A_27 = tpu.memref_squeeze %dma_start3A_26 : memref<1x128xi32, #tpu.memory_space<vmem>> -> memref<128xi32, #tpu.memory_space<vmem>>
      %dma_start3A_28 = arith.constant 0 : i32
      %dma_start3A_29 = arith.constant 0 : i32
      %dma_start3A_30 = tpu.memref_slice %arg7[%dma_start3A_28, %dma_start3A_29] : memref<10240x16xf32, #tpu.memory_space<vmem_shared>> -> memref<10240x16xf32, #tpu.memory_space<vmem_shared>>
      tpu.enqueue_indirect_dma source(%arg6 : memref<128x16xf32, #tpu.memory_space<vmem>>) target(%dma_start3A_30 : memref<10240x16xf32, #tpu.memory_space<vmem_shared>>) offsets(%dma_start3A_27 : memref<128xi32, #tpu.memory_space<vmem>>) semaphore(%arg8 : memref<!tpu.dma_semaphore, #tpu.memory_space<semaphore_mem>>) {add = true}
      %mul3A_31 = arith.constant 2 : i32
      %mul3A_32 = arith.muli %scan3A_21, %mul3A_31 : i32
      %add3A_33 = arith.constant 1 : i32
      %add3A_34 = arith.addi %mul3A_32, %add3A_33 : i32
      %dma_start3A_35 = arith.constant 0 : i32
      %dma_start3A_36 = tpu.memref_slice %arg5[%add3A_34, %dma_start3A_35] : memref<80x128xi32, #tpu.memory_space<vmem>> -> memref<1x128xi32, #tpu.memory_space<vmem>>
      %dma_start3A_37 = tpu.memref_squeeze %dma_start3A_36 : memref<1x128xi32, #tpu.memory_space<vmem>> -> memref<128xi32, #tpu.memory_space<vmem>>
      %dma_start3A_38 = arith.constant 0 : i32
      %dma_start3A_39 = arith.constant 0 : i32
      %dma_start3A_40 = tpu.memref_slice %arg7[%dma_start3A_38, %dma_start3A_39] : memref<10240x16xf32, #tpu.memory_space<vmem_shared>> -> memref<10240x16xf32, #tpu.memory_space<vmem_shared>>
      tpu.enqueue_indirect_dma source(%arg6 : memref<128x16xf32, #tpu.memory_space<vmem>>) target(%dma_start3A_40 : memref<10240x16xf32, #tpu.memory_space<vmem_shared>>) offsets(%dma_start3A_37 : memref<128xi32, #tpu.memory_space<vmem>>) semaphore(%arg9 : memref<!tpu.dma_semaphore, #tpu.memory_space<semaphore_mem>>) {add = true}
      %dma_wait3A = arith.constant 0 : i32
      %dma_wait3A_41 = tpu.memref_slice %arg5[%add3A_25, %dma_wait3A] : memref<80x128xi32, #tpu.memory_space<vmem>> -> memref<1x128xi32, #tpu.memory_space<vmem>>
      %dma_wait3A_42 = tpu.memref_squeeze %dma_wait3A_41 : memref<1x128xi32, #tpu.memory_space<vmem>> -> memref<128xi32, #tpu.memory_space<vmem>>
      %dma_wait3A_43 = arith.constant 0 : i32
      %dma_wait3A_44 = arith.constant 0 : i32
      %dma_wait3A_45 = tpu.memref_slice %arg7[%dma_wait3A_43, %dma_wait3A_44] : memref<10240x16xf32, #tpu.memory_space<vmem_shared>> -> memref<10240x16xf32, #tpu.memory_space<vmem_shared>>
      tpu.wait_indirect_dma semaphore(%arg8 : memref<!tpu.dma_semaphore, #tpu.memory_space<semaphore_mem>>) src(%arg6 : memref<128x16xf32, #tpu.memory_space<vmem>>) dst(%dma_wait3A_45 : memref<10240x16xf32, #tpu.memory_space<vmem_shared>>)
      %dma_wait3A_46 = arith.constant 0 : i32
      %dma_wait3A_47 = tpu.memref_slice %arg5[%add3A_34, %dma_wait3A_46] : memref<80x128xi32, #tpu.memory_space<vmem>> -> memref<1x128xi32, #tpu.memory_space<vmem>>
      %dma_wait3A_48 = tpu.memref_squeeze %dma_wait3A_47 : memref<1x128xi32, #tpu.memory_space<vmem>> -> memref<128xi32, #tpu.memory_space<vmem>>
      %dma_wait3A_49 = arith.constant 0 : i32
      %dma_wait3A_50 = arith.constant 0 : i32
      %dma_wait3A_51 = tpu.memref_slice %arg7[%dma_wait3A_49, %dma_wait3A_50] : memref<10240x16xf32, #tpu.memory_space<vmem_shared>> -> memref<10240x16xf32, #tpu.memory_space<vmem_shared>>
      tpu.wait_indirect_dma semaphore(%arg9 : memref<!tpu.dma_semaphore, #tpu.memory_space<semaphore_mem>>) src(%arg6 : memref<128x16xf32, #tpu.memory_space<vmem>>) dst(%dma_wait3A_51 : memref<10240x16xf32, #tpu.memory_space<vmem_shared>>)
    }
    %scan3A_15 = arith.constant 40 : i32
    %barrier3A_16 = arith.constant 0 : index
    tpu.barrier barrier_id(%barrier3A_16)
    %mul3A_17 = arith.constant 640 : i32
    %mul3A_18 = arith.muli %arg1, %mul3A_17 : i32
    %mul3A_19 = arith.constant 640 : i32
    %mul3A_20 = arith.muli %arg1, %mul3A_19 : i32
    "tpu.region"() ({
      %run_scoped3A = tpu.sem_alloc : memref<!tpu.dma_semaphore, #tpu.memory_space<semaphore_mem>>
      %dma_start3A = arith.constant 0 : i32
      %dma_start3A_21 = tpu.memref_slice %arg4[%arg0, %mul3A_20, %dma_start3A] : memref<2x10240x16xf32, #tpu.memory_space<hbm>> -> memref<1x640x16xf32, #tpu.memory_space<hbm>>
      %dma_start3A_22 = tpu.memref_squeeze %dma_start3A_21 : memref<1x640x16xf32, #tpu.memory_space<hbm>> -> memref<640x16xf32, #tpu.memory_space<hbm>>
      %dma_start3A_23 = arith.constant 0 : i32
      %dma_start3A_24 = tpu.memref_slice %arg7[%mul3A_18, %dma_start3A_23] : memref<10240x16xf32, #tpu.memory_space<vmem_shared>> -> memref<640x16xf32, #tpu.memory_space<vmem_shared>>
      tpu.enqueue_dma source(%dma_start3A_24 : memref<640x16xf32, #tpu.memory_space<vmem_shared>>) target(%dma_start3A_22 : memref<640x16xf32, #tpu.memory_space<hbm>>) target_semaphore(%run_scoped3A : memref<!tpu.dma_semaphore, #tpu.memory_space<semaphore_mem>>)
      %dma_wait3A = arith.constant 0 : i32
      %dma_wait3A_25 = tpu.memref_slice %arg4[%arg0, %mul3A_20, %dma_wait3A] : memref<2x10240x16xf32, #tpu.memory_space<hbm>> -> memref<1x640x16xf32, #tpu.memory_space<hbm>>
      %dma_wait3A_26 = tpu.memref_squeeze %dma_wait3A_25 : memref<1x640x16xf32, #tpu.memory_space<hbm>> -> memref<640x16xf32, #tpu.memory_space<hbm>>
      %dma_wait3A_27 = arith.constant 0 : i32
      %dma_wait3A_28 = tpu.memref_slice %arg7[%mul3A_18, %dma_wait3A_27] : memref<10240x16xf32, #tpu.memory_space<vmem_shared>> -> memref<640x16xf32, #tpu.memory_space<vmem_shared>>
      tpu.wait_dma2 semaphore(%run_scoped3A : memref<!tpu.dma_semaphore, #tpu.memory_space<semaphore_mem>>) src(%dma_wait3A_28 : memref<640x16xf32, #tpu.memory_space<vmem_shared>>) dst(%dma_wait3A_26 : memref<640x16xf32, #tpu.memory_space<hbm>>)
      tpu.yield
    }) : () -> ()
    return
  }
}

#map = affine_map<(d0, d1) -> (0, 0)>
#map1 = affine_map<(d0, d1) -> (0, 0, 0, 0, 0)>
#map2 = affine_map<(d0, d1) -> (0, 0, 0)>
module attributes {stable_mosaic.version = 14 : i64} {
  func.func @_mega_body(%arg0: i32, %arg1: i32, %arg2: memref<20480x64xf32, #tpu.memory_space<hbm>>, %arg3: memref<2x16x40x8x128xi32, #tpu.memory_space<hbm>>, %arg4: memref<2x10240x16xf32, #tpu.memory_space<hbm>>, %arg5: memref<20480x64xf32, #tpu.memory_space<hbm>>, %arg6: memref<20480x64xf32, #tpu.memory_space<hbm>>, %arg7: memref<2x10240x64xf32, #tpu.memory_space<hbm>>, %arg8: memref<8x128xi32, #tpu.memory_space<vmem>>, %arg9: memref<8x128xi32, #tpu.memory_space<vmem>>, %arg10: memref<128x64xf32, #tpu.memory_space<vmem>>, %arg11: memref<128x64xf32, #tpu.memory_space<vmem>>, %arg12: memref<128x64xf32, #tpu.memory_space<vmem>>, %arg13: memref<128x64xf32, #tpu.memory_space<vmem>>, %arg14: memref<128x64xf32, #tpu.memory_space<vmem>>, %arg15: memref<128x64xf32, #tpu.memory_space<vmem>>, %arg16: memref<128x64xf32, #tpu.memory_space<vmem>>, %arg17: memref<128x64xf32, #tpu.memory_space<vmem>>, %arg18: memref<640x16xf32, #tpu.memory_space<vmem>>, %arg19: memref<640x16xf32, #tpu.memory_space<vmem>>, %arg20: memref<10240x64xf32, #tpu.memory_space<vmem_shared>>, %arg21: memref<!tpu.dma_semaphore, #tpu.memory_space<semaphore_mem>>, %arg22: memref<!tpu.dma_semaphore, #tpu.memory_space<semaphore_mem>>, %arg23: memref<!tpu.dma_semaphore, #tpu.memory_space<semaphore_mem>>, %arg24: memref<!tpu.dma_semaphore, #tpu.memory_space<semaphore_mem>>, %arg25: memref<!tpu.dma_semaphore, #tpu.memory_space<semaphore_mem>>, %arg26: memref<!tpu.dma_semaphore, #tpu.memory_space<semaphore_mem>>) attributes {dimension_semantics = [#tpu.dimension_semantics<core_parallel>, #tpu.dimension_semantics<subcore_parallel>], iteration_bounds = array<i64: 2, 16>, scalar_prefetch = 0 : i64, scratch_operands = 19 : i64, tpu.core_type = #tpu.core_type<sc_vector_subcore>, window_params = [{transform_indices = #map}, {transform_indices = #map1}, {transform_indices = #map2}, {transform_indices = #map}, {transform_indices = #map}, {transform_indices = #map2}]} {
    %mul3A = arith.constant 640 : i32
    %mul3A_0 = arith.muli %arg1, %mul3A : i32
    %run_scoped3A = arith.constant 0 : i32
    "tpu.region"() ({
      %run_scoped3A_732 = tpu.sem_alloc : memref<!tpu.dma_semaphore, #tpu.memory_space<semaphore_mem>>
      %dma_start3A_733 = arith.constant 0 : i32
      %dma_start3A_734 = tpu.memref_slice %arg4[%run_scoped3A, %mul3A_0, %dma_start3A_733] : memref<2x10240x16xf32, #tpu.memory_space<hbm>> -> memref<1x640x16xf32, #tpu.memory_space<hbm>>
      %dma_start3A_735 = tpu.memref_squeeze %dma_start3A_734 : memref<1x640x16xf32, #tpu.memory_space<hbm>> -> memref<640x16xf32, #tpu.memory_space<hbm>>
      %dma_start3A_736 = arith.constant 0 : i32
      %dma_start3A_737 = tpu.memref_slice %arg4[%run_scoped3A, %mul3A_0, %dma_start3A_736] : memref<2x10240x16xf32, #tpu.memory_space<hbm>> -> memref<1x640x16xf32, #tpu.memory_space<hbm>>
      %dma_start3A_738 = tpu.memref_squeeze %dma_start3A_737 : memref<1x640x16xf32, #tpu.memory_space<hbm>> -> memref<640x16xf32, #tpu.memory_space<hbm>>
      tpu.enqueue_dma source(%dma_start3A_738 : memref<640x16xf32, #tpu.memory_space<hbm>>) target(%arg18 : memref<640x16xf32, #tpu.memory_space<vmem>>) target_semaphore(%run_scoped3A_732 : memref<!tpu.dma_semaphore, #tpu.memory_space<semaphore_mem>>)
      %dma_wait3A_739 = arith.constant 0 : i32
      %dma_wait3A_740 = tpu.memref_slice %arg4[%run_scoped3A, %mul3A_0, %dma_wait3A_739] : memref<2x10240x16xf32, #tpu.memory_space<hbm>> -> memref<1x640x16xf32, #tpu.memory_space<hbm>>
      %dma_wait3A_741 = tpu.memref_squeeze %dma_wait3A_740 : memref<1x640x16xf32, #tpu.memory_space<hbm>> -> memref<640x16xf32, #tpu.memory_space<hbm>>
      %dma_wait3A_742 = arith.constant 0 : i32
      %dma_wait3A_743 = tpu.memref_slice %arg4[%run_scoped3A, %mul3A_0, %dma_wait3A_742] : memref<2x10240x16xf32, #tpu.memory_space<hbm>> -> memref<1x640x16xf32, #tpu.memory_space<hbm>>
      %dma_wait3A_744 = tpu.memref_squeeze %dma_wait3A_743 : memref<1x640x16xf32, #tpu.memory_space<hbm>> -> memref<640x16xf32, #tpu.memory_space<hbm>>
      tpu.wait_dma2 semaphore(%run_scoped3A_732 : memref<!tpu.dma_semaphore, #tpu.memory_space<semaphore_mem>>) src(%dma_wait3A_744 : memref<640x16xf32, #tpu.memory_space<hbm>>) dst(%arg18 : memref<640x16xf32, #tpu.memory_space<vmem>>)
      tpu.yield
    }) : () -> ()
    %mul3A_1 = arith.constant 640 : i32
    %mul3A_2 = arith.muli %arg1, %mul3A_1 : i32
    %run_scoped3A_3 = arith.constant 1 : i32
    "tpu.region"() ({
      %run_scoped3A_732 = tpu.sem_alloc : memref<!tpu.dma_semaphore, #tpu.memory_space<semaphore_mem>>
      %dma_start3A_733 = arith.constant 0 : i32
      %dma_start3A_734 = tpu.memref_slice %arg4[%run_scoped3A_3, %mul3A_2, %dma_start3A_733] : memref<2x10240x16xf32, #tpu.memory_space<hbm>> -> memref<1x640x16xf32, #tpu.memory_space<hbm>>
      %dma_start3A_735 = tpu.memref_squeeze %dma_start3A_734 : memref<1x640x16xf32, #tpu.memory_space<hbm>> -> memref<640x16xf32, #tpu.memory_space<hbm>>
      %dma_start3A_736 = arith.constant 0 : i32
      %dma_start3A_737 = tpu.memref_slice %arg4[%run_scoped3A_3, %mul3A_2, %dma_start3A_736] : memref<2x10240x16xf32, #tpu.memory_space<hbm>> -> memref<1x640x16xf32, #tpu.memory_space<hbm>>
      %dma_start3A_738 = tpu.memref_squeeze %dma_start3A_737 : memref<1x640x16xf32, #tpu.memory_space<hbm>> -> memref<640x16xf32, #tpu.memory_space<hbm>>
      tpu.enqueue_dma source(%dma_start3A_738 : memref<640x16xf32, #tpu.memory_space<hbm>>) target(%arg19 : memref<640x16xf32, #tpu.memory_space<vmem>>) target_semaphore(%run_scoped3A_732 : memref<!tpu.dma_semaphore, #tpu.memory_space<semaphore_mem>>)
      %dma_wait3A_739 = arith.constant 0 : i32
      %dma_wait3A_740 = tpu.memref_slice %arg4[%run_scoped3A_3, %mul3A_2, %dma_wait3A_739] : memref<2x10240x16xf32, #tpu.memory_space<hbm>> -> memref<1x640x16xf32, #tpu.memory_space<hbm>>
      %dma_wait3A_741 = tpu.memref_squeeze %dma_wait3A_740 : memref<1x640x16xf32, #tpu.memory_space<hbm>> -> memref<640x16xf32, #tpu.memory_space<hbm>>
      %dma_wait3A_742 = arith.constant 0 : i32
      %dma_wait3A_743 = tpu.memref_slice %arg4[%run_scoped3A_3, %mul3A_2, %dma_wait3A_742] : memref<2x10240x16xf32, #tpu.memory_space<hbm>> -> memref<1x640x16xf32, #tpu.memory_space<hbm>>
      %dma_wait3A_744 = tpu.memref_squeeze %dma_wait3A_743 : memref<1x640x16xf32, #tpu.memory_space<hbm>> -> memref<640x16xf32, #tpu.memory_space<hbm>>
      tpu.wait_dma2 semaphore(%run_scoped3A_732 : memref<!tpu.dma_semaphore, #tpu.memory_space<semaphore_mem>>) src(%dma_wait3A_744 : memref<640x16xf32, #tpu.memory_space<hbm>>) dst(%arg19 : memref<640x16xf32, #tpu.memory_space<vmem>>)
      tpu.yield
    }) : () -> ()
    %scan3A = arith.constant 0 : i32
    %scan3A_4 = arith.constant 0 : i32
    %scan3A_5 = arith.constant 640 : i32
    %scan3A_6 = arith.addi %scan3A_4, %scan3A_5 : i32
    %scan3A_7 = arith.constant 1 : i32
    scf.for %scan3A_732 = %scan3A_4 to %scan3A_6 step %scan3A_7  : i32 {
      %get3A = arith.index_cast %scan3A_732 : i32 to index
      %get3A_733 = arith.constant 0 : index
      %get3A_734 = tpu.vector_load %arg18[%get3A, %get3A_733] {strides = array<i32>} : memref<640x16xf32, #tpu.memory_space<vmem>>, vector<16xf32>,
      %get3A_735 = arith.index_cast %scan3A_732 : i32 to index
      %get3A_736 = arith.constant 0 : index
      %get3A_737 = tpu.vector_load %arg19[%get3A_735, %get3A_736] {strides = array<i32>} : memref<640x16xf32, #tpu.memory_space<vmem>>, vector<16xf32>,
      %add3A = arith.addf %get3A_734, %get3A_737 : vector<16xf32>
      %add3A_738 = arith.constant 1.000000e+00 : f32
      %add3A_739 = vector.broadcast %add3A_738 : f32 to vector<16xf32>
      %add3A_740 = arith.addf %add3A, %add3A_739 : vector<16xf32>
      %broadcast_in_dim3A = arith.constant 1597463007 : i32
      %broadcast_in_dim3A_741 = vector.broadcast %broadcast_in_dim3A : i32 to vector<16xi32>
      %bitcast3A = vector.bitcast %add3A_740 : vector<16xf32> to vector<16xi32>
      %broadcast_in_dim3A_742 = arith.constant 1 : i32
      %broadcast_in_dim3A_743 = vector.broadcast %broadcast_in_dim3A_742 : i32 to vector<16xi32>
      %shift_right_logical3A = arith.shrui %bitcast3A, %broadcast_in_dim3A_743 : vector<16xi32>
      %sub3A = arith.subi %broadcast_in_dim3A_741, %shift_right_logical3A : vector<16xi32>
      %bitcast3A_744 = vector.bitcast %sub3A : vector<16xi32> to vector<16xf32>
      %mul3A_745 = arith.constant 5.000000e-01 : f32
      %mul3A_746 = vector.broadcast %mul3A_745 : f32 to vector<16xf32>
      %mul3A_747 = arith.mulf %mul3A_746, %add3A_740 : vector<16xf32>
      %mul3A_748 = arith.mulf %mul3A_747, %bitcast3A_744 : vector<16xf32>
      %mul3A_749 = arith.mulf %mul3A_748, %bitcast3A_744 : vector<16xf32>
      %sub3A_750 = arith.constant 1.500000e+00 : f32
      %sub3A_751 = vector.broadcast %sub3A_750 : f32 to vector<16xf32>
      %sub3A_752 = arith.subf %sub3A_751, %mul3A_749 : vector<16xf32>
      %mul3A_753 = arith.mulf %bitcast3A_744, %sub3A_752 : vector<16xf32>
      %mul3A_754 = arith.constant 5.000000e-01 : f32
      %mul3A_755 = vector.broadcast %mul3A_754 : f32 to vector<16xf32>
      %mul3A_756 = arith.mulf %mul3A_755, %add3A_740 : vector<16xf32>
      %mul3A_757 = arith.mulf %mul3A_756, %mul3A_753 : vector<16xf32>
      %mul3A_758 = arith.mulf %mul3A_757, %mul3A_753 : vector<16xf32>
      %sub3A_759 = arith.constant 1.500000e+00 : f32
      %sub3A_760 = vector.broadcast %sub3A_759 : f32 to vector<16xf32>
      %sub3A_761 = arith.subf %sub3A_760, %mul3A_758 : vector<16xf32>
      %mul3A_762 = arith.mulf %mul3A_753, %sub3A_761 : vector<16xf32>
      %mul3A_763 = arith.constant 5.000000e-01 : f32
      %mul3A_764 = vector.broadcast %mul3A_763 : f32 to vector<16xf32>
      %mul3A_765 = arith.mulf %mul3A_764, %add3A_740 : vector<16xf32>
      %mul3A_766 = arith.mulf %mul3A_765, %mul3A_762 : vector<16xf32>
      %mul3A_767 = arith.mulf %mul3A_766, %mul3A_762 : vector<16xf32>
      %sub3A_768 = arith.constant 1.500000e+00 : f32
      %sub3A_769 = vector.broadcast %sub3A_768 : f32 to vector<16xf32>
      %sub3A_770 = arith.subf %sub3A_769, %mul3A_767 : vector<16xf32>
      %mul3A_771 = arith.mulf %mul3A_762, %sub3A_770 : vector<16xf32>
      %swap3A = arith.index_cast %scan3A_732 : i32 to index
      %swap3A_772 = arith.constant 0 : index
      %swap3A_773 = tpu.vector_load %arg18[%swap3A, %swap3A_772] {strides = array<i32>} : memref<640x16xf32, #tpu.memory_space<vmem>>, vector<16xf32>,
      tpu.vector_store %arg18[%swap3A, %swap3A_772], %mul3A_771 {strides = array<i32>} : memref<640x16xf32, #tpu.memory_space<vmem>>, vector<16xf32>,
      %max3A = arith.constant 1.000000e+00 : f32
      %max3A_774 = vector.broadcast %max3A : f32 to vector<16xf32>
      %max3A_775 = arith.maximumf %add3A, %max3A_774 : vector<16xf32>
      %div3A = arith.constant 1.000000e+00 : f32
      %div3A_776 = vector.broadcast %div3A : f32 to vector<16xf32>
      %div3A_777 = arith.divf %div3A_776, %max3A_775 : vector<16xf32>
      %swap3A_778 = arith.index_cast %scan3A_732 : i32 to index
      %swap3A_779 = arith.constant 0 : index
      %swap3A_780 = tpu.vector_load %arg19[%swap3A_778, %swap3A_779] {strides = array<i32>} : memref<640x16xf32, #tpu.memory_space<vmem>>, vector<16xf32>,
      tpu.vector_store %arg19[%swap3A_778, %swap3A_779], %div3A_777 {strides = array<i32>} : memref<640x16xf32, #tpu.memory_space<vmem>>, vector<16xf32>,
    }
    %scan3A_8 = arith.constant 640 : i32
    %scan3A_9 = arith.constant 0 : i32
    %scan3A_10 = arith.constant 0 : i32
    %scan3A_11 = arith.constant 5 : i32
    %scan3A_12 = arith.addi %scan3A_10, %scan3A_11 : i32
    %scan3A_13 = arith.constant 1 : i32
    scf.for %scan3A_732 = %scan3A_10 to %scan3A_12 step %scan3A_13  : i32 {
      %mul3A_733 = arith.constant 640 : i32
      %mul3A_734 = arith.muli %arg1, %mul3A_733 : i32
      %mul3A_735 = arith.constant 128 : i32
      %mul3A_736 = arith.muli %scan3A_732, %mul3A_735 : i32
      %add3A = arith.addi %mul3A_734, %mul3A_736 : i32
      %mul3A_737 = arith.constant 10240 : i32
      %mul3A_738 = arith.muli %arg0, %mul3A_737 : i32
      %add3A_739 = arith.addi %mul3A_738, %add3A : i32
      "tpu.region"() ({
        %run_scoped3A_746 = tpu.sem_alloc : memref<!tpu.dma_semaphore, #tpu.memory_space<semaphore_mem>>
        %dma_start3A_747 = arith.constant 0 : i32
        %dma_start3A_748 = tpu.memref_slice %arg2[%add3A_739, %dma_start3A_747] : memref<20480x64xf32, #tpu.memory_space<hbm>> -> memref<128x64xf32, #tpu.memory_space<hbm>>
        %dma_start3A_749 = arith.constant 0 : i32
        %dma_start3A_750 = tpu.memref_slice %arg2[%add3A_739, %dma_start3A_749] : memref<20480x64xf32, #tpu.memory_space<hbm>> -> memref<128x64xf32, #tpu.memory_space<hbm>>
        tpu.enqueue_dma source(%dma_start3A_750 : memref<128x64xf32, #tpu.memory_space<hbm>>) target(%arg10 : memref<128x64xf32, #tpu.memory_space<vmem>>) target_semaphore(%run_scoped3A_746 : memref<!tpu.dma_semaphore, #tpu.memory_space<semaphore_mem>>)
        %dma_wait3A_751 = arith.constant 0 : i32
        %dma_wait3A_752 = tpu.memref_slice %arg2[%add3A_739, %dma_wait3A_751] : memref<20480x64xf32, #tpu.memory_space<hbm>> -> memref<128x64xf32, #tpu.memory_space<hbm>>
        %dma_wait3A_753 = arith.constant 0 : i32
        %dma_wait3A_754 = tpu.memref_slice %arg2[%add3A_739, %dma_wait3A_753] : memref<20480x64xf32, #tpu.memory_space<hbm>> -> memref<128x64xf32, #tpu.memory_space<hbm>>
        tpu.wait_dma2 semaphore(%run_scoped3A_746 : memref<!tpu.dma_semaphore, #tpu.memory_space<semaphore_mem>>) src(%dma_wait3A_754 : memref<128x64xf32, #tpu.memory_space<hbm>>) dst(%arg10 : memref<128x64xf32, #tpu.memory_space<vmem>>)
        tpu.yield
      }) : () -> ()
      %scan3A_740 = arith.constant 0 : i32
      %scan3A_741 = arith.constant 0 : i32
      %scan3A_742 = arith.constant 128 : i32
      %scan3A_743 = arith.addi %scan3A_741, %scan3A_742 : i32
      %scan3A_744 = arith.constant 1 : i32
      scf.for %scan3A_746 = %scan3A_741 to %scan3A_743 step %scan3A_744  : i32 {
        %mul3A_747 = arith.constant 128 : i32
        %mul3A_748 = arith.muli %scan3A_732, %mul3A_747 : i32
        %add3A_749 = arith.addi %mul3A_748, %scan3A_746 : i32
        %get3A = arith.index_cast %add3A_749 : i32 to index
        %get3A_750 = arith.constant 0 : index
        %get3A_751 = tpu.vector_load %arg18[%get3A, %get3A_750] {strides = array<i32>} : memref<640x16xf32, #tpu.memory_space<vmem>>, vector<16xf32>,
        %get3A_752 = arith.index_cast %scan3A_746 : i32 to index
        %get3A_753 = arith.constant 0 : index
        %get3A_754 = tpu.vector_load %arg10[%get3A_752, %get3A_753] {strides = array<i32>} : memref<128x64xf32, #tpu.memory_space<vmem>>, vector<16xf32>,
        %mul3A_755 = arith.mulf %get3A_751, %get3A_754 : vector<16xf32>
        %swap3A = arith.index_cast %scan3A_746 : i32 to index
        %swap3A_756 = arith.constant 0 : index
        %swap3A_757 = tpu.vector_load %arg10[%swap3A, %swap3A_756] {strides = array<i32>} : memref<128x64xf32, #tpu.memory_space<vmem>>, vector<16xf32>,
        tpu.vector_store %arg10[%swap3A, %swap3A_756], %mul3A_755 {strides = array<i32>} : memref<128x64xf32, #tpu.memory_space<vmem>>, vector<16xf32>,
        %get3A_758 = arith.index_cast %scan3A_746 : i32 to index
        %get3A_759 = arith.constant 16 : index
        %get3A_760 = tpu.vector_load %arg10[%get3A_758, %get3A_759] {strides = array<i32>} : memref<128x64xf32, #tpu.memory_space<vmem>>, vector<16xf32>,
        %mul3A_761 = arith.mulf %get3A_751, %get3A_760 : vector<16xf32>
        %swap3A_762 = arith.index_cast %scan3A_746 : i32 to index
        %swap3A_763 = arith.constant 16 : index
        %swap3A_764 = tpu.vector_load %arg10[%swap3A_762, %swap3A_763] {strides = array<i32>} : memref<128x64xf32, #tpu.memory_space<vmem>>, vector<16xf32>,
        tpu.vector_store %arg10[%swap3A_762, %swap3A_763], %mul3A_761 {strides = array<i32>} : memref<128x64xf32, #tpu.memory_space<vmem>>, vector<16xf32>,
        %get3A_765 = arith.index_cast %scan3A_746 : i32 to index
        %get3A_766 = arith.constant 32 : index
        %get3A_767 = tpu.vector_load %arg10[%get3A_765, %get3A_766] {strides = array<i32>} : memref<128x64xf32, #tpu.memory_space<vmem>>, vector<16xf32>,
        %mul3A_768 = arith.mulf %get3A_751, %get3A_767 : vector<16xf32>
        %swap3A_769 = arith.index_cast %scan3A_746 : i32 to index
        %swap3A_770 = arith.constant 32 : index
        %swap3A_771 = tpu.vector_load %arg10[%swap3A_769, %swap3A_770] {strides = array<i32>} : memref<128x64xf32, #tpu.memory_space<vmem>>, vector<16xf32>,
        tpu.vector_store %arg10[%swap3A_769, %swap3A_770], %mul3A_768 {strides = array<i32>} : memref<128x64xf32, #tpu.memory_space<vmem>>, vector<16xf32>,
        %get3A_772 = arith.index_cast %scan3A_746 : i32 to index
        %get3A_773 = arith.constant 48 : index
        %get3A_774 = tpu.vector_load %arg10[%get3A_772, %get3A_773] {strides = array<i32>} : memref<128x64xf32, #tpu.memory_space<vmem>>, vector<16xf32>,
        %mul3A_775 = arith.mulf %get3A_751, %get3A_774 : vector<16xf32>
        %swap3A_776 = arith.index_cast %scan3A_746 : i32 to index
        %swap3A_777 = arith.constant 48 : index
        %swap3A_778 = tpu.vector_load %arg10[%swap3A_776, %swap3A_777] {strides = array<i32>} : memref<128x64xf32, #tpu.memory_space<vmem>>, vector<16xf32>,
        tpu.vector_store %arg10[%swap3A_776, %swap3A_777], %mul3A_775 {strides = array<i32>} : memref<128x64xf32, #tpu.memory_space<vmem>>, vector<16xf32>,
      }
      %scan3A_745 = arith.constant 128 : i32
      "tpu.region"() ({
        %run_scoped3A_746 = tpu.sem_alloc : memref<!tpu.dma_semaphore, #tpu.memory_space<semaphore_mem>>
        %dma_start3A_747 = arith.constant 0 : i32
        %dma_start3A_748 = tpu.memref_slice %arg5[%add3A_739, %dma_start3A_747] : memref<20480x64xf32, #tpu.memory_space<hbm>> -> memref<128x64xf32, #tpu.memory_space<hbm>>
        %dma_start3A_749 = arith.constant 0 : i32
        %dma_start3A_750 = tpu.memref_slice %arg5[%add3A_739, %dma_start3A_749] : memref<20480x64xf32, #tpu.memory_space<hbm>> -> memref<128x64xf32, #tpu.memory_space<hbm>>
        tpu.enqueue_dma source(%arg10 : memref<128x64xf32, #tpu.memory_space<vmem>>) target(%dma_start3A_750 : memref<128x64xf32, #tpu.memory_space<hbm>>) target_semaphore(%run_scoped3A_746 : memref<!tpu.dma_semaphore, #tpu.memory_space<semaphore_mem>>)
        %dma_wait3A_751 = arith.constant 0 : i32
        %dma_wait3A_752 = tpu.memref_slice %arg5[%add3A_739, %dma_wait3A_751] : memref<20480x64xf32, #tpu.memory_space<hbm>> -> memref<128x64xf32, #tpu.memory_space<hbm>>
        %dma_wait3A_753 = arith.constant 0 : i32
        %dma_wait3A_754 = tpu.memref_slice %arg5[%add3A_739, %dma_wait3A_753] : memref<20480x64xf32, #tpu.memory_space<hbm>> -> memref<128x64xf32, #tpu.memory_space<hbm>>
        tpu.wait_dma2 semaphore(%run_scoped3A_746 : memref<!tpu.dma_semaphore, #tpu.memory_space<semaphore_mem>>) src(%arg10 : memref<128x64xf32, #tpu.memory_space<vmem>>) dst(%dma_wait3A_754 : memref<128x64xf32, #tpu.memory_space<hbm>>)
        tpu.yield
      }) : () -> ()
      "tpu.region"() ({
        %run_scoped3A_746 = tpu.sem_alloc : memref<!tpu.dma_semaphore, #tpu.memory_space<semaphore_mem>>
        %dma_start3A_747 = arith.constant 0 : i32
        %dma_start3A_748 = tpu.memref_slice %arg20[%add3A, %dma_start3A_747] : memref<10240x64xf32, #tpu.memory_space<vmem_shared>> -> memref<128x64xf32, #tpu.memory_space<vmem_shared>>
        %dma_start3A_749 = arith.constant 0 : i32
        %dma_start3A_750 = tpu.memref_slice %arg20[%add3A, %dma_start3A_749] : memref<10240x64xf32, #tpu.memory_space<vmem_shared>> -> memref<128x64xf32, #tpu.memory_space<vmem_shared>>
        tpu.enqueue_dma source(%arg10 : memref<128x64xf32, #tpu.memory_space<vmem>>) target(%dma_start3A_750 : memref<128x64xf32, #tpu.memory_space<vmem_shared>>) target_semaphore(%run_scoped3A_746 : memref<!tpu.dma_semaphore, #tpu.memory_space<semaphore_mem>>)
        %dma_wait3A_751 = arith.constant 0 : i32
        %dma_wait3A_752 = tpu.memref_slice %arg20[%add3A, %dma_wait3A_751] : memref<10240x64xf32, #tpu.memory_space<vmem_shared>> -> memref<128x64xf32, #tpu.memory_space<vmem_shared>>
        %dma_wait3A_753 = arith.constant 0 : i32
        %dma_wait3A_754 = tpu.memref_slice %arg20[%add3A, %dma_wait3A_753] : memref<10240x64xf32, #tpu.memory_space<vmem_shared>> -> memref<128x64xf32, #tpu.memory_space<vmem_shared>>
        tpu.wait_dma2 semaphore(%run_scoped3A_746 : memref<!tpu.dma_semaphore, #tpu.memory_space<semaphore_mem>>) src(%arg10 : memref<128x64xf32, #tpu.memory_space<vmem>>) dst(%dma_wait3A_754 : memref<128x64xf32, #tpu.memory_space<vmem_shared>>)
        tpu.yield
      }) : () -> ()
    }
    %scan3A_14 = arith.constant 5 : i32
    %barrier3A = arith.constant 0 : index
    tpu.barrier barrier_id(%barrier3A)
    %run_scoped3A_15 = arith.constant 0 : i32
    "tpu.region"() ({
      %run_scoped3A_732 = tpu.sem_alloc : memref<!tpu.dma_semaphore, #tpu.memory_space<semaphore_mem>>
      %dma_start3A_733 = arith.constant 0 : i32
      %dma_start3A_734 = arith.constant 0 : i32
      %dma_start3A_735 = tpu.memref_slice %arg3[%arg0, %arg1, %run_scoped3A_15, %dma_start3A_733, %dma_start3A_734] : memref<2x16x40x8x128xi32, #tpu.memory_space<hbm>> -> memref<1x1x1x8x128xi32, #tpu.memory_space<hbm>>
      %dma_start3A_736 = tpu.memref_squeeze %dma_start3A_735 : memref<1x1x1x8x128xi32, #tpu.memory_space<hbm>> -> memref<8x128xi32, #tpu.memory_space<hbm>>
      %dma_start3A_737 = arith.constant 0 : i32
      %dma_start3A_738 = arith.constant 0 : i32
      %dma_start3A_739 = tpu.memref_slice %arg3[%arg0, %arg1, %run_scoped3A_15, %dma_start3A_737, %dma_start3A_738] : memref<2x16x40x8x128xi32, #tpu.memory_space<hbm>> -> memref<1x1x1x8x128xi32, #tpu.memory_space<hbm>>
      %dma_start3A_740 = tpu.memref_squeeze %dma_start3A_739 : memref<1x1x1x8x128xi32, #tpu.memory_space<hbm>> -> memref<8x128xi32, #tpu.memory_space<hbm>>
      tpu.enqueue_dma source(%dma_start3A_740 : memref<8x128xi32, #tpu.memory_space<hbm>>) target(%arg8 : memref<8x128xi32, #tpu.memory_space<vmem>>) target_semaphore(%run_scoped3A_732 : memref<!tpu.dma_semaphore, #tpu.memory_space<semaphore_mem>>)
      %dma_wait3A_741 = arith.constant 0 : i32
      %dma_wait3A_742 = arith.constant 0 : i32
      %dma_wait3A_743 = tpu.memref_slice %arg3[%arg0, %arg1, %run_scoped3A_15, %dma_wait3A_741, %dma_wait3A_742] : memref<2x16x40x8x128xi32, #tpu.memory_space<hbm>> -> memref<1x1x1x8x128xi32, #tpu.memory_space<hbm>>
      %dma_wait3A_744 = tpu.memref_squeeze %dma_wait3A_743 : memref<1x1x1x8x128xi32, #tpu.memory_space<hbm>> -> memref<8x128xi32, #tpu.memory_space<hbm>>
      %dma_wait3A_745 = arith.constant 0 : i32
      %dma_wait3A_746 = arith.constant 0 : i32
      %dma_wait3A_747 = tpu.memref_slice %arg3[%arg0, %arg1, %run_scoped3A_15, %dma_wait3A_745, %dma_wait3A_746] : memref<2x16x40x8x128xi32, #tpu.memory_space<hbm>> -> memref<1x1x1x8x128xi32, #tpu.memory_space<hbm>>
      %dma_wait3A_748 = tpu.memref_squeeze %dma_wait3A_747 : memref<1x1x1x8x128xi32, #tpu.memory_space<hbm>> -> memref<8x128xi32, #tpu.memory_space<hbm>>
      tpu.wait_dma2 semaphore(%run_scoped3A_732 : memref<!tpu.dma_semaphore, #tpu.memory_space<semaphore_mem>>) src(%dma_wait3A_748 : memref<8x128xi32, #tpu.memory_space<hbm>>) dst(%arg8 : memref<8x128xi32, #tpu.memory_space<vmem>>)
      tpu.yield
    }) : () -> ()
    %dma_start3A = arith.constant 0 : i32
    %dma_start3A_16 = arith.constant 0 : i32
    %dma_start3A_17 = tpu.memref_slice %arg8[%dma_start3A, %dma_start3A_16] : memref<8x128xi32, #tpu.memory_space<vmem>> -> memref<1x128xi32, #tpu.memory_space<vmem>>
    %dma_start3A_18 = tpu.memref_squeeze %dma_start3A_17 : memref<1x128xi32, #tpu.memory_space<vmem>> -> memref<128xi32, #tpu.memory_space<vmem>>
    %dma_start3A_19 = arith.constant 0 : i32
    %dma_start3A_20 = arith.constant 0 : i32
    %dma_start3A_21 = tpu.memref_slice %arg5[%dma_start3A_19, %dma_start3A_20] : memref<20480x64xf32, #tpu.memory_space<hbm>> -> memref<20480x64xf32, #tpu.memory_space<hbm>>
    tpu.enqueue_indirect_dma source(%dma_start3A_21 : memref<20480x64xf32, #tpu.memory_space<hbm>>) target(%arg10 : memref<128x64xf32, #tpu.memory_space<vmem>>) offsets(%dma_start3A_18 : memref<128xi32, #tpu.memory_space<vmem>>) semaphore(%arg21 : memref<!tpu.dma_semaphore, #tpu.memory_space<semaphore_mem>>)
    %dma_start3A_22 = arith.constant 1 : i32
    %dma_start3A_23 = arith.constant 0 : i32
    %dma_start3A_24 = tpu.memref_slice %arg8[%dma_start3A_22, %dma_start3A_23] : memref<8x128xi32, #tpu.memory_space<vmem>> -> memref<1x128xi32, #tpu.memory_space<vmem>>
    %dma_start3A_25 = tpu.memref_squeeze %dma_start3A_24 : memref<1x128xi32, #tpu.memory_space<vmem>> -> memref<128xi32, #tpu.memory_space<vmem>>
    %dma_start3A_26 = arith.constant 0 : i32
    %dma_start3A_27 = arith.constant 0 : i32
    %dma_start3A_28 = tpu.memref_slice %arg5[%dma_start3A_26, %dma_start3A_27] : memref<20480x64xf32, #tpu.memory_space<hbm>> -> memref<20480x64xf32, #tpu.memory_space<hbm>>
    tpu.enqueue_indirect_dma source(%dma_start3A_28 : memref<20480x64xf32, #tpu.memory_space<hbm>>) target(%arg11 : memref<128x64xf32, #tpu.memory_space<vmem>>) offsets(%dma_start3A_25 : memref<128xi32, #tpu.memory_space<vmem>>) semaphore(%arg21 : memref<!tpu.dma_semaphore, #tpu.memory_space<semaphore_mem>>)
    %dma_start3A_29 = arith.constant 2 : i32
    %dma_start3A_30 = arith.constant 0 : i32
    %dma_start3A_31 = tpu.memref_slice %arg8[%dma_start3A_29, %dma_start3A_30] : memref<8x128xi32, #tpu.memory_space<vmem>> -> memref<1x128xi32, #tpu.memory_space<vmem>>
    %dma_start3A_32 = tpu.memref_squeeze %dma_start3A_31 : memref<1x128xi32, #tpu.memory_space<vmem>> -> memref<128xi32, #tpu.memory_space<vmem>>
    %dma_start3A_33 = arith.constant 0 : i32
    %dma_start3A_34 = arith.constant 0 : i32
    %dma_start3A_35 = tpu.memref_slice %arg5[%dma_start3A_33, %dma_start3A_34] : memref<20480x64xf32, #tpu.memory_space<hbm>> -> memref<20480x64xf32, #tpu.memory_space<hbm>>
    tpu.enqueue_indirect_dma source(%dma_start3A_35 : memref<20480x64xf32, #tpu.memory_space<hbm>>) target(%arg12 : memref<128x64xf32, #tpu.memory_space<vmem>>) offsets(%dma_start3A_32 : memref<128xi32, #tpu.memory_space<vmem>>) semaphore(%arg21 : memref<!tpu.dma_semaphore, #tpu.memory_space<semaphore_mem>>)
    %dma_start3A_36 = arith.constant 3 : i32
    %dma_start3A_37 = arith.constant 0 : i32
    %dma_start3A_38 = tpu.memref_slice %arg8[%dma_start3A_36, %dma_start3A_37] : memref<8x128xi32, #tpu.memory_space<vmem>> -> memref<1x128xi32, #tpu.memory_space<vmem>>
    %dma_start3A_39 = tpu.memref_squeeze %dma_start3A_38 : memref<1x128xi32, #tpu.memory_space<vmem>> -> memref<128xi32, #tpu.memory_space<vmem>>
    %dma_start3A_40 = arith.constant 0 : i32
    %dma_start3A_41 = arith.constant 0 : i32
    %dma_start3A_42 = tpu.memref_slice %arg5[%dma_start3A_40, %dma_start3A_41] : memref<20480x64xf32, #tpu.memory_space<hbm>> -> memref<20480x64xf32, #tpu.memory_space<hbm>>
    tpu.enqueue_indirect_dma source(%dma_start3A_42 : memref<20480x64xf32, #tpu.memory_space<hbm>>) target(%arg13 : memref<128x64xf32, #tpu.memory_space<vmem>>) offsets(%dma_start3A_39 : memref<128xi32, #tpu.memory_space<vmem>>) semaphore(%arg21 : memref<!tpu.dma_semaphore, #tpu.memory_space<semaphore_mem>>)
    %dma_wait3A = arith.constant 0 : i32
    %dma_wait3A_43 = arith.constant 0 : i32
    %dma_wait3A_44 = tpu.memref_slice %arg8[%dma_wait3A, %dma_wait3A_43] : memref<8x128xi32, #tpu.memory_space<vmem>> -> memref<1x128xi32, #tpu.memory_space<vmem>>
    %dma_wait3A_45 = tpu.memref_squeeze %dma_wait3A_44 : memref<1x128xi32, #tpu.memory_space<vmem>> -> memref<128xi32, #tpu.memory_space<vmem>>
    %dma_wait3A_46 = arith.constant 0 : i32
    %dma_wait3A_47 = arith.constant 0 : i32
    %dma_wait3A_48 = tpu.memref_slice %arg5[%dma_wait3A_46, %dma_wait3A_47] : memref<20480x64xf32, #tpu.memory_space<hbm>> -> memref<20480x64xf32, #tpu.memory_space<hbm>>
    tpu.wait_indirect_dma semaphore(%arg21 : memref<!tpu.dma_semaphore, #tpu.memory_space<semaphore_mem>>) src(%dma_wait3A_48 : memref<20480x64xf32, #tpu.memory_space<hbm>>) dst(%arg10 : memref<128x64xf32, #tpu.memory_space<vmem>>)
    %dma_wait3A_49 = arith.constant 1 : i32
    %dma_wait3A_50 = arith.constant 0 : i32
    %dma_wait3A_51 = tpu.memref_slice %arg8[%dma_wait3A_49, %dma_wait3A_50] : memref<8x128xi32, #tpu.memory_space<vmem>> -> memref<1x128xi32, #tpu.memory_space<vmem>>
    %dma_wait3A_52 = tpu.memref_squeeze %dma_wait3A_51 : memref<1x128xi32, #tpu.memory_space<vmem>> -> memref<128xi32, #tpu.memory_space<vmem>>
    %dma_wait3A_53 = arith.constant 0 : i32
    %dma_wait3A_54 = arith.constant 0 : i32
    %dma_wait3A_55 = tpu.memref_slice %arg5[%dma_wait3A_53, %dma_wait3A_54] : memref<20480x64xf32, #tpu.memory_space<hbm>> -> memref<20480x64xf32, #tpu.memory_space<hbm>>
    tpu.wait_indirect_dma semaphore(%arg21 : memref<!tpu.dma_semaphore, #tpu.memory_space<semaphore_mem>>) src(%dma_wait3A_55 : memref<20480x64xf32, #tpu.memory_space<hbm>>) dst(%arg11 : memref<128x64xf32, #tpu.memory_space<vmem>>)
    %dma_wait3A_56 = arith.constant 2 : i32
    %dma_wait3A_57 = arith.constant 0 : i32
    %dma_wait3A_58 = tpu.memref_slice %arg8[%dma_wait3A_56, %dma_wait3A_57] : memref<8x128xi32, #tpu.memory_space<vmem>> -> memref<1x128xi32, #tpu.memory_space<vmem>>
    %dma_wait3A_59 = tpu.memref_squeeze %dma_wait3A_58 : memref<1x128xi32, #tpu.memory_space<vmem>> -> memref<128xi32, #tpu.memory_space<vmem>>
    %dma_wait3A_60 = arith.constant 0 : i32
    %dma_wait3A_61 = arith.constant 0 : i32
    %dma_wait3A_62 = tpu.memref_slice %arg5[%dma_wait3A_60, %dma_wait3A_61] : memref<20480x64xf32, #tpu.memory_space<hbm>> -> memref<20480x64xf32, #tpu.memory_space<hbm>>
    tpu.wait_indirect_dma semaphore(%arg21 : memref<!tpu.dma_semaphore, #tpu.memory_space<semaphore_mem>>) src(%dma_wait3A_62 : memref<20480x64xf32, #tpu.memory_space<hbm>>) dst(%arg12 : memref<128x64xf32, #tpu.memory_space<vmem>>)
    %dma_wait3A_63 = arith.constant 3 : i32
    %dma_wait3A_64 = arith.constant 0 : i32
    %dma_wait3A_65 = tpu.memref_slice %arg8[%dma_wait3A_63, %dma_wait3A_64] : memref<8x128xi32, #tpu.memory_space<vmem>> -> memref<1x128xi32, #tpu.memory_space<vmem>>
    %dma_wait3A_66 = tpu.memref_squeeze %dma_wait3A_65 : memref<1x128xi32, #tpu.memory_space<vmem>> -> memref<128xi32, #tpu.memory_space<vmem>>
    %dma_wait3A_67 = arith.constant 0 : i32
    %dma_wait3A_68 = arith.constant 0 : i32
    %dma_wait3A_69 = tpu.memref_slice %arg5[%dma_wait3A_67, %dma_wait3A_68] : memref<20480x64xf32, #tpu.memory_space<hbm>> -> memref<20480x64xf32, #tpu.memory_space<hbm>>
    tpu.wait_indirect_dma semaphore(%arg21 : memref<!tpu.dma_semaphore, #tpu.memory_space<semaphore_mem>>) src(%dma_wait3A_69 : memref<20480x64xf32, #tpu.memory_space<hbm>>) dst(%arg13 : memref<128x64xf32, #tpu.memory_space<vmem>>)
    %run_scoped3A_70 = arith.constant 1 : i32
    "tpu.region"() ({
      %run_scoped3A_732 = tpu.sem_alloc : memref<!tpu.dma_semaphore, #tpu.memory_space<semaphore_mem>>
      %dma_start3A_733 = arith.constant 0 : i32
      %dma_start3A_734 = arith.constant 0 : i32
      %dma_start3A_735 = tpu.memref_slice %arg3[%arg0, %arg1, %run_scoped3A_70, %dma_start3A_733, %dma_start3A_734] : memref<2x16x40x8x128xi32, #tpu.memory_space<hbm>> -> memref<1x1x1x8x128xi32, #tpu.memory_space<hbm>>
      %dma_start3A_736 = tpu.memref_squeeze %dma_start3A_735 : memref<1x1x1x8x128xi32, #tpu.memory_space<hbm>> -> memref<8x128xi32, #tpu.memory_space<hbm>>
      %dma_start3A_737 = arith.constant 0 : i32
      %dma_start3A_738 = arith.constant 0 : i32
      %dma_start3A_739 = tpu.memref_slice %arg3[%arg0, %arg1, %run_scoped3A_70, %dma_start3A_737, %dma_start3A_738] : memref<2x16x40x8x128xi32, #tpu.memory_space<hbm>> -> memref<1x1x1x8x128xi32, #tpu.memory_space<hbm>>
      %dma_start3A_740 = tpu.memref_squeeze %dma_start3A_739 : memref<1x1x1x8x128xi32, #tpu.memory_space<hbm>> -> memref<8x128xi32, #tpu.memory_space<hbm>>
      tpu.enqueue_dma source(%dma_start3A_740 : memref<8x128xi32, #tpu.memory_space<hbm>>) target(%arg9 : memref<8x128xi32, #tpu.memory_space<vmem>>) target_semaphore(%run_scoped3A_732 : memref<!tpu.dma_semaphore, #tpu.memory_space<semaphore_mem>>)
      %dma_wait3A_741 = arith.constant 0 : i32
      %dma_wait3A_742 = arith.constant 0 : i32
      %dma_wait3A_743 = tpu.memref_slice %arg3[%arg0, %arg1, %run_scoped3A_70, %dma_wait3A_741, %dma_wait3A_742] : memref<2x16x40x8x128xi32, #tpu.memory_space<hbm>> -> memref<1x1x1x8x128xi32, #tpu.memory_space<hbm>>
      %dma_wait3A_744 = tpu.memref_squeeze %dma_wait3A_743 : memref<1x1x1x8x128xi32, #tpu.memory_space<hbm>> -> memref<8x128xi32, #tpu.memory_space<hbm>>
      %dma_wait3A_745 = arith.constant 0 : i32
      %dma_wait3A_746 = arith.constant 0 : i32
      %dma_wait3A_747 = tpu.memref_slice %arg3[%arg0, %arg1, %run_scoped3A_70, %dma_wait3A_745, %dma_wait3A_746] : memref<2x16x40x8x128xi32, #tpu.memory_space<hbm>> -> memref<1x1x1x8x128xi32, #tpu.memory_space<hbm>>
      %dma_wait3A_748 = tpu.memref_squeeze %dma_wait3A_747 : memref<1x1x1x8x128xi32, #tpu.memory_space<hbm>> -> memref<8x128xi32, #tpu.memory_space<hbm>>
      tpu.wait_dma2 semaphore(%run_scoped3A_732 : memref<!tpu.dma_semaphore, #tpu.memory_space<semaphore_mem>>) src(%dma_wait3A_748 : memref<8x128xi32, #tpu.memory_space<hbm>>) dst(%arg9 : memref<8x128xi32, #tpu.memory_space<vmem>>)
      tpu.yield
    }) : () -> ()
    %scan3A_71 = arith.constant 0 : i32
    %scan3A_72 = arith.constant 0 : i32
    %scan3A_73 = arith.constant 19 : i32
    %scan3A_74 = arith.addi %scan3A_72, %scan3A_73 : i32
    %scan3A_75 = arith.constant 1 : i32
    scf.for %scan3A_732 = %scan3A_72 to %scan3A_74 step %scan3A_75  : i32 {
      %mul3A_733 = arith.constant 2 : i32
      %mul3A_734 = arith.muli %mul3A_733, %scan3A_732 : i32
      %mul3A_735 = arith.constant 2 : i32
      %mul3A_736 = arith.muli %mul3A_735, %scan3A_732 : i32
      %add3A = arith.constant 1 : i32
      %add3A_737 = arith.addi %mul3A_736, %add3A : i32
      %dma_start3A_738 = arith.constant 4 : i32
      %dma_start3A_739 = arith.constant 0 : i32
      %dma_start3A_740 = tpu.memref_slice %arg8[%dma_start3A_738, %dma_start3A_739] : memref<8x128xi32, #tpu.memory_space<vmem>> -> memref<1x128xi32, #tpu.memory_space<vmem>>
      %dma_start3A_741 = tpu.memref_squeeze %dma_start3A_740 : memref<1x128xi32, #tpu.memory_space<vmem>> -> memref<128xi32, #tpu.memory_space<vmem>>
      %dma_start3A_742 = arith.constant 0 : i32
      %dma_start3A_743 = arith.constant 0 : i32
      %dma_start3A_744 = tpu.memref_slice %arg20[%dma_start3A_742, %dma_start3A_743] : memref<10240x64xf32, #tpu.memory_space<vmem_shared>> -> memref<10240x64xf32, #tpu.memory_space<vmem_shared>>
      tpu.enqueue_indirect_dma source(%arg10 : memref<128x64xf32, #tpu.memory_space<vmem>>) target(%dma_start3A_744 : memref<10240x64xf32, #tpu.memory_space<vmem_shared>>) offsets(%dma_start3A_741 : memref<128xi32, #tpu.memory_space<vmem>>) semaphore(%arg22 : memref<!tpu.dma_semaphore, #tpu.memory_space<semaphore_mem>>) {add = true}
      %dma_start3A_745 = arith.constant 5 : i32
      %dma_start3A_746 = arith.constant 0 : i32
      %dma_start3A_747 = tpu.memref_slice %arg8[%dma_start3A_745, %dma_start3A_746] : memref<8x128xi32, #tpu.memory_space<vmem>> -> memref<1x128xi32, #tpu.memory_space<vmem>>
      %dma_start3A_748 = tpu.memref_squeeze %dma_start3A_747 : memref<1x128xi32, #tpu.memory_space<vmem>> -> memref<128xi32, #tpu.memory_space<vmem>>
      %dma_start3A_749 = arith.constant 0 : i32
      %dma_start3A_750 = arith.constant 0 : i32
      %dma_start3A_751 = tpu.memref_slice %arg20[%dma_start3A_749, %dma_start3A_750] : memref<10240x64xf32, #tpu.memory_space<vmem_shared>> -> memref<10240x64xf32, #tpu.memory_space<vmem_shared>>
      tpu.enqueue_indirect_dma source(%arg11 : memref<128x64xf32, #tpu.memory_space<vmem>>) target(%dma_start3A_751 : memref<10240x64xf32, #tpu.memory_space<vmem_shared>>) offsets(%dma_start3A_748 : memref<128xi32, #tpu.memory_space<vmem>>) semaphore(%arg22 : memref<!tpu.dma_semaphore, #tpu.memory_space<semaphore_mem>>) {add = true}
      %dma_start3A_752 = arith.constant 6 : i32
      %dma_start3A_753 = arith.constant 0 : i32
      %dma_start3A_754 = tpu.memref_slice %arg8[%dma_start3A_752, %dma_start3A_753] : memref<8x128xi32, #tpu.memory_space<vmem>> -> memref<1x128xi32, #tpu.memory_space<vmem>>
      %dma_start3A_755 = tpu.memref_squeeze %dma_start3A_754 : memref<1x128xi32, #tpu.memory_space<vmem>> -> memref<128xi32, #tpu.memory_space<vmem>>
      %dma_start3A_756 = arith.constant 0 : i32
      %dma_start3A_757 = arith.constant 0 : i32
      %dma_start3A_758 = tpu.memref_slice %arg20[%dma_start3A_756, %dma_start3A_757] : memref<10240x64xf32, #tpu.memory_space<vmem_shared>> -> memref<10240x64xf32, #tpu.memory_space<vmem_shared>>
      tpu.enqueue_indirect_dma source(%arg12 : memref<128x64xf32, #tpu.memory_space<vmem>>) target(%dma_start3A_758 : memref<10240x64xf32, #tpu.memory_space<vmem_shared>>) offsets(%dma_start3A_755 : memref<128xi32, #tpu.memory_space<vmem>>) semaphore(%arg22 : memref<!tpu.dma_semaphore, #tpu.memory_space<semaphore_mem>>) {add = true}
      %dma_start3A_759 = arith.constant 7 : i32
      %dma_start3A_760 = arith.constant 0 : i32
      %dma_start3A_761 = tpu.memref_slice %arg8[%dma_start3A_759, %dma_start3A_760] : memref<8x128xi32, #tpu.memory_space<vmem>> -> memref<1x128xi32, #tpu.memory_space<vmem>>
      %dma_start3A_762 = tpu.memref_squeeze %dma_start3A_761 : memref<1x128xi32, #tpu.memory_space<vmem>> -> memref<128xi32, #tpu.memory_space<vmem>>
      %dma_start3A_763 = arith.constant 0 : i32
      %dma_start3A_764 = arith.constant 0 : i32
      %dma_start3A_765 = tpu.memref_slice %arg20[%dma_start3A_763, %dma_start3A_764] : memref<10240x64xf32, #tpu.memory_space<vmem_shared>> -> memref<10240x64xf32, #tpu.memory_space<vmem_shared>>
      tpu.enqueue_indirect_dma source(%arg13 : memref<128x64xf32, #tpu.memory_space<vmem>>) target(%dma_start3A_765 : memref<10240x64xf32, #tpu.memory_space<vmem_shared>>) offsets(%dma_start3A_762 : memref<128xi32, #tpu.memory_space<vmem>>) semaphore(%arg22 : memref<!tpu.dma_semaphore, #tpu.memory_space<semaphore_mem>>) {add = true}
      %dma_start3A_766 = arith.constant 0 : i32
      %dma_start3A_767 = arith.constant 0 : i32
      %dma_start3A_768 = tpu.memref_slice %arg9[%dma_start3A_766, %dma_start3A_767] : memref<8x128xi32, #tpu.memory_space<vmem>> -> memref<1x128xi32, #tpu.memory_space<vmem>>
      %dma_start3A_769 = tpu.memref_squeeze %dma_start3A_768 : memref<1x128xi32, #tpu.memory_space<vmem>> -> memref<128xi32, #tpu.memory_space<vmem>>
      %dma_start3A_770 = arith.constant 0 : i32
      %dma_start3A_771 = arith.constant 0 : i32
      %dma_start3A_772 = tpu.memref_slice %arg5[%dma_start3A_770, %dma_start3A_771] : memref<20480x64xf32, #tpu.memory_space<hbm>> -> memref<20480x64xf32, #tpu.memory_space<hbm>>
      tpu.enqueue_indirect_dma source(%dma_start3A_772 : memref<20480x64xf32, #tpu.memory_space<hbm>>) target(%arg14 : memref<128x64xf32, #tpu.memory_space<vmem>>) offsets(%dma_start3A_769 : memref<128xi32, #tpu.memory_space<vmem>>) semaphore(%arg23 : memref<!tpu.dma_semaphore, #tpu.memory_space<semaphore_mem>>)
      %dma_start3A_773 = arith.constant 1 : i32
      %dma_start3A_774 = arith.constant 0 : i32
      %dma_start3A_775 = tpu.memref_slice %arg9[%dma_start3A_773, %dma_start3A_774] : memref<8x128xi32, #tpu.memory_space<vmem>> -> memref<1x128xi32, #tpu.memory_space<vmem>>
      %dma_start3A_776 = tpu.memref_squeeze %dma_start3A_775 : memref<1x128xi32, #tpu.memory_space<vmem>> -> memref<128xi32, #tpu.memory_space<vmem>>
      %dma_start3A_777 = arith.constant 0 : i32
      %dma_start3A_778 = arith.constant 0 : i32
      %dma_start3A_779 = tpu.memref_slice %arg5[%dma_start3A_777, %dma_start3A_778] : memref<20480x64xf32, #tpu.memory_space<hbm>> -> memref<20480x64xf32, #tpu.memory_space<hbm>>
      tpu.enqueue_indirect_dma source(%dma_start3A_779 : memref<20480x64xf32, #tpu.memory_space<hbm>>) target(%arg15 : memref<128x64xf32, #tpu.memory_space<vmem>>) offsets(%dma_start3A_776 : memref<128xi32, #tpu.memory_space<vmem>>) semaphore(%arg23 : memref<!tpu.dma_semaphore, #tpu.memory_space<semaphore_mem>>)
      %dma_start3A_780 = arith.constant 2 : i32
      %dma_start3A_781 = arith.constant 0 : i32
      %dma_start3A_782 = tpu.memref_slice %arg9[%dma_start3A_780, %dma_start3A_781] : memref<8x128xi32, #tpu.memory_space<vmem>> -> memref<1x128xi32, #tpu.memory_space<vmem>>
      %dma_start3A_783 = tpu.memref_squeeze %dma_start3A_782 : memref<1x128xi32, #tpu.memory_space<vmem>> -> memref<128xi32, #tpu.memory_space<vmem>>
      %dma_start3A_784 = arith.constant 0 : i32
      %dma_start3A_785 = arith.constant 0 : i32
      %dma_start3A_786 = tpu.memref_slice %arg5[%dma_start3A_784, %dma_start3A_785] : memref<20480x64xf32, #tpu.memory_space<hbm>> -> memref<20480x64xf32, #tpu.memory_space<hbm>>
      tpu.enqueue_indirect_dma source(%dma_start3A_786 : memref<20480x64xf32, #tpu.memory_space<hbm>>) target(%arg16 : memref<128x64xf32, #tpu.memory_space<vmem>>) offsets(%dma_start3A_783 : memref<128xi32, #tpu.memory_space<vmem>>) semaphore(%arg23 : memref<!tpu.dma_semaphore, #tpu.memory_space<semaphore_mem>>)
      %dma_start3A_787 = arith.constant 3 : i32
      %dma_start3A_788 = arith.constant 0 : i32
      %dma_start3A_789 = tpu.memref_slice %arg9[%dma_start3A_787, %dma_start3A_788] : memref<8x128xi32, #tpu.memory_space<vmem>> -> memref<1x128xi32, #tpu.memory_space<vmem>>
      %dma_start3A_790 = tpu.memref_squeeze %dma_start3A_789 : memref<1x128xi32, #tpu.memory_space<vmem>> -> memref<128xi32, #tpu.memory_space<vmem>>
      %dma_start3A_791 = arith.constant 0 : i32
      %dma_start3A_792 = arith.constant 0 : i32
      %dma_start3A_793 = tpu.memref_slice %arg5[%dma_start3A_791, %dma_start3A_792] : memref<20480x64xf32, #tpu.memory_space<hbm>> -> memref<20480x64xf32, #tpu.memory_space<hbm>>
      tpu.enqueue_indirect_dma source(%dma_start3A_793 : memref<20480x64xf32, #tpu.memory_space<hbm>>) target(%arg17 : memref<128x64xf32, #tpu.memory_space<vmem>>) offsets(%dma_start3A_790 : memref<128xi32, #tpu.memory_space<vmem>>) semaphore(%arg23 : memref<!tpu.dma_semaphore, #tpu.memory_space<semaphore_mem>>)
      %dma_wait3A_794 = arith.constant 4 : i32
      %dma_wait3A_795 = arith.constant 0 : i32
      %dma_wait3A_796 = tpu.memref_slice %arg8[%dma_wait3A_794, %dma_wait3A_795] : memref<8x128xi32, #tpu.memory_space<vmem>> -> memref<1x128xi32, #tpu.memory_space<vmem>>
      %dma_wait3A_797 = tpu.memref_squeeze %dma_wait3A_796 : memref<1x128xi32, #tpu.memory_space<vmem>> -> memref<128xi32, #tpu.memory_space<vmem>>
      %dma_wait3A_798 = arith.constant 0 : i32
      %dma_wait3A_799 = arith.constant 0 : i32
      %dma_wait3A_800 = tpu.memref_slice %arg20[%dma_wait3A_798, %dma_wait3A_799] : memref<10240x64xf32, #tpu.memory_space<vmem_shared>> -> memref<10240x64xf32, #tpu.memory_space<vmem_shared>>
      tpu.wait_indirect_dma semaphore(%arg22 : memref<!tpu.dma_semaphore, #tpu.memory_space<semaphore_mem>>) src(%arg10 : memref<128x64xf32, #tpu.memory_space<vmem>>) dst(%dma_wait3A_800 : memref<10240x64xf32, #tpu.memory_space<vmem_shared>>)
      %dma_wait3A_801 = arith.constant 5 : i32
      %dma_wait3A_802 = arith.constant 0 : i32
      %dma_wait3A_803 = tpu.memref_slice %arg8[%dma_wait3A_801, %dma_wait3A_802] : memref<8x128xi32, #tpu.memory_space<vmem>> -> memref<1x128xi32, #tpu.memory_space<vmem>>
      %dma_wait3A_804 = tpu.memref_squeeze %dma_wait3A_803 : memref<1x128xi32, #tpu.memory_space<vmem>> -> memref<128xi32, #tpu.memory_space<vmem>>
      %dma_wait3A_805 = arith.constant 0 : i32
      %dma_wait3A_806 = arith.constant 0 : i32
      %dma_wait3A_807 = tpu.memref_slice %arg20[%dma_wait3A_805, %dma_wait3A_806] : memref<10240x64xf32, #tpu.memory_space<vmem_shared>> -> memref<10240x64xf32, #tpu.memory_space<vmem_shared>>
      tpu.wait_indirect_dma semaphore(%arg22 : memref<!tpu.dma_semaphore, #tpu.memory_space<semaphore_mem>>) src(%arg11 : memref<128x64xf32, #tpu.memory_space<vmem>>) dst(%dma_wait3A_807 : memref<10240x64xf32, #tpu.memory_space<vmem_shared>>)
      %dma_wait3A_808 = arith.constant 6 : i32
      %dma_wait3A_809 = arith.constant 0 : i32
      %dma_wait3A_810 = tpu.memref_slice %arg8[%dma_wait3A_808, %dma_wait3A_809] : memref<8x128xi32, #tpu.memory_space<vmem>> -> memref<1x128xi32, #tpu.memory_space<vmem>>
      %dma_wait3A_811 = tpu.memref_squeeze %dma_wait3A_810 : memref<1x128xi32, #tpu.memory_space<vmem>> -> memref<128xi32, #tpu.memory_space<vmem>>
      %dma_wait3A_812 = arith.constant 0 : i32
      %dma_wait3A_813 = arith.constant 0 : i32
      %dma_wait3A_814 = tpu.memref_slice %arg20[%dma_wait3A_812, %dma_wait3A_813] : memref<10240x64xf32, #tpu.memory_space<vmem_shared>> -> memref<10240x64xf32, #tpu.memory_space<vmem_shared>>
      tpu.wait_indirect_dma semaphore(%arg22 : memref<!tpu.dma_semaphore, #tpu.memory_space<semaphore_mem>>) src(%arg12 : memref<128x64xf32, #tpu.memory_space<vmem>>) dst(%dma_wait3A_814 : memref<10240x64xf32, #tpu.memory_space<vmem_shared>>)
      %dma_wait3A_815 = arith.constant 7 : i32
      %dma_wait3A_816 = arith.constant 0 : i32
      %dma_wait3A_817 = tpu.memref_slice %arg8[%dma_wait3A_815, %dma_wait3A_816] : memref<8x128xi32, #tpu.memory_space<vmem>> -> memref<1x128xi32, #tpu.memory_space<vmem>>
      %dma_wait3A_818 = tpu.memref_squeeze %dma_wait3A_817 : memref<1x128xi32, #tpu.memory_space<vmem>> -> memref<128xi32, #tpu.memory_space<vmem>>
      %dma_wait3A_819 = arith.constant 0 : i32
      %dma_wait3A_820 = arith.constant 0 : i32
      %dma_wait3A_821 = tpu.memref_slice %arg20[%dma_wait3A_819, %dma_wait3A_820] : memref<10240x64xf32, #tpu.memory_space<vmem_shared>> -> memref<10240x64xf32, #tpu.memory_space<vmem_shared>>
      tpu.wait_indirect_dma semaphore(%arg22 : memref<!tpu.dma_semaphore, #tpu.memory_space<semaphore_mem>>) src(%arg13 : memref<128x64xf32, #tpu.memory_space<vmem>>) dst(%dma_wait3A_821 : memref<10240x64xf32, #tpu.memory_space<vmem_shared>>)
      %add3A_822 = arith.constant 2 : i32
      %add3A_823 = arith.addi %mul3A_734, %add3A_822 : i32
      %dma_start3A_824 = arith.constant 0 : i32
      %dma_start3A_825 = arith.constant 0 : i32
      %dma_start3A_826 = tpu.memref_slice %arg3[%arg0, %arg1, %add3A_823, %dma_start3A_824, %dma_start3A_825] : memref<2x16x40x8x128xi32, #tpu.memory_space<hbm>> -> memref<1x1x1x8x128xi32, #tpu.memory_space<hbm>>
      %dma_start3A_827 = tpu.memref_squeeze %dma_start3A_826 : memref<1x1x1x8x128xi32, #tpu.memory_space<hbm>> -> memref<8x128xi32, #tpu.memory_space<hbm>>
      %dma_start3A_828 = arith.constant 0 : i32
      %dma_start3A_829 = arith.constant 0 : i32
      %dma_start3A_830 = tpu.memref_slice %arg3[%arg0, %arg1, %add3A_823, %dma_start3A_828, %dma_start3A_829] : memref<2x16x40x8x128xi32, #tpu.memory_space<hbm>> -> memref<1x1x1x8x128xi32, #tpu.memory_space<hbm>>
      %dma_start3A_831 = tpu.memref_squeeze %dma_start3A_830 : memref<1x1x1x8x128xi32, #tpu.memory_space<hbm>> -> memref<8x128xi32, #tpu.memory_space<hbm>>
      tpu.enqueue_dma source(%dma_start3A_831 : memref<8x128xi32, #tpu.memory_space<hbm>>) target(%arg8 : memref<8x128xi32, #tpu.memory_space<vmem>>) target_semaphore(%arg25 : memref<!tpu.dma_semaphore, #tpu.memory_space<semaphore_mem>>)
      %dma_wait3A_832 = arith.constant 0 : i32
      %dma_wait3A_833 = arith.constant 0 : i32
      %dma_wait3A_834 = tpu.memref_slice %arg9[%dma_wait3A_832, %dma_wait3A_833] : memref<8x128xi32, #tpu.memory_space<vmem>> -> memref<1x128xi32, #tpu.memory_space<vmem>>
      %dma_wait3A_835 = tpu.memref_squeeze %dma_wait3A_834 : memref<1x128xi32, #tpu.memory_space<vmem>> -> memref<128xi32, #tpu.memory_space<vmem>>
      %dma_wait3A_836 = arith.constant 0 : i32
      %dma_wait3A_837 = arith.constant 0 : i32
      %dma_wait3A_838 = tpu.memref_slice %arg5[%dma_wait3A_836, %dma_wait3A_837] : memref<20480x64xf32, #tpu.memory_space<hbm>> -> memref<20480x64xf32, #tpu.memory_space<hbm>>
      tpu.wait_indirect_dma semaphore(%arg23 : memref<!tpu.dma_semaphore, #tpu.memory_space<semaphore_mem>>) src(%dma_wait3A_838 : memref<20480x64xf32, #tpu.memory_space<hbm>>) dst(%arg14 : memref<128x64xf32, #tpu.memory_space<vmem>>)
      %dma_wait3A_839 = arith.constant 1 : i32
      %dma_wait3A_840 = arith.constant 0 : i32
      %dma_wait3A_841 = tpu.memref_slice %arg9[%dma_wait3A_839, %dma_wait3A_840] : memref<8x128xi32, #tpu.memory_space<vmem>> -> memref<1x128xi32, #tpu.memory_space<vmem>>
      %dma_wait3A_842 = tpu.memref_squeeze %dma_wait3A_841 : memref<1x128xi32, #tpu.memory_space<vmem>> -> memref<128xi32, #tpu.memory_space<vmem>>
      %dma_wait3A_843 = arith.constant 0 : i32
      %dma_wait3A_844 = arith.constant 0 : i32
      %dma_wait3A_845 = tpu.memref_slice %arg5[%dma_wait3A_843, %dma_wait3A_844] : memref<20480x64xf32, #tpu.memory_space<hbm>> -> memref<20480x64xf32, #tpu.memory_space<hbm>>
      tpu.wait_indirect_dma semaphore(%arg23 : memref<!tpu.dma_semaphore, #tpu.memory_space<semaphore_mem>>) src(%dma_wait3A_845 : memref<20480x64xf32, #tpu.memory_space<hbm>>) dst(%arg15 : memref<128x64xf32, #tpu.memory_space<vmem>>)
      %dma_wait3A_846 = arith.constant 2 : i32
      %dma_wait3A_847 = arith.constant 0 : i32
      %dma_wait3A_848 = tpu.memref_slice %arg9[%dma_wait3A_846, %dma_wait3A_847] : memref<8x128xi32, #tpu.memory_space<vmem>> -> memref<1x128xi32, #tpu.memory_space<vmem>>
      %dma_wait3A_849 = tpu.memref_squeeze %dma_wait3A_848 : memref<1x128xi32, #tpu.memory_space<vmem>> -> memref<128xi32, #tpu.memory_space<vmem>>
      %dma_wait3A_850 = arith.constant 0 : i32
      %dma_wait3A_851 = arith.constant 0 : i32
      %dma_wait3A_852 = tpu.memref_slice %arg5[%dma_wait3A_850, %dma_wait3A_851] : memref<20480x64xf32, #tpu.memory_space<hbm>> -> memref<20480x64xf32, #tpu.memory_space<hbm>>
      tpu.wait_indirect_dma semaphore(%arg23 : memref<!tpu.dma_semaphore, #tpu.memory_space<semaphore_mem>>) src(%dma_wait3A_852 : memref<20480x64xf32, #tpu.memory_space<hbm>>) dst(%arg16 : memref<128x64xf32, #tpu.memory_space<vmem>>)
      %dma_wait3A_853 = arith.constant 3 : i32
      %dma_wait3A_854 = arith.constant 0 : i32
      %dma_wait3A_855 = tpu.memref_slice %arg9[%dma_wait3A_853, %dma_wait3A_854] : memref<8x128xi32, #tpu.memory_space<vmem>> -> memref<1x128xi32, #tpu.memory_space<vmem>>
      %dma_wait3A_856 = tpu.memref_squeeze %dma_wait3A_855 : memref<1x128xi32, #tpu.memory_space<vmem>> -> memref<128xi32, #tpu.memory_space<vmem>>
      %dma_wait3A_857 = arith.constant 0 : i32
      %dma_wait3A_858 = arith.constant 0 : i32
      %dma_wait3A_859 = tpu.memref_slice %arg5[%dma_wait3A_857, %dma_wait3A_858] : memref<20480x64xf32, #tpu.memory_space<hbm>> -> memref<20480x64xf32, #tpu.memory_space<hbm>>
      tpu.wait_indirect_dma semaphore(%arg23 : memref<!tpu.dma_semaphore, #tpu.memory_space<semaphore_mem>>) src(%dma_wait3A_859 : memref<20480x64xf32, #tpu.memory_space<hbm>>) dst(%arg17 : memref<128x64xf32, #tpu.memory_space<vmem>>)
      %dma_start3A_860 = arith.constant 4 : i32
      %dma_start3A_861 = arith.constant 0 : i32
      %dma_start3A_862 = tpu.memref_slice %arg9[%dma_start3A_860, %dma_start3A_861] : memref<8x128xi32, #tpu.memory_space<vmem>> -> memref<1x128xi32, #tpu.memory_space<vmem>>
      %dma_start3A_863 = tpu.memref_squeeze %dma_start3A_862 : memref<1x128xi32, #tpu.memory_space<vmem>> -> memref<128xi32, #tpu.memory_space<vmem>>
      %dma_start3A_864 = arith.constant 0 : i32
      %dma_start3A_865 = arith.constant 0 : i32
      %dma_start3A_866 = tpu.memref_slice %arg20[%dma_start3A_864, %dma_start3A_865] : memref<10240x64xf32, #tpu.memory_space<vmem_shared>> -> memref<10240x64xf32, #tpu.memory_space<vmem_shared>>
      tpu.enqueue_indirect_dma source(%arg14 : memref<128x64xf32, #tpu.memory_space<vmem>>) target(%dma_start3A_866 : memref<10240x64xf32, #tpu.memory_space<vmem_shared>>) offsets(%dma_start3A_863 : memref<128xi32, #tpu.memory_space<vmem>>) semaphore(%arg24 : memref<!tpu.dma_semaphore, #tpu.memory_space<semaphore_mem>>) {add = true}
      %dma_start3A_867 = arith.constant 5 : i32
      %dma_start3A_868 = arith.constant 0 : i32
      %dma_start3A_869 = tpu.memref_slice %arg9[%dma_start3A_867, %dma_start3A_868] : memref<8x128xi32, #tpu.memory_space<vmem>> -> memref<1x128xi32, #tpu.memory_space<vmem>>
      %dma_start3A_870 = tpu.memref_squeeze %dma_start3A_869 : memref<1x128xi32, #tpu.memory_space<vmem>> -> memref<128xi32, #tpu.memory_space<vmem>>
      %dma_start3A_871 = arith.constant 0 : i32
      %dma_start3A_872 = arith.constant 0 : i32
      %dma_start3A_873 = tpu.memref_slice %arg20[%dma_start3A_871, %dma_start3A_872] : memref<10240x64xf32, #tpu.memory_space<vmem_shared>> -> memref<10240x64xf32, #tpu.memory_space<vmem_shared>>
      tpu.enqueue_indirect_dma source(%arg15 : memref<128x64xf32, #tpu.memory_space<vmem>>) target(%dma_start3A_873 : memref<10240x64xf32, #tpu.memory_space<vmem_shared>>) offsets(%dma_start3A_870 : memref<128xi32, #tpu.memory_space<vmem>>) semaphore(%arg24 : memref<!tpu.dma_semaphore, #tpu.memory_space<semaphore_mem>>) {add = true}
      %dma_start3A_874 = arith.constant 6 : i32
      %dma_start3A_875 = arith.constant 0 : i32
      %dma_start3A_876 = tpu.memref_slice %arg9[%dma_start3A_874, %dma_start3A_875] : memref<8x128xi32, #tpu.memory_space<vmem>> -> memref<1x128xi32, #tpu.memory_space<vmem>>
      %dma_start3A_877 = tpu.memref_squeeze %dma_start3A_876 : memref<1x128xi32, #tpu.memory_space<vmem>> -> memref<128xi32, #tpu.memory_space<vmem>>
      %dma_start3A_878 = arith.constant 0 : i32
      %dma_start3A_879 = arith.constant 0 : i32
      %dma_start3A_880 = tpu.memref_slice %arg20[%dma_start3A_878, %dma_start3A_879] : memref<10240x64xf32, #tpu.memory_space<vmem_shared>> -> memref<10240x64xf32, #tpu.memory_space<vmem_shared>>
      tpu.enqueue_indirect_dma source(%arg16 : memref<128x64xf32, #tpu.memory_space<vmem>>) target(%dma_start3A_880 : memref<10240x64xf32, #tpu.memory_space<vmem_shared>>) offsets(%dma_start3A_877 : memref<128xi32, #tpu.memory_space<vmem>>) semaphore(%arg24 : memref<!tpu.dma_semaphore, #tpu.memory_space<semaphore_mem>>) {add = true}
      %dma_start3A_881 = arith.constant 7 : i32
      %dma_start3A_882 = arith.constant 0 : i32
      %dma_start3A_883 = tpu.memref_slice %arg9[%dma_start3A_881, %dma_start3A_882] : memref<8x128xi32, #tpu.memory_space<vmem>> -> memref<1x128xi32, #tpu.memory_space<vmem>>
      %dma_start3A_884 = tpu.memref_squeeze %dma_start3A_883 : memref<1x128xi32, #tpu.memory_space<vmem>> -> memref<128xi32, #tpu.memory_space<vmem>>
      %dma_start3A_885 = arith.constant 0 : i32
      %dma_start3A_886 = arith.constant 0 : i32
      %dma_start3A_887 = tpu.memref_slice %arg20[%dma_start3A_885, %dma_start3A_886] : memref<10240x64xf32, #tpu.memory_space<vmem_shared>> -> memref<10240x64xf32, #tpu.memory_space<vmem_shared>>
      tpu.enqueue_indirect_dma source(%arg17 : memref<128x64xf32, #tpu.memory_space<vmem>>) target(%dma_start3A_887 : memref<10240x64xf32, #tpu.memory_space<vmem_shared>>) offsets(%dma_start3A_884 : memref<128xi32, #tpu.memory_space<vmem>>) semaphore(%arg24 : memref<!tpu.dma_semaphore, #tpu.memory_space<semaphore_mem>>) {add = true}
      %dma_wait3A_888 = arith.constant 0 : i32
      %dma_wait3A_889 = arith.constant 0 : i32
      %dma_wait3A_890 = tpu.memref_slice %arg3[%arg0, %arg1, %add3A_823, %dma_wait3A_888, %dma_wait3A_889] : memref<2x16x40x8x128xi32, #tpu.memory_space<hbm>> -> memref<1x1x1x8x128xi32, #tpu.memory_space<hbm>>
      %dma_wait3A_891 = tpu.memref_squeeze %dma_wait3A_890 : memref<1x1x1x8x128xi32, #tpu.memory_space<hbm>> -> memref<8x128xi32, #tpu.memory_space<hbm>>
      %dma_wait3A_892 = arith.constant 0 : i32
      %dma_wait3A_893 = arith.constant 0 : i32
      %dma_wait3A_894 = tpu.memref_slice %arg3[%arg0, %arg1, %add3A_823, %dma_wait3A_892, %dma_wait3A_893] : memref<2x16x40x8x128xi32, #tpu.memory_space<hbm>> -> memref<1x1x1x8x128xi32, #tpu.memory_space<hbm>>
      %dma_wait3A_895 = tpu.memref_squeeze %dma_wait3A_894 : memref<1x1x1x8x128xi32, #tpu.memory_space<hbm>> -> memref<8x128xi32, #tpu.memory_space<hbm>>
      tpu.wait_dma2 semaphore(%arg25 : memref<!tpu.dma_semaphore, #tpu.memory_space<semaphore_mem>>) src(%dma_wait3A_895 : memref<8x128xi32, #tpu.memory_space<hbm>>) dst(%arg8 : memref<8x128xi32, #tpu.memory_space<vmem>>)
      %dma_start3A_896 = arith.constant 0 : i32
      %dma_start3A_897 = arith.constant 0 : i32
      %dma_start3A_898 = tpu.memref_slice %arg8[%dma_start3A_896, %dma_start3A_897] : memref<8x128xi32, #tpu.memory_space<vmem>> -> memref<1x128xi32, #tpu.memory_space<vmem>>
      %dma_start3A_899 = tpu.memref_squeeze %dma_start3A_898 : memref<1x128xi32, #tpu.memory_space<vmem>> -> memref<128xi32, #tpu.memory_space<vmem>>
      %dma_start3A_900 = arith.constant 0 : i32
      %dma_start3A_901 = arith.constant 0 : i32
      %dma_start3A_902 = tpu.memref_slice %arg5[%dma_start3A_900, %dma_start3A_901] : memref<20480x64xf32, #tpu.memory_space<hbm>> -> memref<20480x64xf32, #tpu.memory_space<hbm>>
      tpu.enqueue_indirect_dma source(%dma_start3A_902 : memref<20480x64xf32, #tpu.memory_space<hbm>>) target(%arg10 : memref<128x64xf32, #tpu.memory_space<vmem>>) offsets(%dma_start3A_899 : memref<128xi32, #tpu.memory_space<vmem>>) semaphore(%arg21 : memref<!tpu.dma_semaphore, #tpu.memory_space<semaphore_mem>>)
      %dma_start3A_903 = arith.constant 1 : i32
      %dma_start3A_904 = arith.constant 0 : i32
      %dma_start3A_905 = tpu.memref_slice %arg8[%dma_start3A_903, %dma_start3A_904] : memref<8x128xi32, #tpu.memory_space<vmem>> -> memref<1x128xi32, #tpu.memory_space<vmem>>
      %dma_start3A_906 = tpu.memref_squeeze %dma_start3A_905 : memref<1x128xi32, #tpu.memory_space<vmem>> -> memref<128xi32, #tpu.memory_space<vmem>>
      %dma_start3A_907 = arith.constant 0 : i32
      %dma_start3A_908 = arith.constant 0 : i32
      %dma_start3A_909 = tpu.memref_slice %arg5[%dma_start3A_907, %dma_start3A_908] : memref<20480x64xf32, #tpu.memory_space<hbm>> -> memref<20480x64xf32, #tpu.memory_space<hbm>>
      tpu.enqueue_indirect_dma source(%dma_start3A_909 : memref<20480x64xf32, #tpu.memory_space<hbm>>) target(%arg11 : memref<128x64xf32, #tpu.memory_space<vmem>>) offsets(%dma_start3A_906 : memref<128xi32, #tpu.memory_space<vmem>>) semaphore(%arg21 : memref<!tpu.dma_semaphore, #tpu.memory_space<semaphore_mem>>)
      %dma_start3A_910 = arith.constant 2 : i32
      %dma_start3A_911 = arith.constant 0 : i32
      %dma_start3A_912 = tpu.memref_slice %arg8[%dma_start3A_910, %dma_start3A_911] : memref<8x128xi32, #tpu.memory_space<vmem>> -> memref<1x128xi32, #tpu.memory_space<vmem>>
      %dma_start3A_913 = tpu.memref_squeeze %dma_start3A_912 : memref<1x128xi32, #tpu.memory_space<vmem>> -> memref<128xi32, #tpu.memory_space<vmem>>
      %dma_start3A_914 = arith.constant 0 : i32
      %dma_start3A_915 = arith.constant 0 : i32
      %dma_start3A_916 = tpu.memref_slice %arg5[%dma_start3A_914, %dma_start3A_915] : memref<20480x64xf32, #tpu.memory_space<hbm>> -> memref<20480x64xf32, #tpu.memory_space<hbm>>
      tpu.enqueue_indirect_dma source(%dma_start3A_916 : memref<20480x64xf32, #tpu.memory_space<hbm>>) target(%arg12 : memref<128x64xf32, #tpu.memory_space<vmem>>) offsets(%dma_start3A_913 : memref<128xi32, #tpu.memory_space<vmem>>) semaphore(%arg21 : memref<!tpu.dma_semaphore, #tpu.memory_space<semaphore_mem>>)
      %dma_start3A_917 = arith.constant 3 : i32
      %dma_start3A_918 = arith.constant 0 : i32
      %dma_start3A_919 = tpu.memref_slice %arg8[%dma_start3A_917, %dma_start3A_918] : memref<8x128xi32, #tpu.memory_space<vmem>> -> memref<1x128xi32, #tpu.memory_space<vmem>>
      %dma_start3A_920 = tpu.memref_squeeze %dma_start3A_919 : memref<1x128xi32, #tpu.memory_space<vmem>> -> memref<128xi32, #tpu.memory_space<vmem>>
      %dma_start3A_921 = arith.constant 0 : i32
      %dma_start3A_922 = arith.constant 0 : i32
      %dma_start3A_923 = tpu.memref_slice %arg5[%dma_start3A_921, %dma_start3A_922] : memref<20480x64xf32, #tpu.memory_space<hbm>> -> memref<20480x64xf32, #tpu.memory_space<hbm>>
      tpu.enqueue_indirect_dma source(%dma_start3A_923 : memref<20480x64xf32, #tpu.memory_space<hbm>>) target(%arg13 : memref<128x64xf32, #tpu.memory_space<vmem>>) offsets(%dma_start3A_920 : memref<128xi32, #tpu.memory_space<vmem>>) semaphore(%arg21 : memref<!tpu.dma_semaphore, #tpu.memory_space<semaphore_mem>>)
      %dma_wait3A_924 = arith.constant 4 : i32
      %dma_wait3A_925 = arith.constant 0 : i32
      %dma_wait3A_926 = tpu.memref_slice %arg9[%dma_wait3A_924, %dma_wait3A_925] : memref<8x128xi32, #tpu.memory_space<vmem>> -> memref<1x128xi32, #tpu.memory_space<vmem>>
      %dma_wait3A_927 = tpu.memref_squeeze %dma_wait3A_926 : memref<1x128xi32, #tpu.memory_space<vmem>> -> memref<128xi32, #tpu.memory_space<vmem>>
      %dma_wait3A_928 = arith.constant 0 : i32
      %dma_wait3A_929 = arith.constant 0 : i32
      %dma_wait3A_930 = tpu.memref_slice %arg20[%dma_wait3A_928, %dma_wait3A_929] : memref<10240x64xf32, #tpu.memory_space<vmem_shared>> -> memref<10240x64xf32, #tpu.memory_space<vmem_shared>>
      tpu.wait_indirect_dma semaphore(%arg24 : memref<!tpu.dma_semaphore, #tpu.memory_space<semaphore_mem>>) src(%arg14 : memref<128x64xf32, #tpu.memory_space<vmem>>) dst(%dma_wait3A_930 : memref<10240x64xf32, #tpu.memory_space<vmem_shared>>)
      %dma_wait3A_931 = arith.constant 5 : i32
      %dma_wait3A_932 = arith.constant 0 : i32
      %dma_wait3A_933 = tpu.memref_slice %arg9[%dma_wait3A_931, %dma_wait3A_932] : memref<8x128xi32, #tpu.memory_space<vmem>> -> memref<1x128xi32, #tpu.memory_space<vmem>>
      %dma_wait3A_934 = tpu.memref_squeeze %dma_wait3A_933 : memref<1x128xi32, #tpu.memory_space<vmem>> -> memref<128xi32, #tpu.memory_space<vmem>>
      %dma_wait3A_935 = arith.constant 0 : i32
      %dma_wait3A_936 = arith.constant 0 : i32
      %dma_wait3A_937 = tpu.memref_slice %arg20[%dma_wait3A_935, %dma_wait3A_936] : memref<10240x64xf32, #tpu.memory_space<vmem_shared>> -> memref<10240x64xf32, #tpu.memory_space<vmem_shared>>
      tpu.wait_indirect_dma semaphore(%arg24 : memref<!tpu.dma_semaphore, #tpu.memory_space<semaphore_mem>>) src(%arg15 : memref<128x64xf32, #tpu.memory_space<vmem>>) dst(%dma_wait3A_937 : memref<10240x64xf32, #tpu.memory_space<vmem_shared>>)
      %dma_wait3A_938 = arith.constant 6 : i32
      %dma_wait3A_939 = arith.constant 0 : i32
      %dma_wait3A_940 = tpu.memref_slice %arg9[%dma_wait3A_938, %dma_wait3A_939] : memref<8x128xi32, #tpu.memory_space<vmem>> -> memref<1x128xi32, #tpu.memory_space<vmem>>
      %dma_wait3A_941 = tpu.memref_squeeze %dma_wait3A_940 : memref<1x128xi32, #tpu.memory_space<vmem>> -> memref<128xi32, #tpu.memory_space<vmem>>
      %dma_wait3A_942 = arith.constant 0 : i32
      %dma_wait3A_943 = arith.constant 0 : i32
      %dma_wait3A_944 = tpu.memref_slice %arg20[%dma_wait3A_942, %dma_wait3A_943] : memref<10240x64xf32, #tpu.memory_space<vmem_shared>> -> memref<10240x64xf32, #tpu.memory_space<vmem_shared>>
      tpu.wait_indirect_dma semaphore(%arg24 : memref<!tpu.dma_semaphore, #tpu.memory_space<semaphore_mem>>) src(%arg16 : memref<128x64xf32, #tpu.memory_space<vmem>>) dst(%dma_wait3A_944 : memref<10240x64xf32, #tpu.memory_space<vmem_shared>>)
      %dma_wait3A_945 = arith.constant 7 : i32
      %dma_wait3A_946 = arith.constant 0 : i32
      %dma_wait3A_947 = tpu.memref_slice %arg9[%dma_wait3A_945, %dma_wait3A_946] : memref<8x128xi32, #tpu.memory_space<vmem>> -> memref<1x128xi32, #tpu.memory_space<vmem>>
      %dma_wait3A_948 = tpu.memref_squeeze %dma_wait3A_947 : memref<1x128xi32, #tpu.memory_space<vmem>> -> memref<128xi32, #tpu.memory_space<vmem>>
      %dma_wait3A_949 = arith.constant 0 : i32
      %dma_wait3A_950 = arith.constant 0 : i32
      %dma_wait3A_951 = tpu.memref_slice %arg20[%dma_wait3A_949, %dma_wait3A_950] : memref<10240x64xf32, #tpu.memory_space<vmem_shared>> -> memref<10240x64xf32, #tpu.memory_space<vmem_shared>>
      tpu.wait_indirect_dma semaphore(%arg24 : memref<!tpu.dma_semaphore, #tpu.memory_space<semaphore_mem>>) src(%arg17 : memref<128x64xf32, #tpu.memory_space<vmem>>) dst(%dma_wait3A_951 : memref<10240x64xf32, #tpu.memory_space<vmem_shared>>)
      %add3A_952 = arith.constant 2 : i32
      %add3A_953 = arith.addi %add3A_737, %add3A_952 : i32
      %dma_start3A_954 = arith.constant 0 : i32
      %dma_start3A_955 = arith.constant 0 : i32
      %dma_start3A_956 = tpu.memref_slice %arg3[%arg0, %arg1, %add3A_953, %dma_start3A_954, %dma_start3A_955] : memref<2x16x40x8x128xi32, #tpu.memory_space<hbm>> -> memref<1x1x1x8x128xi32, #tpu.memory_space<hbm>>
      %dma_start3A_957 = tpu.memref_squeeze %dma_start3A_956 : memref<1x1x1x8x128xi32, #tpu.memory_space<hbm>> -> memref<8x128xi32, #tpu.memory_space<hbm>>
      %dma_start3A_958 = arith.constant 0 : i32
      %dma_start3A_959 = arith.constant 0 : i32
      %dma_start3A_960 = tpu.memref_slice %arg3[%arg0, %arg1, %add3A_953, %dma_start3A_958, %dma_start3A_959] : memref<2x16x40x8x128xi32, #tpu.memory_space<hbm>> -> memref<1x1x1x8x128xi32, #tpu.memory_space<hbm>>
      %dma_start3A_961 = tpu.memref_squeeze %dma_start3A_960 : memref<1x1x1x8x128xi32, #tpu.memory_space<hbm>> -> memref<8x128xi32, #tpu.memory_space<hbm>>
      tpu.enqueue_dma source(%dma_start3A_961 : memref<8x128xi32, #tpu.memory_space<hbm>>) target(%arg9 : memref<8x128xi32, #tpu.memory_space<vmem>>) target_semaphore(%arg26 : memref<!tpu.dma_semaphore, #tpu.memory_space<semaphore_mem>>)
      %dma_wait3A_962 = arith.constant 0 : i32
      %dma_wait3A_963 = arith.constant 0 : i32
      %dma_wait3A_964 = tpu.memref_slice %arg8[%dma_wait3A_962, %dma_wait3A_963] : memref<8x128xi32, #tpu.memory_space<vmem>> -> memref<1x128xi32, #tpu.memory_space<vmem>>
      %dma_wait3A_965 = tpu.memref_squeeze %dma_wait3A_964 : memref<1x128xi32, #tpu.memory_space<vmem>> -> memref<128xi32, #tpu.memory_space<vmem>>
      %dma_wait3A_966 = arith.constant 0 : i32
      %dma_wait3A_967 = arith.constant 0 : i32
      %dma_wait3A_968 = tpu.memref_slice %arg5[%dma_wait3A_966, %dma_wait3A_967] : memref<20480x64xf32, #tpu.memory_space<hbm>> -> memref<20480x64xf32, #tpu.memory_space<hbm>>
      tpu.wait_indirect_dma semaphore(%arg21 : memref<!tpu.dma_semaphore, #tpu.memory_space<semaphore_mem>>) src(%dma_wait3A_968 : memref<20480x64xf32, #tpu.memory_space<hbm>>) dst(%arg10 : memref<128x64xf32, #tpu.memory_space<vmem>>)
      %dma_wait3A_969 = arith.constant 1 : i32
      %dma_wait3A_970 = arith.constant 0 : i32
      %dma_wait3A_971 = tpu.memref_slice %arg8[%dma_wait3A_969, %dma_wait3A_970] : memref<8x128xi32, #tpu.memory_space<vmem>> -> memref<1x128xi32, #tpu.memory_space<vmem>>
      %dma_wait3A_972 = tpu.memref_squeeze %dma_wait3A_971 : memref<1x128xi32, #tpu.memory_space<vmem>> -> memref<128xi32, #tpu.memory_space<vmem>>
      %dma_wait3A_973 = arith.constant 0 : i32
      %dma_wait3A_974 = arith.constant 0 : i32
      %dma_wait3A_975 = tpu.memref_slice %arg5[%dma_wait3A_973, %dma_wait3A_974] : memref<20480x64xf32, #tpu.memory_space<hbm>> -> memref<20480x64xf32, #tpu.memory_space<hbm>>
      tpu.wait_indirect_dma semaphore(%arg21 : memref<!tpu.dma_semaphore, #tpu.memory_space<semaphore_mem>>) src(%dma_wait3A_975 : memref<20480x64xf32, #tpu.memory_space<hbm>>) dst(%arg11 : memref<128x64xf32, #tpu.memory_space<vmem>>)
      %dma_wait3A_976 = arith.constant 2 : i32
      %dma_wait3A_977 = arith.constant 0 : i32
      %dma_wait3A_978 = tpu.memref_slice %arg8[%dma_wait3A_976, %dma_wait3A_977] : memref<8x128xi32, #tpu.memory_space<vmem>> -> memref<1x128xi32, #tpu.memory_space<vmem>>
      %dma_wait3A_979 = tpu.memref_squeeze %dma_wait3A_978 : memref<1x128xi32, #tpu.memory_space<vmem>> -> memref<128xi32, #tpu.memory_space<vmem>>
      %dma_wait3A_980 = arith.constant 0 : i32
      %dma_wait3A_981 = arith.constant 0 : i32
      %dma_wait3A_982 = tpu.memref_slice %arg5[%dma_wait3A_980, %dma_wait3A_981] : memref<20480x64xf32, #tpu.memory_space<hbm>> -> memref<20480x64xf32, #tpu.memory_space<hbm>>
      tpu.wait_indirect_dma semaphore(%arg21 : memref<!tpu.dma_semaphore, #tpu.memory_space<semaphore_mem>>) src(%dma_wait3A_982 : memref<20480x64xf32, #tpu.memory_space<hbm>>) dst(%arg12 : memref<128x64xf32, #tpu.memory_space<vmem>>)
      %dma_wait3A_983 = arith.constant 3 : i32
      %dma_wait3A_984 = arith.constant 0 : i32
      %dma_wait3A_985 = tpu.memref_slice %arg8[%dma_wait3A_983, %dma_wait3A_984] : memref<8x128xi32, #tpu.memory_space<vmem>> -> memref<1x128xi32, #tpu.memory_space<vmem>>
      %dma_wait3A_986 = tpu.memref_squeeze %dma_wait3A_985 : memref<1x128xi32, #tpu.memory_space<vmem>> -> memref<128xi32, #tpu.memory_space<vmem>>
      %dma_wait3A_987 = arith.constant 0 : i32
      %dma_wait3A_988 = arith.constant 0 : i32
      %dma_wait3A_989 = tpu.memref_slice %arg5[%dma_wait3A_987, %dma_wait3A_988] : memref<20480x64xf32, #tpu.memory_space<hbm>> -> memref<20480x64xf32, #tpu.memory_space<hbm>>
      tpu.wait_indirect_dma semaphore(%arg21 : memref<!tpu.dma_semaphore, #tpu.memory_space<semaphore_mem>>) src(%dma_wait3A_989 : memref<20480x64xf32, #tpu.memory_space<hbm>>) dst(%arg13 : memref<128x64xf32, #tpu.memory_space<vmem>>)
      %dma_wait3A_990 = arith.constant 0 : i32
      %dma_wait3A_991 = arith.constant 0 : i32
      %dma_wait3A_992 = tpu.memref_slice %arg3[%arg0, %arg1, %add3A_953, %dma_wait3A_990, %dma_wait3A_991] : memref<2x16x40x8x128xi32, #tpu.memory_space<hbm>> -> memref<1x1x1x8x128xi32, #tpu.memory_space<hbm>>
      %dma_wait3A_993 = tpu.memref_squeeze %dma_wait3A_992 : memref<1x1x1x8x128xi32, #tpu.memory_space<hbm>> -> memref<8x128xi32, #tpu.memory_space<hbm>>
      %dma_wait3A_994 = arith.constant 0 : i32
      %dma_wait3A_995 = arith.constant 0 : i32
      %dma_wait3A_996 = tpu.memref_slice %arg3[%arg0, %arg1, %add3A_953, %dma_wait3A_994, %dma_wait3A_995] : memref<2x16x40x8x128xi32, #tpu.memory_space<hbm>> -> memref<1x1x1x8x128xi32, #tpu.memory_space<hbm>>
      %dma_wait3A_997 = tpu.memref_squeeze %dma_wait3A_996 : memref<1x1x1x8x128xi32, #tpu.memory_space<hbm>> -> memref<8x128xi32, #tpu.memory_space<hbm>>
      tpu.wait_dma2 semaphore(%arg26 : memref<!tpu.dma_semaphore, #tpu.memory_space<semaphore_mem>>) src(%dma_wait3A_997 : memref<8x128xi32, #tpu.memory_space<hbm>>) dst(%arg9 : memref<8x128xi32, #tpu.memory_space<vmem>>)
    }
    %scan3A_76 = arith.constant 19 : i32
    %dma_start3A_77 = arith.constant 4 : i32
    %dma_start3A_78 = arith.constant 0 : i32
    %dma_start3A_79 = tpu.memref_slice %arg8[%dma_start3A_77, %dma_start3A_78] : memref<8x128xi32, #tpu.memory_space<vmem>> -> memref<1x128xi32, #tpu.memory_space<vmem>>
    %dma_start3A_80 = tpu.memref_squeeze %dma_start3A_79 : memref<1x128xi32, #tpu.memory_space<vmem>> -> memref<128xi32, #tpu.memory_space<vmem>>
    %dma_start3A_81 = arith.constant 0 : i32
    %dma_start3A_82 = arith.constant 0 : i32
    %dma_start3A_83 = tpu.memref_slice %arg20[%dma_start3A_81, %dma_start3A_82] : memref<10240x64xf32, #tpu.memory_space<vmem_shared>> -> memref<10240x64xf32, #tpu.memory_space<vmem_shared>>
    tpu.enqueue_indirect_dma source(%arg10 : memref<128x64xf32, #tpu.memory_space<vmem>>) target(%dma_start3A_83 : memref<10240x64xf32, #tpu.memory_space<vmem_shared>>) offsets(%dma_start3A_80 : memref<128xi32, #tpu.memory_space<vmem>>) semaphore(%arg22 : memref<!tpu.dma_semaphore, #tpu.memory_space<semaphore_mem>>) {add = true}
    %dma_start3A_84 = arith.constant 5 : i32
    %dma_start3A_85 = arith.constant 0 : i32
    %dma_start3A_86 = tpu.memref_slice %arg8[%dma_start3A_84, %dma_start3A_85] : memref<8x128xi32, #tpu.memory_space<vmem>> -> memref<1x128xi32, #tpu.memory_space<vmem>>
    %dma_start3A_87 = tpu.memref_squeeze %dma_start3A_86 : memref<1x128xi32, #tpu.memory_space<vmem>> -> memref<128xi32, #tpu.memory_space<vmem>>
    %dma_start3A_88 = arith.constant 0 : i32
    %dma_start3A_89 = arith.constant 0 : i32
    %dma_start3A_90 = tpu.memref_slice %arg20[%dma_start3A_88, %dma_start3A_89] : memref<10240x64xf32, #tpu.memory_space<vmem_shared>> -> memref<10240x64xf32, #tpu.memory_space<vmem_shared>>
    tpu.enqueue_indirect_dma source(%arg11 : memref<128x64xf32, #tpu.memory_space<vmem>>) target(%dma_start3A_90 : memref<10240x64xf32, #tpu.memory_space<vmem_shared>>) offsets(%dma_start3A_87 : memref<128xi32, #tpu.memory_space<vmem>>) semaphore(%arg22 : memref<!tpu.dma_semaphore, #tpu.memory_space<semaphore_mem>>) {add = true}
    %dma_start3A_91 = arith.constant 6 : i32
    %dma_start3A_92 = arith.constant 0 : i32
    %dma_start3A_93 = tpu.memref_slice %arg8[%dma_start3A_91, %dma_start3A_92] : memref<8x128xi32, #tpu.memory_space<vmem>> -> memref<1x128xi32, #tpu.memory_space<vmem>>
    %dma_start3A_94 = tpu.memref_squeeze %dma_start3A_93 : memref<1x128xi32, #tpu.memory_space<vmem>> -> memref<128xi32, #tpu.memory_space<vmem>>
    %dma_start3A_95 = arith.constant 0 : i32
    %dma_start3A_96 = arith.constant 0 : i32
    %dma_start3A_97 = tpu.memref_slice %arg20[%dma_start3A_95, %dma_start3A_96] : memref<10240x64xf32, #tpu.memory_space<vmem_shared>> -> memref<10240x64xf32, #tpu.memory_space<vmem_shared>>
    tpu.enqueue_indirect_dma source(%arg12 : memref<128x64xf32, #tpu.memory_space<vmem>>) target(%dma_start3A_97 : memref<10240x64xf32, #tpu.memory_space<vmem_shared>>) offsets(%dma_start3A_94 : memref<128xi32, #tpu.memory_space<vmem>>) semaphore(%arg22 : memref<!tpu.dma_semaphore, #tpu.memory_space<semaphore_mem>>) {add = true}
    %dma_start3A_98 = arith.constant 7 : i32
    %dma_start3A_99 = arith.constant 0 : i32
    %dma_start3A_100 = tpu.memref_slice %arg8[%dma_start3A_98, %dma_start3A_99] : memref<8x128xi32, #tpu.memory_space<vmem>> -> memref<1x128xi32, #tpu.memory_space<vmem>>
    %dma_start3A_101 = tpu.memref_squeeze %dma_start3A_100 : memref<1x128xi32, #tpu.memory_space<vmem>> -> memref<128xi32, #tpu.memory_space<vmem>>
    %dma_start3A_102 = arith.constant 0 : i32
    %dma_start3A_103 = arith.constant 0 : i32
    %dma_start3A_104 = tpu.memref_slice %arg20[%dma_start3A_102, %dma_start3A_103] : memref<10240x64xf32, #tpu.memory_space<vmem_shared>> -> memref<10240x64xf32, #tpu.memory_space<vmem_shared>>
    tpu.enqueue_indirect_dma source(%arg13 : memref<128x64xf32, #tpu.memory_space<vmem>>) target(%dma_start3A_104 : memref<10240x64xf32, #tpu.memory_space<vmem_shared>>) offsets(%dma_start3A_101 : memref<128xi32, #tpu.memory_space<vmem>>) semaphore(%arg22 : memref<!tpu.dma_semaphore, #tpu.memory_space<semaphore_mem>>) {add = true}
    %dma_start3A_105 = arith.constant 0 : i32
    %dma_start3A_106 = arith.constant 0 : i32
    %dma_start3A_107 = tpu.memref_slice %arg9[%dma_start3A_105, %dma_start3A_106] : memref<8x128xi32, #tpu.memory_space<vmem>> -> memref<1x128xi32, #tpu.memory_space<vmem>>
    %dma_start3A_108 = tpu.memref_squeeze %dma_start3A_107 : memref<1x128xi32, #tpu.memory_space<vmem>> -> memref<128xi32, #tpu.memory_space<vmem>>
    %dma_start3A_109 = arith.constant 0 : i32
    %dma_start3A_110 = arith.constant 0 : i32
    %dma_start3A_111 = tpu.memref_slice %arg5[%dma_start3A_109, %dma_start3A_110] : memref<20480x64xf32, #tpu.memory_space<hbm>> -> memref<20480x64xf32, #tpu.memory_space<hbm>>
    tpu.enqueue_indirect_dma source(%dma_start3A_111 : memref<20480x64xf32, #tpu.memory_space<hbm>>) target(%arg14 : memref<128x64xf32, #tpu.memory_space<vmem>>) offsets(%dma_start3A_108 : memref<128xi32, #tpu.memory_space<vmem>>) semaphore(%arg23 : memref<!tpu.dma_semaphore, #tpu.memory_space<semaphore_mem>>)
    %dma_start3A_112 = arith.constant 1 : i32
    %dma_start3A_113 = arith.constant 0 : i32
    %dma_start3A_114 = tpu.memref_slice %arg9[%dma_start3A_112, %dma_start3A_113] : memref<8x128xi32, #tpu.memory_space<vmem>> -> memref<1x128xi32, #tpu.memory_space<vmem>>
    %dma_start3A_115 = tpu.memref_squeeze %dma_start3A_114 : memref<1x128xi32, #tpu.memory_space<vmem>> -> memref<128xi32, #tpu.memory_space<vmem>>
    %dma_start3A_116 = arith.constant 0 : i32
    %dma_start3A_117 = arith.constant 0 : i32
    %dma_start3A_118 = tpu.memref_slice %arg5[%dma_start3A_116, %dma_start3A_117] : memref<20480x64xf32, #tpu.memory_space<hbm>> -> memref<20480x64xf32, #tpu.memory_space<hbm>>
    tpu.enqueue_indirect_dma source(%dma_start3A_118 : memref<20480x64xf32, #tpu.memory_space<hbm>>) target(%arg15 : memref<128x64xf32, #tpu.memory_space<vmem>>) offsets(%dma_start3A_115 : memref<128xi32, #tpu.memory_space<vmem>>) semaphore(%arg23 : memref<!tpu.dma_semaphore, #tpu.memory_space<semaphore_mem>>)
    %dma_start3A_119 = arith.constant 2 : i32
    %dma_start3A_120 = arith.constant 0 : i32
    %dma_start3A_121 = tpu.memref_slice %arg9[%dma_start3A_119, %dma_start3A_120] : memref<8x128xi32, #tpu.memory_space<vmem>> -> memref<1x128xi32, #tpu.memory_space<vmem>>
    %dma_start3A_122 = tpu.memref_squeeze %dma_start3A_121 : memref<1x128xi32, #tpu.memory_space<vmem>> -> memref<128xi32, #tpu.memory_space<vmem>>
    %dma_start3A_123 = arith.constant 0 : i32
    %dma_start3A_124 = arith.constant 0 : i32
    %dma_start3A_125 = tpu.memref_slice %arg5[%dma_start3A_123, %dma_start3A_124] : memref<20480x64xf32, #tpu.memory_space<hbm>> -> memref<20480x64xf32, #tpu.memory_space<hbm>>
    tpu.enqueue_indirect_dma source(%dma_start3A_125 : memref<20480x64xf32, #tpu.memory_space<hbm>>) target(%arg16 : memref<128x64xf32, #tpu.memory_space<vmem>>) offsets(%dma_start3A_122 : memref<128xi32, #tpu.memory_space<vmem>>) semaphore(%arg23 : memref<!tpu.dma_semaphore, #tpu.memory_space<semaphore_mem>>)
    %dma_start3A_126 = arith.constant 3 : i32
    %dma_start3A_127 = arith.constant 0 : i32
    %dma_start3A_128 = tpu.memref_slice %arg9[%dma_start3A_126, %dma_start3A_127] : memref<8x128xi32, #tpu.memory_space<vmem>> -> memref<1x128xi32, #tpu.memory_space<vmem>>
    %dma_start3A_129 = tpu.memref_squeeze %dma_start3A_128 : memref<1x128xi32, #tpu.memory_space<vmem>> -> memref<128xi32, #tpu.memory_space<vmem>>
    %dma_start3A_130 = arith.constant 0 : i32
    %dma_start3A_131 = arith.constant 0 : i32
    %dma_start3A_132 = tpu.memref_slice %arg5[%dma_start3A_130, %dma_start3A_131] : memref<20480x64xf32, #tpu.memory_space<hbm>> -> memref<20480x64xf32, #tpu.memory_space<hbm>>
    tpu.enqueue_indirect_dma source(%dma_start3A_132 : memref<20480x64xf32, #tpu.memory_space<hbm>>) target(%arg17 : memref<128x64xf32, #tpu.memory_space<vmem>>) offsets(%dma_start3A_129 : memref<128xi32, #tpu.memory_space<vmem>>) semaphore(%arg23 : memref<!tpu.dma_semaphore, #tpu.memory_space<semaphore_mem>>)
    %dma_wait3A_133 = arith.constant 4 : i32
    %dma_wait3A_134 = arith.constant 0 : i32
    %dma_wait3A_135 = tpu.memref_slice %arg8[%dma_wait3A_133, %dma_wait3A_134] : memref<8x128xi32, #tpu.memory_space<vmem>> -> memref<1x128xi32, #tpu.memory_space<vmem>>
    %dma_wait3A_136 = tpu.memref_squeeze %dma_wait3A_135 : memref<1x128xi32, #tpu.memory_space<vmem>> -> memref<128xi32, #tpu.memory_space<vmem>>
    %dma_wait3A_137 = arith.constant 0 : i32
    %dma_wait3A_138 = arith.constant 0 : i32
    %dma_wait3A_139 = tpu.memref_slice %arg20[%dma_wait3A_137, %dma_wait3A_138] : memref<10240x64xf32, #tpu.memory_space<vmem_shared>> -> memref<10240x64xf32, #tpu.memory_space<vmem_shared>>
    tpu.wait_indirect_dma semaphore(%arg22 : memref<!tpu.dma_semaphore, #tpu.memory_space<semaphore_mem>>) src(%arg10 : memref<128x64xf32, #tpu.memory_space<vmem>>) dst(%dma_wait3A_139 : memref<10240x64xf32, #tpu.memory_space<vmem_shared>>)
    %dma_wait3A_140 = arith.constant 5 : i32
    %dma_wait3A_141 = arith.constant 0 : i32
    %dma_wait3A_142 = tpu.memref_slice %arg8[%dma_wait3A_140, %dma_wait3A_141] : memref<8x128xi32, #tpu.memory_space<vmem>> -> memref<1x128xi32, #tpu.memory_space<vmem>>
    %dma_wait3A_143 = tpu.memref_squeeze %dma_wait3A_142 : memref<1x128xi32, #tpu.memory_space<vmem>> -> memref<128xi32, #tpu.memory_space<vmem>>
    %dma_wait3A_144 = arith.constant 0 : i32
    %dma_wait3A_145 = arith.constant 0 : i32
    %dma_wait3A_146 = tpu.memref_slice %arg20[%dma_wait3A_144, %dma_wait3A_145] : memref<10240x64xf32, #tpu.memory_space<vmem_shared>> -> memref<10240x64xf32, #tpu.memory_space<vmem_shared>>
    tpu.wait_indirect_dma semaphore(%arg22 : memref<!tpu.dma_semaphore, #tpu.memory_space<semaphore_mem>>) src(%arg11 : memref<128x64xf32, #tpu.memory_space<vmem>>) dst(%dma_wait3A_146 : memref<10240x64xf32, #tpu.memory_space<vmem_shared>>)
    %dma_wait3A_147 = arith.constant 6 : i32
    %dma_wait3A_148 = arith.constant 0 : i32
    %dma_wait3A_149 = tpu.memref_slice %arg8[%dma_wait3A_147, %dma_wait3A_148] : memref<8x128xi32, #tpu.memory_space<vmem>> -> memref<1x128xi32, #tpu.memory_space<vmem>>
    %dma_wait3A_150 = tpu.memref_squeeze %dma_wait3A_149 : memref<1x128xi32, #tpu.memory_space<vmem>> -> memref<128xi32, #tpu.memory_space<vmem>>
    %dma_wait3A_151 = arith.constant 0 : i32
    %dma_wait3A_152 = arith.constant 0 : i32
    %dma_wait3A_153 = tpu.memref_slice %arg20[%dma_wait3A_151, %dma_wait3A_152] : memref<10240x64xf32, #tpu.memory_space<vmem_shared>> -> memref<10240x64xf32, #tpu.memory_space<vmem_shared>>
    tpu.wait_indirect_dma semaphore(%arg22 : memref<!tpu.dma_semaphore, #tpu.memory_space<semaphore_mem>>) src(%arg12 : memref<128x64xf32, #tpu.memory_space<vmem>>) dst(%dma_wait3A_153 : memref<10240x64xf32, #tpu.memory_space<vmem_shared>>)
    %dma_wait3A_154 = arith.constant 7 : i32
    %dma_wait3A_155 = arith.constant 0 : i32
    %dma_wait3A_156 = tpu.memref_slice %arg8[%dma_wait3A_154, %dma_wait3A_155] : memref<8x128xi32, #tpu.memory_space<vmem>> -> memref<1x128xi32, #tpu.memory_space<vmem>>
    %dma_wait3A_157 = tpu.memref_squeeze %dma_wait3A_156 : memref<1x128xi32, #tpu.memory_space<vmem>> -> memref<128xi32, #tpu.memory_space<vmem>>
    %dma_wait3A_158 = arith.constant 0 : i32
    %dma_wait3A_159 = arith.constant 0 : i32
    %dma_wait3A_160 = tpu.memref_slice %arg20[%dma_wait3A_158, %dma_wait3A_159] : memref<10240x64xf32, #tpu.memory_space<vmem_shared>> -> memref<10240x64xf32, #tpu.memory_space<vmem_shared>>
    tpu.wait_indirect_dma semaphore(%arg22 : memref<!tpu.dma_semaphore, #tpu.memory_space<semaphore_mem>>) src(%arg13 : memref<128x64xf32, #tpu.memory_space<vmem>>) dst(%dma_wait3A_160 : memref<10240x64xf32, #tpu.memory_space<vmem_shared>>)
    %dma_wait3A_161 = arith.constant 0 : i32
    %dma_wait3A_162 = arith.constant 0 : i32
    %dma_wait3A_163 = tpu.memref_slice %arg9[%dma_wait3A_161, %dma_wait3A_162] : memref<8x128xi32, #tpu.memory_space<vmem>> -> memref<1x128xi32, #tpu.memory_space<vmem>>
    %dma_wait3A_164 = tpu.memref_squeeze %dma_wait3A_163 : memref<1x128xi32, #tpu.memory_space<vmem>> -> memref<128xi32, #tpu.memory_space<vmem>>
    %dma_wait3A_165 = arith.constant 0 : i32
    %dma_wait3A_166 = arith.constant 0 : i32
    %dma_wait3A_167 = tpu.memref_slice %arg5[%dma_wait3A_165, %dma_wait3A_166] : memref<20480x64xf32, #tpu.memory_space<hbm>> -> memref<20480x64xf32, #tpu.memory_space<hbm>>
    tpu.wait_indirect_dma semaphore(%arg23 : memref<!tpu.dma_semaphore, #tpu.memory_space<semaphore_mem>>) src(%dma_wait3A_167 : memref<20480x64xf32, #tpu.memory_space<hbm>>) dst(%arg14 : memref<128x64xf32, #tpu.memory_space<vmem>>)
    %dma_wait3A_168 = arith.constant 1 : i32
    %dma_wait3A_169 = arith.constant 0 : i32
    %dma_wait3A_170 = tpu.memref_slice %arg9[%dma_wait3A_168, %dma_wait3A_169] : memref<8x128xi32, #tpu.memory_space<vmem>> -> memref<1x128xi32, #tpu.memory_space<vmem>>
    %dma_wait3A_171 = tpu.memref_squeeze %dma_wait3A_170 : memref<1x128xi32, #tpu.memory_space<vmem>> -> memref<128xi32, #tpu.memory_space<vmem>>
    %dma_wait3A_172 = arith.constant 0 : i32
    %dma_wait3A_173 = arith.constant 0 : i32
    %dma_wait3A_174 = tpu.memref_slice %arg5[%dma_wait3A_172, %dma_wait3A_173] : memref<20480x64xf32, #tpu.memory_space<hbm>> -> memref<20480x64xf32, #tpu.memory_space<hbm>>
    tpu.wait_indirect_dma semaphore(%arg23 : memref<!tpu.dma_semaphore, #tpu.memory_space<semaphore_mem>>) src(%dma_wait3A_174 : memref<20480x64xf32, #tpu.memory_space<hbm>>) dst(%arg15 : memref<128x64xf32, #tpu.memory_space<vmem>>)
    %dma_wait3A_175 = arith.constant 2 : i32
    %dma_wait3A_176 = arith.constant 0 : i32
    %dma_wait3A_177 = tpu.memref_slice %arg9[%dma_wait3A_175, %dma_wait3A_176] : memref<8x128xi32, #tpu.memory_space<vmem>> -> memref<1x128xi32, #tpu.memory_space<vmem>>
    %dma_wait3A_178 = tpu.memref_squeeze %dma_wait3A_177 : memref<1x128xi32, #tpu.memory_space<vmem>> -> memref<128xi32, #tpu.memory_space<vmem>>
    %dma_wait3A_179 = arith.constant 0 : i32
    %dma_wait3A_180 = arith.constant 0 : i32
    %dma_wait3A_181 = tpu.memref_slice %arg5[%dma_wait3A_179, %dma_wait3A_180] : memref<20480x64xf32, #tpu.memory_space<hbm>> -> memref<20480x64xf32, #tpu.memory_space<hbm>>
    tpu.wait_indirect_dma semaphore(%arg23 : memref<!tpu.dma_semaphore, #tpu.memory_space<semaphore_mem>>) src(%dma_wait3A_181 : memref<20480x64xf32, #tpu.memory_space<hbm>>) dst(%arg16 : memref<128x64xf32, #tpu.memory_space<vmem>>)
    %dma_wait3A_182 = arith.constant 3 : i32
    %dma_wait3A_183 = arith.constant 0 : i32
    %dma_wait3A_184 = tpu.memref_slice %arg9[%dma_wait3A_182, %dma_wait3A_183] : memref<8x128xi32, #tpu.memory_space<vmem>> -> memref<1x128xi32, #tpu.memory_space<vmem>>
    %dma_wait3A_185 = tpu.memref_squeeze %dma_wait3A_184 : memref<1x128xi32, #tpu.memory_space<vmem>> -> memref<128xi32, #tpu.memory_space<vmem>>
    %dma_wait3A_186 = arith.constant 0 : i32
    %dma_wait3A_187 = arith.constant 0 : i32
    %dma_wait3A_188 = tpu.memref_slice %arg5[%dma_wait3A_186, %dma_wait3A_187] : memref<20480x64xf32, #tpu.memory_space<hbm>> -> memref<20480x64xf32, #tpu.memory_space<hbm>>
    tpu.wait_indirect_dma semaphore(%arg23 : memref<!tpu.dma_semaphore, #tpu.memory_space<semaphore_mem>>) src(%dma_wait3A_188 : memref<20480x64xf32, #tpu.memory_space<hbm>>) dst(%arg17 : memref<128x64xf32, #tpu.memory_space<vmem>>)
    %dma_start3A_189 = arith.constant 4 : i32
    %dma_start3A_190 = arith.constant 0 : i32
    %dma_start3A_191 = tpu.memref_slice %arg9[%dma_start3A_189, %dma_start3A_190] : memref<8x128xi32, #tpu.memory_space<vmem>> -> memref<1x128xi32, #tpu.memory_space<vmem>>
    %dma_start3A_192 = tpu.memref_squeeze %dma_start3A_191 : memref<1x128xi32, #tpu.memory_space<vmem>> -> memref<128xi32, #tpu.memory_space<vmem>>
    %dma_start3A_193 = arith.constant 0 : i32
    %dma_start3A_194 = arith.constant 0 : i32
    %dma_start3A_195 = tpu.memref_slice %arg20[%dma_start3A_193, %dma_start3A_194] : memref<10240x64xf32, #tpu.memory_space<vmem_shared>> -> memref<10240x64xf32, #tpu.memory_space<vmem_shared>>
    tpu.enqueue_indirect_dma source(%arg14 : memref<128x64xf32, #tpu.memory_space<vmem>>) target(%dma_start3A_195 : memref<10240x64xf32, #tpu.memory_space<vmem_shared>>) offsets(%dma_start3A_192 : memref<128xi32, #tpu.memory_space<vmem>>) semaphore(%arg24 : memref<!tpu.dma_semaphore, #tpu.memory_space<semaphore_mem>>) {add = true}
    %dma_start3A_196 = arith.constant 5 : i32
    %dma_start3A_197 = arith.constant 0 : i32
    %dma_start3A_198 = tpu.memref_slice %arg9[%dma_start3A_196, %dma_start3A_197] : memref<8x128xi32, #tpu.memory_space<vmem>> -> memref<1x128xi32, #tpu.memory_space<vmem>>
    %dma_start3A_199 = tpu.memref_squeeze %dma_start3A_198 : memref<1x128xi32, #tpu.memory_space<vmem>> -> memref<128xi32, #tpu.memory_space<vmem>>
    %dma_start3A_200 = arith.constant 0 : i32
    %dma_start3A_201 = arith.constant 0 : i32
    %dma_start3A_202 = tpu.memref_slice %arg20[%dma_start3A_200, %dma_start3A_201] : memref<10240x64xf32, #tpu.memory_space<vmem_shared>> -> memref<10240x64xf32, #tpu.memory_space<vmem_shared>>
    tpu.enqueue_indirect_dma source(%arg15 : memref<128x64xf32, #tpu.memory_space<vmem>>) target(%dma_start3A_202 : memref<10240x64xf32, #tpu.memory_space<vmem_shared>>) offsets(%dma_start3A_199 : memref<128xi32, #tpu.memory_space<vmem>>) semaphore(%arg24 : memref<!tpu.dma_semaphore, #tpu.memory_space<semaphore_mem>>) {add = true}
    %dma_start3A_203 = arith.constant 6 : i32
    %dma_start3A_204 = arith.constant 0 : i32
    %dma_start3A_205 = tpu.memref_slice %arg9[%dma_start3A_203, %dma_start3A_204] : memref<8x128xi32, #tpu.memory_space<vmem>> -> memref<1x128xi32, #tpu.memory_space<vmem>>
    %dma_start3A_206 = tpu.memref_squeeze %dma_start3A_205 : memref<1x128xi32, #tpu.memory_space<vmem>> -> memref<128xi32, #tpu.memory_space<vmem>>
    %dma_start3A_207 = arith.constant 0 : i32
    %dma_start3A_208 = arith.constant 0 : i32
    %dma_start3A_209 = tpu.memref_slice %arg20[%dma_start3A_207, %dma_start3A_208] : memref<10240x64xf32, #tpu.memory_space<vmem_shared>> -> memref<10240x64xf32, #tpu.memory_space<vmem_shared>>
    tpu.enqueue_indirect_dma source(%arg16 : memref<128x64xf32, #tpu.memory_space<vmem>>) target(%dma_start3A_209 : memref<10240x64xf32, #tpu.memory_space<vmem_shared>>) offsets(%dma_start3A_206 : memref<128xi32, #tpu.memory_space<vmem>>) semaphore(%arg24 : memref<!tpu.dma_semaphore, #tpu.memory_space<semaphore_mem>>) {add = true}
    %dma_start3A_210 = arith.constant 7 : i32
    %dma_start3A_211 = arith.constant 0 : i32
    %dma_start3A_212 = tpu.memref_slice %arg9[%dma_start3A_210, %dma_start3A_211] : memref<8x128xi32, #tpu.memory_space<vmem>> -> memref<1x128xi32, #tpu.memory_space<vmem>>
    %dma_start3A_213 = tpu.memref_squeeze %dma_start3A_212 : memref<1x128xi32, #tpu.memory_space<vmem>> -> memref<128xi32, #tpu.memory_space<vmem>>
    %dma_start3A_214 = arith.constant 0 : i32
    %dma_start3A_215 = arith.constant 0 : i32
    %dma_start3A_216 = tpu.memref_slice %arg20[%dma_start3A_214, %dma_start3A_215] : memref<10240x64xf32, #tpu.memory_space<vmem_shared>> -> memref<10240x64xf32, #tpu.memory_space<vmem_shared>>
    tpu.enqueue_indirect_dma source(%arg17 : memref<128x64xf32, #tpu.memory_space<vmem>>) target(%dma_start3A_216 : memref<10240x64xf32, #tpu.memory_space<vmem_shared>>) offsets(%dma_start3A_213 : memref<128xi32, #tpu.memory_space<vmem>>) semaphore(%arg24 : memref<!tpu.dma_semaphore, #tpu.memory_space<semaphore_mem>>) {add = true}
    %dma_wait3A_217 = arith.constant 4 : i32
    %dma_wait3A_218 = arith.constant 0 : i32
    %dma_wait3A_219 = tpu.memref_slice %arg9[%dma_wait3A_217, %dma_wait3A_218] : memref<8x128xi32, #tpu.memory_space<vmem>> -> memref<1x128xi32, #tpu.memory_space<vmem>>
    %dma_wait3A_220 = tpu.memref_squeeze %dma_wait3A_219 : memref<1x128xi32, #tpu.memory_space<vmem>> -> memref<128xi32, #tpu.memory_space<vmem>>
    %dma_wait3A_221 = arith.constant 0 : i32
    %dma_wait3A_222 = arith.constant 0 : i32
    %dma_wait3A_223 = tpu.memref_slice %arg20[%dma_wait3A_221, %dma_wait3A_222] : memref<10240x64xf32, #tpu.memory_space<vmem_shared>> -> memref<10240x64xf32, #tpu.memory_space<vmem_shared>>
    tpu.wait_indirect_dma semaphore(%arg24 : memref<!tpu.dma_semaphore, #tpu.memory_space<semaphore_mem>>) src(%arg14 : memref<128x64xf32, #tpu.memory_space<vmem>>) dst(%dma_wait3A_223 : memref<10240x64xf32, #tpu.memory_space<vmem_shared>>)
    %dma_wait3A_224 = arith.constant 5 : i32
    %dma_wait3A_225 = arith.constant 0 : i32
    %dma_wait3A_226 = tpu.memref_slice %arg9[%dma_wait3A_224, %dma_wait3A_225] : memref<8x128xi32, #tpu.memory_space<vmem>> -> memref<1x128xi32, #tpu.memory_space<vmem>>
    %dma_wait3A_227 = tpu.memref_squeeze %dma_wait3A_226 : memref<1x128xi32, #tpu.memory_space<vmem>> -> memref<128xi32, #tpu.memory_space<vmem>>
    %dma_wait3A_228 = arith.constant 0 : i32
    %dma_wait3A_229 = arith.constant 0 : i32
    %dma_wait3A_230 = tpu.memref_slice %arg20[%dma_wait3A_228, %dma_wait3A_229] : memref<10240x64xf32, #tpu.memory_space<vmem_shared>> -> memref<10240x64xf32, #tpu.memory_space<vmem_shared>>
    tpu.wait_indirect_dma semaphore(%arg24 : memref<!tpu.dma_semaphore, #tpu.memory_space<semaphore_mem>>) src(%arg15 : memref<128x64xf32, #tpu.memory_space<vmem>>) dst(%dma_wait3A_230 : memref<10240x64xf32, #tpu.memory_space<vmem_shared>>)
    %dma_wait3A_231 = arith.constant 6 : i32
    %dma_wait3A_232 = arith.constant 0 : i32
    %dma_wait3A_233 = tpu.memref_slice %arg9[%dma_wait3A_231, %dma_wait3A_232] : memref<8x128xi32, #tpu.memory_space<vmem>> -> memref<1x128xi32, #tpu.memory_space<vmem>>
    %dma_wait3A_234 = tpu.memref_squeeze %dma_wait3A_233 : memref<1x128xi32, #tpu.memory_space<vmem>> -> memref<128xi32, #tpu.memory_space<vmem>>
    %dma_wait3A_235 = arith.constant 0 : i32
    %dma_wait3A_236 = arith.constant 0 : i32
    %dma_wait3A_237 = tpu.memref_slice %arg20[%dma_wait3A_235, %dma_wait3A_236] : memref<10240x64xf32, #tpu.memory_space<vmem_shared>> -> memref<10240x64xf32, #tpu.memory_space<vmem_shared>>
    tpu.wait_indirect_dma semaphore(%arg24 : memref<!tpu.dma_semaphore, #tpu.memory_space<semaphore_mem>>) src(%arg16 : memref<128x64xf32, #tpu.memory_space<vmem>>) dst(%dma_wait3A_237 : memref<10240x64xf32, #tpu.memory_space<vmem_shared>>)
    %dma_wait3A_238 = arith.constant 7 : i32
    %dma_wait3A_239 = arith.constant 0 : i32
    %dma_wait3A_240 = tpu.memref_slice %arg9[%dma_wait3A_238, %dma_wait3A_239] : memref<8x128xi32, #tpu.memory_space<vmem>> -> memref<1x128xi32, #tpu.memory_space<vmem>>
    %dma_wait3A_241 = tpu.memref_squeeze %dma_wait3A_240 : memref<1x128xi32, #tpu.memory_space<vmem>> -> memref<128xi32, #tpu.memory_space<vmem>>
    %dma_wait3A_242 = arith.constant 0 : i32
    %dma_wait3A_243 = arith.constant 0 : i32
    %dma_wait3A_244 = tpu.memref_slice %arg20[%dma_wait3A_242, %dma_wait3A_243] : memref<10240x64xf32, #tpu.memory_space<vmem_shared>> -> memref<10240x64xf32, #tpu.memory_space<vmem_shared>>
    tpu.wait_indirect_dma semaphore(%arg24 : memref<!tpu.dma_semaphore, #tpu.memory_space<semaphore_mem>>) src(%arg17 : memref<128x64xf32, #tpu.memory_space<vmem>>) dst(%dma_wait3A_244 : memref<10240x64xf32, #tpu.memory_space<vmem_shared>>)
    %barrier3A_245 = arith.constant 0 : index
    tpu.barrier barrier_id(%barrier3A_245)
    %scan3A_246 = arith.constant 0 : i32
    %scan3A_247 = arith.constant 0 : i32
    %scan3A_248 = arith.constant 5 : i32
    %scan3A_249 = arith.addi %scan3A_247, %scan3A_248 : i32
    %scan3A_250 = arith.constant 1 : i32
    scf.for %scan3A_732 = %scan3A_247 to %scan3A_249 step %scan3A_250  : i32 {
      %mul3A_733 = arith.constant 640 : i32
      %mul3A_734 = arith.muli %arg1, %mul3A_733 : i32
      %mul3A_735 = arith.constant 128 : i32
      %mul3A_736 = arith.muli %scan3A_732, %mul3A_735 : i32
      %add3A = arith.addi %mul3A_734, %mul3A_736 : i32
      %mul3A_737 = arith.constant 10240 : i32
      %mul3A_738 = arith.muli %arg0, %mul3A_737 : i32
      %add3A_739 = arith.addi %mul3A_738, %add3A : i32
      "tpu.region"() ({
        %run_scoped3A_746 = tpu.sem_alloc : memref<!tpu.dma_semaphore, #tpu.memory_space<semaphore_mem>>
        %dma_start3A_747 = arith.constant 0 : i32
        %dma_start3A_748 = tpu.memref_slice %arg20[%add3A, %dma_start3A_747] : memref<10240x64xf32, #tpu.memory_space<vmem_shared>> -> memref<128x64xf32, #tpu.memory_space<vmem_shared>>
        %dma_start3A_749 = arith.constant 0 : i32
        %dma_start3A_750 = tpu.memref_slice %arg20[%add3A, %dma_start3A_749] : memref<10240x64xf32, #tpu.memory_space<vmem_shared>> -> memref<128x64xf32, #tpu.memory_space<vmem_shared>>
        tpu.enqueue_dma source(%dma_start3A_750 : memref<128x64xf32, #tpu.memory_space<vmem_shared>>) target(%arg10 : memref<128x64xf32, #tpu.memory_space<vmem>>) target_semaphore(%run_scoped3A_746 : memref<!tpu.dma_semaphore, #tpu.memory_space<semaphore_mem>>)
        %dma_wait3A_751 = arith.constant 0 : i32
        %dma_wait3A_752 = tpu.memref_slice %arg20[%add3A, %dma_wait3A_751] : memref<10240x64xf32, #tpu.memory_space<vmem_shared>> -> memref<128x64xf32, #tpu.memory_space<vmem_shared>>
        %dma_wait3A_753 = arith.constant 0 : i32
        %dma_wait3A_754 = tpu.memref_slice %arg20[%add3A, %dma_wait3A_753] : memref<10240x64xf32, #tpu.memory_space<vmem_shared>> -> memref<128x64xf32, #tpu.memory_space<vmem_shared>>
        tpu.wait_dma2 semaphore(%run_scoped3A_746 : memref<!tpu.dma_semaphore, #tpu.memory_space<semaphore_mem>>) src(%dma_wait3A_754 : memref<128x64xf32, #tpu.memory_space<vmem_shared>>) dst(%arg10 : memref<128x64xf32, #tpu.memory_space<vmem>>)
        tpu.yield
      }) : () -> ()
      "tpu.region"() ({
        %run_scoped3A_746 = tpu.sem_alloc : memref<!tpu.dma_semaphore, #tpu.memory_space<semaphore_mem>>
        %dma_start3A_747 = arith.constant 0 : i32
        %dma_start3A_748 = tpu.memref_slice %arg2[%add3A_739, %dma_start3A_747] : memref<20480x64xf32, #tpu.memory_space<hbm>> -> memref<128x64xf32, #tpu.memory_space<hbm>>
        %dma_start3A_749 = arith.constant 0 : i32
        %dma_start3A_750 = tpu.memref_slice %arg2[%add3A_739, %dma_start3A_749] : memref<20480x64xf32, #tpu.memory_space<hbm>> -> memref<128x64xf32, #tpu.memory_space<hbm>>
        tpu.enqueue_dma source(%dma_start3A_750 : memref<128x64xf32, #tpu.memory_space<hbm>>) target(%arg14 : memref<128x64xf32, #tpu.memory_space<vmem>>) target_semaphore(%run_scoped3A_746 : memref<!tpu.dma_semaphore, #tpu.memory_space<semaphore_mem>>)
        %dma_wait3A_751 = arith.constant 0 : i32
        %dma_wait3A_752 = tpu.memref_slice %arg2[%add3A_739, %dma_wait3A_751] : memref<20480x64xf32, #tpu.memory_space<hbm>> -> memref<128x64xf32, #tpu.memory_space<hbm>>
        %dma_wait3A_753 = arith.constant 0 : i32
        %dma_wait3A_754 = tpu.memref_slice %arg2[%add3A_739, %dma_wait3A_753] : memref<20480x64xf32, #tpu.memory_space<hbm>> -> memref<128x64xf32, #tpu.memory_space<hbm>>
        tpu.wait_dma2 semaphore(%run_scoped3A_746 : memref<!tpu.dma_semaphore, #tpu.memory_space<semaphore_mem>>) src(%dma_wait3A_754 : memref<128x64xf32, #tpu.memory_space<hbm>>) dst(%arg14 : memref<128x64xf32, #tpu.memory_space<vmem>>)
        tpu.yield
      }) : () -> ()
      %scan3A_740 = arith.constant 0 : i32
      %scan3A_741 = arith.constant 0 : i32
      %scan3A_742 = arith.constant 128 : i32
      %scan3A_743 = arith.addi %scan3A_741, %scan3A_742 : i32
      %scan3A_744 = arith.constant 1 : i32
      scf.for %scan3A_746 = %scan3A_741 to %scan3A_743 step %scan3A_744  : i32 {
        %mul3A_747 = arith.constant 128 : i32
        %mul3A_748 = arith.muli %scan3A_732, %mul3A_747 : i32
        %add3A_749 = arith.addi %mul3A_748, %scan3A_746 : i32
        %get3A = arith.index_cast %add3A_749 : i32 to index
        %get3A_750 = arith.constant 0 : index
        %get3A_751 = tpu.vector_load %arg18[%get3A, %get3A_750] {strides = array<i32>} : memref<640x16xf32, #tpu.memory_space<vmem>>, vector<16xf32>,
        %get3A_752 = arith.index_cast %scan3A_746 : i32 to index
        %get3A_753 = arith.constant 0 : index
        %get3A_754 = tpu.vector_load %arg10[%get3A_752, %get3A_753] {strides = array<i32>} : memref<128x64xf32, #tpu.memory_space<vmem>>, vector<16xf32>,
        %mul3A_755 = arith.mulf %get3A_751, %get3A_754 : vector<16xf32>
        %mul3A_756 = arith.mulf %get3A_751, %mul3A_755 : vector<16xf32>
        %swap3A = arith.index_cast %scan3A_746 : i32 to index
        %swap3A_757 = arith.constant 0 : index
        %swap3A_758 = tpu.vector_load %arg10[%swap3A, %swap3A_757] {strides = array<i32>} : memref<128x64xf32, #tpu.memory_space<vmem>>, vector<16xf32>,
        tpu.vector_store %arg10[%swap3A, %swap3A_757], %mul3A_756 {strides = array<i32>} : memref<128x64xf32, #tpu.memory_space<vmem>>, vector<16xf32>,
        %get3A_759 = arith.index_cast %scan3A_746 : i32 to index
        %get3A_760 = arith.constant 0 : index
        %get3A_761 = tpu.vector_load %arg14[%get3A_759, %get3A_760] {strides = array<i32>} : memref<128x64xf32, #tpu.memory_space<vmem>>, vector<16xf32>,
        %mul3A_762 = arith.constant 1.000000e-01 : f32
        %mul3A_763 = vector.broadcast %mul3A_762 : f32 to vector<16xf32>
        %mul3A_764 = arith.mulf %mul3A_763, %get3A_761 : vector<16xf32>
        %mul3A_765 = arith.constant 4.500000e-01 : f32
        %mul3A_766 = vector.broadcast %mul3A_765 : f32 to vector<16xf32>
        %mul3A_767 = arith.mulf %mul3A_766, %mul3A_755 : vector<16xf32>
        %add3A_768 = arith.addf %mul3A_764, %mul3A_767 : vector<16xf32>
        %swap3A_769 = arith.index_cast %scan3A_746 : i32 to index
        %swap3A_770 = arith.constant 0 : index
        %swap3A_771 = tpu.vector_load %arg14[%swap3A_769, %swap3A_770] {strides = array<i32>} : memref<128x64xf32, #tpu.memory_space<vmem>>, vector<16xf32>,
        tpu.vector_store %arg14[%swap3A_769, %swap3A_770], %add3A_768 {strides = array<i32>} : memref<128x64xf32, #tpu.memory_space<vmem>>, vector<16xf32>,
        %get3A_772 = arith.index_cast %scan3A_746 : i32 to index
        %get3A_773 = arith.constant 16 : index
        %get3A_774 = tpu.vector_load %arg10[%get3A_772, %get3A_773] {strides = array<i32>} : memref<128x64xf32, #tpu.memory_space<vmem>>, vector<16xf32>,
        %mul3A_775 = arith.mulf %get3A_751, %get3A_774 : vector<16xf32>
        %mul3A_776 = arith.mulf %get3A_751, %mul3A_775 : vector<16xf32>
        %swap3A_777 = arith.index_cast %scan3A_746 : i32 to index
        %swap3A_778 = arith.constant 16 : index
        %swap3A_779 = tpu.vector_load %arg10[%swap3A_777, %swap3A_778] {strides = array<i32>} : memref<128x64xf32, #tpu.memory_space<vmem>>, vector<16xf32>,
        tpu.vector_store %arg10[%swap3A_777, %swap3A_778], %mul3A_776 {strides = array<i32>} : memref<128x64xf32, #tpu.memory_space<vmem>>, vector<16xf32>,
        %get3A_780 = arith.index_cast %scan3A_746 : i32 to index
        %get3A_781 = arith.constant 16 : index
        %get3A_782 = tpu.vector_load %arg14[%get3A_780, %get3A_781] {strides = array<i32>} : memref<128x64xf32, #tpu.memory_space<vmem>>, vector<16xf32>,
        %mul3A_783 = arith.constant 1.000000e-01 : f32
        %mul3A_784 = vector.broadcast %mul3A_783 : f32 to vector<16xf32>
        %mul3A_785 = arith.mulf %mul3A_784, %get3A_782 : vector<16xf32>
        %mul3A_786 = arith.constant 4.500000e-01 : f32
        %mul3A_787 = vector.broadcast %mul3A_786 : f32 to vector<16xf32>
        %mul3A_788 = arith.mulf %mul3A_787, %mul3A_775 : vector<16xf32>
        %add3A_789 = arith.addf %mul3A_785, %mul3A_788 : vector<16xf32>
        %swap3A_790 = arith.index_cast %scan3A_746 : i32 to index
        %swap3A_791 = arith.constant 16 : index
        %swap3A_792 = tpu.vector_load %arg14[%swap3A_790, %swap3A_791] {strides = array<i32>} : memref<128x64xf32, #tpu.memory_space<vmem>>, vector<16xf32>,
        tpu.vector_store %arg14[%swap3A_790, %swap3A_791], %add3A_789 {strides = array<i32>} : memref<128x64xf32, #tpu.memory_space<vmem>>, vector<16xf32>,
        %get3A_793 = arith.index_cast %scan3A_746 : i32 to index
        %get3A_794 = arith.constant 32 : index
        %get3A_795 = tpu.vector_load %arg10[%get3A_793, %get3A_794] {strides = array<i32>} : memref<128x64xf32, #tpu.memory_space<vmem>>, vector<16xf32>,
        %mul3A_796 = arith.mulf %get3A_751, %get3A_795 : vector<16xf32>
        %mul3A_797 = arith.mulf %get3A_751, %mul3A_796 : vector<16xf32>
        %swap3A_798 = arith.index_cast %scan3A_746 : i32 to index
        %swap3A_799 = arith.constant 32 : index
        %swap3A_800 = tpu.vector_load %arg10[%swap3A_798, %swap3A_799] {strides = array<i32>} : memref<128x64xf32, #tpu.memory_space<vmem>>, vector<16xf32>,
        tpu.vector_store %arg10[%swap3A_798, %swap3A_799], %mul3A_797 {strides = array<i32>} : memref<128x64xf32, #tpu.memory_space<vmem>>, vector<16xf32>,
        %get3A_801 = arith.index_cast %scan3A_746 : i32 to index
        %get3A_802 = arith.constant 32 : index
        %get3A_803 = tpu.vector_load %arg14[%get3A_801, %get3A_802] {strides = array<i32>} : memref<128x64xf32, #tpu.memory_space<vmem>>, vector<16xf32>,
        %mul3A_804 = arith.constant 1.000000e-01 : f32
        %mul3A_805 = vector.broadcast %mul3A_804 : f32 to vector<16xf32>
        %mul3A_806 = arith.mulf %mul3A_805, %get3A_803 : vector<16xf32>
        %mul3A_807 = arith.constant 4.500000e-01 : f32
        %mul3A_808 = vector.broadcast %mul3A_807 : f32 to vector<16xf32>
        %mul3A_809 = arith.mulf %mul3A_808, %mul3A_796 : vector<16xf32>
        %add3A_810 = arith.addf %mul3A_806, %mul3A_809 : vector<16xf32>
        %swap3A_811 = arith.index_cast %scan3A_746 : i32 to index
        %swap3A_812 = arith.constant 32 : index
        %swap3A_813 = tpu.vector_load %arg14[%swap3A_811, %swap3A_812] {strides = array<i32>} : memref<128x64xf32, #tpu.memory_space<vmem>>, vector<16xf32>,
        tpu.vector_store %arg14[%swap3A_811, %swap3A_812], %add3A_810 {strides = array<i32>} : memref<128x64xf32, #tpu.memory_space<vmem>>, vector<16xf32>,
        %get3A_814 = arith.index_cast %scan3A_746 : i32 to index
        %get3A_815 = arith.constant 48 : index
        %get3A_816 = tpu.vector_load %arg10[%get3A_814, %get3A_815] {strides = array<i32>} : memref<128x64xf32, #tpu.memory_space<vmem>>, vector<16xf32>,
        %mul3A_817 = arith.mulf %get3A_751, %get3A_816 : vector<16xf32>
        %mul3A_818 = arith.mulf %get3A_751, %mul3A_817 : vector<16xf32>
        %swap3A_819 = arith.index_cast %scan3A_746 : i32 to index
        %swap3A_820 = arith.constant 48 : index
        %swap3A_821 = tpu.vector_load %arg10[%swap3A_819, %swap3A_820] {strides = array<i32>} : memref<128x64xf32, #tpu.memory_space<vmem>>, vector<16xf32>,
        tpu.vector_store %arg10[%swap3A_819, %swap3A_820], %mul3A_818 {strides = array<i32>} : memref<128x64xf32, #tpu.memory_space<vmem>>, vector<16xf32>,
        %get3A_822 = arith.index_cast %scan3A_746 : i32 to index
        %get3A_823 = arith.constant 48 : index
        %get3A_824 = tpu.vector_load %arg14[%get3A_822, %get3A_823] {strides = array<i32>} : memref<128x64xf32, #tpu.memory_space<vmem>>, vector<16xf32>,
        %mul3A_825 = arith.constant 1.000000e-01 : f32
        %mul3A_826 = vector.broadcast %mul3A_825 : f32 to vector<16xf32>
        %mul3A_827 = arith.mulf %mul3A_826, %get3A_824 : vector<16xf32>
        %mul3A_828 = arith.constant 4.500000e-01 : f32
        %mul3A_829 = vector.broadcast %mul3A_828 : f32 to vector<16xf32>
        %mul3A_830 = arith.mulf %mul3A_829, %mul3A_817 : vector<16xf32>
        %add3A_831 = arith.addf %mul3A_827, %mul3A_830 : vector<16xf32>
        %swap3A_832 = arith.index_cast %scan3A_746 : i32 to index
        %swap3A_833 = arith.constant 48 : index
        %swap3A_834 = tpu.vector_load %arg14[%swap3A_832, %swap3A_833] {strides = array<i32>} : memref<128x64xf32, #tpu.memory_space<vmem>>, vector<16xf32>,
        tpu.vector_store %arg14[%swap3A_832, %swap3A_833], %add3A_831 {strides = array<i32>} : memref<128x64xf32, #tpu.memory_space<vmem>>, vector<16xf32>,
      }
      %scan3A_745 = arith.constant 128 : i32
      "tpu.region"() ({
        %run_scoped3A_746 = tpu.sem_alloc : memref<!tpu.dma_semaphore, #tpu.memory_space<semaphore_mem>>
        %dma_start3A_747 = arith.constant 0 : i32
        %dma_start3A_748 = tpu.memref_slice %arg5[%add3A_739, %dma_start3A_747] : memref<20480x64xf32, #tpu.memory_space<hbm>> -> memref<128x64xf32, #tpu.memory_space<hbm>>
        %dma_start3A_749 = arith.constant 0 : i32
        %dma_start3A_750 = tpu.memref_slice %arg5[%add3A_739, %dma_start3A_749] : memref<20480x64xf32, #tpu.memory_space<hbm>> -> memref<128x64xf32, #tpu.memory_space<hbm>>
        tpu.enqueue_dma source(%arg10 : memref<128x64xf32, #tpu.memory_space<vmem>>) target(%dma_start3A_750 : memref<128x64xf32, #tpu.memory_space<hbm>>) target_semaphore(%run_scoped3A_746 : memref<!tpu.dma_semaphore, #tpu.memory_space<semaphore_mem>>)
        %dma_wait3A_751 = arith.constant 0 : i32
        %dma_wait3A_752 = tpu.memref_slice %arg5[%add3A_739, %dma_wait3A_751] : memref<20480x64xf32, #tpu.memory_space<hbm>> -> memref<128x64xf32, #tpu.memory_space<hbm>>
        %dma_wait3A_753 = arith.constant 0 : i32
        %dma_wait3A_754 = tpu.memref_slice %arg5[%add3A_739, %dma_wait3A_753] : memref<20480x64xf32, #tpu.memory_space<hbm>> -> memref<128x64xf32, #tpu.memory_space<hbm>>
        tpu.wait_dma2 semaphore(%run_scoped3A_746 : memref<!tpu.dma_semaphore, #tpu.memory_space<semaphore_mem>>) src(%arg10 : memref<128x64xf32, #tpu.memory_space<vmem>>) dst(%dma_wait3A_754 : memref<128x64xf32, #tpu.memory_space<hbm>>)
        tpu.yield
      }) : () -> ()
      "tpu.region"() ({
        %run_scoped3A_746 = tpu.sem_alloc : memref<!tpu.dma_semaphore, #tpu.memory_space<semaphore_mem>>
        %dma_start3A_747 = arith.constant 0 : i32
        %dma_start3A_748 = tpu.memref_slice %arg20[%add3A, %dma_start3A_747] : memref<10240x64xf32, #tpu.memory_space<vmem_shared>> -> memref<128x64xf32, #tpu.memory_space<vmem_shared>>
        %dma_start3A_749 = arith.constant 0 : i32
        %dma_start3A_750 = tpu.memref_slice %arg20[%add3A, %dma_start3A_749] : memref<10240x64xf32, #tpu.memory_space<vmem_shared>> -> memref<128x64xf32, #tpu.memory_space<vmem_shared>>
        tpu.enqueue_dma source(%arg10 : memref<128x64xf32, #tpu.memory_space<vmem>>) target(%dma_start3A_750 : memref<128x64xf32, #tpu.memory_space<vmem_shared>>) target_semaphore(%run_scoped3A_746 : memref<!tpu.dma_semaphore, #tpu.memory_space<semaphore_mem>>)
        %dma_wait3A_751 = arith.constant 0 : i32
        %dma_wait3A_752 = tpu.memref_slice %arg20[%add3A, %dma_wait3A_751] : memref<10240x64xf32, #tpu.memory_space<vmem_shared>> -> memref<128x64xf32, #tpu.memory_space<vmem_shared>>
        %dma_wait3A_753 = arith.constant 0 : i32
        %dma_wait3A_754 = tpu.memref_slice %arg20[%add3A, %dma_wait3A_753] : memref<10240x64xf32, #tpu.memory_space<vmem_shared>> -> memref<128x64xf32, #tpu.memory_space<vmem_shared>>
        tpu.wait_dma2 semaphore(%run_scoped3A_746 : memref<!tpu.dma_semaphore, #tpu.memory_space<semaphore_mem>>) src(%arg10 : memref<128x64xf32, #tpu.memory_space<vmem>>) dst(%dma_wait3A_754 : memref<128x64xf32, #tpu.memory_space<vmem_shared>>)
        tpu.yield
      }) : () -> ()
      "tpu.region"() ({
        %run_scoped3A_746 = tpu.sem_alloc : memref<!tpu.dma_semaphore, #tpu.memory_space<semaphore_mem>>
        %dma_start3A_747 = arith.constant 0 : i32
        %dma_start3A_748 = tpu.memref_slice %arg6[%add3A_739, %dma_start3A_747] : memref<20480x64xf32, #tpu.memory_space<hbm>> -> memref<128x64xf32, #tpu.memory_space<hbm>>
        %dma_start3A_749 = arith.constant 0 : i32
        %dma_start3A_750 = tpu.memref_slice %arg6[%add3A_739, %dma_start3A_749] : memref<20480x64xf32, #tpu.memory_space<hbm>> -> memref<128x64xf32, #tpu.memory_space<hbm>>
        tpu.enqueue_dma source(%arg14 : memref<128x64xf32, #tpu.memory_space<vmem>>) target(%dma_start3A_750 : memref<128x64xf32, #tpu.memory_space<hbm>>) target_semaphore(%run_scoped3A_746 : memref<!tpu.dma_semaphore, #tpu.memory_space<semaphore_mem>>)
        %dma_wait3A_751 = arith.constant 0 : i32
        %dma_wait3A_752 = tpu.memref_slice %arg6[%add3A_739, %dma_wait3A_751] : memref<20480x64xf32, #tpu.memory_space<hbm>> -> memref<128x64xf32, #tpu.memory_space<hbm>>
        %dma_wait3A_753 = arith.constant 0 : i32
        %dma_wait3A_754 = tpu.memref_slice %arg6[%add3A_739, %dma_wait3A_753] : memref<20480x64xf32, #tpu.memory_space<hbm>> -> memref<128x64xf32, #tpu.memory_space<hbm>>
        tpu.wait_dma2 semaphore(%run_scoped3A_746 : memref<!tpu.dma_semaphore, #tpu.memory_space<semaphore_mem>>) src(%arg14 : memref<128x64xf32, #tpu.memory_space<vmem>>) dst(%dma_wait3A_754 : memref<128x64xf32, #tpu.memory_space<hbm>>)
        tpu.yield
      }) : () -> ()
    }
    %scan3A_251 = arith.constant 5 : i32
    %barrier3A_252 = arith.constant 0 : index
    tpu.barrier barrier_id(%barrier3A_252)
    %run_scoped3A_253 = arith.constant 0 : i32
    "tpu.region"() ({
      %run_scoped3A_732 = tpu.sem_alloc : memref<!tpu.dma_semaphore, #tpu.memory_space<semaphore_mem>>
      %dma_start3A_733 = arith.constant 0 : i32
      %dma_start3A_734 = arith.constant 0 : i32
      %dma_start3A_735 = tpu.memref_slice %arg3[%arg0, %arg1, %run_scoped3A_253, %dma_start3A_733, %dma_start3A_734] : memref<2x16x40x8x128xi32, #tpu.memory_space<hbm>> -> memref<1x1x1x8x128xi32, #tpu.memory_space<hbm>>
      %dma_start3A_736 = tpu.memref_squeeze %dma_start3A_735 : memref<1x1x1x8x128xi32, #tpu.memory_space<hbm>> -> memref<8x128xi32, #tpu.memory_space<hbm>>
      %dma_start3A_737 = arith.constant 0 : i32
      %dma_start3A_738 = arith.constant 0 : i32
      %dma_start3A_739 = tpu.memref_slice %arg3[%arg0, %arg1, %run_scoped3A_253, %dma_start3A_737, %dma_start3A_738] : memref<2x16x40x8x128xi32, #tpu.memory_space<hbm>> -> memref<1x1x1x8x128xi32, #tpu.memory_space<hbm>>
      %dma_start3A_740 = tpu.memref_squeeze %dma_start3A_739 : memref<1x1x1x8x128xi32, #tpu.memory_space<hbm>> -> memref<8x128xi32, #tpu.memory_space<hbm>>
      tpu.enqueue_dma source(%dma_start3A_740 : memref<8x128xi32, #tpu.memory_space<hbm>>) target(%arg8 : memref<8x128xi32, #tpu.memory_space<vmem>>) target_semaphore(%run_scoped3A_732 : memref<!tpu.dma_semaphore, #tpu.memory_space<semaphore_mem>>)
      %dma_wait3A_741 = arith.constant 0 : i32
      %dma_wait3A_742 = arith.constant 0 : i32
      %dma_wait3A_743 = tpu.memref_slice %arg3[%arg0, %arg1, %run_scoped3A_253, %dma_wait3A_741, %dma_wait3A_742] : memref<2x16x40x8x128xi32, #tpu.memory_space<hbm>> -> memref<1x1x1x8x128xi32, #tpu.memory_space<hbm>>
      %dma_wait3A_744 = tpu.memref_squeeze %dma_wait3A_743 : memref<1x1x1x8x128xi32, #tpu.memory_space<hbm>> -> memref<8x128xi32, #tpu.memory_space<hbm>>
      %dma_wait3A_745 = arith.constant 0 : i32
      %dma_wait3A_746 = arith.constant 0 : i32
      %dma_wait3A_747 = tpu.memref_slice %arg3[%arg0, %arg1, %run_scoped3A_253, %dma_wait3A_745, %dma_wait3A_746] : memref<2x16x40x8x128xi32, #tpu.memory_space<hbm>> -> memref<1x1x1x8x128xi32, #tpu.memory_space<hbm>>
      %dma_wait3A_748 = tpu.memref_squeeze %dma_wait3A_747 : memref<1x1x1x8x128xi32, #tpu.memory_space<hbm>> -> memref<8x128xi32, #tpu.memory_space<hbm>>
      tpu.wait_dma2 semaphore(%run_scoped3A_732 : memref<!tpu.dma_semaphore, #tpu.memory_space<semaphore_mem>>) src(%dma_wait3A_748 : memref<8x128xi32, #tpu.memory_space<hbm>>) dst(%arg8 : memref<8x128xi32, #tpu.memory_space<vmem>>)
      tpu.yield
    }) : () -> ()
    %dma_start3A_254 = arith.constant 0 : i32
    %dma_start3A_255 = arith.constant 0 : i32
    %dma_start3A_256 = tpu.memref_slice %arg8[%dma_start3A_254, %dma_start3A_255] : memref<8x128xi32, #tpu.memory_space<vmem>> -> memref<1x128xi32, #tpu.memory_space<vmem>>
    %dma_start3A_257 = tpu.memref_squeeze %dma_start3A_256 : memref<1x128xi32, #tpu.memory_space<vmem>> -> memref<128xi32, #tpu.memory_space<vmem>>
    %dma_start3A_258 = arith.constant 0 : i32
    %dma_start3A_259 = arith.constant 0 : i32
    %dma_start3A_260 = tpu.memref_slice %arg5[%dma_start3A_258, %dma_start3A_259] : memref<20480x64xf32, #tpu.memory_space<hbm>> -> memref<20480x64xf32, #tpu.memory_space<hbm>>
    tpu.enqueue_indirect_dma source(%dma_start3A_260 : memref<20480x64xf32, #tpu.memory_space<hbm>>) target(%arg10 : memref<128x64xf32, #tpu.memory_space<vmem>>) offsets(%dma_start3A_257 : memref<128xi32, #tpu.memory_space<vmem>>) semaphore(%arg21 : memref<!tpu.dma_semaphore, #tpu.memory_space<semaphore_mem>>)
    %dma_start3A_261 = arith.constant 1 : i32
    %dma_start3A_262 = arith.constant 0 : i32
    %dma_start3A_263 = tpu.memref_slice %arg8[%dma_start3A_261, %dma_start3A_262] : memref<8x128xi32, #tpu.memory_space<vmem>> -> memref<1x128xi32, #tpu.memory_space<vmem>>
    %dma_start3A_264 = tpu.memref_squeeze %dma_start3A_263 : memref<1x128xi32, #tpu.memory_space<vmem>> -> memref<128xi32, #tpu.memory_space<vmem>>
    %dma_start3A_265 = arith.constant 0 : i32
    %dma_start3A_266 = arith.constant 0 : i32
    %dma_start3A_267 = tpu.memref_slice %arg5[%dma_start3A_265, %dma_start3A_266] : memref<20480x64xf32, #tpu.memory_space<hbm>> -> memref<20480x64xf32, #tpu.memory_space<hbm>>
    tpu.enqueue_indirect_dma source(%dma_start3A_267 : memref<20480x64xf32, #tpu.memory_space<hbm>>) target(%arg11 : memref<128x64xf32, #tpu.memory_space<vmem>>) offsets(%dma_start3A_264 : memref<128xi32, #tpu.memory_space<vmem>>) semaphore(%arg21 : memref<!tpu.dma_semaphore, #tpu.memory_space<semaphore_mem>>)
    %dma_start3A_268 = arith.constant 2 : i32
    %dma_start3A_269 = arith.constant 0 : i32
    %dma_start3A_270 = tpu.memref_slice %arg8[%dma_start3A_268, %dma_start3A_269] : memref<8x128xi32, #tpu.memory_space<vmem>> -> memref<1x128xi32, #tpu.memory_space<vmem>>
    %dma_start3A_271 = tpu.memref_squeeze %dma_start3A_270 : memref<1x128xi32, #tpu.memory_space<vmem>> -> memref<128xi32, #tpu.memory_space<vmem>>
    %dma_start3A_272 = arith.constant 0 : i32
    %dma_start3A_273 = arith.constant 0 : i32
    %dma_start3A_274 = tpu.memref_slice %arg5[%dma_start3A_272, %dma_start3A_273] : memref<20480x64xf32, #tpu.memory_space<hbm>> -> memref<20480x64xf32, #tpu.memory_space<hbm>>
    tpu.enqueue_indirect_dma source(%dma_start3A_274 : memref<20480x64xf32, #tpu.memory_space<hbm>>) target(%arg12 : memref<128x64xf32, #tpu.memory_space<vmem>>) offsets(%dma_start3A_271 : memref<128xi32, #tpu.memory_space<vmem>>) semaphore(%arg21 : memref<!tpu.dma_semaphore, #tpu.memory_space<semaphore_mem>>)
    %dma_start3A_275 = arith.constant 3 : i32
    %dma_start3A_276 = arith.constant 0 : i32
    %dma_start3A_277 = tpu.memref_slice %arg8[%dma_start3A_275, %dma_start3A_276] : memref<8x128xi32, #tpu.memory_space<vmem>> -> memref<1x128xi32, #tpu.memory_space<vmem>>
    %dma_start3A_278 = tpu.memref_squeeze %dma_start3A_277 : memref<1x128xi32, #tpu.memory_space<vmem>> -> memref<128xi32, #tpu.memory_space<vmem>>
    %dma_start3A_279 = arith.constant 0 : i32
    %dma_start3A_280 = arith.constant 0 : i32
    %dma_start3A_281 = tpu.memref_slice %arg5[%dma_start3A_279, %dma_start3A_280] : memref<20480x64xf32, #tpu.memory_space<hbm>> -> memref<20480x64xf32, #tpu.memory_space<hbm>>
    tpu.enqueue_indirect_dma source(%dma_start3A_281 : memref<20480x64xf32, #tpu.memory_space<hbm>>) target(%arg13 : memref<128x64xf32, #tpu.memory_space<vmem>>) offsets(%dma_start3A_278 : memref<128xi32, #tpu.memory_space<vmem>>) semaphore(%arg21 : memref<!tpu.dma_semaphore, #tpu.memory_space<semaphore_mem>>)
    %dma_wait3A_282 = arith.constant 0 : i32
    %dma_wait3A_283 = arith.constant 0 : i32
    %dma_wait3A_284 = tpu.memref_slice %arg8[%dma_wait3A_282, %dma_wait3A_283] : memref<8x128xi32, #tpu.memory_space<vmem>> -> memref<1x128xi32, #tpu.memory_space<vmem>>
    %dma_wait3A_285 = tpu.memref_squeeze %dma_wait3A_284 : memref<1x128xi32, #tpu.memory_space<vmem>> -> memref<128xi32, #tpu.memory_space<vmem>>
    %dma_wait3A_286 = arith.constant 0 : i32
    %dma_wait3A_287 = arith.constant 0 : i32
    %dma_wait3A_288 = tpu.memref_slice %arg5[%dma_wait3A_286, %dma_wait3A_287] : memref<20480x64xf32, #tpu.memory_space<hbm>> -> memref<20480x64xf32, #tpu.memory_space<hbm>>
    tpu.wait_indirect_dma semaphore(%arg21 : memref<!tpu.dma_semaphore, #tpu.memory_space<semaphore_mem>>) src(%dma_wait3A_288 : memref<20480x64xf32, #tpu.memory_space<hbm>>) dst(%arg10 : memref<128x64xf32, #tpu.memory_space<vmem>>)
    %dma_wait3A_289 = arith.constant 1 : i32
    %dma_wait3A_290 = arith.constant 0 : i32
    %dma_wait3A_291 = tpu.memref_slice %arg8[%dma_wait3A_289, %dma_wait3A_290] : memref<8x128xi32, #tpu.memory_space<vmem>> -> memref<1x128xi32, #tpu.memory_space<vmem>>
    %dma_wait3A_292 = tpu.memref_squeeze %dma_wait3A_291 : memref<1x128xi32, #tpu.memory_space<vmem>> -> memref<128xi32, #tpu.memory_space<vmem>>
    %dma_wait3A_293 = arith.constant 0 : i32
    %dma_wait3A_294 = arith.constant 0 : i32
    %dma_wait3A_295 = tpu.memref_slice %arg5[%dma_wait3A_293, %dma_wait3A_294] : memref<20480x64xf32, #tpu.memory_space<hbm>> -> memref<20480x64xf32, #tpu.memory_space<hbm>>
    tpu.wait_indirect_dma semaphore(%arg21 : memref<!tpu.dma_semaphore, #tpu.memory_space<semaphore_mem>>) src(%dma_wait3A_295 : memref<20480x64xf32, #tpu.memory_space<hbm>>) dst(%arg11 : memref<128x64xf32, #tpu.memory_space<vmem>>)
    %dma_wait3A_296 = arith.constant 2 : i32
    %dma_wait3A_297 = arith.constant 0 : i32
    %dma_wait3A_298 = tpu.memref_slice %arg8[%dma_wait3A_296, %dma_wait3A_297] : memref<8x128xi32, #tpu.memory_space<vmem>> -> memref<1x128xi32, #tpu.memory_space<vmem>>
    %dma_wait3A_299 = tpu.memref_squeeze %dma_wait3A_298 : memref<1x128xi32, #tpu.memory_space<vmem>> -> memref<128xi32, #tpu.memory_space<vmem>>
    %dma_wait3A_300 = arith.constant 0 : i32
    %dma_wait3A_301 = arith.constant 0 : i32
    %dma_wait3A_302 = tpu.memref_slice %arg5[%dma_wait3A_300, %dma_wait3A_301] : memref<20480x64xf32, #tpu.memory_space<hbm>> -> memref<20480x64xf32, #tpu.memory_space<hbm>>
    tpu.wait_indirect_dma semaphore(%arg21 : memref<!tpu.dma_semaphore, #tpu.memory_space<semaphore_mem>>) src(%dma_wait3A_302 : memref<20480x64xf32, #tpu.memory_space<hbm>>) dst(%arg12 : memref<128x64xf32, #tpu.memory_space<vmem>>)
    %dma_wait3A_303 = arith.constant 3 : i32
    %dma_wait3A_304 = arith.constant 0 : i32
    %dma_wait3A_305 = tpu.memref_slice %arg8[%dma_wait3A_303, %dma_wait3A_304] : memref<8x128xi32, #tpu.memory_space<vmem>> -> memref<1x128xi32, #tpu.memory_space<vmem>>
    %dma_wait3A_306 = tpu.memref_squeeze %dma_wait3A_305 : memref<1x128xi32, #tpu.memory_space<vmem>> -> memref<128xi32, #tpu.memory_space<vmem>>
    %dma_wait3A_307 = arith.constant 0 : i32
    %dma_wait3A_308 = arith.constant 0 : i32
    %dma_wait3A_309 = tpu.memref_slice %arg5[%dma_wait3A_307, %dma_wait3A_308] : memref<20480x64xf32, #tpu.memory_space<hbm>> -> memref<20480x64xf32, #tpu.memory_space<hbm>>
    tpu.wait_indirect_dma semaphore(%arg21 : memref<!tpu.dma_semaphore, #tpu.memory_space<semaphore_mem>>) src(%dma_wait3A_309 : memref<20480x64xf32, #tpu.memory_space<hbm>>) dst(%arg13 : memref<128x64xf32, #tpu.memory_space<vmem>>)
    %run_scoped3A_310 = arith.constant 1 : i32
    "tpu.region"() ({
      %run_scoped3A_732 = tpu.sem_alloc : memref<!tpu.dma_semaphore, #tpu.memory_space<semaphore_mem>>
      %dma_start3A_733 = arith.constant 0 : i32
      %dma_start3A_734 = arith.constant 0 : i32
      %dma_start3A_735 = tpu.memref_slice %arg3[%arg0, %arg1, %run_scoped3A_310, %dma_start3A_733, %dma_start3A_734] : memref<2x16x40x8x128xi32, #tpu.memory_space<hbm>> -> memref<1x1x1x8x128xi32, #tpu.memory_space<hbm>>
      %dma_start3A_736 = tpu.memref_squeeze %dma_start3A_735 : memref<1x1x1x8x128xi32, #tpu.memory_space<hbm>> -> memref<8x128xi32, #tpu.memory_space<hbm>>
      %dma_start3A_737 = arith.constant 0 : i32
      %dma_start3A_738 = arith.constant 0 : i32
      %dma_start3A_739 = tpu.memref_slice %arg3[%arg0, %arg1, %run_scoped3A_310, %dma_start3A_737, %dma_start3A_738] : memref<2x16x40x8x128xi32, #tpu.memory_space<hbm>> -> memref<1x1x1x8x128xi32, #tpu.memory_space<hbm>>
      %dma_start3A_740 = tpu.memref_squeeze %dma_start3A_739 : memref<1x1x1x8x128xi32, #tpu.memory_space<hbm>> -> memref<8x128xi32, #tpu.memory_space<hbm>>
      tpu.enqueue_dma source(%dma_start3A_740 : memref<8x128xi32, #tpu.memory_space<hbm>>) target(%arg9 : memref<8x128xi32, #tpu.memory_space<vmem>>) target_semaphore(%run_scoped3A_732 : memref<!tpu.dma_semaphore, #tpu.memory_space<semaphore_mem>>)
      %dma_wait3A_741 = arith.constant 0 : i32
      %dma_wait3A_742 = arith.constant 0 : i32
      %dma_wait3A_743 = tpu.memref_slice %arg3[%arg0, %arg1, %run_scoped3A_310, %dma_wait3A_741, %dma_wait3A_742] : memref<2x16x40x8x128xi32, #tpu.memory_space<hbm>> -> memref<1x1x1x8x128xi32, #tpu.memory_space<hbm>>
      %dma_wait3A_744 = tpu.memref_squeeze %dma_wait3A_743 : memref<1x1x1x8x128xi32, #tpu.memory_space<hbm>> -> memref<8x128xi32, #tpu.memory_space<hbm>>
      %dma_wait3A_745 = arith.constant 0 : i32
      %dma_wait3A_746 = arith.constant 0 : i32
      %dma_wait3A_747 = tpu.memref_slice %arg3[%arg0, %arg1, %run_scoped3A_310, %dma_wait3A_745, %dma_wait3A_746] : memref<2x16x40x8x128xi32, #tpu.memory_space<hbm>> -> memref<1x1x1x8x128xi32, #tpu.memory_space<hbm>>
      %dma_wait3A_748 = tpu.memref_squeeze %dma_wait3A_747 : memref<1x1x1x8x128xi32, #tpu.memory_space<hbm>> -> memref<8x128xi32, #tpu.memory_space<hbm>>
      tpu.wait_dma2 semaphore(%run_scoped3A_732 : memref<!tpu.dma_semaphore, #tpu.memory_space<semaphore_mem>>) src(%dma_wait3A_748 : memref<8x128xi32, #tpu.memory_space<hbm>>) dst(%arg9 : memref<8x128xi32, #tpu.memory_space<vmem>>)
      tpu.yield
    }) : () -> ()
    %scan3A_311 = arith.constant 0 : i32
    %scan3A_312 = arith.constant 0 : i32
    %scan3A_313 = arith.constant 19 : i32
    %scan3A_314 = arith.addi %scan3A_312, %scan3A_313 : i32
    %scan3A_315 = arith.constant 1 : i32
    scf.for %scan3A_732 = %scan3A_312 to %scan3A_314 step %scan3A_315  : i32 {
      %mul3A_733 = arith.constant 2 : i32
      %mul3A_734 = arith.muli %mul3A_733, %scan3A_732 : i32
      %mul3A_735 = arith.constant 2 : i32
      %mul3A_736 = arith.muli %mul3A_735, %scan3A_732 : i32
      %add3A = arith.constant 1 : i32
      %add3A_737 = arith.addi %mul3A_736, %add3A : i32
      %dma_start3A_738 = arith.constant 4 : i32
      %dma_start3A_739 = arith.constant 0 : i32
      %dma_start3A_740 = tpu.memref_slice %arg8[%dma_start3A_738, %dma_start3A_739] : memref<8x128xi32, #tpu.memory_space<vmem>> -> memref<1x128xi32, #tpu.memory_space<vmem>>
      %dma_start3A_741 = tpu.memref_squeeze %dma_start3A_740 : memref<1x128xi32, #tpu.memory_space<vmem>> -> memref<128xi32, #tpu.memory_space<vmem>>
      %dma_start3A_742 = arith.constant 0 : i32
      %dma_start3A_743 = arith.constant 0 : i32
      %dma_start3A_744 = tpu.memref_slice %arg20[%dma_start3A_742, %dma_start3A_743] : memref<10240x64xf32, #tpu.memory_space<vmem_shared>> -> memref<10240x64xf32, #tpu.memory_space<vmem_shared>>
      tpu.enqueue_indirect_dma source(%arg10 : memref<128x64xf32, #tpu.memory_space<vmem>>) target(%dma_start3A_744 : memref<10240x64xf32, #tpu.memory_space<vmem_shared>>) offsets(%dma_start3A_741 : memref<128xi32, #tpu.memory_space<vmem>>) semaphore(%arg22 : memref<!tpu.dma_semaphore, #tpu.memory_space<semaphore_mem>>) {add = true}
      %dma_start3A_745 = arith.constant 5 : i32
      %dma_start3A_746 = arith.constant 0 : i32
      %dma_start3A_747 = tpu.memref_slice %arg8[%dma_start3A_745, %dma_start3A_746] : memref<8x128xi32, #tpu.memory_space<vmem>> -> memref<1x128xi32, #tpu.memory_space<vmem>>
      %dma_start3A_748 = tpu.memref_squeeze %dma_start3A_747 : memref<1x128xi32, #tpu.memory_space<vmem>> -> memref<128xi32, #tpu.memory_space<vmem>>
      %dma_start3A_749 = arith.constant 0 : i32
      %dma_start3A_750 = arith.constant 0 : i32
      %dma_start3A_751 = tpu.memref_slice %arg20[%dma_start3A_749, %dma_start3A_750] : memref<10240x64xf32, #tpu.memory_space<vmem_shared>> -> memref<10240x64xf32, #tpu.memory_space<vmem_shared>>
      tpu.enqueue_indirect_dma source(%arg11 : memref<128x64xf32, #tpu.memory_space<vmem>>) target(%dma_start3A_751 : memref<10240x64xf32, #tpu.memory_space<vmem_shared>>) offsets(%dma_start3A_748 : memref<128xi32, #tpu.memory_space<vmem>>) semaphore(%arg22 : memref<!tpu.dma_semaphore, #tpu.memory_space<semaphore_mem>>) {add = true}
      %dma_start3A_752 = arith.constant 6 : i32
      %dma_start3A_753 = arith.constant 0 : i32
      %dma_start3A_754 = tpu.memref_slice %arg8[%dma_start3A_752, %dma_start3A_753] : memref<8x128xi32, #tpu.memory_space<vmem>> -> memref<1x128xi32, #tpu.memory_space<vmem>>
      %dma_start3A_755 = tpu.memref_squeeze %dma_start3A_754 : memref<1x128xi32, #tpu.memory_space<vmem>> -> memref<128xi32, #tpu.memory_space<vmem>>
      %dma_start3A_756 = arith.constant 0 : i32
      %dma_start3A_757 = arith.constant 0 : i32
      %dma_start3A_758 = tpu.memref_slice %arg20[%dma_start3A_756, %dma_start3A_757] : memref<10240x64xf32, #tpu.memory_space<vmem_shared>> -> memref<10240x64xf32, #tpu.memory_space<vmem_shared>>
      tpu.enqueue_indirect_dma source(%arg12 : memref<128x64xf32, #tpu.memory_space<vmem>>) target(%dma_start3A_758 : memref<10240x64xf32, #tpu.memory_space<vmem_shared>>) offsets(%dma_start3A_755 : memref<128xi32, #tpu.memory_space<vmem>>) semaphore(%arg22 : memref<!tpu.dma_semaphore, #tpu.memory_space<semaphore_mem>>) {add = true}
      %dma_start3A_759 = arith.constant 7 : i32
      %dma_start3A_760 = arith.constant 0 : i32
      %dma_start3A_761 = tpu.memref_slice %arg8[%dma_start3A_759, %dma_start3A_760] : memref<8x128xi32, #tpu.memory_space<vmem>> -> memref<1x128xi32, #tpu.memory_space<vmem>>
      %dma_start3A_762 = tpu.memref_squeeze %dma_start3A_761 : memref<1x128xi32, #tpu.memory_space<vmem>> -> memref<128xi32, #tpu.memory_space<vmem>>
      %dma_start3A_763 = arith.constant 0 : i32
      %dma_start3A_764 = arith.constant 0 : i32
      %dma_start3A_765 = tpu.memref_slice %arg20[%dma_start3A_763, %dma_start3A_764] : memref<10240x64xf32, #tpu.memory_space<vmem_shared>> -> memref<10240x64xf32, #tpu.memory_space<vmem_shared>>
      tpu.enqueue_indirect_dma source(%arg13 : memref<128x64xf32, #tpu.memory_space<vmem>>) target(%dma_start3A_765 : memref<10240x64xf32, #tpu.memory_space<vmem_shared>>) offsets(%dma_start3A_762 : memref<128xi32, #tpu.memory_space<vmem>>) semaphore(%arg22 : memref<!tpu.dma_semaphore, #tpu.memory_space<semaphore_mem>>) {add = true}
      %dma_start3A_766 = arith.constant 0 : i32
      %dma_start3A_767 = arith.constant 0 : i32
      %dma_start3A_768 = tpu.memref_slice %arg9[%dma_start3A_766, %dma_start3A_767] : memref<8x128xi32, #tpu.memory_space<vmem>> -> memref<1x128xi32, #tpu.memory_space<vmem>>
      %dma_start3A_769 = tpu.memref_squeeze %dma_start3A_768 : memref<1x128xi32, #tpu.memory_space<vmem>> -> memref<128xi32, #tpu.memory_space<vmem>>
      %dma_start3A_770 = arith.constant 0 : i32
      %dma_start3A_771 = arith.constant 0 : i32
      %dma_start3A_772 = tpu.memref_slice %arg5[%dma_start3A_770, %dma_start3A_771] : memref<20480x64xf32, #tpu.memory_space<hbm>> -> memref<20480x64xf32, #tpu.memory_space<hbm>>
      tpu.enqueue_indirect_dma source(%dma_start3A_772 : memref<20480x64xf32, #tpu.memory_space<hbm>>) target(%arg14 : memref<128x64xf32, #tpu.memory_space<vmem>>) offsets(%dma_start3A_769 : memref<128xi32, #tpu.memory_space<vmem>>) semaphore(%arg23 : memref<!tpu.dma_semaphore, #tpu.memory_space<semaphore_mem>>)
      %dma_start3A_773 = arith.constant 1 : i32
      %dma_start3A_774 = arith.constant 0 : i32
      %dma_start3A_775 = tpu.memref_slice %arg9[%dma_start3A_773, %dma_start3A_774] : memref<8x128xi32, #tpu.memory_space<vmem>> -> memref<1x128xi32, #tpu.memory_space<vmem>>
      %dma_start3A_776 = tpu.memref_squeeze %dma_start3A_775 : memref<1x128xi32, #tpu.memory_space<vmem>> -> memref<128xi32, #tpu.memory_space<vmem>>
      %dma_start3A_777 = arith.constant 0 : i32
      %dma_start3A_778 = arith.constant 0 : i32
      %dma_start3A_779 = tpu.memref_slice %arg5[%dma_start3A_777, %dma_start3A_778] : memref<20480x64xf32, #tpu.memory_space<hbm>> -> memref<20480x64xf32, #tpu.memory_space<hbm>>
      tpu.enqueue_indirect_dma source(%dma_start3A_779 : memref<20480x64xf32, #tpu.memory_space<hbm>>) target(%arg15 : memref<128x64xf32, #tpu.memory_space<vmem>>) offsets(%dma_start3A_776 : memref<128xi32, #tpu.memory_space<vmem>>) semaphore(%arg23 : memref<!tpu.dma_semaphore, #tpu.memory_space<semaphore_mem>>)
      %dma_start3A_780 = arith.constant 2 : i32
      %dma_start3A_781 = arith.constant 0 : i32
      %dma_start3A_782 = tpu.memref_slice %arg9[%dma_start3A_780, %dma_start3A_781] : memref<8x128xi32, #tpu.memory_space<vmem>> -> memref<1x128xi32, #tpu.memory_space<vmem>>
      %dma_start3A_783 = tpu.memref_squeeze %dma_start3A_782 : memref<1x128xi32, #tpu.memory_space<vmem>> -> memref<128xi32, #tpu.memory_space<vmem>>
      %dma_start3A_784 = arith.constant 0 : i32
      %dma_start3A_785 = arith.constant 0 : i32
      %dma_start3A_786 = tpu.memref_slice %arg5[%dma_start3A_784, %dma_start3A_785] : memref<20480x64xf32, #tpu.memory_space<hbm>> -> memref<20480x64xf32, #tpu.memory_space<hbm>>
      tpu.enqueue_indirect_dma source(%dma_start3A_786 : memref<20480x64xf32, #tpu.memory_space<hbm>>) target(%arg16 : memref<128x64xf32, #tpu.memory_space<vmem>>) offsets(%dma_start3A_783 : memref<128xi32, #tpu.memory_space<vmem>>) semaphore(%arg23 : memref<!tpu.dma_semaphore, #tpu.memory_space<semaphore_mem>>)
      %dma_start3A_787 = arith.constant 3 : i32
      %dma_start3A_788 = arith.constant 0 : i32
      %dma_start3A_789 = tpu.memref_slice %arg9[%dma_start3A_787, %dma_start3A_788] : memref<8x128xi32, #tpu.memory_space<vmem>> -> memref<1x128xi32, #tpu.memory_space<vmem>>
      %dma_start3A_790 = tpu.memref_squeeze %dma_start3A_789 : memref<1x128xi32, #tpu.memory_space<vmem>> -> memref<128xi32, #tpu.memory_space<vmem>>
      %dma_start3A_791 = arith.constant 0 : i32
      %dma_start3A_792 = arith.constant 0 : i32
      %dma_start3A_793 = tpu.memref_slice %arg5[%dma_start3A_791, %dma_start3A_792] : memref<20480x64xf32, #tpu.memory_space<hbm>> -> memref<20480x64xf32, #tpu.memory_space<hbm>>
      tpu.enqueue_indirect_dma source(%dma_start3A_793 : memref<20480x64xf32, #tpu.memory_space<hbm>>) target(%arg17 : memref<128x64xf32, #tpu.memory_space<vmem>>) offsets(%dma_start3A_790 : memref<128xi32, #tpu.memory_space<vmem>>) semaphore(%arg23 : memref<!tpu.dma_semaphore, #tpu.memory_space<semaphore_mem>>)
      %dma_wait3A_794 = arith.constant 4 : i32
      %dma_wait3A_795 = arith.constant 0 : i32
      %dma_wait3A_796 = tpu.memref_slice %arg8[%dma_wait3A_794, %dma_wait3A_795] : memref<8x128xi32, #tpu.memory_space<vmem>> -> memref<1x128xi32, #tpu.memory_space<vmem>>
      %dma_wait3A_797 = tpu.memref_squeeze %dma_wait3A_796 : memref<1x128xi32, #tpu.memory_space<vmem>> -> memref<128xi32, #tpu.memory_space<vmem>>
      %dma_wait3A_798 = arith.constant 0 : i32
      %dma_wait3A_799 = arith.constant 0 : i32
      %dma_wait3A_800 = tpu.memref_slice %arg20[%dma_wait3A_798, %dma_wait3A_799] : memref<10240x64xf32, #tpu.memory_space<vmem_shared>> -> memref<10240x64xf32, #tpu.memory_space<vmem_shared>>
      tpu.wait_indirect_dma semaphore(%arg22 : memref<!tpu.dma_semaphore, #tpu.memory_space<semaphore_mem>>) src(%arg10 : memref<128x64xf32, #tpu.memory_space<vmem>>) dst(%dma_wait3A_800 : memref<10240x64xf32, #tpu.memory_space<vmem_shared>>)
      %dma_wait3A_801 = arith.constant 5 : i32
      %dma_wait3A_802 = arith.constant 0 : i32
      %dma_wait3A_803 = tpu.memref_slice %arg8[%dma_wait3A_801, %dma_wait3A_802] : memref<8x128xi32, #tpu.memory_space<vmem>> -> memref<1x128xi32, #tpu.memory_space<vmem>>
      %dma_wait3A_804 = tpu.memref_squeeze %dma_wait3A_803 : memref<1x128xi32, #tpu.memory_space<vmem>> -> memref<128xi32, #tpu.memory_space<vmem>>
      %dma_wait3A_805 = arith.constant 0 : i32
      %dma_wait3A_806 = arith.constant 0 : i32
      %dma_wait3A_807 = tpu.memref_slice %arg20[%dma_wait3A_805, %dma_wait3A_806] : memref<10240x64xf32, #tpu.memory_space<vmem_shared>> -> memref<10240x64xf32, #tpu.memory_space<vmem_shared>>
      tpu.wait_indirect_dma semaphore(%arg22 : memref<!tpu.dma_semaphore, #tpu.memory_space<semaphore_mem>>) src(%arg11 : memref<128x64xf32, #tpu.memory_space<vmem>>) dst(%dma_wait3A_807 : memref<10240x64xf32, #tpu.memory_space<vmem_shared>>)
      %dma_wait3A_808 = arith.constant 6 : i32
      %dma_wait3A_809 = arith.constant 0 : i32
      %dma_wait3A_810 = tpu.memref_slice %arg8[%dma_wait3A_808, %dma_wait3A_809] : memref<8x128xi32, #tpu.memory_space<vmem>> -> memref<1x128xi32, #tpu.memory_space<vmem>>
      %dma_wait3A_811 = tpu.memref_squeeze %dma_wait3A_810 : memref<1x128xi32, #tpu.memory_space<vmem>> -> memref<128xi32, #tpu.memory_space<vmem>>
      %dma_wait3A_812 = arith.constant 0 : i32
      %dma_wait3A_813 = arith.constant 0 : i32
      %dma_wait3A_814 = tpu.memref_slice %arg20[%dma_wait3A_812, %dma_wait3A_813] : memref<10240x64xf32, #tpu.memory_space<vmem_shared>> -> memref<10240x64xf32, #tpu.memory_space<vmem_shared>>
      tpu.wait_indirect_dma semaphore(%arg22 : memref<!tpu.dma_semaphore, #tpu.memory_space<semaphore_mem>>) src(%arg12 : memref<128x64xf32, #tpu.memory_space<vmem>>) dst(%dma_wait3A_814 : memref<10240x64xf32, #tpu.memory_space<vmem_shared>>)
      %dma_wait3A_815 = arith.constant 7 : i32
      %dma_wait3A_816 = arith.constant 0 : i32
      %dma_wait3A_817 = tpu.memref_slice %arg8[%dma_wait3A_815, %dma_wait3A_816] : memref<8x128xi32, #tpu.memory_space<vmem>> -> memref<1x128xi32, #tpu.memory_space<vmem>>
      %dma_wait3A_818 = tpu.memref_squeeze %dma_wait3A_817 : memref<1x128xi32, #tpu.memory_space<vmem>> -> memref<128xi32, #tpu.memory_space<vmem>>
      %dma_wait3A_819 = arith.constant 0 : i32
      %dma_wait3A_820 = arith.constant 0 : i32
      %dma_wait3A_821 = tpu.memref_slice %arg20[%dma_wait3A_819, %dma_wait3A_820] : memref<10240x64xf32, #tpu.memory_space<vmem_shared>> -> memref<10240x64xf32, #tpu.memory_space<vmem_shared>>
      tpu.wait_indirect_dma semaphore(%arg22 : memref<!tpu.dma_semaphore, #tpu.memory_space<semaphore_mem>>) src(%arg13 : memref<128x64xf32, #tpu.memory_space<vmem>>) dst(%dma_wait3A_821 : memref<10240x64xf32, #tpu.memory_space<vmem_shared>>)
      %add3A_822 = arith.constant 2 : i32
      %add3A_823 = arith.addi %mul3A_734, %add3A_822 : i32
      %dma_start3A_824 = arith.constant 0 : i32
      %dma_start3A_825 = arith.constant 0 : i32
      %dma_start3A_826 = tpu.memref_slice %arg3[%arg0, %arg1, %add3A_823, %dma_start3A_824, %dma_start3A_825] : memref<2x16x40x8x128xi32, #tpu.memory_space<hbm>> -> memref<1x1x1x8x128xi32, #tpu.memory_space<hbm>>
      %dma_start3A_827 = tpu.memref_squeeze %dma_start3A_826 : memref<1x1x1x8x128xi32, #tpu.memory_space<hbm>> -> memref<8x128xi32, #tpu.memory_space<hbm>>
      %dma_start3A_828 = arith.constant 0 : i32
      %dma_start3A_829 = arith.constant 0 : i32
      %dma_start3A_830 = tpu.memref_slice %arg3[%arg0, %arg1, %add3A_823, %dma_start3A_828, %dma_start3A_829] : memref<2x16x40x8x128xi32, #tpu.memory_space<hbm>> -> memref<1x1x1x8x128xi32, #tpu.memory_space<hbm>>
      %dma_start3A_831 = tpu.memref_squeeze %dma_start3A_830 : memref<1x1x1x8x128xi32, #tpu.memory_space<hbm>> -> memref<8x128xi32, #tpu.memory_space<hbm>>
      tpu.enqueue_dma source(%dma_start3A_831 : memref<8x128xi32, #tpu.memory_space<hbm>>) target(%arg8 : memref<8x128xi32, #tpu.memory_space<vmem>>) target_semaphore(%arg25 : memref<!tpu.dma_semaphore, #tpu.memory_space<semaphore_mem>>)
      %dma_wait3A_832 = arith.constant 0 : i32
      %dma_wait3A_833 = arith.constant 0 : i32
      %dma_wait3A_834 = tpu.memref_slice %arg9[%dma_wait3A_832, %dma_wait3A_833] : memref<8x128xi32, #tpu.memory_space<vmem>> -> memref<1x128xi32, #tpu.memory_space<vmem>>
      %dma_wait3A_835 = tpu.memref_squeeze %dma_wait3A_834 : memref<1x128xi32, #tpu.memory_space<vmem>> -> memref<128xi32, #tpu.memory_space<vmem>>
      %dma_wait3A_836 = arith.constant 0 : i32
      %dma_wait3A_837 = arith.constant 0 : i32
      %dma_wait3A_838 = tpu.memref_slice %arg5[%dma_wait3A_836, %dma_wait3A_837] : memref<20480x64xf32, #tpu.memory_space<hbm>> -> memref<20480x64xf32, #tpu.memory_space<hbm>>
      tpu.wait_indirect_dma semaphore(%arg23 : memref<!tpu.dma_semaphore, #tpu.memory_space<semaphore_mem>>) src(%dma_wait3A_838 : memref<20480x64xf32, #tpu.memory_space<hbm>>) dst(%arg14 : memref<128x64xf32, #tpu.memory_space<vmem>>)
      %dma_wait3A_839 = arith.constant 1 : i32
      %dma_wait3A_840 = arith.constant 0 : i32
      %dma_wait3A_841 = tpu.memref_slice %arg9[%dma_wait3A_839, %dma_wait3A_840] : memref<8x128xi32, #tpu.memory_space<vmem>> -> memref<1x128xi32, #tpu.memory_space<vmem>>
      %dma_wait3A_842 = tpu.memref_squeeze %dma_wait3A_841 : memref<1x128xi32, #tpu.memory_space<vmem>> -> memref<128xi32, #tpu.memory_space<vmem>>
      %dma_wait3A_843 = arith.constant 0 : i32
      %dma_wait3A_844 = arith.constant 0 : i32
      %dma_wait3A_845 = tpu.memref_slice %arg5[%dma_wait3A_843, %dma_wait3A_844] : memref<20480x64xf32, #tpu.memory_space<hbm>> -> memref<20480x64xf32, #tpu.memory_space<hbm>>
      tpu.wait_indirect_dma semaphore(%arg23 : memref<!tpu.dma_semaphore, #tpu.memory_space<semaphore_mem>>) src(%dma_wait3A_845 : memref<20480x64xf32, #tpu.memory_space<hbm>>) dst(%arg15 : memref<128x64xf32, #tpu.memory_space<vmem>>)
      %dma_wait3A_846 = arith.constant 2 : i32
      %dma_wait3A_847 = arith.constant 0 : i32
      %dma_wait3A_848 = tpu.memref_slice %arg9[%dma_wait3A_846, %dma_wait3A_847] : memref<8x128xi32, #tpu.memory_space<vmem>> -> memref<1x128xi32, #tpu.memory_space<vmem>>
      %dma_wait3A_849 = tpu.memref_squeeze %dma_wait3A_848 : memref<1x128xi32, #tpu.memory_space<vmem>> -> memref<128xi32, #tpu.memory_space<vmem>>
      %dma_wait3A_850 = arith.constant 0 : i32
      %dma_wait3A_851 = arith.constant 0 : i32
      %dma_wait3A_852 = tpu.memref_slice %arg5[%dma_wait3A_850, %dma_wait3A_851] : memref<20480x64xf32, #tpu.memory_space<hbm>> -> memref<20480x64xf32, #tpu.memory_space<hbm>>
      tpu.wait_indirect_dma semaphore(%arg23 : memref<!tpu.dma_semaphore, #tpu.memory_space<semaphore_mem>>) src(%dma_wait3A_852 : memref<20480x64xf32, #tpu.memory_space<hbm>>) dst(%arg16 : memref<128x64xf32, #tpu.memory_space<vmem>>)
      %dma_wait3A_853 = arith.constant 3 : i32
      %dma_wait3A_854 = arith.constant 0 : i32
      %dma_wait3A_855 = tpu.memref_slice %arg9[%dma_wait3A_853, %dma_wait3A_854] : memref<8x128xi32, #tpu.memory_space<vmem>> -> memref<1x128xi32, #tpu.memory_space<vmem>>
      %dma_wait3A_856 = tpu.memref_squeeze %dma_wait3A_855 : memref<1x128xi32, #tpu.memory_space<vmem>> -> memref<128xi32, #tpu.memory_space<vmem>>
      %dma_wait3A_857 = arith.constant 0 : i32
      %dma_wait3A_858 = arith.constant 0 : i32
      %dma_wait3A_859 = tpu.memref_slice %arg5[%dma_wait3A_857, %dma_wait3A_858] : memref<20480x64xf32, #tpu.memory_space<hbm>> -> memref<20480x64xf32, #tpu.memory_space<hbm>>
      tpu.wait_indirect_dma semaphore(%arg23 : memref<!tpu.dma_semaphore, #tpu.memory_space<semaphore_mem>>) src(%dma_wait3A_859 : memref<20480x64xf32, #tpu.memory_space<hbm>>) dst(%arg17 : memref<128x64xf32, #tpu.memory_space<vmem>>)
      %dma_start3A_860 = arith.constant 4 : i32
      %dma_start3A_861 = arith.constant 0 : i32
      %dma_start3A_862 = tpu.memref_slice %arg9[%dma_start3A_860, %dma_start3A_861] : memref<8x128xi32, #tpu.memory_space<vmem>> -> memref<1x128xi32, #tpu.memory_space<vmem>>
      %dma_start3A_863 = tpu.memref_squeeze %dma_start3A_862 : memref<1x128xi32, #tpu.memory_space<vmem>> -> memref<128xi32, #tpu.memory_space<vmem>>
      %dma_start3A_864 = arith.constant 0 : i32
      %dma_start3A_865 = arith.constant 0 : i32
      %dma_start3A_866 = tpu.memref_slice %arg20[%dma_start3A_864, %dma_start3A_865] : memref<10240x64xf32, #tpu.memory_space<vmem_shared>> -> memref<10240x64xf32, #tpu.memory_space<vmem_shared>>
      tpu.enqueue_indirect_dma source(%arg14 : memref<128x64xf32, #tpu.memory_space<vmem>>) target(%dma_start3A_866 : memref<10240x64xf32, #tpu.memory_space<vmem_shared>>) offsets(%dma_start3A_863 : memref<128xi32, #tpu.memory_space<vmem>>) semaphore(%arg24 : memref<!tpu.dma_semaphore, #tpu.memory_space<semaphore_mem>>) {add = true}
      %dma_start3A_867 = arith.constant 5 : i32
      %dma_start3A_868 = arith.constant 0 : i32
      %dma_start3A_869 = tpu.memref_slice %arg9[%dma_start3A_867, %dma_start3A_868] : memref<8x128xi32, #tpu.memory_space<vmem>> -> memref<1x128xi32, #tpu.memory_space<vmem>>
      %dma_start3A_870 = tpu.memref_squeeze %dma_start3A_869 : memref<1x128xi32, #tpu.memory_space<vmem>> -> memref<128xi32, #tpu.memory_space<vmem>>
      %dma_start3A_871 = arith.constant 0 : i32
      %dma_start3A_872 = arith.constant 0 : i32
      %dma_start3A_873 = tpu.memref_slice %arg20[%dma_start3A_871, %dma_start3A_872] : memref<10240x64xf32, #tpu.memory_space<vmem_shared>> -> memref<10240x64xf32, #tpu.memory_space<vmem_shared>>
      tpu.enqueue_indirect_dma source(%arg15 : memref<128x64xf32, #tpu.memory_space<vmem>>) target(%dma_start3A_873 : memref<10240x64xf32, #tpu.memory_space<vmem_shared>>) offsets(%dma_start3A_870 : memref<128xi32, #tpu.memory_space<vmem>>) semaphore(%arg24 : memref<!tpu.dma_semaphore, #tpu.memory_space<semaphore_mem>>) {add = true}
      %dma_start3A_874 = arith.constant 6 : i32
      %dma_start3A_875 = arith.constant 0 : i32
      %dma_start3A_876 = tpu.memref_slice %arg9[%dma_start3A_874, %dma_start3A_875] : memref<8x128xi32, #tpu.memory_space<vmem>> -> memref<1x128xi32, #tpu.memory_space<vmem>>
      %dma_start3A_877 = tpu.memref_squeeze %dma_start3A_876 : memref<1x128xi32, #tpu.memory_space<vmem>> -> memref<128xi32, #tpu.memory_space<vmem>>
      %dma_start3A_878 = arith.constant 0 : i32
      %dma_start3A_879 = arith.constant 0 : i32
      %dma_start3A_880 = tpu.memref_slice %arg20[%dma_start3A_878, %dma_start3A_879] : memref<10240x64xf32, #tpu.memory_space<vmem_shared>> -> memref<10240x64xf32, #tpu.memory_space<vmem_shared>>
      tpu.enqueue_indirect_dma source(%arg16 : memref<128x64xf32, #tpu.memory_space<vmem>>) target(%dma_start3A_880 : memref<10240x64xf32, #tpu.memory_space<vmem_shared>>) offsets(%dma_start3A_877 : memref<128xi32, #tpu.memory_space<vmem>>) semaphore(%arg24 : memref<!tpu.dma_semaphore, #tpu.memory_space<semaphore_mem>>) {add = true}
      %dma_start3A_881 = arith.constant 7 : i32
      %dma_start3A_882 = arith.constant 0 : i32
      %dma_start3A_883 = tpu.memref_slice %arg9[%dma_start3A_881, %dma_start3A_882] : memref<8x128xi32, #tpu.memory_space<vmem>> -> memref<1x128xi32, #tpu.memory_space<vmem>>
      %dma_start3A_884 = tpu.memref_squeeze %dma_start3A_883 : memref<1x128xi32, #tpu.memory_space<vmem>> -> memref<128xi32, #tpu.memory_space<vmem>>
      %dma_start3A_885 = arith.constant 0 : i32
      %dma_start3A_886 = arith.constant 0 : i32
      %dma_start3A_887 = tpu.memref_slice %arg20[%dma_start3A_885, %dma_start3A_886] : memref<10240x64xf32, #tpu.memory_space<vmem_shared>> -> memref<10240x64xf32, #tpu.memory_space<vmem_shared>>
      tpu.enqueue_indirect_dma source(%arg17 : memref<128x64xf32, #tpu.memory_space<vmem>>) target(%dma_start3A_887 : memref<10240x64xf32, #tpu.memory_space<vmem_shared>>) offsets(%dma_start3A_884 : memref<128xi32, #tpu.memory_space<vmem>>) semaphore(%arg24 : memref<!tpu.dma_semaphore, #tpu.memory_space<semaphore_mem>>) {add = true}
      %dma_wait3A_888 = arith.constant 0 : i32
      %dma_wait3A_889 = arith.constant 0 : i32
      %dma_wait3A_890 = tpu.memref_slice %arg3[%arg0, %arg1, %add3A_823, %dma_wait3A_888, %dma_wait3A_889] : memref<2x16x40x8x128xi32, #tpu.memory_space<hbm>> -> memref<1x1x1x8x128xi32, #tpu.memory_space<hbm>>
      %dma_wait3A_891 = tpu.memref_squeeze %dma_wait3A_890 : memref<1x1x1x8x128xi32, #tpu.memory_space<hbm>> -> memref<8x128xi32, #tpu.memory_space<hbm>>
      %dma_wait3A_892 = arith.constant 0 : i32
      %dma_wait3A_893 = arith.constant 0 : i32
      %dma_wait3A_894 = tpu.memref_slice %arg3[%arg0, %arg1, %add3A_823, %dma_wait3A_892, %dma_wait3A_893] : memref<2x16x40x8x128xi32, #tpu.memory_space<hbm>> -> memref<1x1x1x8x128xi32, #tpu.memory_space<hbm>>
      %dma_wait3A_895 = tpu.memref_squeeze %dma_wait3A_894 : memref<1x1x1x8x128xi32, #tpu.memory_space<hbm>> -> memref<8x128xi32, #tpu.memory_space<hbm>>
      tpu.wait_dma2 semaphore(%arg25 : memref<!tpu.dma_semaphore, #tpu.memory_space<semaphore_mem>>) src(%dma_wait3A_895 : memref<8x128xi32, #tpu.memory_space<hbm>>) dst(%arg8 : memref<8x128xi32, #tpu.memory_space<vmem>>)
      %dma_start3A_896 = arith.constant 0 : i32
      %dma_start3A_897 = arith.constant 0 : i32
      %dma_start3A_898 = tpu.memref_slice %arg8[%dma_start3A_896, %dma_start3A_897] : memref<8x128xi32, #tpu.memory_space<vmem>> -> memref<1x128xi32, #tpu.memory_space<vmem>>
      %dma_start3A_899 = tpu.memref_squeeze %dma_start3A_898 : memref<1x128xi32, #tpu.memory_space<vmem>> -> memref<128xi32, #tpu.memory_space<vmem>>
      %dma_start3A_900 = arith.constant 0 : i32
      %dma_start3A_901 = arith.constant 0 : i32
      %dma_start3A_902 = tpu.memref_slice %arg5[%dma_start3A_900, %dma_start3A_901] : memref<20480x64xf32, #tpu.memory_space<hbm>> -> memref<20480x64xf32, #tpu.memory_space<hbm>>
      tpu.enqueue_indirect_dma source(%dma_start3A_902 : memref<20480x64xf32, #tpu.memory_space<hbm>>) target(%arg10 : memref<128x64xf32, #tpu.memory_space<vmem>>) offsets(%dma_start3A_899 : memref<128xi32, #tpu.memory_space<vmem>>) semaphore(%arg21 : memref<!tpu.dma_semaphore, #tpu.memory_space<semaphore_mem>>)
      %dma_start3A_903 = arith.constant 1 : i32
      %dma_start3A_904 = arith.constant 0 : i32
      %dma_start3A_905 = tpu.memref_slice %arg8[%dma_start3A_903, %dma_start3A_904] : memref<8x128xi32, #tpu.memory_space<vmem>> -> memref<1x128xi32, #tpu.memory_space<vmem>>
      %dma_start3A_906 = tpu.memref_squeeze %dma_start3A_905 : memref<1x128xi32, #tpu.memory_space<vmem>> -> memref<128xi32, #tpu.memory_space<vmem>>
      %dma_start3A_907 = arith.constant 0 : i32
      %dma_start3A_908 = arith.constant 0 : i32
      %dma_start3A_909 = tpu.memref_slice %arg5[%dma_start3A_907, %dma_start3A_908] : memref<20480x64xf32, #tpu.memory_space<hbm>> -> memref<20480x64xf32, #tpu.memory_space<hbm>>
      tpu.enqueue_indirect_dma source(%dma_start3A_909 : memref<20480x64xf32, #tpu.memory_space<hbm>>) target(%arg11 : memref<128x64xf32, #tpu.memory_space<vmem>>) offsets(%dma_start3A_906 : memref<128xi32, #tpu.memory_space<vmem>>) semaphore(%arg21 : memref<!tpu.dma_semaphore, #tpu.memory_space<semaphore_mem>>)
      %dma_start3A_910 = arith.constant 2 : i32
      %dma_start3A_911 = arith.constant 0 : i32
      %dma_start3A_912 = tpu.memref_slice %arg8[%dma_start3A_910, %dma_start3A_911] : memref<8x128xi32, #tpu.memory_space<vmem>> -> memref<1x128xi32, #tpu.memory_space<vmem>>
      %dma_start3A_913 = tpu.memref_squeeze %dma_start3A_912 : memref<1x128xi32, #tpu.memory_space<vmem>> -> memref<128xi32, #tpu.memory_space<vmem>>
      %dma_start3A_914 = arith.constant 0 : i32
      %dma_start3A_915 = arith.constant 0 : i32
      %dma_start3A_916 = tpu.memref_slice %arg5[%dma_start3A_914, %dma_start3A_915] : memref<20480x64xf32, #tpu.memory_space<hbm>> -> memref<20480x64xf32, #tpu.memory_space<hbm>>
      tpu.enqueue_indirect_dma source(%dma_start3A_916 : memref<20480x64xf32, #tpu.memory_space<hbm>>) target(%arg12 : memref<128x64xf32, #tpu.memory_space<vmem>>) offsets(%dma_start3A_913 : memref<128xi32, #tpu.memory_space<vmem>>) semaphore(%arg21 : memref<!tpu.dma_semaphore, #tpu.memory_space<semaphore_mem>>)
      %dma_start3A_917 = arith.constant 3 : i32
      %dma_start3A_918 = arith.constant 0 : i32
      %dma_start3A_919 = tpu.memref_slice %arg8[%dma_start3A_917, %dma_start3A_918] : memref<8x128xi32, #tpu.memory_space<vmem>> -> memref<1x128xi32, #tpu.memory_space<vmem>>
      %dma_start3A_920 = tpu.memref_squeeze %dma_start3A_919 : memref<1x128xi32, #tpu.memory_space<vmem>> -> memref<128xi32, #tpu.memory_space<vmem>>
      %dma_start3A_921 = arith.constant 0 : i32
      %dma_start3A_922 = arith.constant 0 : i32
      %dma_start3A_923 = tpu.memref_slice %arg5[%dma_start3A_921, %dma_start3A_922] : memref<20480x64xf32, #tpu.memory_space<hbm>> -> memref<20480x64xf32, #tpu.memory_space<hbm>>
      tpu.enqueue_indirect_dma source(%dma_start3A_923 : memref<20480x64xf32, #tpu.memory_space<hbm>>) target(%arg13 : memref<128x64xf32, #tpu.memory_space<vmem>>) offsets(%dma_start3A_920 : memref<128xi32, #tpu.memory_space<vmem>>) semaphore(%arg21 : memref<!tpu.dma_semaphore, #tpu.memory_space<semaphore_mem>>)
      %dma_wait3A_924 = arith.constant 4 : i32
      %dma_wait3A_925 = arith.constant 0 : i32
      %dma_wait3A_926 = tpu.memref_slice %arg9[%dma_wait3A_924, %dma_wait3A_925] : memref<8x128xi32, #tpu.memory_space<vmem>> -> memref<1x128xi32, #tpu.memory_space<vmem>>
      %dma_wait3A_927 = tpu.memref_squeeze %dma_wait3A_926 : memref<1x128xi32, #tpu.memory_space<vmem>> -> memref<128xi32, #tpu.memory_space<vmem>>
      %dma_wait3A_928 = arith.constant 0 : i32
      %dma_wait3A_929 = arith.constant 0 : i32
      %dma_wait3A_930 = tpu.memref_slice %arg20[%dma_wait3A_928, %dma_wait3A_929] : memref<10240x64xf32, #tpu.memory_space<vmem_shared>> -> memref<10240x64xf32, #tpu.memory_space<vmem_shared>>
      tpu.wait_indirect_dma semaphore(%arg24 : memref<!tpu.dma_semaphore, #tpu.memory_space<semaphore_mem>>) src(%arg14 : memref<128x64xf32, #tpu.memory_space<vmem>>) dst(%dma_wait3A_930 : memref<10240x64xf32, #tpu.memory_space<vmem_shared>>)
      %dma_wait3A_931 = arith.constant 5 : i32
      %dma_wait3A_932 = arith.constant 0 : i32
      %dma_wait3A_933 = tpu.memref_slice %arg9[%dma_wait3A_931, %dma_wait3A_932] : memref<8x128xi32, #tpu.memory_space<vmem>> -> memref<1x128xi32, #tpu.memory_space<vmem>>
      %dma_wait3A_934 = tpu.memref_squeeze %dma_wait3A_933 : memref<1x128xi32, #tpu.memory_space<vmem>> -> memref<128xi32, #tpu.memory_space<vmem>>
      %dma_wait3A_935 = arith.constant 0 : i32
      %dma_wait3A_936 = arith.constant 0 : i32
      %dma_wait3A_937 = tpu.memref_slice %arg20[%dma_wait3A_935, %dma_wait3A_936] : memref<10240x64xf32, #tpu.memory_space<vmem_shared>> -> memref<10240x64xf32, #tpu.memory_space<vmem_shared>>
      tpu.wait_indirect_dma semaphore(%arg24 : memref<!tpu.dma_semaphore, #tpu.memory_space<semaphore_mem>>) src(%arg15 : memref<128x64xf32, #tpu.memory_space<vmem>>) dst(%dma_wait3A_937 : memref<10240x64xf32, #tpu.memory_space<vmem_shared>>)
      %dma_wait3A_938 = arith.constant 6 : i32
      %dma_wait3A_939 = arith.constant 0 : i32
      %dma_wait3A_940 = tpu.memref_slice %arg9[%dma_wait3A_938, %dma_wait3A_939] : memref<8x128xi32, #tpu.memory_space<vmem>> -> memref<1x128xi32, #tpu.memory_space<vmem>>
      %dma_wait3A_941 = tpu.memref_squeeze %dma_wait3A_940 : memref<1x128xi32, #tpu.memory_space<vmem>> -> memref<128xi32, #tpu.memory_space<vmem>>
      %dma_wait3A_942 = arith.constant 0 : i32
      %dma_wait3A_943 = arith.constant 0 : i32
      %dma_wait3A_944 = tpu.memref_slice %arg20[%dma_wait3A_942, %dma_wait3A_943] : memref<10240x64xf32, #tpu.memory_space<vmem_shared>> -> memref<10240x64xf32, #tpu.memory_space<vmem_shared>>
      tpu.wait_indirect_dma semaphore(%arg24 : memref<!tpu.dma_semaphore, #tpu.memory_space<semaphore_mem>>) src(%arg16 : memref<128x64xf32, #tpu.memory_space<vmem>>) dst(%dma_wait3A_944 : memref<10240x64xf32, #tpu.memory_space<vmem_shared>>)
      %dma_wait3A_945 = arith.constant 7 : i32
      %dma_wait3A_946 = arith.constant 0 : i32
      %dma_wait3A_947 = tpu.memref_slice %arg9[%dma_wait3A_945, %dma_wait3A_946] : memref<8x128xi32, #tpu.memory_space<vmem>> -> memref<1x128xi32, #tpu.memory_space<vmem>>
      %dma_wait3A_948 = tpu.memref_squeeze %dma_wait3A_947 : memref<1x128xi32, #tpu.memory_space<vmem>> -> memref<128xi32, #tpu.memory_space<vmem>>
      %dma_wait3A_949 = arith.constant 0 : i32
      %dma_wait3A_950 = arith.constant 0 : i32
      %dma_wait3A_951 = tpu.memref_slice %arg20[%dma_wait3A_949, %dma_wait3A_950] : memref<10240x64xf32, #tpu.memory_space<vmem_shared>> -> memref<10240x64xf32, #tpu.memory_space<vmem_shared>>
      tpu.wait_indirect_dma semaphore(%arg24 : memref<!tpu.dma_semaphore, #tpu.memory_space<semaphore_mem>>) src(%arg17 : memref<128x64xf32, #tpu.memory_space<vmem>>) dst(%dma_wait3A_951 : memref<10240x64xf32, #tpu.memory_space<vmem_shared>>)
      %add3A_952 = arith.constant 2 : i32
      %add3A_953 = arith.addi %add3A_737, %add3A_952 : i32
      %dma_start3A_954 = arith.constant 0 : i32
      %dma_start3A_955 = arith.constant 0 : i32
      %dma_start3A_956 = tpu.memref_slice %arg3[%arg0, %arg1, %add3A_953, %dma_start3A_954, %dma_start3A_955] : memref<2x16x40x8x128xi32, #tpu.memory_space<hbm>> -> memref<1x1x1x8x128xi32, #tpu.memory_space<hbm>>
      %dma_start3A_957 = tpu.memref_squeeze %dma_start3A_956 : memref<1x1x1x8x128xi32, #tpu.memory_space<hbm>> -> memref<8x128xi32, #tpu.memory_space<hbm>>
      %dma_start3A_958 = arith.constant 0 : i32
      %dma_start3A_959 = arith.constant 0 : i32
      %dma_start3A_960 = tpu.memref_slice %arg3[%arg0, %arg1, %add3A_953, %dma_start3A_958, %dma_start3A_959] : memref<2x16x40x8x128xi32, #tpu.memory_space<hbm>> -> memref<1x1x1x8x128xi32, #tpu.memory_space<hbm>>
      %dma_start3A_961 = tpu.memref_squeeze %dma_start3A_960 : memref<1x1x1x8x128xi32, #tpu.memory_space<hbm>> -> memref<8x128xi32, #tpu.memory_space<hbm>>
      tpu.enqueue_dma source(%dma_start3A_961 : memref<8x128xi32, #tpu.memory_space<hbm>>) target(%arg9 : memref<8x128xi32, #tpu.memory_space<vmem>>) target_semaphore(%arg26 : memref<!tpu.dma_semaphore, #tpu.memory_space<semaphore_mem>>)
      %dma_wait3A_962 = arith.constant 0 : i32
      %dma_wait3A_963 = arith.constant 0 : i32
      %dma_wait3A_964 = tpu.memref_slice %arg8[%dma_wait3A_962, %dma_wait3A_963] : memref<8x128xi32, #tpu.memory_space<vmem>> -> memref<1x128xi32, #tpu.memory_space<vmem>>
      %dma_wait3A_965 = tpu.memref_squeeze %dma_wait3A_964 : memref<1x128xi32, #tpu.memory_space<vmem>> -> memref<128xi32, #tpu.memory_space<vmem>>
      %dma_wait3A_966 = arith.constant 0 : i32
      %dma_wait3A_967 = arith.constant 0 : i32
      %dma_wait3A_968 = tpu.memref_slice %arg5[%dma_wait3A_966, %dma_wait3A_967] : memref<20480x64xf32, #tpu.memory_space<hbm>> -> memref<20480x64xf32, #tpu.memory_space<hbm>>
      tpu.wait_indirect_dma semaphore(%arg21 : memref<!tpu.dma_semaphore, #tpu.memory_space<semaphore_mem>>) src(%dma_wait3A_968 : memref<20480x64xf32, #tpu.memory_space<hbm>>) dst(%arg10 : memref<128x64xf32, #tpu.memory_space<vmem>>)
      %dma_wait3A_969 = arith.constant 1 : i32
      %dma_wait3A_970 = arith.constant 0 : i32
      %dma_wait3A_971 = tpu.memref_slice %arg8[%dma_wait3A_969, %dma_wait3A_970] : memref<8x128xi32, #tpu.memory_space<vmem>> -> memref<1x128xi32, #tpu.memory_space<vmem>>
      %dma_wait3A_972 = tpu.memref_squeeze %dma_wait3A_971 : memref<1x128xi32, #tpu.memory_space<vmem>> -> memref<128xi32, #tpu.memory_space<vmem>>
      %dma_wait3A_973 = arith.constant 0 : i32
      %dma_wait3A_974 = arith.constant 0 : i32
      %dma_wait3A_975 = tpu.memref_slice %arg5[%dma_wait3A_973, %dma_wait3A_974] : memref<20480x64xf32, #tpu.memory_space<hbm>> -> memref<20480x64xf32, #tpu.memory_space<hbm>>
      tpu.wait_indirect_dma semaphore(%arg21 : memref<!tpu.dma_semaphore, #tpu.memory_space<semaphore_mem>>) src(%dma_wait3A_975 : memref<20480x64xf32, #tpu.memory_space<hbm>>) dst(%arg11 : memref<128x64xf32, #tpu.memory_space<vmem>>)
      %dma_wait3A_976 = arith.constant 2 : i32
      %dma_wait3A_977 = arith.constant 0 : i32
      %dma_wait3A_978 = tpu.memref_slice %arg8[%dma_wait3A_976, %dma_wait3A_977] : memref<8x128xi32, #tpu.memory_space<vmem>> -> memref<1x128xi32, #tpu.memory_space<vmem>>
      %dma_wait3A_979 = tpu.memref_squeeze %dma_wait3A_978 : memref<1x128xi32, #tpu.memory_space<vmem>> -> memref<128xi32, #tpu.memory_space<vmem>>
      %dma_wait3A_980 = arith.constant 0 : i32
      %dma_wait3A_981 = arith.constant 0 : i32
      %dma_wait3A_982 = tpu.memref_slice %arg5[%dma_wait3A_980, %dma_wait3A_981] : memref<20480x64xf32, #tpu.memory_space<hbm>> -> memref<20480x64xf32, #tpu.memory_space<hbm>>
      tpu.wait_indirect_dma semaphore(%arg21 : memref<!tpu.dma_semaphore, #tpu.memory_space<semaphore_mem>>) src(%dma_wait3A_982 : memref<20480x64xf32, #tpu.memory_space<hbm>>) dst(%arg12 : memref<128x64xf32, #tpu.memory_space<vmem>>)
      %dma_wait3A_983 = arith.constant 3 : i32
      %dma_wait3A_984 = arith.constant 0 : i32
      %dma_wait3A_985 = tpu.memref_slice %arg8[%dma_wait3A_983, %dma_wait3A_984] : memref<8x128xi32, #tpu.memory_space<vmem>> -> memref<1x128xi32, #tpu.memory_space<vmem>>
      %dma_wait3A_986 = tpu.memref_squeeze %dma_wait3A_985 : memref<1x128xi32, #tpu.memory_space<vmem>> -> memref<128xi32, #tpu.memory_space<vmem>>
      %dma_wait3A_987 = arith.constant 0 : i32
      %dma_wait3A_988 = arith.constant 0 : i32
      %dma_wait3A_989 = tpu.memref_slice %arg5[%dma_wait3A_987, %dma_wait3A_988] : memref<20480x64xf32, #tpu.memory_space<hbm>> -> memref<20480x64xf32, #tpu.memory_space<hbm>>
      tpu.wait_indirect_dma semaphore(%arg21 : memref<!tpu.dma_semaphore, #tpu.memory_space<semaphore_mem>>) src(%dma_wait3A_989 : memref<20480x64xf32, #tpu.memory_space<hbm>>) dst(%arg13 : memref<128x64xf32, #tpu.memory_space<vmem>>)
      %dma_wait3A_990 = arith.constant 0 : i32
      %dma_wait3A_991 = arith.constant 0 : i32
      %dma_wait3A_992 = tpu.memref_slice %arg3[%arg0, %arg1, %add3A_953, %dma_wait3A_990, %dma_wait3A_991] : memref<2x16x40x8x128xi32, #tpu.memory_space<hbm>> -> memref<1x1x1x8x128xi32, #tpu.memory_space<hbm>>
      %dma_wait3A_993 = tpu.memref_squeeze %dma_wait3A_992 : memref<1x1x1x8x128xi32, #tpu.memory_space<hbm>> -> memref<8x128xi32, #tpu.memory_space<hbm>>
      %dma_wait3A_994 = arith.constant 0 : i32
      %dma_wait3A_995 = arith.constant 0 : i32
      %dma_wait3A_996 = tpu.memref_slice %arg3[%arg0, %arg1, %add3A_953, %dma_wait3A_994, %dma_wait3A_995] : memref<2x16x40x8x128xi32, #tpu.memory_space<hbm>> -> memref<1x1x1x8x128xi32, #tpu.memory_space<hbm>>
      %dma_wait3A_997 = tpu.memref_squeeze %dma_wait3A_996 : memref<1x1x1x8x128xi32, #tpu.memory_space<hbm>> -> memref<8x128xi32, #tpu.memory_space<hbm>>
      tpu.wait_dma2 semaphore(%arg26 : memref<!tpu.dma_semaphore, #tpu.memory_space<semaphore_mem>>) src(%dma_wait3A_997 : memref<8x128xi32, #tpu.memory_space<hbm>>) dst(%arg9 : memref<8x128xi32, #tpu.memory_space<vmem>>)
    }
    %scan3A_316 = arith.constant 19 : i32
    %dma_start3A_317 = arith.constant 4 : i32
    %dma_start3A_318 = arith.constant 0 : i32
    %dma_start3A_319 = tpu.memref_slice %arg8[%dma_start3A_317, %dma_start3A_318] : memref<8x128xi32, #tpu.memory_space<vmem>> -> memref<1x128xi32, #tpu.memory_space<vmem>>
    %dma_start3A_320 = tpu.memref_squeeze %dma_start3A_319 : memref<1x128xi32, #tpu.memory_space<vmem>> -> memref<128xi32, #tpu.memory_space<vmem>>
    %dma_start3A_321 = arith.constant 0 : i32
    %dma_start3A_322 = arith.constant 0 : i32
    %dma_start3A_323 = tpu.memref_slice %arg20[%dma_start3A_321, %dma_start3A_322] : memref<10240x64xf32, #tpu.memory_space<vmem_shared>> -> memref<10240x64xf32, #tpu.memory_space<vmem_shared>>
    tpu.enqueue_indirect_dma source(%arg10 : memref<128x64xf32, #tpu.memory_space<vmem>>) target(%dma_start3A_323 : memref<10240x64xf32, #tpu.memory_space<vmem_shared>>) offsets(%dma_start3A_320 : memref<128xi32, #tpu.memory_space<vmem>>) semaphore(%arg22 : memref<!tpu.dma_semaphore, #tpu.memory_space<semaphore_mem>>) {add = true}
    %dma_start3A_324 = arith.constant 5 : i32
    %dma_start3A_325 = arith.constant 0 : i32
    %dma_start3A_326 = tpu.memref_slice %arg8[%dma_start3A_324, %dma_start3A_325] : memref<8x128xi32, #tpu.memory_space<vmem>> -> memref<1x128xi32, #tpu.memory_space<vmem>>
    %dma_start3A_327 = tpu.memref_squeeze %dma_start3A_326 : memref<1x128xi32, #tpu.memory_space<vmem>> -> memref<128xi32, #tpu.memory_space<vmem>>
    %dma_start3A_328 = arith.constant 0 : i32
    %dma_start3A_329 = arith.constant 0 : i32
    %dma_start3A_330 = tpu.memref_slice %arg20[%dma_start3A_328, %dma_start3A_329] : memref<10240x64xf32, #tpu.memory_space<vmem_shared>> -> memref<10240x64xf32, #tpu.memory_space<vmem_shared>>
    tpu.enqueue_indirect_dma source(%arg11 : memref<128x64xf32, #tpu.memory_space<vmem>>) target(%dma_start3A_330 : memref<10240x64xf32, #tpu.memory_space<vmem_shared>>) offsets(%dma_start3A_327 : memref<128xi32, #tpu.memory_space<vmem>>) semaphore(%arg22 : memref<!tpu.dma_semaphore, #tpu.memory_space<semaphore_mem>>) {add = true}
    %dma_start3A_331 = arith.constant 6 : i32
    %dma_start3A_332 = arith.constant 0 : i32
    %dma_start3A_333 = tpu.memref_slice %arg8[%dma_start3A_331, %dma_start3A_332] : memref<8x128xi32, #tpu.memory_space<vmem>> -> memref<1x128xi32, #tpu.memory_space<vmem>>
    %dma_start3A_334 = tpu.memref_squeeze %dma_start3A_333 : memref<1x128xi32, #tpu.memory_space<vmem>> -> memref<128xi32, #tpu.memory_space<vmem>>
    %dma_start3A_335 = arith.constant 0 : i32
    %dma_start3A_336 = arith.constant 0 : i32
    %dma_start3A_337 = tpu.memref_slice %arg20[%dma_start3A_335, %dma_start3A_336] : memref<10240x64xf32, #tpu.memory_space<vmem_shared>> -> memref<10240x64xf32, #tpu.memory_space<vmem_shared>>
    tpu.enqueue_indirect_dma source(%arg12 : memref<128x64xf32, #tpu.memory_space<vmem>>) target(%dma_start3A_337 : memref<10240x64xf32, #tpu.memory_space<vmem_shared>>) offsets(%dma_start3A_334 : memref<128xi32, #tpu.memory_space<vmem>>) semaphore(%arg22 : memref<!tpu.dma_semaphore, #tpu.memory_space<semaphore_mem>>) {add = true}
    %dma_start3A_338 = arith.constant 7 : i32
    %dma_start3A_339 = arith.constant 0 : i32
    %dma_start3A_340 = tpu.memref_slice %arg8[%dma_start3A_338, %dma_start3A_339] : memref<8x128xi32, #tpu.memory_space<vmem>> -> memref<1x128xi32, #tpu.memory_space<vmem>>
    %dma_start3A_341 = tpu.memref_squeeze %dma_start3A_340 : memref<1x128xi32, #tpu.memory_space<vmem>> -> memref<128xi32, #tpu.memory_space<vmem>>
    %dma_start3A_342 = arith.constant 0 : i32
    %dma_start3A_343 = arith.constant 0 : i32
    %dma_start3A_344 = tpu.memref_slice %arg20[%dma_start3A_342, %dma_start3A_343] : memref<10240x64xf32, #tpu.memory_space<vmem_shared>> -> memref<10240x64xf32, #tpu.memory_space<vmem_shared>>
    tpu.enqueue_indirect_dma source(%arg13 : memref<128x64xf32, #tpu.memory_space<vmem>>) target(%dma_start3A_344 : memref<10240x64xf32, #tpu.memory_space<vmem_shared>>) offsets(%dma_start3A_341 : memref<128xi32, #tpu.memory_space<vmem>>) semaphore(%arg22 : memref<!tpu.dma_semaphore, #tpu.memory_space<semaphore_mem>>) {add = true}
    %dma_start3A_345 = arith.constant 0 : i32
    %dma_start3A_346 = arith.constant 0 : i32
    %dma_start3A_347 = tpu.memref_slice %arg9[%dma_start3A_345, %dma_start3A_346] : memref<8x128xi32, #tpu.memory_space<vmem>> -> memref<1x128xi32, #tpu.memory_space<vmem>>
    %dma_start3A_348 = tpu.memref_squeeze %dma_start3A_347 : memref<1x128xi32, #tpu.memory_space<vmem>> -> memref<128xi32, #tpu.memory_space<vmem>>
    %dma_start3A_349 = arith.constant 0 : i32
    %dma_start3A_350 = arith.constant 0 : i32
    %dma_start3A_351 = tpu.memref_slice %arg5[%dma_start3A_349, %dma_start3A_350] : memref<20480x64xf32, #tpu.memory_space<hbm>> -> memref<20480x64xf32, #tpu.memory_space<hbm>>
    tpu.enqueue_indirect_dma source(%dma_start3A_351 : memref<20480x64xf32, #tpu.memory_space<hbm>>) target(%arg14 : memref<128x64xf32, #tpu.memory_space<vmem>>) offsets(%dma_start3A_348 : memref<128xi32, #tpu.memory_space<vmem>>) semaphore(%arg23 : memref<!tpu.dma_semaphore, #tpu.memory_space<semaphore_mem>>)
    %dma_start3A_352 = arith.constant 1 : i32
    %dma_start3A_353 = arith.constant 0 : i32
    %dma_start3A_354 = tpu.memref_slice %arg9[%dma_start3A_352, %dma_start3A_353] : memref<8x128xi32, #tpu.memory_space<vmem>> -> memref<1x128xi32, #tpu.memory_space<vmem>>
    %dma_start3A_355 = tpu.memref_squeeze %dma_start3A_354 : memref<1x128xi32, #tpu.memory_space<vmem>> -> memref<128xi32, #tpu.memory_space<vmem>>
    %dma_start3A_356 = arith.constant 0 : i32
    %dma_start3A_357 = arith.constant 0 : i32
    %dma_start3A_358 = tpu.memref_slice %arg5[%dma_start3A_356, %dma_start3A_357] : memref<20480x64xf32, #tpu.memory_space<hbm>> -> memref<20480x64xf32, #tpu.memory_space<hbm>>
    tpu.enqueue_indirect_dma source(%dma_start3A_358 : memref<20480x64xf32, #tpu.memory_space<hbm>>) target(%arg15 : memref<128x64xf32, #tpu.memory_space<vmem>>) offsets(%dma_start3A_355 : memref<128xi32, #tpu.memory_space<vmem>>) semaphore(%arg23 : memref<!tpu.dma_semaphore, #tpu.memory_space<semaphore_mem>>)
    %dma_start3A_359 = arith.constant 2 : i32
    %dma_start3A_360 = arith.constant 0 : i32
    %dma_start3A_361 = tpu.memref_slice %arg9[%dma_start3A_359, %dma_start3A_360] : memref<8x128xi32, #tpu.memory_space<vmem>> -> memref<1x128xi32, #tpu.memory_space<vmem>>
    %dma_start3A_362 = tpu.memref_squeeze %dma_start3A_361 : memref<1x128xi32, #tpu.memory_space<vmem>> -> memref<128xi32, #tpu.memory_space<vmem>>
    %dma_start3A_363 = arith.constant 0 : i32
    %dma_start3A_364 = arith.constant 0 : i32
    %dma_start3A_365 = tpu.memref_slice %arg5[%dma_start3A_363, %dma_start3A_364] : memref<20480x64xf32, #tpu.memory_space<hbm>> -> memref<20480x64xf32, #tpu.memory_space<hbm>>
    tpu.enqueue_indirect_dma source(%dma_start3A_365 : memref<20480x64xf32, #tpu.memory_space<hbm>>) target(%arg16 : memref<128x64xf32, #tpu.memory_space<vmem>>) offsets(%dma_start3A_362 : memref<128xi32, #tpu.memory_space<vmem>>) semaphore(%arg23 : memref<!tpu.dma_semaphore, #tpu.memory_space<semaphore_mem>>)
    %dma_start3A_366 = arith.constant 3 : i32
    %dma_start3A_367 = arith.constant 0 : i32
    %dma_start3A_368 = tpu.memref_slice %arg9[%dma_start3A_366, %dma_start3A_367] : memref<8x128xi32, #tpu.memory_space<vmem>> -> memref<1x128xi32, #tpu.memory_space<vmem>>
    %dma_start3A_369 = tpu.memref_squeeze %dma_start3A_368 : memref<1x128xi32, #tpu.memory_space<vmem>> -> memref<128xi32, #tpu.memory_space<vmem>>
    %dma_start3A_370 = arith.constant 0 : i32
    %dma_start3A_371 = arith.constant 0 : i32
    %dma_start3A_372 = tpu.memref_slice %arg5[%dma_start3A_370, %dma_start3A_371] : memref<20480x64xf32, #tpu.memory_space<hbm>> -> memref<20480x64xf32, #tpu.memory_space<hbm>>
    tpu.enqueue_indirect_dma source(%dma_start3A_372 : memref<20480x64xf32, #tpu.memory_space<hbm>>) target(%arg17 : memref<128x64xf32, #tpu.memory_space<vmem>>) offsets(%dma_start3A_369 : memref<128xi32, #tpu.memory_space<vmem>>) semaphore(%arg23 : memref<!tpu.dma_semaphore, #tpu.memory_space<semaphore_mem>>)
    %dma_wait3A_373 = arith.constant 4 : i32
    %dma_wait3A_374 = arith.constant 0 : i32
    %dma_wait3A_375 = tpu.memref_slice %arg8[%dma_wait3A_373, %dma_wait3A_374] : memref<8x128xi32, #tpu.memory_space<vmem>> -> memref<1x128xi32, #tpu.memory_space<vmem>>
    %dma_wait3A_376 = tpu.memref_squeeze %dma_wait3A_375 : memref<1x128xi32, #tpu.memory_space<vmem>> -> memref<128xi32, #tpu.memory_space<vmem>>
    %dma_wait3A_377 = arith.constant 0 : i32
    %dma_wait3A_378 = arith.constant 0 : i32
    %dma_wait3A_379 = tpu.memref_slice %arg20[%dma_wait3A_377, %dma_wait3A_378] : memref<10240x64xf32, #tpu.memory_space<vmem_shared>> -> memref<10240x64xf32, #tpu.memory_space<vmem_shared>>
    tpu.wait_indirect_dma semaphore(%arg22 : memref<!tpu.dma_semaphore, #tpu.memory_space<semaphore_mem>>) src(%arg10 : memref<128x64xf32, #tpu.memory_space<vmem>>) dst(%dma_wait3A_379 : memref<10240x64xf32, #tpu.memory_space<vmem_shared>>)
    %dma_wait3A_380 = arith.constant 5 : i32
    %dma_wait3A_381 = arith.constant 0 : i32
    %dma_wait3A_382 = tpu.memref_slice %arg8[%dma_wait3A_380, %dma_wait3A_381] : memref<8x128xi32, #tpu.memory_space<vmem>> -> memref<1x128xi32, #tpu.memory_space<vmem>>
    %dma_wait3A_383 = tpu.memref_squeeze %dma_wait3A_382 : memref<1x128xi32, #tpu.memory_space<vmem>> -> memref<128xi32, #tpu.memory_space<vmem>>
    %dma_wait3A_384 = arith.constant 0 : i32
    %dma_wait3A_385 = arith.constant 0 : i32
    %dma_wait3A_386 = tpu.memref_slice %arg20[%dma_wait3A_384, %dma_wait3A_385] : memref<10240x64xf32, #tpu.memory_space<vmem_shared>> -> memref<10240x64xf32, #tpu.memory_space<vmem_shared>>
    tpu.wait_indirect_dma semaphore(%arg22 : memref<!tpu.dma_semaphore, #tpu.memory_space<semaphore_mem>>) src(%arg11 : memref<128x64xf32, #tpu.memory_space<vmem>>) dst(%dma_wait3A_386 : memref<10240x64xf32, #tpu.memory_space<vmem_shared>>)
    %dma_wait3A_387 = arith.constant 6 : i32
    %dma_wait3A_388 = arith.constant 0 : i32
    %dma_wait3A_389 = tpu.memref_slice %arg8[%dma_wait3A_387, %dma_wait3A_388] : memref<8x128xi32, #tpu.memory_space<vmem>> -> memref<1x128xi32, #tpu.memory_space<vmem>>
    %dma_wait3A_390 = tpu.memref_squeeze %dma_wait3A_389 : memref<1x128xi32, #tpu.memory_space<vmem>> -> memref<128xi32, #tpu.memory_space<vmem>>
    %dma_wait3A_391 = arith.constant 0 : i32
    %dma_wait3A_392 = arith.constant 0 : i32
    %dma_wait3A_393 = tpu.memref_slice %arg20[%dma_wait3A_391, %dma_wait3A_392] : memref<10240x64xf32, #tpu.memory_space<vmem_shared>> -> memref<10240x64xf32, #tpu.memory_space<vmem_shared>>
    tpu.wait_indirect_dma semaphore(%arg22 : memref<!tpu.dma_semaphore, #tpu.memory_space<semaphore_mem>>) src(%arg12 : memref<128x64xf32, #tpu.memory_space<vmem>>) dst(%dma_wait3A_393 : memref<10240x64xf32, #tpu.memory_space<vmem_shared>>)
    %dma_wait3A_394 = arith.constant 7 : i32
    %dma_wait3A_395 = arith.constant 0 : i32
    %dma_wait3A_396 = tpu.memref_slice %arg8[%dma_wait3A_394, %dma_wait3A_395] : memref<8x128xi32, #tpu.memory_space<vmem>> -> memref<1x128xi32, #tpu.memory_space<vmem>>
    %dma_wait3A_397 = tpu.memref_squeeze %dma_wait3A_396 : memref<1x128xi32, #tpu.memory_space<vmem>> -> memref<128xi32, #tpu.memory_space<vmem>>
    %dma_wait3A_398 = arith.constant 0 : i32
    %dma_wait3A_399 = arith.constant 0 : i32
    %dma_wait3A_400 = tpu.memref_slice %arg20[%dma_wait3A_398, %dma_wait3A_399] : memref<10240x64xf32, #tpu.memory_space<vmem_shared>> -> memref<10240x64xf32, #tpu.memory_space<vmem_shared>>
    tpu.wait_indirect_dma semaphore(%arg22 : memref<!tpu.dma_semaphore, #tpu.memory_space<semaphore_mem>>) src(%arg13 : memref<128x64xf32, #tpu.memory_space<vmem>>) dst(%dma_wait3A_400 : memref<10240x64xf32, #tpu.memory_space<vmem_shared>>)
    %dma_wait3A_401 = arith.constant 0 : i32
    %dma_wait3A_402 = arith.constant 0 : i32
    %dma_wait3A_403 = tpu.memref_slice %arg9[%dma_wait3A_401, %dma_wait3A_402] : memref<8x128xi32, #tpu.memory_space<vmem>> -> memref<1x128xi32, #tpu.memory_space<vmem>>
    %dma_wait3A_404 = tpu.memref_squeeze %dma_wait3A_403 : memref<1x128xi32, #tpu.memory_space<vmem>> -> memref<128xi32, #tpu.memory_space<vmem>>
    %dma_wait3A_405 = arith.constant 0 : i32
    %dma_wait3A_406 = arith.constant 0 : i32
    %dma_wait3A_407 = tpu.memref_slice %arg5[%dma_wait3A_405, %dma_wait3A_406] : memref<20480x64xf32, #tpu.memory_space<hbm>> -> memref<20480x64xf32, #tpu.memory_space<hbm>>
    tpu.wait_indirect_dma semaphore(%arg23 : memref<!tpu.dma_semaphore, #tpu.memory_space<semaphore_mem>>) src(%dma_wait3A_407 : memref<20480x64xf32, #tpu.memory_space<hbm>>) dst(%arg14 : memref<128x64xf32, #tpu.memory_space<vmem>>)
    %dma_wait3A_408 = arith.constant 1 : i32
    %dma_wait3A_409 = arith.constant 0 : i32
    %dma_wait3A_410 = tpu.memref_slice %arg9[%dma_wait3A_408, %dma_wait3A_409] : memref<8x128xi32, #tpu.memory_space<vmem>> -> memref<1x128xi32, #tpu.memory_space<vmem>>
    %dma_wait3A_411 = tpu.memref_squeeze %dma_wait3A_410 : memref<1x128xi32, #tpu.memory_space<vmem>> -> memref<128xi32, #tpu.memory_space<vmem>>
    %dma_wait3A_412 = arith.constant 0 : i32
    %dma_wait3A_413 = arith.constant 0 : i32
    %dma_wait3A_414 = tpu.memref_slice %arg5[%dma_wait3A_412, %dma_wait3A_413] : memref<20480x64xf32, #tpu.memory_space<hbm>> -> memref<20480x64xf32, #tpu.memory_space<hbm>>
    tpu.wait_indirect_dma semaphore(%arg23 : memref<!tpu.dma_semaphore, #tpu.memory_space<semaphore_mem>>) src(%dma_wait3A_414 : memref<20480x64xf32, #tpu.memory_space<hbm>>) dst(%arg15 : memref<128x64xf32, #tpu.memory_space<vmem>>)
    %dma_wait3A_415 = arith.constant 2 : i32
    %dma_wait3A_416 = arith.constant 0 : i32
    %dma_wait3A_417 = tpu.memref_slice %arg9[%dma_wait3A_415, %dma_wait3A_416] : memref<8x128xi32, #tpu.memory_space<vmem>> -> memref<1x128xi32, #tpu.memory_space<vmem>>
    %dma_wait3A_418 = tpu.memref_squeeze %dma_wait3A_417 : memref<1x128xi32, #tpu.memory_space<vmem>> -> memref<128xi32, #tpu.memory_space<vmem>>
    %dma_wait3A_419 = arith.constant 0 : i32
    %dma_wait3A_420 = arith.constant 0 : i32
    %dma_wait3A_421 = tpu.memref_slice %arg5[%dma_wait3A_419, %dma_wait3A_420] : memref<20480x64xf32, #tpu.memory_space<hbm>> -> memref<20480x64xf32, #tpu.memory_space<hbm>>
    tpu.wait_indirect_dma semaphore(%arg23 : memref<!tpu.dma_semaphore, #tpu.memory_space<semaphore_mem>>) src(%dma_wait3A_421 : memref<20480x64xf32, #tpu.memory_space<hbm>>) dst(%arg16 : memref<128x64xf32, #tpu.memory_space<vmem>>)
    %dma_wait3A_422 = arith.constant 3 : i32
    %dma_wait3A_423 = arith.constant 0 : i32
    %dma_wait3A_424 = tpu.memref_slice %arg9[%dma_wait3A_422, %dma_wait3A_423] : memref<8x128xi32, #tpu.memory_space<vmem>> -> memref<1x128xi32, #tpu.memory_space<vmem>>
    %dma_wait3A_425 = tpu.memref_squeeze %dma_wait3A_424 : memref<1x128xi32, #tpu.memory_space<vmem>> -> memref<128xi32, #tpu.memory_space<vmem>>
    %dma_wait3A_426 = arith.constant 0 : i32
    %dma_wait3A_427 = arith.constant 0 : i32
    %dma_wait3A_428 = tpu.memref_slice %arg5[%dma_wait3A_426, %dma_wait3A_427] : memref<20480x64xf32, #tpu.memory_space<hbm>> -> memref<20480x64xf32, #tpu.memory_space<hbm>>
    tpu.wait_indirect_dma semaphore(%arg23 : memref<!tpu.dma_semaphore, #tpu.memory_space<semaphore_mem>>) src(%dma_wait3A_428 : memref<20480x64xf32, #tpu.memory_space<hbm>>) dst(%arg17 : memref<128x64xf32, #tpu.memory_space<vmem>>)
    %dma_start3A_429 = arith.constant 4 : i32
    %dma_start3A_430 = arith.constant 0 : i32
    %dma_start3A_431 = tpu.memref_slice %arg9[%dma_start3A_429, %dma_start3A_430] : memref<8x128xi32, #tpu.memory_space<vmem>> -> memref<1x128xi32, #tpu.memory_space<vmem>>
    %dma_start3A_432 = tpu.memref_squeeze %dma_start3A_431 : memref<1x128xi32, #tpu.memory_space<vmem>> -> memref<128xi32, #tpu.memory_space<vmem>>
    %dma_start3A_433 = arith.constant 0 : i32
    %dma_start3A_434 = arith.constant 0 : i32
    %dma_start3A_435 = tpu.memref_slice %arg20[%dma_start3A_433, %dma_start3A_434] : memref<10240x64xf32, #tpu.memory_space<vmem_shared>> -> memref<10240x64xf32, #tpu.memory_space<vmem_shared>>
    tpu.enqueue_indirect_dma source(%arg14 : memref<128x64xf32, #tpu.memory_space<vmem>>) target(%dma_start3A_435 : memref<10240x64xf32, #tpu.memory_space<vmem_shared>>) offsets(%dma_start3A_432 : memref<128xi32, #tpu.memory_space<vmem>>) semaphore(%arg24 : memref<!tpu.dma_semaphore, #tpu.memory_space<semaphore_mem>>) {add = true}
    %dma_start3A_436 = arith.constant 5 : i32
    %dma_start3A_437 = arith.constant 0 : i32
    %dma_start3A_438 = tpu.memref_slice %arg9[%dma_start3A_436, %dma_start3A_437] : memref<8x128xi32, #tpu.memory_space<vmem>> -> memref<1x128xi32, #tpu.memory_space<vmem>>
    %dma_start3A_439 = tpu.memref_squeeze %dma_start3A_438 : memref<1x128xi32, #tpu.memory_space<vmem>> -> memref<128xi32, #tpu.memory_space<vmem>>
    %dma_start3A_440 = arith.constant 0 : i32
    %dma_start3A_441 = arith.constant 0 : i32
    %dma_start3A_442 = tpu.memref_slice %arg20[%dma_start3A_440, %dma_start3A_441] : memref<10240x64xf32, #tpu.memory_space<vmem_shared>> -> memref<10240x64xf32, #tpu.memory_space<vmem_shared>>
    tpu.enqueue_indirect_dma source(%arg15 : memref<128x64xf32, #tpu.memory_space<vmem>>) target(%dma_start3A_442 : memref<10240x64xf32, #tpu.memory_space<vmem_shared>>) offsets(%dma_start3A_439 : memref<128xi32, #tpu.memory_space<vmem>>) semaphore(%arg24 : memref<!tpu.dma_semaphore, #tpu.memory_space<semaphore_mem>>) {add = true}
    %dma_start3A_443 = arith.constant 6 : i32
    %dma_start3A_444 = arith.constant 0 : i32
    %dma_start3A_445 = tpu.memref_slice %arg9[%dma_start3A_443, %dma_start3A_444] : memref<8x128xi32, #tpu.memory_space<vmem>> -> memref<1x128xi32, #tpu.memory_space<vmem>>
    %dma_start3A_446 = tpu.memref_squeeze %dma_start3A_445 : memref<1x128xi32, #tpu.memory_space<vmem>> -> memref<128xi32, #tpu.memory_space<vmem>>
    %dma_start3A_447 = arith.constant 0 : i32
    %dma_start3A_448 = arith.constant 0 : i32
    %dma_start3A_449 = tpu.memref_slice %arg20[%dma_start3A_447, %dma_start3A_448] : memref<10240x64xf32, #tpu.memory_space<vmem_shared>> -> memref<10240x64xf32, #tpu.memory_space<vmem_shared>>
    tpu.enqueue_indirect_dma source(%arg16 : memref<128x64xf32, #tpu.memory_space<vmem>>) target(%dma_start3A_449 : memref<10240x64xf32, #tpu.memory_space<vmem_shared>>) offsets(%dma_start3A_446 : memref<128xi32, #tpu.memory_space<vmem>>) semaphore(%arg24 : memref<!tpu.dma_semaphore, #tpu.memory_space<semaphore_mem>>) {add = true}
    %dma_start3A_450 = arith.constant 7 : i32
    %dma_start3A_451 = arith.constant 0 : i32
    %dma_start3A_452 = tpu.memref_slice %arg9[%dma_start3A_450, %dma_start3A_451] : memref<8x128xi32, #tpu.memory_space<vmem>> -> memref<1x128xi32, #tpu.memory_space<vmem>>
    %dma_start3A_453 = tpu.memref_squeeze %dma_start3A_452 : memref<1x128xi32, #tpu.memory_space<vmem>> -> memref<128xi32, #tpu.memory_space<vmem>>
    %dma_start3A_454 = arith.constant 0 : i32
    %dma_start3A_455 = arith.constant 0 : i32
    %dma_start3A_456 = tpu.memref_slice %arg20[%dma_start3A_454, %dma_start3A_455] : memref<10240x64xf32, #tpu.memory_space<vmem_shared>> -> memref<10240x64xf32, #tpu.memory_space<vmem_shared>>
    tpu.enqueue_indirect_dma source(%arg17 : memref<128x64xf32, #tpu.memory_space<vmem>>) target(%dma_start3A_456 : memref<10240x64xf32, #tpu.memory_space<vmem_shared>>) offsets(%dma_start3A_453 : memref<128xi32, #tpu.memory_space<vmem>>) semaphore(%arg24 : memref<!tpu.dma_semaphore, #tpu.memory_space<semaphore_mem>>) {add = true}
    %dma_wait3A_457 = arith.constant 4 : i32
    %dma_wait3A_458 = arith.constant 0 : i32
    %dma_wait3A_459 = tpu.memref_slice %arg9[%dma_wait3A_457, %dma_wait3A_458] : memref<8x128xi32, #tpu.memory_space<vmem>> -> memref<1x128xi32, #tpu.memory_space<vmem>>
    %dma_wait3A_460 = tpu.memref_squeeze %dma_wait3A_459 : memref<1x128xi32, #tpu.memory_space<vmem>> -> memref<128xi32, #tpu.memory_space<vmem>>
    %dma_wait3A_461 = arith.constant 0 : i32
    %dma_wait3A_462 = arith.constant 0 : i32
    %dma_wait3A_463 = tpu.memref_slice %arg20[%dma_wait3A_461, %dma_wait3A_462] : memref<10240x64xf32, #tpu.memory_space<vmem_shared>> -> memref<10240x64xf32, #tpu.memory_space<vmem_shared>>
    tpu.wait_indirect_dma semaphore(%arg24 : memref<!tpu.dma_semaphore, #tpu.memory_space<semaphore_mem>>) src(%arg14 : memref<128x64xf32, #tpu.memory_space<vmem>>) dst(%dma_wait3A_463 : memref<10240x64xf32, #tpu.memory_space<vmem_shared>>)
    %dma_wait3A_464 = arith.constant 5 : i32
    %dma_wait3A_465 = arith.constant 0 : i32
    %dma_wait3A_466 = tpu.memref_slice %arg9[%dma_wait3A_464, %dma_wait3A_465] : memref<8x128xi32, #tpu.memory_space<vmem>> -> memref<1x128xi32, #tpu.memory_space<vmem>>
    %dma_wait3A_467 = tpu.memref_squeeze %dma_wait3A_466 : memref<1x128xi32, #tpu.memory_space<vmem>> -> memref<128xi32, #tpu.memory_space<vmem>>
    %dma_wait3A_468 = arith.constant 0 : i32
    %dma_wait3A_469 = arith.constant 0 : i32
    %dma_wait3A_470 = tpu.memref_slice %arg20[%dma_wait3A_468, %dma_wait3A_469] : memref<10240x64xf32, #tpu.memory_space<vmem_shared>> -> memref<10240x64xf32, #tpu.memory_space<vmem_shared>>
    tpu.wait_indirect_dma semaphore(%arg24 : memref<!tpu.dma_semaphore, #tpu.memory_space<semaphore_mem>>) src(%arg15 : memref<128x64xf32, #tpu.memory_space<vmem>>) dst(%dma_wait3A_470 : memref<10240x64xf32, #tpu.memory_space<vmem_shared>>)
    %dma_wait3A_471 = arith.constant 6 : i32
    %dma_wait3A_472 = arith.constant 0 : i32
    %dma_wait3A_473 = tpu.memref_slice %arg9[%dma_wait3A_471, %dma_wait3A_472] : memref<8x128xi32, #tpu.memory_space<vmem>> -> memref<1x128xi32, #tpu.memory_space<vmem>>
    %dma_wait3A_474 = tpu.memref_squeeze %dma_wait3A_473 : memref<1x128xi32, #tpu.memory_space<vmem>> -> memref<128xi32, #tpu.memory_space<vmem>>
    %dma_wait3A_475 = arith.constant 0 : i32
    %dma_wait3A_476 = arith.constant 0 : i32
    %dma_wait3A_477 = tpu.memref_slice %arg20[%dma_wait3A_475, %dma_wait3A_476] : memref<10240x64xf32, #tpu.memory_space<vmem_shared>> -> memref<10240x64xf32, #tpu.memory_space<vmem_shared>>
    tpu.wait_indirect_dma semaphore(%arg24 : memref<!tpu.dma_semaphore, #tpu.memory_space<semaphore_mem>>) src(%arg16 : memref<128x64xf32, #tpu.memory_space<vmem>>) dst(%dma_wait3A_477 : memref<10240x64xf32, #tpu.memory_space<vmem_shared>>)
    %dma_wait3A_478 = arith.constant 7 : i32
    %dma_wait3A_479 = arith.constant 0 : i32
    %dma_wait3A_480 = tpu.memref_slice %arg9[%dma_wait3A_478, %dma_wait3A_479] : memref<8x128xi32, #tpu.memory_space<vmem>> -> memref<1x128xi32, #tpu.memory_space<vmem>>
    %dma_wait3A_481 = tpu.memref_squeeze %dma_wait3A_480 : memref<1x128xi32, #tpu.memory_space<vmem>> -> memref<128xi32, #tpu.memory_space<vmem>>
    %dma_wait3A_482 = arith.constant 0 : i32
    %dma_wait3A_483 = arith.constant 0 : i32
    %dma_wait3A_484 = tpu.memref_slice %arg20[%dma_wait3A_482, %dma_wait3A_483] : memref<10240x64xf32, #tpu.memory_space<vmem_shared>> -> memref<10240x64xf32, #tpu.memory_space<vmem_shared>>
    tpu.wait_indirect_dma semaphore(%arg24 : memref<!tpu.dma_semaphore, #tpu.memory_space<semaphore_mem>>) src(%arg17 : memref<128x64xf32, #tpu.memory_space<vmem>>) dst(%dma_wait3A_484 : memref<10240x64xf32, #tpu.memory_space<vmem_shared>>)
    %barrier3A_485 = arith.constant 0 : index
    tpu.barrier barrier_id(%barrier3A_485)
    %scan3A_486 = arith.constant 0 : i32
    %scan3A_487 = arith.constant 0 : i32
    %scan3A_488 = arith.constant 5 : i32
    %scan3A_489 = arith.addi %scan3A_487, %scan3A_488 : i32
    %scan3A_490 = arith.constant 1 : i32
    scf.for %scan3A_732 = %scan3A_487 to %scan3A_489 step %scan3A_490  : i32 {
      %mul3A_733 = arith.constant 640 : i32
      %mul3A_734 = arith.muli %arg1, %mul3A_733 : i32
      %mul3A_735 = arith.constant 128 : i32
      %mul3A_736 = arith.muli %scan3A_732, %mul3A_735 : i32
      %add3A = arith.addi %mul3A_734, %mul3A_736 : i32
      %mul3A_737 = arith.constant 10240 : i32
      %mul3A_738 = arith.muli %arg0, %mul3A_737 : i32
      %add3A_739 = arith.addi %mul3A_738, %add3A : i32
      "tpu.region"() ({
        %run_scoped3A_746 = tpu.sem_alloc : memref<!tpu.dma_semaphore, #tpu.memory_space<semaphore_mem>>
        %dma_start3A_747 = arith.constant 0 : i32
        %dma_start3A_748 = tpu.memref_slice %arg20[%add3A, %dma_start3A_747] : memref<10240x64xf32, #tpu.memory_space<vmem_shared>> -> memref<128x64xf32, #tpu.memory_space<vmem_shared>>
        %dma_start3A_749 = arith.constant 0 : i32
        %dma_start3A_750 = tpu.memref_slice %arg20[%add3A, %dma_start3A_749] : memref<10240x64xf32, #tpu.memory_space<vmem_shared>> -> memref<128x64xf32, #tpu.memory_space<vmem_shared>>
        tpu.enqueue_dma source(%dma_start3A_750 : memref<128x64xf32, #tpu.memory_space<vmem_shared>>) target(%arg10 : memref<128x64xf32, #tpu.memory_space<vmem>>) target_semaphore(%run_scoped3A_746 : memref<!tpu.dma_semaphore, #tpu.memory_space<semaphore_mem>>)
        %dma_wait3A_751 = arith.constant 0 : i32
        %dma_wait3A_752 = tpu.memref_slice %arg20[%add3A, %dma_wait3A_751] : memref<10240x64xf32, #tpu.memory_space<vmem_shared>> -> memref<128x64xf32, #tpu.memory_space<vmem_shared>>
        %dma_wait3A_753 = arith.constant 0 : i32
        %dma_wait3A_754 = tpu.memref_slice %arg20[%add3A, %dma_wait3A_753] : memref<10240x64xf32, #tpu.memory_space<vmem_shared>> -> memref<128x64xf32, #tpu.memory_space<vmem_shared>>
        tpu.wait_dma2 semaphore(%run_scoped3A_746 : memref<!tpu.dma_semaphore, #tpu.memory_space<semaphore_mem>>) src(%dma_wait3A_754 : memref<128x64xf32, #tpu.memory_space<vmem_shared>>) dst(%arg10 : memref<128x64xf32, #tpu.memory_space<vmem>>)
        tpu.yield
      }) : () -> ()
      "tpu.region"() ({
        %run_scoped3A_746 = tpu.sem_alloc : memref<!tpu.dma_semaphore, #tpu.memory_space<semaphore_mem>>
        %dma_start3A_747 = arith.constant 0 : i32
        %dma_start3A_748 = tpu.memref_slice %arg6[%add3A_739, %dma_start3A_747] : memref<20480x64xf32, #tpu.memory_space<hbm>> -> memref<128x64xf32, #tpu.memory_space<hbm>>
        %dma_start3A_749 = arith.constant 0 : i32
        %dma_start3A_750 = tpu.memref_slice %arg6[%add3A_739, %dma_start3A_749] : memref<20480x64xf32, #tpu.memory_space<hbm>> -> memref<128x64xf32, #tpu.memory_space<hbm>>
        tpu.enqueue_dma source(%dma_start3A_750 : memref<128x64xf32, #tpu.memory_space<hbm>>) target(%arg14 : memref<128x64xf32, #tpu.memory_space<vmem>>) target_semaphore(%run_scoped3A_746 : memref<!tpu.dma_semaphore, #tpu.memory_space<semaphore_mem>>)
        %dma_wait3A_751 = arith.constant 0 : i32
        %dma_wait3A_752 = tpu.memref_slice %arg6[%add3A_739, %dma_wait3A_751] : memref<20480x64xf32, #tpu.memory_space<hbm>> -> memref<128x64xf32, #tpu.memory_space<hbm>>
        %dma_wait3A_753 = arith.constant 0 : i32
        %dma_wait3A_754 = tpu.memref_slice %arg6[%add3A_739, %dma_wait3A_753] : memref<20480x64xf32, #tpu.memory_space<hbm>> -> memref<128x64xf32, #tpu.memory_space<hbm>>
        tpu.wait_dma2 semaphore(%run_scoped3A_746 : memref<!tpu.dma_semaphore, #tpu.memory_space<semaphore_mem>>) src(%dma_wait3A_754 : memref<128x64xf32, #tpu.memory_space<hbm>>) dst(%arg14 : memref<128x64xf32, #tpu.memory_space<vmem>>)
        tpu.yield
      }) : () -> ()
      %scan3A_740 = arith.constant 0 : i32
      %scan3A_741 = arith.constant 0 : i32
      %scan3A_742 = arith.constant 128 : i32
      %scan3A_743 = arith.addi %scan3A_741, %scan3A_742 : i32
      %scan3A_744 = arith.constant 1 : i32
      scf.for %scan3A_746 = %scan3A_741 to %scan3A_743 step %scan3A_744  : i32 {
        %mul3A_747 = arith.constant 128 : i32
        %mul3A_748 = arith.muli %scan3A_732, %mul3A_747 : i32
        %add3A_749 = arith.addi %mul3A_748, %scan3A_746 : i32
        %get3A = arith.index_cast %add3A_749 : i32 to index
        %get3A_750 = arith.constant 0 : index
        %get3A_751 = tpu.vector_load %arg18[%get3A, %get3A_750] {strides = array<i32>} : memref<640x16xf32, #tpu.memory_space<vmem>>, vector<16xf32>,
        %get3A_752 = arith.index_cast %scan3A_746 : i32 to index
        %get3A_753 = arith.constant 0 : index
        %get3A_754 = tpu.vector_load %arg14[%get3A_752, %get3A_753] {strides = array<i32>} : memref<128x64xf32, #tpu.memory_space<vmem>>, vector<16xf32>,
        %get3A_755 = arith.index_cast %scan3A_746 : i32 to index
        %get3A_756 = arith.constant 0 : index
        %get3A_757 = tpu.vector_load %arg10[%get3A_755, %get3A_756] {strides = array<i32>} : memref<128x64xf32, #tpu.memory_space<vmem>>, vector<16xf32>,
        %mul3A_758 = arith.mulf %get3A_751, %get3A_757 : vector<16xf32>
        %mul3A_759 = arith.constant 4.500000e-01 : f32
        %mul3A_760 = vector.broadcast %mul3A_759 : f32 to vector<16xf32>
        %mul3A_761 = arith.mulf %mul3A_760, %mul3A_758 : vector<16xf32>
        %add3A_762 = arith.addf %get3A_754, %mul3A_761 : vector<16xf32>
        %max3A = arith.constant 0.000000e+00 : f32
        %max3A_763 = vector.broadcast %max3A : f32 to vector<16xf32>
        %max3A_764 = arith.maximumf %add3A_762, %max3A_763 : vector<16xf32>
        %swap3A = arith.index_cast %scan3A_746 : i32 to index
        %swap3A_765 = arith.constant 0 : index
        %swap3A_766 = tpu.vector_load %arg10[%swap3A, %swap3A_765] {strides = array<i32>} : memref<128x64xf32, #tpu.memory_space<vmem>>, vector<16xf32>,
        tpu.vector_store %arg10[%swap3A, %swap3A_765], %max3A_764 {strides = array<i32>} : memref<128x64xf32, #tpu.memory_space<vmem>>, vector<16xf32>,
        %broadcast_in_dim3A = arith.constant 0.000000e+00 : f32
        %broadcast_in_dim3A_767 = vector.broadcast %broadcast_in_dim3A : f32 to vector<16xf32>
        %swap3A_768 = arith.index_cast %scan3A_746 : i32 to index
        %swap3A_769 = arith.constant 0 : index
        %swap3A_770 = tpu.vector_load %arg14[%swap3A_768, %swap3A_769] {strides = array<i32>} : memref<128x64xf32, #tpu.memory_space<vmem>>, vector<16xf32>,
        tpu.vector_store %arg14[%swap3A_768, %swap3A_769], %broadcast_in_dim3A_767 {strides = array<i32>} : memref<128x64xf32, #tpu.memory_space<vmem>>, vector<16xf32>,
        %get3A_771 = arith.index_cast %scan3A_746 : i32 to index
        %get3A_772 = arith.constant 16 : index
        %get3A_773 = tpu.vector_load %arg14[%get3A_771, %get3A_772] {strides = array<i32>} : memref<128x64xf32, #tpu.memory_space<vmem>>, vector<16xf32>,
        %get3A_774 = arith.index_cast %scan3A_746 : i32 to index
        %get3A_775 = arith.constant 16 : index
        %get3A_776 = tpu.vector_load %arg10[%get3A_774, %get3A_775] {strides = array<i32>} : memref<128x64xf32, #tpu.memory_space<vmem>>, vector<16xf32>,
        %mul3A_777 = arith.mulf %get3A_751, %get3A_776 : vector<16xf32>
        %mul3A_778 = arith.constant 4.500000e-01 : f32
        %mul3A_779 = vector.broadcast %mul3A_778 : f32 to vector<16xf32>
        %mul3A_780 = arith.mulf %mul3A_779, %mul3A_777 : vector<16xf32>
        %add3A_781 = arith.addf %get3A_773, %mul3A_780 : vector<16xf32>
        %max3A_782 = arith.constant 0.000000e+00 : f32
        %max3A_783 = vector.broadcast %max3A_782 : f32 to vector<16xf32>
        %max3A_784 = arith.maximumf %add3A_781, %max3A_783 : vector<16xf32>
        %swap3A_785 = arith.index_cast %scan3A_746 : i32 to index
        %swap3A_786 = arith.constant 16 : index
        %swap3A_787 = tpu.vector_load %arg10[%swap3A_785, %swap3A_786] {strides = array<i32>} : memref<128x64xf32, #tpu.memory_space<vmem>>, vector<16xf32>,
        tpu.vector_store %arg10[%swap3A_785, %swap3A_786], %max3A_784 {strides = array<i32>} : memref<128x64xf32, #tpu.memory_space<vmem>>, vector<16xf32>,
        %broadcast_in_dim3A_788 = arith.constant 0.000000e+00 : f32
        %broadcast_in_dim3A_789 = vector.broadcast %broadcast_in_dim3A_788 : f32 to vector<16xf32>
        %swap3A_790 = arith.index_cast %scan3A_746 : i32 to index
        %swap3A_791 = arith.constant 16 : index
        %swap3A_792 = tpu.vector_load %arg14[%swap3A_790, %swap3A_791] {strides = array<i32>} : memref<128x64xf32, #tpu.memory_space<vmem>>, vector<16xf32>,
        tpu.vector_store %arg14[%swap3A_790, %swap3A_791], %broadcast_in_dim3A_789 {strides = array<i32>} : memref<128x64xf32, #tpu.memory_space<vmem>>, vector<16xf32>,
        %get3A_793 = arith.index_cast %scan3A_746 : i32 to index
        %get3A_794 = arith.constant 32 : index
        %get3A_795 = tpu.vector_load %arg14[%get3A_793, %get3A_794] {strides = array<i32>} : memref<128x64xf32, #tpu.memory_space<vmem>>, vector<16xf32>,
        %get3A_796 = arith.index_cast %scan3A_746 : i32 to index
        %get3A_797 = arith.constant 32 : index
        %get3A_798 = tpu.vector_load %arg10[%get3A_796, %get3A_797] {strides = array<i32>} : memref<128x64xf32, #tpu.memory_space<vmem>>, vector<16xf32>,
        %mul3A_799 = arith.mulf %get3A_751, %get3A_798 : vector<16xf32>
        %mul3A_800 = arith.constant 4.500000e-01 : f32
        %mul3A_801 = vector.broadcast %mul3A_800 : f32 to vector<16xf32>
        %mul3A_802 = arith.mulf %mul3A_801, %mul3A_799 : vector<16xf32>
        %add3A_803 = arith.addf %get3A_795, %mul3A_802 : vector<16xf32>
        %max3A_804 = arith.constant 0.000000e+00 : f32
        %max3A_805 = vector.broadcast %max3A_804 : f32 to vector<16xf32>
        %max3A_806 = arith.maximumf %add3A_803, %max3A_805 : vector<16xf32>
        %swap3A_807 = arith.index_cast %scan3A_746 : i32 to index
        %swap3A_808 = arith.constant 32 : index
        %swap3A_809 = tpu.vector_load %arg10[%swap3A_807, %swap3A_808] {strides = array<i32>} : memref<128x64xf32, #tpu.memory_space<vmem>>, vector<16xf32>,
        tpu.vector_store %arg10[%swap3A_807, %swap3A_808], %max3A_806 {strides = array<i32>} : memref<128x64xf32, #tpu.memory_space<vmem>>, vector<16xf32>,
        %broadcast_in_dim3A_810 = arith.constant 0.000000e+00 : f32
        %broadcast_in_dim3A_811 = vector.broadcast %broadcast_in_dim3A_810 : f32 to vector<16xf32>
        %swap3A_812 = arith.index_cast %scan3A_746 : i32 to index
        %swap3A_813 = arith.constant 32 : index
        %swap3A_814 = tpu.vector_load %arg14[%swap3A_812, %swap3A_813] {strides = array<i32>} : memref<128x64xf32, #tpu.memory_space<vmem>>, vector<16xf32>,
        tpu.vector_store %arg14[%swap3A_812, %swap3A_813], %broadcast_in_dim3A_811 {strides = array<i32>} : memref<128x64xf32, #tpu.memory_space<vmem>>, vector<16xf32>,
        %get3A_815 = arith.index_cast %scan3A_746 : i32 to index
        %get3A_816 = arith.constant 48 : index
        %get3A_817 = tpu.vector_load %arg14[%get3A_815, %get3A_816] {strides = array<i32>} : memref<128x64xf32, #tpu.memory_space<vmem>>, vector<16xf32>,
        %get3A_818 = arith.index_cast %scan3A_746 : i32 to index
        %get3A_819 = arith.constant 48 : index
        %get3A_820 = tpu.vector_load %arg10[%get3A_818, %get3A_819] {strides = array<i32>} : memref<128x64xf32, #tpu.memory_space<vmem>>, vector<16xf32>,
        %mul3A_821 = arith.mulf %get3A_751, %get3A_820 : vector<16xf32>
        %mul3A_822 = arith.constant 4.500000e-01 : f32
        %mul3A_823 = vector.broadcast %mul3A_822 : f32 to vector<16xf32>
        %mul3A_824 = arith.mulf %mul3A_823, %mul3A_821 : vector<16xf32>
        %add3A_825 = arith.addf %get3A_817, %mul3A_824 : vector<16xf32>
        %max3A_826 = arith.constant 0.000000e+00 : f32
        %max3A_827 = vector.broadcast %max3A_826 : f32 to vector<16xf32>
        %max3A_828 = arith.maximumf %add3A_825, %max3A_827 : vector<16xf32>
        %swap3A_829 = arith.index_cast %scan3A_746 : i32 to index
        %swap3A_830 = arith.constant 48 : index
        %swap3A_831 = tpu.vector_load %arg10[%swap3A_829, %swap3A_830] {strides = array<i32>} : memref<128x64xf32, #tpu.memory_space<vmem>>, vector<16xf32>,
        tpu.vector_store %arg10[%swap3A_829, %swap3A_830], %max3A_828 {strides = array<i32>} : memref<128x64xf32, #tpu.memory_space<vmem>>, vector<16xf32>,
        %broadcast_in_dim3A_832 = arith.constant 0.000000e+00 : f32
        %broadcast_in_dim3A_833 = vector.broadcast %broadcast_in_dim3A_832 : f32 to vector<16xf32>
        %swap3A_834 = arith.index_cast %scan3A_746 : i32 to index
        %swap3A_835 = arith.constant 48 : index
        %swap3A_836 = tpu.vector_load %arg14[%swap3A_834, %swap3A_835] {strides = array<i32>} : memref<128x64xf32, #tpu.memory_space<vmem>>, vector<16xf32>,
        tpu.vector_store %arg14[%swap3A_834, %swap3A_835], %broadcast_in_dim3A_833 {strides = array<i32>} : memref<128x64xf32, #tpu.memory_space<vmem>>, vector<16xf32>,
      }
      %scan3A_745 = arith.constant 128 : i32
      "tpu.region"() ({
        %run_scoped3A_746 = tpu.sem_alloc : memref<!tpu.dma_semaphore, #tpu.memory_space<semaphore_mem>>
        %dma_start3A_747 = arith.constant 0 : i32
        %dma_start3A_748 = tpu.memref_slice %arg5[%add3A_739, %dma_start3A_747] : memref<20480x64xf32, #tpu.memory_space<hbm>> -> memref<128x64xf32, #tpu.memory_space<hbm>>
        %dma_start3A_749 = arith.constant 0 : i32
        %dma_start3A_750 = tpu.memref_slice %arg5[%add3A_739, %dma_start3A_749] : memref<20480x64xf32, #tpu.memory_space<hbm>> -> memref<128x64xf32, #tpu.memory_space<hbm>>
        tpu.enqueue_dma source(%arg10 : memref<128x64xf32, #tpu.memory_space<vmem>>) target(%dma_start3A_750 : memref<128x64xf32, #tpu.memory_space<hbm>>) target_semaphore(%run_scoped3A_746 : memref<!tpu.dma_semaphore, #tpu.memory_space<semaphore_mem>>)
        %dma_wait3A_751 = arith.constant 0 : i32
        %dma_wait3A_752 = tpu.memref_slice %arg5[%add3A_739, %dma_wait3A_751] : memref<20480x64xf32, #tpu.memory_space<hbm>> -> memref<128x64xf32, #tpu.memory_space<hbm>>
        %dma_wait3A_753 = arith.constant 0 : i32
        %dma_wait3A_754 = tpu.memref_slice %arg5[%add3A_739, %dma_wait3A_753] : memref<20480x64xf32, #tpu.memory_space<hbm>> -> memref<128x64xf32, #tpu.memory_space<hbm>>
        tpu.wait_dma2 semaphore(%run_scoped3A_746 : memref<!tpu.dma_semaphore, #tpu.memory_space<semaphore_mem>>) src(%arg10 : memref<128x64xf32, #tpu.memory_space<vmem>>) dst(%dma_wait3A_754 : memref<128x64xf32, #tpu.memory_space<hbm>>)
        tpu.yield
      }) : () -> ()
      "tpu.region"() ({
        %run_scoped3A_746 = tpu.sem_alloc : memref<!tpu.dma_semaphore, #tpu.memory_space<semaphore_mem>>
        %dma_start3A_747 = arith.constant 0 : i32
        %dma_start3A_748 = tpu.memref_slice %arg20[%add3A, %dma_start3A_747] : memref<10240x64xf32, #tpu.memory_space<vmem_shared>> -> memref<128x64xf32, #tpu.memory_space<vmem_shared>>
        %dma_start3A_749 = arith.constant 0 : i32
        %dma_start3A_750 = tpu.memref_slice %arg20[%add3A, %dma_start3A_749] : memref<10240x64xf32, #tpu.memory_space<vmem_shared>> -> memref<128x64xf32, #tpu.memory_space<vmem_shared>>
        tpu.enqueue_dma source(%arg14 : memref<128x64xf32, #tpu.memory_space<vmem>>) target(%dma_start3A_750 : memref<128x64xf32, #tpu.memory_space<vmem_shared>>) target_semaphore(%run_scoped3A_746 : memref<!tpu.dma_semaphore, #tpu.memory_space<semaphore_mem>>)
        %dma_wait3A_751 = arith.constant 0 : i32
        %dma_wait3A_752 = tpu.memref_slice %arg20[%add3A, %dma_wait3A_751] : memref<10240x64xf32, #tpu.memory_space<vmem_shared>> -> memref<128x64xf32, #tpu.memory_space<vmem_shared>>
        %dma_wait3A_753 = arith.constant 0 : i32
        %dma_wait3A_754 = tpu.memref_slice %arg20[%add3A, %dma_wait3A_753] : memref<10240x64xf32, #tpu.memory_space<vmem_shared>> -> memref<128x64xf32, #tpu.memory_space<vmem_shared>>
        tpu.wait_dma2 semaphore(%run_scoped3A_746 : memref<!tpu.dma_semaphore, #tpu.memory_space<semaphore_mem>>) src(%arg14 : memref<128x64xf32, #tpu.memory_space<vmem>>) dst(%dma_wait3A_754 : memref<128x64xf32, #tpu.memory_space<vmem_shared>>)
        tpu.yield
      }) : () -> ()
    }
    %scan3A_491 = arith.constant 5 : i32
    %barrier3A_492 = arith.constant 0 : index
    tpu.barrier barrier_id(%barrier3A_492)
    %run_scoped3A_493 = arith.constant 0 : i32
    "tpu.region"() ({
      %run_scoped3A_732 = tpu.sem_alloc : memref<!tpu.dma_semaphore, #tpu.memory_space<semaphore_mem>>
      %dma_start3A_733 = arith.constant 0 : i32
      %dma_start3A_734 = arith.constant 0 : i32
      %dma_start3A_735 = tpu.memref_slice %arg3[%arg0, %arg1, %run_scoped3A_493, %dma_start3A_733, %dma_start3A_734] : memref<2x16x40x8x128xi32, #tpu.memory_space<hbm>> -> memref<1x1x1x8x128xi32, #tpu.memory_space<hbm>>
      %dma_start3A_736 = tpu.memref_squeeze %dma_start3A_735 : memref<1x1x1x8x128xi32, #tpu.memory_space<hbm>> -> memref<8x128xi32, #tpu.memory_space<hbm>>
      %dma_start3A_737 = arith.constant 0 : i32
      %dma_start3A_738 = arith.constant 0 : i32
      %dma_start3A_739 = tpu.memref_slice %arg3[%arg0, %arg1, %run_scoped3A_493, %dma_start3A_737, %dma_start3A_738] : memref<2x16x40x8x128xi32, #tpu.memory_space<hbm>> -> memref<1x1x1x8x128xi32, #tpu.memory_space<hbm>>
      %dma_start3A_740 = tpu.memref_squeeze %dma_start3A_739 : memref<1x1x1x8x128xi32, #tpu.memory_space<hbm>> -> memref<8x128xi32, #tpu.memory_space<hbm>>
      tpu.enqueue_dma source(%dma_start3A_740 : memref<8x128xi32, #tpu.memory_space<hbm>>) target(%arg8 : memref<8x128xi32, #tpu.memory_space<vmem>>) target_semaphore(%run_scoped3A_732 : memref<!tpu.dma_semaphore, #tpu.memory_space<semaphore_mem>>)
      %dma_wait3A_741 = arith.constant 0 : i32
      %dma_wait3A_742 = arith.constant 0 : i32
      %dma_wait3A_743 = tpu.memref_slice %arg3[%arg0, %arg1, %run_scoped3A_493, %dma_wait3A_741, %dma_wait3A_742] : memref<2x16x40x8x128xi32, #tpu.memory_space<hbm>> -> memref<1x1x1x8x128xi32, #tpu.memory_space<hbm>>
      %dma_wait3A_744 = tpu.memref_squeeze %dma_wait3A_743 : memref<1x1x1x8x128xi32, #tpu.memory_space<hbm>> -> memref<8x128xi32, #tpu.memory_space<hbm>>
      %dma_wait3A_745 = arith.constant 0 : i32
      %dma_wait3A_746 = arith.constant 0 : i32
      %dma_wait3A_747 = tpu.memref_slice %arg3[%arg0, %arg1, %run_scoped3A_493, %dma_wait3A_745, %dma_wait3A_746] : memref<2x16x40x8x128xi32, #tpu.memory_space<hbm>> -> memref<1x1x1x8x128xi32, #tpu.memory_space<hbm>>
      %dma_wait3A_748 = tpu.memref_squeeze %dma_wait3A_747 : memref<1x1x1x8x128xi32, #tpu.memory_space<hbm>> -> memref<8x128xi32, #tpu.memory_space<hbm>>
      tpu.wait_dma2 semaphore(%run_scoped3A_732 : memref<!tpu.dma_semaphore, #tpu.memory_space<semaphore_mem>>) src(%dma_wait3A_748 : memref<8x128xi32, #tpu.memory_space<hbm>>) dst(%arg8 : memref<8x128xi32, #tpu.memory_space<vmem>>)
      tpu.yield
    }) : () -> ()
    %dma_start3A_494 = arith.constant 0 : i32
    %dma_start3A_495 = arith.constant 0 : i32
    %dma_start3A_496 = tpu.memref_slice %arg8[%dma_start3A_494, %dma_start3A_495] : memref<8x128xi32, #tpu.memory_space<vmem>> -> memref<1x128xi32, #tpu.memory_space<vmem>>
    %dma_start3A_497 = tpu.memref_squeeze %dma_start3A_496 : memref<1x128xi32, #tpu.memory_space<vmem>> -> memref<128xi32, #tpu.memory_space<vmem>>
    %dma_start3A_498 = arith.constant 0 : i32
    %dma_start3A_499 = arith.constant 0 : i32
    %dma_start3A_500 = tpu.memref_slice %arg5[%dma_start3A_498, %dma_start3A_499] : memref<20480x64xf32, #tpu.memory_space<hbm>> -> memref<20480x64xf32, #tpu.memory_space<hbm>>
    tpu.enqueue_indirect_dma source(%dma_start3A_500 : memref<20480x64xf32, #tpu.memory_space<hbm>>) target(%arg10 : memref<128x64xf32, #tpu.memory_space<vmem>>) offsets(%dma_start3A_497 : memref<128xi32, #tpu.memory_space<vmem>>) semaphore(%arg21 : memref<!tpu.dma_semaphore, #tpu.memory_space<semaphore_mem>>)
    %dma_start3A_501 = arith.constant 1 : i32
    %dma_start3A_502 = arith.constant 0 : i32
    %dma_start3A_503 = tpu.memref_slice %arg8[%dma_start3A_501, %dma_start3A_502] : memref<8x128xi32, #tpu.memory_space<vmem>> -> memref<1x128xi32, #tpu.memory_space<vmem>>
    %dma_start3A_504 = tpu.memref_squeeze %dma_start3A_503 : memref<1x128xi32, #tpu.memory_space<vmem>> -> memref<128xi32, #tpu.memory_space<vmem>>
    %dma_start3A_505 = arith.constant 0 : i32
    %dma_start3A_506 = arith.constant 0 : i32
    %dma_start3A_507 = tpu.memref_slice %arg5[%dma_start3A_505, %dma_start3A_506] : memref<20480x64xf32, #tpu.memory_space<hbm>> -> memref<20480x64xf32, #tpu.memory_space<hbm>>
    tpu.enqueue_indirect_dma source(%dma_start3A_507 : memref<20480x64xf32, #tpu.memory_space<hbm>>) target(%arg11 : memref<128x64xf32, #tpu.memory_space<vmem>>) offsets(%dma_start3A_504 : memref<128xi32, #tpu.memory_space<vmem>>) semaphore(%arg21 : memref<!tpu.dma_semaphore, #tpu.memory_space<semaphore_mem>>)
    %dma_start3A_508 = arith.constant 2 : i32
    %dma_start3A_509 = arith.constant 0 : i32
    %dma_start3A_510 = tpu.memref_slice %arg8[%dma_start3A_508, %dma_start3A_509] : memref<8x128xi32, #tpu.memory_space<vmem>> -> memref<1x128xi32, #tpu.memory_space<vmem>>
    %dma_start3A_511 = tpu.memref_squeeze %dma_start3A_510 : memref<1x128xi32, #tpu.memory_space<vmem>> -> memref<128xi32, #tpu.memory_space<vmem>>
    %dma_start3A_512 = arith.constant 0 : i32
    %dma_start3A_513 = arith.constant 0 : i32
    %dma_start3A_514 = tpu.memref_slice %arg5[%dma_start3A_512, %dma_start3A_513] : memref<20480x64xf32, #tpu.memory_space<hbm>> -> memref<20480x64xf32, #tpu.memory_space<hbm>>
    tpu.enqueue_indirect_dma source(%dma_start3A_514 : memref<20480x64xf32, #tpu.memory_space<hbm>>) target(%arg12 : memref<128x64xf32, #tpu.memory_space<vmem>>) offsets(%dma_start3A_511 : memref<128xi32, #tpu.memory_space<vmem>>) semaphore(%arg21 : memref<!tpu.dma_semaphore, #tpu.memory_space<semaphore_mem>>)
    %dma_start3A_515 = arith.constant 3 : i32
    %dma_start3A_516 = arith.constant 0 : i32
    %dma_start3A_517 = tpu.memref_slice %arg8[%dma_start3A_515, %dma_start3A_516] : memref<8x128xi32, #tpu.memory_space<vmem>> -> memref<1x128xi32, #tpu.memory_space<vmem>>
    %dma_start3A_518 = tpu.memref_squeeze %dma_start3A_517 : memref<1x128xi32, #tpu.memory_space<vmem>> -> memref<128xi32, #tpu.memory_space<vmem>>
    %dma_start3A_519 = arith.constant 0 : i32
    %dma_start3A_520 = arith.constant 0 : i32
    %dma_start3A_521 = tpu.memref_slice %arg5[%dma_start3A_519, %dma_start3A_520] : memref<20480x64xf32, #tpu.memory_space<hbm>> -> memref<20480x64xf32, #tpu.memory_space<hbm>>
    tpu.enqueue_indirect_dma source(%dma_start3A_521 : memref<20480x64xf32, #tpu.memory_space<hbm>>) target(%arg13 : memref<128x64xf32, #tpu.memory_space<vmem>>) offsets(%dma_start3A_518 : memref<128xi32, #tpu.memory_space<vmem>>) semaphore(%arg21 : memref<!tpu.dma_semaphore, #tpu.memory_space<semaphore_mem>>)
    %dma_wait3A_522 = arith.constant 0 : i32
    %dma_wait3A_523 = arith.constant 0 : i32
    %dma_wait3A_524 = tpu.memref_slice %arg8[%dma_wait3A_522, %dma_wait3A_523] : memref<8x128xi32, #tpu.memory_space<vmem>> -> memref<1x128xi32, #tpu.memory_space<vmem>>
    %dma_wait3A_525 = tpu.memref_squeeze %dma_wait3A_524 : memref<1x128xi32, #tpu.memory_space<vmem>> -> memref<128xi32, #tpu.memory_space<vmem>>
    %dma_wait3A_526 = arith.constant 0 : i32
    %dma_wait3A_527 = arith.constant 0 : i32
    %dma_wait3A_528 = tpu.memref_slice %arg5[%dma_wait3A_526, %dma_wait3A_527] : memref<20480x64xf32, #tpu.memory_space<hbm>> -> memref<20480x64xf32, #tpu.memory_space<hbm>>
    tpu.wait_indirect_dma semaphore(%arg21 : memref<!tpu.dma_semaphore, #tpu.memory_space<semaphore_mem>>) src(%dma_wait3A_528 : memref<20480x64xf32, #tpu.memory_space<hbm>>) dst(%arg10 : memref<128x64xf32, #tpu.memory_space<vmem>>)
    %dma_wait3A_529 = arith.constant 1 : i32
    %dma_wait3A_530 = arith.constant 0 : i32
    %dma_wait3A_531 = tpu.memref_slice %arg8[%dma_wait3A_529, %dma_wait3A_530] : memref<8x128xi32, #tpu.memory_space<vmem>> -> memref<1x128xi32, #tpu.memory_space<vmem>>
    %dma_wait3A_532 = tpu.memref_squeeze %dma_wait3A_531 : memref<1x128xi32, #tpu.memory_space<vmem>> -> memref<128xi32, #tpu.memory_space<vmem>>
    %dma_wait3A_533 = arith.constant 0 : i32
    %dma_wait3A_534 = arith.constant 0 : i32
    %dma_wait3A_535 = tpu.memref_slice %arg5[%dma_wait3A_533, %dma_wait3A_534] : memref<20480x64xf32, #tpu.memory_space<hbm>> -> memref<20480x64xf32, #tpu.memory_space<hbm>>
    tpu.wait_indirect_dma semaphore(%arg21 : memref<!tpu.dma_semaphore, #tpu.memory_space<semaphore_mem>>) src(%dma_wait3A_535 : memref<20480x64xf32, #tpu.memory_space<hbm>>) dst(%arg11 : memref<128x64xf32, #tpu.memory_space<vmem>>)
    %dma_wait3A_536 = arith.constant 2 : i32
    %dma_wait3A_537 = arith.constant 0 : i32
    %dma_wait3A_538 = tpu.memref_slice %arg8[%dma_wait3A_536, %dma_wait3A_537] : memref<8x128xi32, #tpu.memory_space<vmem>> -> memref<1x128xi32, #tpu.memory_space<vmem>>
    %dma_wait3A_539 = tpu.memref_squeeze %dma_wait3A_538 : memref<1x128xi32, #tpu.memory_space<vmem>> -> memref<128xi32, #tpu.memory_space<vmem>>
    %dma_wait3A_540 = arith.constant 0 : i32
    %dma_wait3A_541 = arith.constant 0 : i32
    %dma_wait3A_542 = tpu.memref_slice %arg5[%dma_wait3A_540, %dma_wait3A_541] : memref<20480x64xf32, #tpu.memory_space<hbm>> -> memref<20480x64xf32, #tpu.memory_space<hbm>>
    tpu.wait_indirect_dma semaphore(%arg21 : memref<!tpu.dma_semaphore, #tpu.memory_space<semaphore_mem>>) src(%dma_wait3A_542 : memref<20480x64xf32, #tpu.memory_space<hbm>>) dst(%arg12 : memref<128x64xf32, #tpu.memory_space<vmem>>)
    %dma_wait3A_543 = arith.constant 3 : i32
    %dma_wait3A_544 = arith.constant 0 : i32
    %dma_wait3A_545 = tpu.memref_slice %arg8[%dma_wait3A_543, %dma_wait3A_544] : memref<8x128xi32, #tpu.memory_space<vmem>> -> memref<1x128xi32, #tpu.memory_space<vmem>>
    %dma_wait3A_546 = tpu.memref_squeeze %dma_wait3A_545 : memref<1x128xi32, #tpu.memory_space<vmem>> -> memref<128xi32, #tpu.memory_space<vmem>>
    %dma_wait3A_547 = arith.constant 0 : i32
    %dma_wait3A_548 = arith.constant 0 : i32
    %dma_wait3A_549 = tpu.memref_slice %arg5[%dma_wait3A_547, %dma_wait3A_548] : memref<20480x64xf32, #tpu.memory_space<hbm>> -> memref<20480x64xf32, #tpu.memory_space<hbm>>
    tpu.wait_indirect_dma semaphore(%arg21 : memref<!tpu.dma_semaphore, #tpu.memory_space<semaphore_mem>>) src(%dma_wait3A_549 : memref<20480x64xf32, #tpu.memory_space<hbm>>) dst(%arg13 : memref<128x64xf32, #tpu.memory_space<vmem>>)
    %run_scoped3A_550 = arith.constant 1 : i32
    "tpu.region"() ({
      %run_scoped3A_732 = tpu.sem_alloc : memref<!tpu.dma_semaphore, #tpu.memory_space<semaphore_mem>>
      %dma_start3A_733 = arith.constant 0 : i32
      %dma_start3A_734 = arith.constant 0 : i32
      %dma_start3A_735 = tpu.memref_slice %arg3[%arg0, %arg1, %run_scoped3A_550, %dma_start3A_733, %dma_start3A_734] : memref<2x16x40x8x128xi32, #tpu.memory_space<hbm>> -> memref<1x1x1x8x128xi32, #tpu.memory_space<hbm>>
      %dma_start3A_736 = tpu.memref_squeeze %dma_start3A_735 : memref<1x1x1x8x128xi32, #tpu.memory_space<hbm>> -> memref<8x128xi32, #tpu.memory_space<hbm>>
      %dma_start3A_737 = arith.constant 0 : i32
      %dma_start3A_738 = arith.constant 0 : i32
      %dma_start3A_739 = tpu.memref_slice %arg3[%arg0, %arg1, %run_scoped3A_550, %dma_start3A_737, %dma_start3A_738] : memref<2x16x40x8x128xi32, #tpu.memory_space<hbm>> -> memref<1x1x1x8x128xi32, #tpu.memory_space<hbm>>
      %dma_start3A_740 = tpu.memref_squeeze %dma_start3A_739 : memref<1x1x1x8x128xi32, #tpu.memory_space<hbm>> -> memref<8x128xi32, #tpu.memory_space<hbm>>
      tpu.enqueue_dma source(%dma_start3A_740 : memref<8x128xi32, #tpu.memory_space<hbm>>) target(%arg9 : memref<8x128xi32, #tpu.memory_space<vmem>>) target_semaphore(%run_scoped3A_732 : memref<!tpu.dma_semaphore, #tpu.memory_space<semaphore_mem>>)
      %dma_wait3A_741 = arith.constant 0 : i32
      %dma_wait3A_742 = arith.constant 0 : i32
      %dma_wait3A_743 = tpu.memref_slice %arg3[%arg0, %arg1, %run_scoped3A_550, %dma_wait3A_741, %dma_wait3A_742] : memref<2x16x40x8x128xi32, #tpu.memory_space<hbm>> -> memref<1x1x1x8x128xi32, #tpu.memory_space<hbm>>
      %dma_wait3A_744 = tpu.memref_squeeze %dma_wait3A_743 : memref<1x1x1x8x128xi32, #tpu.memory_space<hbm>> -> memref<8x128xi32, #tpu.memory_space<hbm>>
      %dma_wait3A_745 = arith.constant 0 : i32
      %dma_wait3A_746 = arith.constant 0 : i32
      %dma_wait3A_747 = tpu.memref_slice %arg3[%arg0, %arg1, %run_scoped3A_550, %dma_wait3A_745, %dma_wait3A_746] : memref<2x16x40x8x128xi32, #tpu.memory_space<hbm>> -> memref<1x1x1x8x128xi32, #tpu.memory_space<hbm>>
      %dma_wait3A_748 = tpu.memref_squeeze %dma_wait3A_747 : memref<1x1x1x8x128xi32, #tpu.memory_space<hbm>> -> memref<8x128xi32, #tpu.memory_space<hbm>>
      tpu.wait_dma2 semaphore(%run_scoped3A_732 : memref<!tpu.dma_semaphore, #tpu.memory_space<semaphore_mem>>) src(%dma_wait3A_748 : memref<8x128xi32, #tpu.memory_space<hbm>>) dst(%arg9 : memref<8x128xi32, #tpu.memory_space<vmem>>)
      tpu.yield
    }) : () -> ()
    %scan3A_551 = arith.constant 0 : i32
    %scan3A_552 = arith.constant 0 : i32
    %scan3A_553 = arith.constant 19 : i32
    %scan3A_554 = arith.addi %scan3A_552, %scan3A_553 : i32
    %scan3A_555 = arith.constant 1 : i32
    scf.for %scan3A_732 = %scan3A_552 to %scan3A_554 step %scan3A_555  : i32 {
      %mul3A_733 = arith.constant 2 : i32
      %mul3A_734 = arith.muli %mul3A_733, %scan3A_732 : i32
      %mul3A_735 = arith.constant 2 : i32
      %mul3A_736 = arith.muli %mul3A_735, %scan3A_732 : i32
      %add3A = arith.constant 1 : i32
      %add3A_737 = arith.addi %mul3A_736, %add3A : i32
      %dma_start3A_738 = arith.constant 4 : i32
      %dma_start3A_739 = arith.constant 0 : i32
      %dma_start3A_740 = tpu.memref_slice %arg8[%dma_start3A_738, %dma_start3A_739] : memref<8x128xi32, #tpu.memory_space<vmem>> -> memref<1x128xi32, #tpu.memory_space<vmem>>
      %dma_start3A_741 = tpu.memref_squeeze %dma_start3A_740 : memref<1x128xi32, #tpu.memory_space<vmem>> -> memref<128xi32, #tpu.memory_space<vmem>>
      %dma_start3A_742 = arith.constant 0 : i32
      %dma_start3A_743 = arith.constant 0 : i32
      %dma_start3A_744 = tpu.memref_slice %arg20[%dma_start3A_742, %dma_start3A_743] : memref<10240x64xf32, #tpu.memory_space<vmem_shared>> -> memref<10240x64xf32, #tpu.memory_space<vmem_shared>>
      tpu.enqueue_indirect_dma source(%arg10 : memref<128x64xf32, #tpu.memory_space<vmem>>) target(%dma_start3A_744 : memref<10240x64xf32, #tpu.memory_space<vmem_shared>>) offsets(%dma_start3A_741 : memref<128xi32, #tpu.memory_space<vmem>>) semaphore(%arg22 : memref<!tpu.dma_semaphore, #tpu.memory_space<semaphore_mem>>) {add = true}
      %dma_start3A_745 = arith.constant 5 : i32
      %dma_start3A_746 = arith.constant 0 : i32
      %dma_start3A_747 = tpu.memref_slice %arg8[%dma_start3A_745, %dma_start3A_746] : memref<8x128xi32, #tpu.memory_space<vmem>> -> memref<1x128xi32, #tpu.memory_space<vmem>>
      %dma_start3A_748 = tpu.memref_squeeze %dma_start3A_747 : memref<1x128xi32, #tpu.memory_space<vmem>> -> memref<128xi32, #tpu.memory_space<vmem>>
      %dma_start3A_749 = arith.constant 0 : i32
      %dma_start3A_750 = arith.constant 0 : i32
      %dma_start3A_751 = tpu.memref_slice %arg20[%dma_start3A_749, %dma_start3A_750] : memref<10240x64xf32, #tpu.memory_space<vmem_shared>> -> memref<10240x64xf32, #tpu.memory_space<vmem_shared>>
      tpu.enqueue_indirect_dma source(%arg11 : memref<128x64xf32, #tpu.memory_space<vmem>>) target(%dma_start3A_751 : memref<10240x64xf32, #tpu.memory_space<vmem_shared>>) offsets(%dma_start3A_748 : memref<128xi32, #tpu.memory_space<vmem>>) semaphore(%arg22 : memref<!tpu.dma_semaphore, #tpu.memory_space<semaphore_mem>>) {add = true}
      %dma_start3A_752 = arith.constant 6 : i32
      %dma_start3A_753 = arith.constant 0 : i32
      %dma_start3A_754 = tpu.memref_slice %arg8[%dma_start3A_752, %dma_start3A_753] : memref<8x128xi32, #tpu.memory_space<vmem>> -> memref<1x128xi32, #tpu.memory_space<vmem>>
      %dma_start3A_755 = tpu.memref_squeeze %dma_start3A_754 : memref<1x128xi32, #tpu.memory_space<vmem>> -> memref<128xi32, #tpu.memory_space<vmem>>
      %dma_start3A_756 = arith.constant 0 : i32
      %dma_start3A_757 = arith.constant 0 : i32
      %dma_start3A_758 = tpu.memref_slice %arg20[%dma_start3A_756, %dma_start3A_757] : memref<10240x64xf32, #tpu.memory_space<vmem_shared>> -> memref<10240x64xf32, #tpu.memory_space<vmem_shared>>
      tpu.enqueue_indirect_dma source(%arg12 : memref<128x64xf32, #tpu.memory_space<vmem>>) target(%dma_start3A_758 : memref<10240x64xf32, #tpu.memory_space<vmem_shared>>) offsets(%dma_start3A_755 : memref<128xi32, #tpu.memory_space<vmem>>) semaphore(%arg22 : memref<!tpu.dma_semaphore, #tpu.memory_space<semaphore_mem>>) {add = true}
      %dma_start3A_759 = arith.constant 7 : i32
      %dma_start3A_760 = arith.constant 0 : i32
      %dma_start3A_761 = tpu.memref_slice %arg8[%dma_start3A_759, %dma_start3A_760] : memref<8x128xi32, #tpu.memory_space<vmem>> -> memref<1x128xi32, #tpu.memory_space<vmem>>
      %dma_start3A_762 = tpu.memref_squeeze %dma_start3A_761 : memref<1x128xi32, #tpu.memory_space<vmem>> -> memref<128xi32, #tpu.memory_space<vmem>>
      %dma_start3A_763 = arith.constant 0 : i32
      %dma_start3A_764 = arith.constant 0 : i32
      %dma_start3A_765 = tpu.memref_slice %arg20[%dma_start3A_763, %dma_start3A_764] : memref<10240x64xf32, #tpu.memory_space<vmem_shared>> -> memref<10240x64xf32, #tpu.memory_space<vmem_shared>>
      tpu.enqueue_indirect_dma source(%arg13 : memref<128x64xf32, #tpu.memory_space<vmem>>) target(%dma_start3A_765 : memref<10240x64xf32, #tpu.memory_space<vmem_shared>>) offsets(%dma_start3A_762 : memref<128xi32, #tpu.memory_space<vmem>>) semaphore(%arg22 : memref<!tpu.dma_semaphore, #tpu.memory_space<semaphore_mem>>) {add = true}
      %dma_start3A_766 = arith.constant 0 : i32
      %dma_start3A_767 = arith.constant 0 : i32
      %dma_start3A_768 = tpu.memref_slice %arg9[%dma_start3A_766, %dma_start3A_767] : memref<8x128xi32, #tpu.memory_space<vmem>> -> memref<1x128xi32, #tpu.memory_space<vmem>>
      %dma_start3A_769 = tpu.memref_squeeze %dma_start3A_768 : memref<1x128xi32, #tpu.memory_space<vmem>> -> memref<128xi32, #tpu.memory_space<vmem>>
      %dma_start3A_770 = arith.constant 0 : i32
      %dma_start3A_771 = arith.constant 0 : i32
      %dma_start3A_772 = tpu.memref_slice %arg5[%dma_start3A_770, %dma_start3A_771] : memref<20480x64xf32, #tpu.memory_space<hbm>> -> memref<20480x64xf32, #tpu.memory_space<hbm>>
      tpu.enqueue_indirect_dma source(%dma_start3A_772 : memref<20480x64xf32, #tpu.memory_space<hbm>>) target(%arg14 : memref<128x64xf32, #tpu.memory_space<vmem>>) offsets(%dma_start3A_769 : memref<128xi32, #tpu.memory_space<vmem>>) semaphore(%arg23 : memref<!tpu.dma_semaphore, #tpu.memory_space<semaphore_mem>>)
      %dma_start3A_773 = arith.constant 1 : i32
      %dma_start3A_774 = arith.constant 0 : i32
      %dma_start3A_775 = tpu.memref_slice %arg9[%dma_start3A_773, %dma_start3A_774] : memref<8x128xi32, #tpu.memory_space<vmem>> -> memref<1x128xi32, #tpu.memory_space<vmem>>
      %dma_start3A_776 = tpu.memref_squeeze %dma_start3A_775 : memref<1x128xi32, #tpu.memory_space<vmem>> -> memref<128xi32, #tpu.memory_space<vmem>>
      %dma_start3A_777 = arith.constant 0 : i32
      %dma_start3A_778 = arith.constant 0 : i32
      %dma_start3A_779 = tpu.memref_slice %arg5[%dma_start3A_777, %dma_start3A_778] : memref<20480x64xf32, #tpu.memory_space<hbm>> -> memref<20480x64xf32, #tpu.memory_space<hbm>>
      tpu.enqueue_indirect_dma source(%dma_start3A_779 : memref<20480x64xf32, #tpu.memory_space<hbm>>) target(%arg15 : memref<128x64xf32, #tpu.memory_space<vmem>>) offsets(%dma_start3A_776 : memref<128xi32, #tpu.memory_space<vmem>>) semaphore(%arg23 : memref<!tpu.dma_semaphore, #tpu.memory_space<semaphore_mem>>)
      %dma_start3A_780 = arith.constant 2 : i32
      %dma_start3A_781 = arith.constant 0 : i32
      %dma_start3A_782 = tpu.memref_slice %arg9[%dma_start3A_780, %dma_start3A_781] : memref<8x128xi32, #tpu.memory_space<vmem>> -> memref<1x128xi32, #tpu.memory_space<vmem>>
      %dma_start3A_783 = tpu.memref_squeeze %dma_start3A_782 : memref<1x128xi32, #tpu.memory_space<vmem>> -> memref<128xi32, #tpu.memory_space<vmem>>
      %dma_start3A_784 = arith.constant 0 : i32
      %dma_start3A_785 = arith.constant 0 : i32
      %dma_start3A_786 = tpu.memref_slice %arg5[%dma_start3A_784, %dma_start3A_785] : memref<20480x64xf32, #tpu.memory_space<hbm>> -> memref<20480x64xf32, #tpu.memory_space<hbm>>
      tpu.enqueue_indirect_dma source(%dma_start3A_786 : memref<20480x64xf32, #tpu.memory_space<hbm>>) target(%arg16 : memref<128x64xf32, #tpu.memory_space<vmem>>) offsets(%dma_start3A_783 : memref<128xi32, #tpu.memory_space<vmem>>) semaphore(%arg23 : memref<!tpu.dma_semaphore, #tpu.memory_space<semaphore_mem>>)
      %dma_start3A_787 = arith.constant 3 : i32
      %dma_start3A_788 = arith.constant 0 : i32
      %dma_start3A_789 = tpu.memref_slice %arg9[%dma_start3A_787, %dma_start3A_788] : memref<8x128xi32, #tpu.memory_space<vmem>> -> memref<1x128xi32, #tpu.memory_space<vmem>>
      %dma_start3A_790 = tpu.memref_squeeze %dma_start3A_789 : memref<1x128xi32, #tpu.memory_space<vmem>> -> memref<128xi32, #tpu.memory_space<vmem>>
      %dma_start3A_791 = arith.constant 0 : i32
      %dma_start3A_792 = arith.constant 0 : i32
      %dma_start3A_793 = tpu.memref_slice %arg5[%dma_start3A_791, %dma_start3A_792] : memref<20480x64xf32, #tpu.memory_space<hbm>> -> memref<20480x64xf32, #tpu.memory_space<hbm>>
      tpu.enqueue_indirect_dma source(%dma_start3A_793 : memref<20480x64xf32, #tpu.memory_space<hbm>>) target(%arg17 : memref<128x64xf32, #tpu.memory_space<vmem>>) offsets(%dma_start3A_790 : memref<128xi32, #tpu.memory_space<vmem>>) semaphore(%arg23 : memref<!tpu.dma_semaphore, #tpu.memory_space<semaphore_mem>>)
      %dma_wait3A_794 = arith.constant 4 : i32
      %dma_wait3A_795 = arith.constant 0 : i32
      %dma_wait3A_796 = tpu.memref_slice %arg8[%dma_wait3A_794, %dma_wait3A_795] : memref<8x128xi32, #tpu.memory_space<vmem>> -> memref<1x128xi32, #tpu.memory_space<vmem>>
      %dma_wait3A_797 = tpu.memref_squeeze %dma_wait3A_796 : memref<1x128xi32, #tpu.memory_space<vmem>> -> memref<128xi32, #tpu.memory_space<vmem>>
      %dma_wait3A_798 = arith.constant 0 : i32
      %dma_wait3A_799 = arith.constant 0 : i32
      %dma_wait3A_800 = tpu.memref_slice %arg20[%dma_wait3A_798, %dma_wait3A_799] : memref<10240x64xf32, #tpu.memory_space<vmem_shared>> -> memref<10240x64xf32, #tpu.memory_space<vmem_shared>>
      tpu.wait_indirect_dma semaphore(%arg22 : memref<!tpu.dma_semaphore, #tpu.memory_space<semaphore_mem>>) src(%arg10 : memref<128x64xf32, #tpu.memory_space<vmem>>) dst(%dma_wait3A_800 : memref<10240x64xf32, #tpu.memory_space<vmem_shared>>)
      %dma_wait3A_801 = arith.constant 5 : i32
      %dma_wait3A_802 = arith.constant 0 : i32
      %dma_wait3A_803 = tpu.memref_slice %arg8[%dma_wait3A_801, %dma_wait3A_802] : memref<8x128xi32, #tpu.memory_space<vmem>> -> memref<1x128xi32, #tpu.memory_space<vmem>>
      %dma_wait3A_804 = tpu.memref_squeeze %dma_wait3A_803 : memref<1x128xi32, #tpu.memory_space<vmem>> -> memref<128xi32, #tpu.memory_space<vmem>>
      %dma_wait3A_805 = arith.constant 0 : i32
      %dma_wait3A_806 = arith.constant 0 : i32
      %dma_wait3A_807 = tpu.memref_slice %arg20[%dma_wait3A_805, %dma_wait3A_806] : memref<10240x64xf32, #tpu.memory_space<vmem_shared>> -> memref<10240x64xf32, #tpu.memory_space<vmem_shared>>
      tpu.wait_indirect_dma semaphore(%arg22 : memref<!tpu.dma_semaphore, #tpu.memory_space<semaphore_mem>>) src(%arg11 : memref<128x64xf32, #tpu.memory_space<vmem>>) dst(%dma_wait3A_807 : memref<10240x64xf32, #tpu.memory_space<vmem_shared>>)
      %dma_wait3A_808 = arith.constant 6 : i32
      %dma_wait3A_809 = arith.constant 0 : i32
      %dma_wait3A_810 = tpu.memref_slice %arg8[%dma_wait3A_808, %dma_wait3A_809] : memref<8x128xi32, #tpu.memory_space<vmem>> -> memref<1x128xi32, #tpu.memory_space<vmem>>
      %dma_wait3A_811 = tpu.memref_squeeze %dma_wait3A_810 : memref<1x128xi32, #tpu.memory_space<vmem>> -> memref<128xi32, #tpu.memory_space<vmem>>
      %dma_wait3A_812 = arith.constant 0 : i32
      %dma_wait3A_813 = arith.constant 0 : i32
      %dma_wait3A_814 = tpu.memref_slice %arg20[%dma_wait3A_812, %dma_wait3A_813] : memref<10240x64xf32, #tpu.memory_space<vmem_shared>> -> memref<10240x64xf32, #tpu.memory_space<vmem_shared>>
      tpu.wait_indirect_dma semaphore(%arg22 : memref<!tpu.dma_semaphore, #tpu.memory_space<semaphore_mem>>) src(%arg12 : memref<128x64xf32, #tpu.memory_space<vmem>>) dst(%dma_wait3A_814 : memref<10240x64xf32, #tpu.memory_space<vmem_shared>>)
      %dma_wait3A_815 = arith.constant 7 : i32
      %dma_wait3A_816 = arith.constant 0 : i32
      %dma_wait3A_817 = tpu.memref_slice %arg8[%dma_wait3A_815, %dma_wait3A_816] : memref<8x128xi32, #tpu.memory_space<vmem>> -> memref<1x128xi32, #tpu.memory_space<vmem>>
      %dma_wait3A_818 = tpu.memref_squeeze %dma_wait3A_817 : memref<1x128xi32, #tpu.memory_space<vmem>> -> memref<128xi32, #tpu.memory_space<vmem>>
      %dma_wait3A_819 = arith.constant 0 : i32
      %dma_wait3A_820 = arith.constant 0 : i32
      %dma_wait3A_821 = tpu.memref_slice %arg20[%dma_wait3A_819, %dma_wait3A_820] : memref<10240x64xf32, #tpu.memory_space<vmem_shared>> -> memref<10240x64xf32, #tpu.memory_space<vmem_shared>>
      tpu.wait_indirect_dma semaphore(%arg22 : memref<!tpu.dma_semaphore, #tpu.memory_space<semaphore_mem>>) src(%arg13 : memref<128x64xf32, #tpu.memory_space<vmem>>) dst(%dma_wait3A_821 : memref<10240x64xf32, #tpu.memory_space<vmem_shared>>)
      %add3A_822 = arith.constant 2 : i32
      %add3A_823 = arith.addi %mul3A_734, %add3A_822 : i32
      %dma_start3A_824 = arith.constant 0 : i32
      %dma_start3A_825 = arith.constant 0 : i32
      %dma_start3A_826 = tpu.memref_slice %arg3[%arg0, %arg1, %add3A_823, %dma_start3A_824, %dma_start3A_825] : memref<2x16x40x8x128xi32, #tpu.memory_space<hbm>> -> memref<1x1x1x8x128xi32, #tpu.memory_space<hbm>>
      %dma_start3A_827 = tpu.memref_squeeze %dma_start3A_826 : memref<1x1x1x8x128xi32, #tpu.memory_space<hbm>> -> memref<8x128xi32, #tpu.memory_space<hbm>>
      %dma_start3A_828 = arith.constant 0 : i32
      %dma_start3A_829 = arith.constant 0 : i32
      %dma_start3A_830 = tpu.memref_slice %arg3[%arg0, %arg1, %add3A_823, %dma_start3A_828, %dma_start3A_829] : memref<2x16x40x8x128xi32, #tpu.memory_space<hbm>> -> memref<1x1x1x8x128xi32, #tpu.memory_space<hbm>>
      %dma_start3A_831 = tpu.memref_squeeze %dma_start3A_830 : memref<1x1x1x8x128xi32, #tpu.memory_space<hbm>> -> memref<8x128xi32, #tpu.memory_space<hbm>>
      tpu.enqueue_dma source(%dma_start3A_831 : memref<8x128xi32, #tpu.memory_space<hbm>>) target(%arg8 : memref<8x128xi32, #tpu.memory_space<vmem>>) target_semaphore(%arg25 : memref<!tpu.dma_semaphore, #tpu.memory_space<semaphore_mem>>)
      %dma_wait3A_832 = arith.constant 0 : i32
      %dma_wait3A_833 = arith.constant 0 : i32
      %dma_wait3A_834 = tpu.memref_slice %arg9[%dma_wait3A_832, %dma_wait3A_833] : memref<8x128xi32, #tpu.memory_space<vmem>> -> memref<1x128xi32, #tpu.memory_space<vmem>>
      %dma_wait3A_835 = tpu.memref_squeeze %dma_wait3A_834 : memref<1x128xi32, #tpu.memory_space<vmem>> -> memref<128xi32, #tpu.memory_space<vmem>>
      %dma_wait3A_836 = arith.constant 0 : i32
      %dma_wait3A_837 = arith.constant 0 : i32
      %dma_wait3A_838 = tpu.memref_slice %arg5[%dma_wait3A_836, %dma_wait3A_837] : memref<20480x64xf32, #tpu.memory_space<hbm>> -> memref<20480x64xf32, #tpu.memory_space<hbm>>
      tpu.wait_indirect_dma semaphore(%arg23 : memref<!tpu.dma_semaphore, #tpu.memory_space<semaphore_mem>>) src(%dma_wait3A_838 : memref<20480x64xf32, #tpu.memory_space<hbm>>) dst(%arg14 : memref<128x64xf32, #tpu.memory_space<vmem>>)
      %dma_wait3A_839 = arith.constant 1 : i32
      %dma_wait3A_840 = arith.constant 0 : i32
      %dma_wait3A_841 = tpu.memref_slice %arg9[%dma_wait3A_839, %dma_wait3A_840] : memref<8x128xi32, #tpu.memory_space<vmem>> -> memref<1x128xi32, #tpu.memory_space<vmem>>
      %dma_wait3A_842 = tpu.memref_squeeze %dma_wait3A_841 : memref<1x128xi32, #tpu.memory_space<vmem>> -> memref<128xi32, #tpu.memory_space<vmem>>
      %dma_wait3A_843 = arith.constant 0 : i32
      %dma_wait3A_844 = arith.constant 0 : i32
      %dma_wait3A_845 = tpu.memref_slice %arg5[%dma_wait3A_843, %dma_wait3A_844] : memref<20480x64xf32, #tpu.memory_space<hbm>> -> memref<20480x64xf32, #tpu.memory_space<hbm>>
      tpu.wait_indirect_dma semaphore(%arg23 : memref<!tpu.dma_semaphore, #tpu.memory_space<semaphore_mem>>) src(%dma_wait3A_845 : memref<20480x64xf32, #tpu.memory_space<hbm>>) dst(%arg15 : memref<128x64xf32, #tpu.memory_space<vmem>>)
      %dma_wait3A_846 = arith.constant 2 : i32
      %dma_wait3A_847 = arith.constant 0 : i32
      %dma_wait3A_848 = tpu.memref_slice %arg9[%dma_wait3A_846, %dma_wait3A_847] : memref<8x128xi32, #tpu.memory_space<vmem>> -> memref<1x128xi32, #tpu.memory_space<vmem>>
      %dma_wait3A_849 = tpu.memref_squeeze %dma_wait3A_848 : memref<1x128xi32, #tpu.memory_space<vmem>> -> memref<128xi32, #tpu.memory_space<vmem>>
      %dma_wait3A_850 = arith.constant 0 : i32
      %dma_wait3A_851 = arith.constant 0 : i32
      %dma_wait3A_852 = tpu.memref_slice %arg5[%dma_wait3A_850, %dma_wait3A_851] : memref<20480x64xf32, #tpu.memory_space<hbm>> -> memref<20480x64xf32, #tpu.memory_space<hbm>>
      tpu.wait_indirect_dma semaphore(%arg23 : memref<!tpu.dma_semaphore, #tpu.memory_space<semaphore_mem>>) src(%dma_wait3A_852 : memref<20480x64xf32, #tpu.memory_space<hbm>>) dst(%arg16 : memref<128x64xf32, #tpu.memory_space<vmem>>)
      %dma_wait3A_853 = arith.constant 3 : i32
      %dma_wait3A_854 = arith.constant 0 : i32
      %dma_wait3A_855 = tpu.memref_slice %arg9[%dma_wait3A_853, %dma_wait3A_854] : memref<8x128xi32, #tpu.memory_space<vmem>> -> memref<1x128xi32, #tpu.memory_space<vmem>>
      %dma_wait3A_856 = tpu.memref_squeeze %dma_wait3A_855 : memref<1x128xi32, #tpu.memory_space<vmem>> -> memref<128xi32, #tpu.memory_space<vmem>>
      %dma_wait3A_857 = arith.constant 0 : i32
      %dma_wait3A_858 = arith.constant 0 : i32
      %dma_wait3A_859 = tpu.memref_slice %arg5[%dma_wait3A_857, %dma_wait3A_858] : memref<20480x64xf32, #tpu.memory_space<hbm>> -> memref<20480x64xf32, #tpu.memory_space<hbm>>
      tpu.wait_indirect_dma semaphore(%arg23 : memref<!tpu.dma_semaphore, #tpu.memory_space<semaphore_mem>>) src(%dma_wait3A_859 : memref<20480x64xf32, #tpu.memory_space<hbm>>) dst(%arg17 : memref<128x64xf32, #tpu.memory_space<vmem>>)
      %dma_start3A_860 = arith.constant 4 : i32
      %dma_start3A_861 = arith.constant 0 : i32
      %dma_start3A_862 = tpu.memref_slice %arg9[%dma_start3A_860, %dma_start3A_861] : memref<8x128xi32, #tpu.memory_space<vmem>> -> memref<1x128xi32, #tpu.memory_space<vmem>>
      %dma_start3A_863 = tpu.memref_squeeze %dma_start3A_862 : memref<1x128xi32, #tpu.memory_space<vmem>> -> memref<128xi32, #tpu.memory_space<vmem>>
      %dma_start3A_864 = arith.constant 0 : i32
      %dma_start3A_865 = arith.constant 0 : i32
      %dma_start3A_866 = tpu.memref_slice %arg20[%dma_start3A_864, %dma_start3A_865] : memref<10240x64xf32, #tpu.memory_space<vmem_shared>> -> memref<10240x64xf32, #tpu.memory_space<vmem_shared>>
      tpu.enqueue_indirect_dma source(%arg14 : memref<128x64xf32, #tpu.memory_space<vmem>>) target(%dma_start3A_866 : memref<10240x64xf32, #tpu.memory_space<vmem_shared>>) offsets(%dma_start3A_863 : memref<128xi32, #tpu.memory_space<vmem>>) semaphore(%arg24 : memref<!tpu.dma_semaphore, #tpu.memory_space<semaphore_mem>>) {add = true}
      %dma_start3A_867 = arith.constant 5 : i32
      %dma_start3A_868 = arith.constant 0 : i32
      %dma_start3A_869 = tpu.memref_slice %arg9[%dma_start3A_867, %dma_start3A_868] : memref<8x128xi32, #tpu.memory_space<vmem>> -> memref<1x128xi32, #tpu.memory_space<vmem>>
      %dma_start3A_870 = tpu.memref_squeeze %dma_start3A_869 : memref<1x128xi32, #tpu.memory_space<vmem>> -> memref<128xi32, #tpu.memory_space<vmem>>
      %dma_start3A_871 = arith.constant 0 : i32
      %dma_start3A_872 = arith.constant 0 : i32
      %dma_start3A_873 = tpu.memref_slice %arg20[%dma_start3A_871, %dma_start3A_872] : memref<10240x64xf32, #tpu.memory_space<vmem_shared>> -> memref<10240x64xf32, #tpu.memory_space<vmem_shared>>
      tpu.enqueue_indirect_dma source(%arg15 : memref<128x64xf32, #tpu.memory_space<vmem>>) target(%dma_start3A_873 : memref<10240x64xf32, #tpu.memory_space<vmem_shared>>) offsets(%dma_start3A_870 : memref<128xi32, #tpu.memory_space<vmem>>) semaphore(%arg24 : memref<!tpu.dma_semaphore, #tpu.memory_space<semaphore_mem>>) {add = true}
      %dma_start3A_874 = arith.constant 6 : i32
      %dma_start3A_875 = arith.constant 0 : i32
      %dma_start3A_876 = tpu.memref_slice %arg9[%dma_start3A_874, %dma_start3A_875] : memref<8x128xi32, #tpu.memory_space<vmem>> -> memref<1x128xi32, #tpu.memory_space<vmem>>
      %dma_start3A_877 = tpu.memref_squeeze %dma_start3A_876 : memref<1x128xi32, #tpu.memory_space<vmem>> -> memref<128xi32, #tpu.memory_space<vmem>>
      %dma_start3A_878 = arith.constant 0 : i32
      %dma_start3A_879 = arith.constant 0 : i32
      %dma_start3A_880 = tpu.memref_slice %arg20[%dma_start3A_878, %dma_start3A_879] : memref<10240x64xf32, #tpu.memory_space<vmem_shared>> -> memref<10240x64xf32, #tpu.memory_space<vmem_shared>>
      tpu.enqueue_indirect_dma source(%arg16 : memref<128x64xf32, #tpu.memory_space<vmem>>) target(%dma_start3A_880 : memref<10240x64xf32, #tpu.memory_space<vmem_shared>>) offsets(%dma_start3A_877 : memref<128xi32, #tpu.memory_space<vmem>>) semaphore(%arg24 : memref<!tpu.dma_semaphore, #tpu.memory_space<semaphore_mem>>) {add = true}
      %dma_start3A_881 = arith.constant 7 : i32
      %dma_start3A_882 = arith.constant 0 : i32
      %dma_start3A_883 = tpu.memref_slice %arg9[%dma_start3A_881, %dma_start3A_882] : memref<8x128xi32, #tpu.memory_space<vmem>> -> memref<1x128xi32, #tpu.memory_space<vmem>>
      %dma_start3A_884 = tpu.memref_squeeze %dma_start3A_883 : memref<1x128xi32, #tpu.memory_space<vmem>> -> memref<128xi32, #tpu.memory_space<vmem>>
      %dma_start3A_885 = arith.constant 0 : i32
      %dma_start3A_886 = arith.constant 0 : i32
      %dma_start3A_887 = tpu.memref_slice %arg20[%dma_start3A_885, %dma_start3A_886] : memref<10240x64xf32, #tpu.memory_space<vmem_shared>> -> memref<10240x64xf32, #tpu.memory_space<vmem_shared>>
      tpu.enqueue_indirect_dma source(%arg17 : memref<128x64xf32, #tpu.memory_space<vmem>>) target(%dma_start3A_887 : memref<10240x64xf32, #tpu.memory_space<vmem_shared>>) offsets(%dma_start3A_884 : memref<128xi32, #tpu.memory_space<vmem>>) semaphore(%arg24 : memref<!tpu.dma_semaphore, #tpu.memory_space<semaphore_mem>>) {add = true}
      %dma_wait3A_888 = arith.constant 0 : i32
      %dma_wait3A_889 = arith.constant 0 : i32
      %dma_wait3A_890 = tpu.memref_slice %arg3[%arg0, %arg1, %add3A_823, %dma_wait3A_888, %dma_wait3A_889] : memref<2x16x40x8x128xi32, #tpu.memory_space<hbm>> -> memref<1x1x1x8x128xi32, #tpu.memory_space<hbm>>
      %dma_wait3A_891 = tpu.memref_squeeze %dma_wait3A_890 : memref<1x1x1x8x128xi32, #tpu.memory_space<hbm>> -> memref<8x128xi32, #tpu.memory_space<hbm>>
      %dma_wait3A_892 = arith.constant 0 : i32
      %dma_wait3A_893 = arith.constant 0 : i32
      %dma_wait3A_894 = tpu.memref_slice %arg3[%arg0, %arg1, %add3A_823, %dma_wait3A_892, %dma_wait3A_893] : memref<2x16x40x8x128xi32, #tpu.memory_space<hbm>> -> memref<1x1x1x8x128xi32, #tpu.memory_space<hbm>>
      %dma_wait3A_895 = tpu.memref_squeeze %dma_wait3A_894 : memref<1x1x1x8x128xi32, #tpu.memory_space<hbm>> -> memref<8x128xi32, #tpu.memory_space<hbm>>
      tpu.wait_dma2 semaphore(%arg25 : memref<!tpu.dma_semaphore, #tpu.memory_space<semaphore_mem>>) src(%dma_wait3A_895 : memref<8x128xi32, #tpu.memory_space<hbm>>) dst(%arg8 : memref<8x128xi32, #tpu.memory_space<vmem>>)
      %dma_start3A_896 = arith.constant 0 : i32
      %dma_start3A_897 = arith.constant 0 : i32
      %dma_start3A_898 = tpu.memref_slice %arg8[%dma_start3A_896, %dma_start3A_897] : memref<8x128xi32, #tpu.memory_space<vmem>> -> memref<1x128xi32, #tpu.memory_space<vmem>>
      %dma_start3A_899 = tpu.memref_squeeze %dma_start3A_898 : memref<1x128xi32, #tpu.memory_space<vmem>> -> memref<128xi32, #tpu.memory_space<vmem>>
      %dma_start3A_900 = arith.constant 0 : i32
      %dma_start3A_901 = arith.constant 0 : i32
      %dma_start3A_902 = tpu.memref_slice %arg5[%dma_start3A_900, %dma_start3A_901] : memref<20480x64xf32, #tpu.memory_space<hbm>> -> memref<20480x64xf32, #tpu.memory_space<hbm>>
      tpu.enqueue_indirect_dma source(%dma_start3A_902 : memref<20480x64xf32, #tpu.memory_space<hbm>>) target(%arg10 : memref<128x64xf32, #tpu.memory_space<vmem>>) offsets(%dma_start3A_899 : memref<128xi32, #tpu.memory_space<vmem>>) semaphore(%arg21 : memref<!tpu.dma_semaphore, #tpu.memory_space<semaphore_mem>>)
      %dma_start3A_903 = arith.constant 1 : i32
      %dma_start3A_904 = arith.constant 0 : i32
      %dma_start3A_905 = tpu.memref_slice %arg8[%dma_start3A_903, %dma_start3A_904] : memref<8x128xi32, #tpu.memory_space<vmem>> -> memref<1x128xi32, #tpu.memory_space<vmem>>
      %dma_start3A_906 = tpu.memref_squeeze %dma_start3A_905 : memref<1x128xi32, #tpu.memory_space<vmem>> -> memref<128xi32, #tpu.memory_space<vmem>>
      %dma_start3A_907 = arith.constant 0 : i32
      %dma_start3A_908 = arith.constant 0 : i32
      %dma_start3A_909 = tpu.memref_slice %arg5[%dma_start3A_907, %dma_start3A_908] : memref<20480x64xf32, #tpu.memory_space<hbm>> -> memref<20480x64xf32, #tpu.memory_space<hbm>>
      tpu.enqueue_indirect_dma source(%dma_start3A_909 : memref<20480x64xf32, #tpu.memory_space<hbm>>) target(%arg11 : memref<128x64xf32, #tpu.memory_space<vmem>>) offsets(%dma_start3A_906 : memref<128xi32, #tpu.memory_space<vmem>>) semaphore(%arg21 : memref<!tpu.dma_semaphore, #tpu.memory_space<semaphore_mem>>)
      %dma_start3A_910 = arith.constant 2 : i32
      %dma_start3A_911 = arith.constant 0 : i32
      %dma_start3A_912 = tpu.memref_slice %arg8[%dma_start3A_910, %dma_start3A_911] : memref<8x128xi32, #tpu.memory_space<vmem>> -> memref<1x128xi32, #tpu.memory_space<vmem>>
      %dma_start3A_913 = tpu.memref_squeeze %dma_start3A_912 : memref<1x128xi32, #tpu.memory_space<vmem>> -> memref<128xi32, #tpu.memory_space<vmem>>
      %dma_start3A_914 = arith.constant 0 : i32
      %dma_start3A_915 = arith.constant 0 : i32
      %dma_start3A_916 = tpu.memref_slice %arg5[%dma_start3A_914, %dma_start3A_915] : memref<20480x64xf32, #tpu.memory_space<hbm>> -> memref<20480x64xf32, #tpu.memory_space<hbm>>
      tpu.enqueue_indirect_dma source(%dma_start3A_916 : memref<20480x64xf32, #tpu.memory_space<hbm>>) target(%arg12 : memref<128x64xf32, #tpu.memory_space<vmem>>) offsets(%dma_start3A_913 : memref<128xi32, #tpu.memory_space<vmem>>) semaphore(%arg21 : memref<!tpu.dma_semaphore, #tpu.memory_space<semaphore_mem>>)
      %dma_start3A_917 = arith.constant 3 : i32
      %dma_start3A_918 = arith.constant 0 : i32
      %dma_start3A_919 = tpu.memref_slice %arg8[%dma_start3A_917, %dma_start3A_918] : memref<8x128xi32, #tpu.memory_space<vmem>> -> memref<1x128xi32, #tpu.memory_space<vmem>>
      %dma_start3A_920 = tpu.memref_squeeze %dma_start3A_919 : memref<1x128xi32, #tpu.memory_space<vmem>> -> memref<128xi32, #tpu.memory_space<vmem>>
      %dma_start3A_921 = arith.constant 0 : i32
      %dma_start3A_922 = arith.constant 0 : i32
      %dma_start3A_923 = tpu.memref_slice %arg5[%dma_start3A_921, %dma_start3A_922] : memref<20480x64xf32, #tpu.memory_space<hbm>> -> memref<20480x64xf32, #tpu.memory_space<hbm>>
      tpu.enqueue_indirect_dma source(%dma_start3A_923 : memref<20480x64xf32, #tpu.memory_space<hbm>>) target(%arg13 : memref<128x64xf32, #tpu.memory_space<vmem>>) offsets(%dma_start3A_920 : memref<128xi32, #tpu.memory_space<vmem>>) semaphore(%arg21 : memref<!tpu.dma_semaphore, #tpu.memory_space<semaphore_mem>>)
      %dma_wait3A_924 = arith.constant 4 : i32
      %dma_wait3A_925 = arith.constant 0 : i32
      %dma_wait3A_926 = tpu.memref_slice %arg9[%dma_wait3A_924, %dma_wait3A_925] : memref<8x128xi32, #tpu.memory_space<vmem>> -> memref<1x128xi32, #tpu.memory_space<vmem>>
      %dma_wait3A_927 = tpu.memref_squeeze %dma_wait3A_926 : memref<1x128xi32, #tpu.memory_space<vmem>> -> memref<128xi32, #tpu.memory_space<vmem>>
      %dma_wait3A_928 = arith.constant 0 : i32
      %dma_wait3A_929 = arith.constant 0 : i32
      %dma_wait3A_930 = tpu.memref_slice %arg20[%dma_wait3A_928, %dma_wait3A_929] : memref<10240x64xf32, #tpu.memory_space<vmem_shared>> -> memref<10240x64xf32, #tpu.memory_space<vmem_shared>>
      tpu.wait_indirect_dma semaphore(%arg24 : memref<!tpu.dma_semaphore, #tpu.memory_space<semaphore_mem>>) src(%arg14 : memref<128x64xf32, #tpu.memory_space<vmem>>) dst(%dma_wait3A_930 : memref<10240x64xf32, #tpu.memory_space<vmem_shared>>)
      %dma_wait3A_931 = arith.constant 5 : i32
      %dma_wait3A_932 = arith.constant 0 : i32
      %dma_wait3A_933 = tpu.memref_slice %arg9[%dma_wait3A_931, %dma_wait3A_932] : memref<8x128xi32, #tpu.memory_space<vmem>> -> memref<1x128xi32, #tpu.memory_space<vmem>>
      %dma_wait3A_934 = tpu.memref_squeeze %dma_wait3A_933 : memref<1x128xi32, #tpu.memory_space<vmem>> -> memref<128xi32, #tpu.memory_space<vmem>>
      %dma_wait3A_935 = arith.constant 0 : i32
      %dma_wait3A_936 = arith.constant 0 : i32
      %dma_wait3A_937 = tpu.memref_slice %arg20[%dma_wait3A_935, %dma_wait3A_936] : memref<10240x64xf32, #tpu.memory_space<vmem_shared>> -> memref<10240x64xf32, #tpu.memory_space<vmem_shared>>
      tpu.wait_indirect_dma semaphore(%arg24 : memref<!tpu.dma_semaphore, #tpu.memory_space<semaphore_mem>>) src(%arg15 : memref<128x64xf32, #tpu.memory_space<vmem>>) dst(%dma_wait3A_937 : memref<10240x64xf32, #tpu.memory_space<vmem_shared>>)
      %dma_wait3A_938 = arith.constant 6 : i32
      %dma_wait3A_939 = arith.constant 0 : i32
      %dma_wait3A_940 = tpu.memref_slice %arg9[%dma_wait3A_938, %dma_wait3A_939] : memref<8x128xi32, #tpu.memory_space<vmem>> -> memref<1x128xi32, #tpu.memory_space<vmem>>
      %dma_wait3A_941 = tpu.memref_squeeze %dma_wait3A_940 : memref<1x128xi32, #tpu.memory_space<vmem>> -> memref<128xi32, #tpu.memory_space<vmem>>
      %dma_wait3A_942 = arith.constant 0 : i32
      %dma_wait3A_943 = arith.constant 0 : i32
      %dma_wait3A_944 = tpu.memref_slice %arg20[%dma_wait3A_942, %dma_wait3A_943] : memref<10240x64xf32, #tpu.memory_space<vmem_shared>> -> memref<10240x64xf32, #tpu.memory_space<vmem_shared>>
      tpu.wait_indirect_dma semaphore(%arg24 : memref<!tpu.dma_semaphore, #tpu.memory_space<semaphore_mem>>) src(%arg16 : memref<128x64xf32, #tpu.memory_space<vmem>>) dst(%dma_wait3A_944 : memref<10240x64xf32, #tpu.memory_space<vmem_shared>>)
      %dma_wait3A_945 = arith.constant 7 : i32
      %dma_wait3A_946 = arith.constant 0 : i32
      %dma_wait3A_947 = tpu.memref_slice %arg9[%dma_wait3A_945, %dma_wait3A_946] : memref<8x128xi32, #tpu.memory_space<vmem>> -> memref<1x128xi32, #tpu.memory_space<vmem>>
      %dma_wait3A_948 = tpu.memref_squeeze %dma_wait3A_947 : memref<1x128xi32, #tpu.memory_space<vmem>> -> memref<128xi32, #tpu.memory_space<vmem>>
      %dma_wait3A_949 = arith.constant 0 : i32
      %dma_wait3A_950 = arith.constant 0 : i32
      %dma_wait3A_951 = tpu.memref_slice %arg20[%dma_wait3A_949, %dma_wait3A_950] : memref<10240x64xf32, #tpu.memory_space<vmem_shared>> -> memref<10240x64xf32, #tpu.memory_space<vmem_shared>>
      tpu.wait_indirect_dma semaphore(%arg24 : memref<!tpu.dma_semaphore, #tpu.memory_space<semaphore_mem>>) src(%arg17 : memref<128x64xf32, #tpu.memory_space<vmem>>) dst(%dma_wait3A_951 : memref<10240x64xf32, #tpu.memory_space<vmem_shared>>)
      %add3A_952 = arith.constant 2 : i32
      %add3A_953 = arith.addi %add3A_737, %add3A_952 : i32
      %dma_start3A_954 = arith.constant 0 : i32
      %dma_start3A_955 = arith.constant 0 : i32
      %dma_start3A_956 = tpu.memref_slice %arg3[%arg0, %arg1, %add3A_953, %dma_start3A_954, %dma_start3A_955] : memref<2x16x40x8x128xi32, #tpu.memory_space<hbm>> -> memref<1x1x1x8x128xi32, #tpu.memory_space<hbm>>
      %dma_start3A_957 = tpu.memref_squeeze %dma_start3A_956 : memref<1x1x1x8x128xi32, #tpu.memory_space<hbm>> -> memref<8x128xi32, #tpu.memory_space<hbm>>
      %dma_start3A_958 = arith.constant 0 : i32
      %dma_start3A_959 = arith.constant 0 : i32
      %dma_start3A_960 = tpu.memref_slice %arg3[%arg0, %arg1, %add3A_953, %dma_start3A_958, %dma_start3A_959] : memref<2x16x40x8x128xi32, #tpu.memory_space<hbm>> -> memref<1x1x1x8x128xi32, #tpu.memory_space<hbm>>
      %dma_start3A_961 = tpu.memref_squeeze %dma_start3A_960 : memref<1x1x1x8x128xi32, #tpu.memory_space<hbm>> -> memref<8x128xi32, #tpu.memory_space<hbm>>
      tpu.enqueue_dma source(%dma_start3A_961 : memref<8x128xi32, #tpu.memory_space<hbm>>) target(%arg9 : memref<8x128xi32, #tpu.memory_space<vmem>>) target_semaphore(%arg26 : memref<!tpu.dma_semaphore, #tpu.memory_space<semaphore_mem>>)
      %dma_wait3A_962 = arith.constant 0 : i32
      %dma_wait3A_963 = arith.constant 0 : i32
      %dma_wait3A_964 = tpu.memref_slice %arg8[%dma_wait3A_962, %dma_wait3A_963] : memref<8x128xi32, #tpu.memory_space<vmem>> -> memref<1x128xi32, #tpu.memory_space<vmem>>
      %dma_wait3A_965 = tpu.memref_squeeze %dma_wait3A_964 : memref<1x128xi32, #tpu.memory_space<vmem>> -> memref<128xi32, #tpu.memory_space<vmem>>
      %dma_wait3A_966 = arith.constant 0 : i32
      %dma_wait3A_967 = arith.constant 0 : i32
      %dma_wait3A_968 = tpu.memref_slice %arg5[%dma_wait3A_966, %dma_wait3A_967] : memref<20480x64xf32, #tpu.memory_space<hbm>> -> memref<20480x64xf32, #tpu.memory_space<hbm>>
      tpu.wait_indirect_dma semaphore(%arg21 : memref<!tpu.dma_semaphore, #tpu.memory_space<semaphore_mem>>) src(%dma_wait3A_968 : memref<20480x64xf32, #tpu.memory_space<hbm>>) dst(%arg10 : memref<128x64xf32, #tpu.memory_space<vmem>>)
      %dma_wait3A_969 = arith.constant 1 : i32
      %dma_wait3A_970 = arith.constant 0 : i32
      %dma_wait3A_971 = tpu.memref_slice %arg8[%dma_wait3A_969, %dma_wait3A_970] : memref<8x128xi32, #tpu.memory_space<vmem>> -> memref<1x128xi32, #tpu.memory_space<vmem>>
      %dma_wait3A_972 = tpu.memref_squeeze %dma_wait3A_971 : memref<1x128xi32, #tpu.memory_space<vmem>> -> memref<128xi32, #tpu.memory_space<vmem>>
      %dma_wait3A_973 = arith.constant 0 : i32
      %dma_wait3A_974 = arith.constant 0 : i32
      %dma_wait3A_975 = tpu.memref_slice %arg5[%dma_wait3A_973, %dma_wait3A_974] : memref<20480x64xf32, #tpu.memory_space<hbm>> -> memref<20480x64xf32, #tpu.memory_space<hbm>>
      tpu.wait_indirect_dma semaphore(%arg21 : memref<!tpu.dma_semaphore, #tpu.memory_space<semaphore_mem>>) src(%dma_wait3A_975 : memref<20480x64xf32, #tpu.memory_space<hbm>>) dst(%arg11 : memref<128x64xf32, #tpu.memory_space<vmem>>)
      %dma_wait3A_976 = arith.constant 2 : i32
      %dma_wait3A_977 = arith.constant 0 : i32
      %dma_wait3A_978 = tpu.memref_slice %arg8[%dma_wait3A_976, %dma_wait3A_977] : memref<8x128xi32, #tpu.memory_space<vmem>> -> memref<1x128xi32, #tpu.memory_space<vmem>>
      %dma_wait3A_979 = tpu.memref_squeeze %dma_wait3A_978 : memref<1x128xi32, #tpu.memory_space<vmem>> -> memref<128xi32, #tpu.memory_space<vmem>>
      %dma_wait3A_980 = arith.constant 0 : i32
      %dma_wait3A_981 = arith.constant 0 : i32
      %dma_wait3A_982 = tpu.memref_slice %arg5[%dma_wait3A_980, %dma_wait3A_981] : memref<20480x64xf32, #tpu.memory_space<hbm>> -> memref<20480x64xf32, #tpu.memory_space<hbm>>
      tpu.wait_indirect_dma semaphore(%arg21 : memref<!tpu.dma_semaphore, #tpu.memory_space<semaphore_mem>>) src(%dma_wait3A_982 : memref<20480x64xf32, #tpu.memory_space<hbm>>) dst(%arg12 : memref<128x64xf32, #tpu.memory_space<vmem>>)
      %dma_wait3A_983 = arith.constant 3 : i32
      %dma_wait3A_984 = arith.constant 0 : i32
      %dma_wait3A_985 = tpu.memref_slice %arg8[%dma_wait3A_983, %dma_wait3A_984] : memref<8x128xi32, #tpu.memory_space<vmem>> -> memref<1x128xi32, #tpu.memory_space<vmem>>
      %dma_wait3A_986 = tpu.memref_squeeze %dma_wait3A_985 : memref<1x128xi32, #tpu.memory_space<vmem>> -> memref<128xi32, #tpu.memory_space<vmem>>
      %dma_wait3A_987 = arith.constant 0 : i32
      %dma_wait3A_988 = arith.constant 0 : i32
      %dma_wait3A_989 = tpu.memref_slice %arg5[%dma_wait3A_987, %dma_wait3A_988] : memref<20480x64xf32, #tpu.memory_space<hbm>> -> memref<20480x64xf32, #tpu.memory_space<hbm>>
      tpu.wait_indirect_dma semaphore(%arg21 : memref<!tpu.dma_semaphore, #tpu.memory_space<semaphore_mem>>) src(%dma_wait3A_989 : memref<20480x64xf32, #tpu.memory_space<hbm>>) dst(%arg13 : memref<128x64xf32, #tpu.memory_space<vmem>>)
      %dma_wait3A_990 = arith.constant 0 : i32
      %dma_wait3A_991 = arith.constant 0 : i32
      %dma_wait3A_992 = tpu.memref_slice %arg3[%arg0, %arg1, %add3A_953, %dma_wait3A_990, %dma_wait3A_991] : memref<2x16x40x8x128xi32, #tpu.memory_space<hbm>> -> memref<1x1x1x8x128xi32, #tpu.memory_space<hbm>>
      %dma_wait3A_993 = tpu.memref_squeeze %dma_wait3A_992 : memref<1x1x1x8x128xi32, #tpu.memory_space<hbm>> -> memref<8x128xi32, #tpu.memory_space<hbm>>
      %dma_wait3A_994 = arith.constant 0 : i32
      %dma_wait3A_995 = arith.constant 0 : i32
      %dma_wait3A_996 = tpu.memref_slice %arg3[%arg0, %arg1, %add3A_953, %dma_wait3A_994, %dma_wait3A_995] : memref<2x16x40x8x128xi32, #tpu.memory_space<hbm>> -> memref<1x1x1x8x128xi32, #tpu.memory_space<hbm>>
      %dma_wait3A_997 = tpu.memref_squeeze %dma_wait3A_996 : memref<1x1x1x8x128xi32, #tpu.memory_space<hbm>> -> memref<8x128xi32, #tpu.memory_space<hbm>>
      tpu.wait_dma2 semaphore(%arg26 : memref<!tpu.dma_semaphore, #tpu.memory_space<semaphore_mem>>) src(%dma_wait3A_997 : memref<8x128xi32, #tpu.memory_space<hbm>>) dst(%arg9 : memref<8x128xi32, #tpu.memory_space<vmem>>)
    }
    %scan3A_556 = arith.constant 19 : i32
    %dma_start3A_557 = arith.constant 4 : i32
    %dma_start3A_558 = arith.constant 0 : i32
    %dma_start3A_559 = tpu.memref_slice %arg8[%dma_start3A_557, %dma_start3A_558] : memref<8x128xi32, #tpu.memory_space<vmem>> -> memref<1x128xi32, #tpu.memory_space<vmem>>
    %dma_start3A_560 = tpu.memref_squeeze %dma_start3A_559 : memref<1x128xi32, #tpu.memory_space<vmem>> -> memref<128xi32, #tpu.memory_space<vmem>>
    %dma_start3A_561 = arith.constant 0 : i32
    %dma_start3A_562 = arith.constant 0 : i32
    %dma_start3A_563 = tpu.memref_slice %arg20[%dma_start3A_561, %dma_start3A_562] : memref<10240x64xf32, #tpu.memory_space<vmem_shared>> -> memref<10240x64xf32, #tpu.memory_space<vmem_shared>>
    tpu.enqueue_indirect_dma source(%arg10 : memref<128x64xf32, #tpu.memory_space<vmem>>) target(%dma_start3A_563 : memref<10240x64xf32, #tpu.memory_space<vmem_shared>>) offsets(%dma_start3A_560 : memref<128xi32, #tpu.memory_space<vmem>>) semaphore(%arg22 : memref<!tpu.dma_semaphore, #tpu.memory_space<semaphore_mem>>) {add = true}
    %dma_start3A_564 = arith.constant 5 : i32
    %dma_start3A_565 = arith.constant 0 : i32
    %dma_start3A_566 = tpu.memref_slice %arg8[%dma_start3A_564, %dma_start3A_565] : memref<8x128xi32, #tpu.memory_space<vmem>> -> memref<1x128xi32, #tpu.memory_space<vmem>>
    %dma_start3A_567 = tpu.memref_squeeze %dma_start3A_566 : memref<1x128xi32, #tpu.memory_space<vmem>> -> memref<128xi32, #tpu.memory_space<vmem>>
    %dma_start3A_568 = arith.constant 0 : i32
    %dma_start3A_569 = arith.constant 0 : i32
    %dma_start3A_570 = tpu.memref_slice %arg20[%dma_start3A_568, %dma_start3A_569] : memref<10240x64xf32, #tpu.memory_space<vmem_shared>> -> memref<10240x64xf32, #tpu.memory_space<vmem_shared>>
    tpu.enqueue_indirect_dma source(%arg11 : memref<128x64xf32, #tpu.memory_space<vmem>>) target(%dma_start3A_570 : memref<10240x64xf32, #tpu.memory_space<vmem_shared>>) offsets(%dma_start3A_567 : memref<128xi32, #tpu.memory_space<vmem>>) semaphore(%arg22 : memref<!tpu.dma_semaphore, #tpu.memory_space<semaphore_mem>>) {add = true}
    %dma_start3A_571 = arith.constant 6 : i32
    %dma_start3A_572 = arith.constant 0 : i32
    %dma_start3A_573 = tpu.memref_slice %arg8[%dma_start3A_571, %dma_start3A_572] : memref<8x128xi32, #tpu.memory_space<vmem>> -> memref<1x128xi32, #tpu.memory_space<vmem>>
    %dma_start3A_574 = tpu.memref_squeeze %dma_start3A_573 : memref<1x128xi32, #tpu.memory_space<vmem>> -> memref<128xi32, #tpu.memory_space<vmem>>
    %dma_start3A_575 = arith.constant 0 : i32
    %dma_start3A_576 = arith.constant 0 : i32
    %dma_start3A_577 = tpu.memref_slice %arg20[%dma_start3A_575, %dma_start3A_576] : memref<10240x64xf32, #tpu.memory_space<vmem_shared>> -> memref<10240x64xf32, #tpu.memory_space<vmem_shared>>
    tpu.enqueue_indirect_dma source(%arg12 : memref<128x64xf32, #tpu.memory_space<vmem>>) target(%dma_start3A_577 : memref<10240x64xf32, #tpu.memory_space<vmem_shared>>) offsets(%dma_start3A_574 : memref<128xi32, #tpu.memory_space<vmem>>) semaphore(%arg22 : memref<!tpu.dma_semaphore, #tpu.memory_space<semaphore_mem>>) {add = true}
    %dma_start3A_578 = arith.constant 7 : i32
    %dma_start3A_579 = arith.constant 0 : i32
    %dma_start3A_580 = tpu.memref_slice %arg8[%dma_start3A_578, %dma_start3A_579] : memref<8x128xi32, #tpu.memory_space<vmem>> -> memref<1x128xi32, #tpu.memory_space<vmem>>
    %dma_start3A_581 = tpu.memref_squeeze %dma_start3A_580 : memref<1x128xi32, #tpu.memory_space<vmem>> -> memref<128xi32, #tpu.memory_space<vmem>>
    %dma_start3A_582 = arith.constant 0 : i32
    %dma_start3A_583 = arith.constant 0 : i32
    %dma_start3A_584 = tpu.memref_slice %arg20[%dma_start3A_582, %dma_start3A_583] : memref<10240x64xf32, #tpu.memory_space<vmem_shared>> -> memref<10240x64xf32, #tpu.memory_space<vmem_shared>>
    tpu.enqueue_indirect_dma source(%arg13 : memref<128x64xf32, #tpu.memory_space<vmem>>) target(%dma_start3A_584 : memref<10240x64xf32, #tpu.memory_space<vmem_shared>>) offsets(%dma_start3A_581 : memref<128xi32, #tpu.memory_space<vmem>>) semaphore(%arg22 : memref<!tpu.dma_semaphore, #tpu.memory_space<semaphore_mem>>) {add = true}
    %dma_start3A_585 = arith.constant 0 : i32
    %dma_start3A_586 = arith.constant 0 : i32
    %dma_start3A_587 = tpu.memref_slice %arg9[%dma_start3A_585, %dma_start3A_586] : memref<8x128xi32, #tpu.memory_space<vmem>> -> memref<1x128xi32, #tpu.memory_space<vmem>>
    %dma_start3A_588 = tpu.memref_squeeze %dma_start3A_587 : memref<1x128xi32, #tpu.memory_space<vmem>> -> memref<128xi32, #tpu.memory_space<vmem>>
    %dma_start3A_589 = arith.constant 0 : i32
    %dma_start3A_590 = arith.constant 0 : i32
    %dma_start3A_591 = tpu.memref_slice %arg5[%dma_start3A_589, %dma_start3A_590] : memref<20480x64xf32, #tpu.memory_space<hbm>> -> memref<20480x64xf32, #tpu.memory_space<hbm>>
    tpu.enqueue_indirect_dma source(%dma_start3A_591 : memref<20480x64xf32, #tpu.memory_space<hbm>>) target(%arg14 : memref<128x64xf32, #tpu.memory_space<vmem>>) offsets(%dma_start3A_588 : memref<128xi32, #tpu.memory_space<vmem>>) semaphore(%arg23 : memref<!tpu.dma_semaphore, #tpu.memory_space<semaphore_mem>>)
    %dma_start3A_592 = arith.constant 1 : i32
    %dma_start3A_593 = arith.constant 0 : i32
    %dma_start3A_594 = tpu.memref_slice %arg9[%dma_start3A_592, %dma_start3A_593] : memref<8x128xi32, #tpu.memory_space<vmem>> -> memref<1x128xi32, #tpu.memory_space<vmem>>
    %dma_start3A_595 = tpu.memref_squeeze %dma_start3A_594 : memref<1x128xi32, #tpu.memory_space<vmem>> -> memref<128xi32, #tpu.memory_space<vmem>>
    %dma_start3A_596 = arith.constant 0 : i32
    %dma_start3A_597 = arith.constant 0 : i32
    %dma_start3A_598 = tpu.memref_slice %arg5[%dma_start3A_596, %dma_start3A_597] : memref<20480x64xf32, #tpu.memory_space<hbm>> -> memref<20480x64xf32, #tpu.memory_space<hbm>>
    tpu.enqueue_indirect_dma source(%dma_start3A_598 : memref<20480x64xf32, #tpu.memory_space<hbm>>) target(%arg15 : memref<128x64xf32, #tpu.memory_space<vmem>>) offsets(%dma_start3A_595 : memref<128xi32, #tpu.memory_space<vmem>>) semaphore(%arg23 : memref<!tpu.dma_semaphore, #tpu.memory_space<semaphore_mem>>)
    %dma_start3A_599 = arith.constant 2 : i32
    %dma_start3A_600 = arith.constant 0 : i32
    %dma_start3A_601 = tpu.memref_slice %arg9[%dma_start3A_599, %dma_start3A_600] : memref<8x128xi32, #tpu.memory_space<vmem>> -> memref<1x128xi32, #tpu.memory_space<vmem>>
    %dma_start3A_602 = tpu.memref_squeeze %dma_start3A_601 : memref<1x128xi32, #tpu.memory_space<vmem>> -> memref<128xi32, #tpu.memory_space<vmem>>
    %dma_start3A_603 = arith.constant 0 : i32
    %dma_start3A_604 = arith.constant 0 : i32
    %dma_start3A_605 = tpu.memref_slice %arg5[%dma_start3A_603, %dma_start3A_604] : memref<20480x64xf32, #tpu.memory_space<hbm>> -> memref<20480x64xf32, #tpu.memory_space<hbm>>
    tpu.enqueue_indirect_dma source(%dma_start3A_605 : memref<20480x64xf32, #tpu.memory_space<hbm>>) target(%arg16 : memref<128x64xf32, #tpu.memory_space<vmem>>) offsets(%dma_start3A_602 : memref<128xi32, #tpu.memory_space<vmem>>) semaphore(%arg23 : memref<!tpu.dma_semaphore, #tpu.memory_space<semaphore_mem>>)
    %dma_start3A_606 = arith.constant 3 : i32
    %dma_start3A_607 = arith.constant 0 : i32
    %dma_start3A_608 = tpu.memref_slice %arg9[%dma_start3A_606, %dma_start3A_607] : memref<8x128xi32, #tpu.memory_space<vmem>> -> memref<1x128xi32, #tpu.memory_space<vmem>>
    %dma_start3A_609 = tpu.memref_squeeze %dma_start3A_608 : memref<1x128xi32, #tpu.memory_space<vmem>> -> memref<128xi32, #tpu.memory_space<vmem>>
    %dma_start3A_610 = arith.constant 0 : i32
    %dma_start3A_611 = arith.constant 0 : i32
    %dma_start3A_612 = tpu.memref_slice %arg5[%dma_start3A_610, %dma_start3A_611] : memref<20480x64xf32, #tpu.memory_space<hbm>> -> memref<20480x64xf32, #tpu.memory_space<hbm>>
    tpu.enqueue_indirect_dma source(%dma_start3A_612 : memref<20480x64xf32, #tpu.memory_space<hbm>>) target(%arg17 : memref<128x64xf32, #tpu.memory_space<vmem>>) offsets(%dma_start3A_609 : memref<128xi32, #tpu.memory_space<vmem>>) semaphore(%arg23 : memref<!tpu.dma_semaphore, #tpu.memory_space<semaphore_mem>>)
    %dma_wait3A_613 = arith.constant 4 : i32
    %dma_wait3A_614 = arith.constant 0 : i32
    %dma_wait3A_615 = tpu.memref_slice %arg8[%dma_wait3A_613, %dma_wait3A_614] : memref<8x128xi32, #tpu.memory_space<vmem>> -> memref<1x128xi32, #tpu.memory_space<vmem>>
    %dma_wait3A_616 = tpu.memref_squeeze %dma_wait3A_615 : memref<1x128xi32, #tpu.memory_space<vmem>> -> memref<128xi32, #tpu.memory_space<vmem>>
    %dma_wait3A_617 = arith.constant 0 : i32
    %dma_wait3A_618 = arith.constant 0 : i32
    %dma_wait3A_619 = tpu.memref_slice %arg20[%dma_wait3A_617, %dma_wait3A_618] : memref<10240x64xf32, #tpu.memory_space<vmem_shared>> -> memref<10240x64xf32, #tpu.memory_space<vmem_shared>>
    tpu.wait_indirect_dma semaphore(%arg22 : memref<!tpu.dma_semaphore, #tpu.memory_space<semaphore_mem>>) src(%arg10 : memref<128x64xf32, #tpu.memory_space<vmem>>) dst(%dma_wait3A_619 : memref<10240x64xf32, #tpu.memory_space<vmem_shared>>)
    %dma_wait3A_620 = arith.constant 5 : i32
    %dma_wait3A_621 = arith.constant 0 : i32
    %dma_wait3A_622 = tpu.memref_slice %arg8[%dma_wait3A_620, %dma_wait3A_621] : memref<8x128xi32, #tpu.memory_space<vmem>> -> memref<1x128xi32, #tpu.memory_space<vmem>>
    %dma_wait3A_623 = tpu.memref_squeeze %dma_wait3A_622 : memref<1x128xi32, #tpu.memory_space<vmem>> -> memref<128xi32, #tpu.memory_space<vmem>>
    %dma_wait3A_624 = arith.constant 0 : i32
    %dma_wait3A_625 = arith.constant 0 : i32
    %dma_wait3A_626 = tpu.memref_slice %arg20[%dma_wait3A_624, %dma_wait3A_625] : memref<10240x64xf32, #tpu.memory_space<vmem_shared>> -> memref<10240x64xf32, #tpu.memory_space<vmem_shared>>
    tpu.wait_indirect_dma semaphore(%arg22 : memref<!tpu.dma_semaphore, #tpu.memory_space<semaphore_mem>>) src(%arg11 : memref<128x64xf32, #tpu.memory_space<vmem>>) dst(%dma_wait3A_626 : memref<10240x64xf32, #tpu.memory_space<vmem_shared>>)
    %dma_wait3A_627 = arith.constant 6 : i32
    %dma_wait3A_628 = arith.constant 0 : i32
    %dma_wait3A_629 = tpu.memref_slice %arg8[%dma_wait3A_627, %dma_wait3A_628] : memref<8x128xi32, #tpu.memory_space<vmem>> -> memref<1x128xi32, #tpu.memory_space<vmem>>
    %dma_wait3A_630 = tpu.memref_squeeze %dma_wait3A_629 : memref<1x128xi32, #tpu.memory_space<vmem>> -> memref<128xi32, #tpu.memory_space<vmem>>
    %dma_wait3A_631 = arith.constant 0 : i32
    %dma_wait3A_632 = arith.constant 0 : i32
    %dma_wait3A_633 = tpu.memref_slice %arg20[%dma_wait3A_631, %dma_wait3A_632] : memref<10240x64xf32, #tpu.memory_space<vmem_shared>> -> memref<10240x64xf32, #tpu.memory_space<vmem_shared>>
    tpu.wait_indirect_dma semaphore(%arg22 : memref<!tpu.dma_semaphore, #tpu.memory_space<semaphore_mem>>) src(%arg12 : memref<128x64xf32, #tpu.memory_space<vmem>>) dst(%dma_wait3A_633 : memref<10240x64xf32, #tpu.memory_space<vmem_shared>>)
    %dma_wait3A_634 = arith.constant 7 : i32
    %dma_wait3A_635 = arith.constant 0 : i32
    %dma_wait3A_636 = tpu.memref_slice %arg8[%dma_wait3A_634, %dma_wait3A_635] : memref<8x128xi32, #tpu.memory_space<vmem>> -> memref<1x128xi32, #tpu.memory_space<vmem>>
    %dma_wait3A_637 = tpu.memref_squeeze %dma_wait3A_636 : memref<1x128xi32, #tpu.memory_space<vmem>> -> memref<128xi32, #tpu.memory_space<vmem>>
    %dma_wait3A_638 = arith.constant 0 : i32
    %dma_wait3A_639 = arith.constant 0 : i32
    %dma_wait3A_640 = tpu.memref_slice %arg20[%dma_wait3A_638, %dma_wait3A_639] : memref<10240x64xf32, #tpu.memory_space<vmem_shared>> -> memref<10240x64xf32, #tpu.memory_space<vmem_shared>>
    tpu.wait_indirect_dma semaphore(%arg22 : memref<!tpu.dma_semaphore, #tpu.memory_space<semaphore_mem>>) src(%arg13 : memref<128x64xf32, #tpu.memory_space<vmem>>) dst(%dma_wait3A_640 : memref<10240x64xf32, #tpu.memory_space<vmem_shared>>)
    %dma_wait3A_641 = arith.constant 0 : i32
    %dma_wait3A_642 = arith.constant 0 : i32
    %dma_wait3A_643 = tpu.memref_slice %arg9[%dma_wait3A_641, %dma_wait3A_642] : memref<8x128xi32, #tpu.memory_space<vmem>> -> memref<1x128xi32, #tpu.memory_space<vmem>>
    %dma_wait3A_644 = tpu.memref_squeeze %dma_wait3A_643 : memref<1x128xi32, #tpu.memory_space<vmem>> -> memref<128xi32, #tpu.memory_space<vmem>>
    %dma_wait3A_645 = arith.constant 0 : i32
    %dma_wait3A_646 = arith.constant 0 : i32
    %dma_wait3A_647 = tpu.memref_slice %arg5[%dma_wait3A_645, %dma_wait3A_646] : memref<20480x64xf32, #tpu.memory_space<hbm>> -> memref<20480x64xf32, #tpu.memory_space<hbm>>
    tpu.wait_indirect_dma semaphore(%arg23 : memref<!tpu.dma_semaphore, #tpu.memory_space<semaphore_mem>>) src(%dma_wait3A_647 : memref<20480x64xf32, #tpu.memory_space<hbm>>) dst(%arg14 : memref<128x64xf32, #tpu.memory_space<vmem>>)
    %dma_wait3A_648 = arith.constant 1 : i32
    %dma_wait3A_649 = arith.constant 0 : i32
    %dma_wait3A_650 = tpu.memref_slice %arg9[%dma_wait3A_648, %dma_wait3A_649] : memref<8x128xi32, #tpu.memory_space<vmem>> -> memref<1x128xi32, #tpu.memory_space<vmem>>
    %dma_wait3A_651 = tpu.memref_squeeze %dma_wait3A_650 : memref<1x128xi32, #tpu.memory_space<vmem>> -> memref<128xi32, #tpu.memory_space<vmem>>
    %dma_wait3A_652 = arith.constant 0 : i32
    %dma_wait3A_653 = arith.constant 0 : i32
    %dma_wait3A_654 = tpu.memref_slice %arg5[%dma_wait3A_652, %dma_wait3A_653] : memref<20480x64xf32, #tpu.memory_space<hbm>> -> memref<20480x64xf32, #tpu.memory_space<hbm>>
    tpu.wait_indirect_dma semaphore(%arg23 : memref<!tpu.dma_semaphore, #tpu.memory_space<semaphore_mem>>) src(%dma_wait3A_654 : memref<20480x64xf32, #tpu.memory_space<hbm>>) dst(%arg15 : memref<128x64xf32, #tpu.memory_space<vmem>>)
    %dma_wait3A_655 = arith.constant 2 : i32
    %dma_wait3A_656 = arith.constant 0 : i32
    %dma_wait3A_657 = tpu.memref_slice %arg9[%dma_wait3A_655, %dma_wait3A_656] : memref<8x128xi32, #tpu.memory_space<vmem>> -> memref<1x128xi32, #tpu.memory_space<vmem>>
    %dma_wait3A_658 = tpu.memref_squeeze %dma_wait3A_657 : memref<1x128xi32, #tpu.memory_space<vmem>> -> memref<128xi32, #tpu.memory_space<vmem>>
    %dma_wait3A_659 = arith.constant 0 : i32
    %dma_wait3A_660 = arith.constant 0 : i32
    %dma_wait3A_661 = tpu.memref_slice %arg5[%dma_wait3A_659, %dma_wait3A_660] : memref<20480x64xf32, #tpu.memory_space<hbm>> -> memref<20480x64xf32, #tpu.memory_space<hbm>>
    tpu.wait_indirect_dma semaphore(%arg23 : memref<!tpu.dma_semaphore, #tpu.memory_space<semaphore_mem>>) src(%dma_wait3A_661 : memref<20480x64xf32, #tpu.memory_space<hbm>>) dst(%arg16 : memref<128x64xf32, #tpu.memory_space<vmem>>)
    %dma_wait3A_662 = arith.constant 3 : i32
    %dma_wait3A_663 = arith.constant 0 : i32
    %dma_wait3A_664 = tpu.memref_slice %arg9[%dma_wait3A_662, %dma_wait3A_663] : memref<8x128xi32, #tpu.memory_space<vmem>> -> memref<1x128xi32, #tpu.memory_space<vmem>>
    %dma_wait3A_665 = tpu.memref_squeeze %dma_wait3A_664 : memref<1x128xi32, #tpu.memory_space<vmem>> -> memref<128xi32, #tpu.memory_space<vmem>>
    %dma_wait3A_666 = arith.constant 0 : i32
    %dma_wait3A_667 = arith.constant 0 : i32
    %dma_wait3A_668 = tpu.memref_slice %arg5[%dma_wait3A_666, %dma_wait3A_667] : memref<20480x64xf32, #tpu.memory_space<hbm>> -> memref<20480x64xf32, #tpu.memory_space<hbm>>
    tpu.wait_indirect_dma semaphore(%arg23 : memref<!tpu.dma_semaphore, #tpu.memory_space<semaphore_mem>>) src(%dma_wait3A_668 : memref<20480x64xf32, #tpu.memory_space<hbm>>) dst(%arg17 : memref<128x64xf32, #tpu.memory_space<vmem>>)
    %dma_start3A_669 = arith.constant 4 : i32
    %dma_start3A_670 = arith.constant 0 : i32
    %dma_start3A_671 = tpu.memref_slice %arg9[%dma_start3A_669, %dma_start3A_670] : memref<8x128xi32, #tpu.memory_space<vmem>> -> memref<1x128xi32, #tpu.memory_space<vmem>>
    %dma_start3A_672 = tpu.memref_squeeze %dma_start3A_671 : memref<1x128xi32, #tpu.memory_space<vmem>> -> memref<128xi32, #tpu.memory_space<vmem>>
    %dma_start3A_673 = arith.constant 0 : i32
    %dma_start3A_674 = arith.constant 0 : i32
    %dma_start3A_675 = tpu.memref_slice %arg20[%dma_start3A_673, %dma_start3A_674] : memref<10240x64xf32, #tpu.memory_space<vmem_shared>> -> memref<10240x64xf32, #tpu.memory_space<vmem_shared>>
    tpu.enqueue_indirect_dma source(%arg14 : memref<128x64xf32, #tpu.memory_space<vmem>>) target(%dma_start3A_675 : memref<10240x64xf32, #tpu.memory_space<vmem_shared>>) offsets(%dma_start3A_672 : memref<128xi32, #tpu.memory_space<vmem>>) semaphore(%arg24 : memref<!tpu.dma_semaphore, #tpu.memory_space<semaphore_mem>>) {add = true}
    %dma_start3A_676 = arith.constant 5 : i32
    %dma_start3A_677 = arith.constant 0 : i32
    %dma_start3A_678 = tpu.memref_slice %arg9[%dma_start3A_676, %dma_start3A_677] : memref<8x128xi32, #tpu.memory_space<vmem>> -> memref<1x128xi32, #tpu.memory_space<vmem>>
    %dma_start3A_679 = tpu.memref_squeeze %dma_start3A_678 : memref<1x128xi32, #tpu.memory_space<vmem>> -> memref<128xi32, #tpu.memory_space<vmem>>
    %dma_start3A_680 = arith.constant 0 : i32
    %dma_start3A_681 = arith.constant 0 : i32
    %dma_start3A_682 = tpu.memref_slice %arg20[%dma_start3A_680, %dma_start3A_681] : memref<10240x64xf32, #tpu.memory_space<vmem_shared>> -> memref<10240x64xf32, #tpu.memory_space<vmem_shared>>
    tpu.enqueue_indirect_dma source(%arg15 : memref<128x64xf32, #tpu.memory_space<vmem>>) target(%dma_start3A_682 : memref<10240x64xf32, #tpu.memory_space<vmem_shared>>) offsets(%dma_start3A_679 : memref<128xi32, #tpu.memory_space<vmem>>) semaphore(%arg24 : memref<!tpu.dma_semaphore, #tpu.memory_space<semaphore_mem>>) {add = true}
    %dma_start3A_683 = arith.constant 6 : i32
    %dma_start3A_684 = arith.constant 0 : i32
    %dma_start3A_685 = tpu.memref_slice %arg9[%dma_start3A_683, %dma_start3A_684] : memref<8x128xi32, #tpu.memory_space<vmem>> -> memref<1x128xi32, #tpu.memory_space<vmem>>
    %dma_start3A_686 = tpu.memref_squeeze %dma_start3A_685 : memref<1x128xi32, #tpu.memory_space<vmem>> -> memref<128xi32, #tpu.memory_space<vmem>>
    %dma_start3A_687 = arith.constant 0 : i32
    %dma_start3A_688 = arith.constant 0 : i32
    %dma_start3A_689 = tpu.memref_slice %arg20[%dma_start3A_687, %dma_start3A_688] : memref<10240x64xf32, #tpu.memory_space<vmem_shared>> -> memref<10240x64xf32, #tpu.memory_space<vmem_shared>>
    tpu.enqueue_indirect_dma source(%arg16 : memref<128x64xf32, #tpu.memory_space<vmem>>) target(%dma_start3A_689 : memref<10240x64xf32, #tpu.memory_space<vmem_shared>>) offsets(%dma_start3A_686 : memref<128xi32, #tpu.memory_space<vmem>>) semaphore(%arg24 : memref<!tpu.dma_semaphore, #tpu.memory_space<semaphore_mem>>) {add = true}
    %dma_start3A_690 = arith.constant 7 : i32
    %dma_start3A_691 = arith.constant 0 : i32
    %dma_start3A_692 = tpu.memref_slice %arg9[%dma_start3A_690, %dma_start3A_691] : memref<8x128xi32, #tpu.memory_space<vmem>> -> memref<1x128xi32, #tpu.memory_space<vmem>>
    %dma_start3A_693 = tpu.memref_squeeze %dma_start3A_692 : memref<1x128xi32, #tpu.memory_space<vmem>> -> memref<128xi32, #tpu.memory_space<vmem>>
    %dma_start3A_694 = arith.constant 0 : i32
    %dma_start3A_695 = arith.constant 0 : i32
    %dma_start3A_696 = tpu.memref_slice %arg20[%dma_start3A_694, %dma_start3A_695] : memref<10240x64xf32, #tpu.memory_space<vmem_shared>> -> memref<10240x64xf32, #tpu.memory_space<vmem_shared>>
    tpu.enqueue_indirect_dma source(%arg17 : memref<128x64xf32, #tpu.memory_space<vmem>>) target(%dma_start3A_696 : memref<10240x64xf32, #tpu.memory_space<vmem_shared>>) offsets(%dma_start3A_693 : memref<128xi32, #tpu.memory_space<vmem>>) semaphore(%arg24 : memref<!tpu.dma_semaphore, #tpu.memory_space<semaphore_mem>>) {add = true}
    %dma_wait3A_697 = arith.constant 4 : i32
    %dma_wait3A_698 = arith.constant 0 : i32
    %dma_wait3A_699 = tpu.memref_slice %arg9[%dma_wait3A_697, %dma_wait3A_698] : memref<8x128xi32, #tpu.memory_space<vmem>> -> memref<1x128xi32, #tpu.memory_space<vmem>>
    %dma_wait3A_700 = tpu.memref_squeeze %dma_wait3A_699 : memref<1x128xi32, #tpu.memory_space<vmem>> -> memref<128xi32, #tpu.memory_space<vmem>>
    %dma_wait3A_701 = arith.constant 0 : i32
    %dma_wait3A_702 = arith.constant 0 : i32
    %dma_wait3A_703 = tpu.memref_slice %arg20[%dma_wait3A_701, %dma_wait3A_702] : memref<10240x64xf32, #tpu.memory_space<vmem_shared>> -> memref<10240x64xf32, #tpu.memory_space<vmem_shared>>
    tpu.wait_indirect_dma semaphore(%arg24 : memref<!tpu.dma_semaphore, #tpu.memory_space<semaphore_mem>>) src(%arg14 : memref<128x64xf32, #tpu.memory_space<vmem>>) dst(%dma_wait3A_703 : memref<10240x64xf32, #tpu.memory_space<vmem_shared>>)
    %dma_wait3A_704 = arith.constant 5 : i32
    %dma_wait3A_705 = arith.constant 0 : i32
    %dma_wait3A_706 = tpu.memref_slice %arg9[%dma_wait3A_704, %dma_wait3A_705] : memref<8x128xi32, #tpu.memory_space<vmem>> -> memref<1x128xi32, #tpu.memory_space<vmem>>
    %dma_wait3A_707 = tpu.memref_squeeze %dma_wait3A_706 : memref<1x128xi32, #tpu.memory_space<vmem>> -> memref<128xi32, #tpu.memory_space<vmem>>
    %dma_wait3A_708 = arith.constant 0 : i32
    %dma_wait3A_709 = arith.constant 0 : i32
    %dma_wait3A_710 = tpu.memref_slice %arg20[%dma_wait3A_708, %dma_wait3A_709] : memref<10240x64xf32, #tpu.memory_space<vmem_shared>> -> memref<10240x64xf32, #tpu.memory_space<vmem_shared>>
    tpu.wait_indirect_dma semaphore(%arg24 : memref<!tpu.dma_semaphore, #tpu.memory_space<semaphore_mem>>) src(%arg15 : memref<128x64xf32, #tpu.memory_space<vmem>>) dst(%dma_wait3A_710 : memref<10240x64xf32, #tpu.memory_space<vmem_shared>>)
    %dma_wait3A_711 = arith.constant 6 : i32
    %dma_wait3A_712 = arith.constant 0 : i32
    %dma_wait3A_713 = tpu.memref_slice %arg9[%dma_wait3A_711, %dma_wait3A_712] : memref<8x128xi32, #tpu.memory_space<vmem>> -> memref<1x128xi32, #tpu.memory_space<vmem>>
    %dma_wait3A_714 = tpu.memref_squeeze %dma_wait3A_713 : memref<1x128xi32, #tpu.memory_space<vmem>> -> memref<128xi32, #tpu.memory_space<vmem>>
    %dma_wait3A_715 = arith.constant 0 : i32
    %dma_wait3A_716 = arith.constant 0 : i32
    %dma_wait3A_717 = tpu.memref_slice %arg20[%dma_wait3A_715, %dma_wait3A_716] : memref<10240x64xf32, #tpu.memory_space<vmem_shared>> -> memref<10240x64xf32, #tpu.memory_space<vmem_shared>>
    tpu.wait_indirect_dma semaphore(%arg24 : memref<!tpu.dma_semaphore, #tpu.memory_space<semaphore_mem>>) src(%arg16 : memref<128x64xf32, #tpu.memory_space<vmem>>) dst(%dma_wait3A_717 : memref<10240x64xf32, #tpu.memory_space<vmem_shared>>)
    %dma_wait3A_718 = arith.constant 7 : i32
    %dma_wait3A_719 = arith.constant 0 : i32
    %dma_wait3A_720 = tpu.memref_slice %arg9[%dma_wait3A_718, %dma_wait3A_719] : memref<8x128xi32, #tpu.memory_space<vmem>> -> memref<1x128xi32, #tpu.memory_space<vmem>>
    %dma_wait3A_721 = tpu.memref_squeeze %dma_wait3A_720 : memref<1x128xi32, #tpu.memory_space<vmem>> -> memref<128xi32, #tpu.memory_space<vmem>>
    %dma_wait3A_722 = arith.constant 0 : i32
    %dma_wait3A_723 = arith.constant 0 : i32
    %dma_wait3A_724 = tpu.memref_slice %arg20[%dma_wait3A_722, %dma_wait3A_723] : memref<10240x64xf32, #tpu.memory_space<vmem_shared>> -> memref<10240x64xf32, #tpu.memory_space<vmem_shared>>
    tpu.wait_indirect_dma semaphore(%arg24 : memref<!tpu.dma_semaphore, #tpu.memory_space<semaphore_mem>>) src(%arg17 : memref<128x64xf32, #tpu.memory_space<vmem>>) dst(%dma_wait3A_724 : memref<10240x64xf32, #tpu.memory_space<vmem_shared>>)
    %barrier3A_725 = arith.constant 0 : index
    tpu.barrier barrier_id(%barrier3A_725)
    %scan3A_726 = arith.constant 0 : i32
    %scan3A_727 = arith.constant 0 : i32
    %scan3A_728 = arith.constant 5 : i32
    %scan3A_729 = arith.addi %scan3A_727, %scan3A_728 : i32
    %scan3A_730 = arith.constant 1 : i32
    scf.for %scan3A_732 = %scan3A_727 to %scan3A_729 step %scan3A_730  : i32 {
      %mul3A_733 = arith.constant 640 : i32
      %mul3A_734 = arith.muli %arg1, %mul3A_733 : i32
      %mul3A_735 = arith.constant 128 : i32
      %mul3A_736 = arith.muli %scan3A_732, %mul3A_735 : i32
      %add3A = arith.addi %mul3A_734, %mul3A_736 : i32
      %mul3A_737 = arith.constant 10240 : i32
      %mul3A_738 = arith.muli %arg0, %mul3A_737 : i32
      %add3A_739 = arith.addi %mul3A_738, %add3A : i32
      "tpu.region"() ({
        %run_scoped3A_746 = tpu.sem_alloc : memref<!tpu.dma_semaphore, #tpu.memory_space<semaphore_mem>>
        %dma_start3A_747 = arith.constant 0 : i32
        %dma_start3A_748 = tpu.memref_slice %arg20[%add3A, %dma_start3A_747] : memref<10240x64xf32, #tpu.memory_space<vmem_shared>> -> memref<128x64xf32, #tpu.memory_space<vmem_shared>>
        %dma_start3A_749 = arith.constant 0 : i32
        %dma_start3A_750 = tpu.memref_slice %arg20[%add3A, %dma_start3A_749] : memref<10240x64xf32, #tpu.memory_space<vmem_shared>> -> memref<128x64xf32, #tpu.memory_space<vmem_shared>>
        tpu.enqueue_dma source(%dma_start3A_750 : memref<128x64xf32, #tpu.memory_space<vmem_shared>>) target(%arg10 : memref<128x64xf32, #tpu.memory_space<vmem>>) target_semaphore(%run_scoped3A_746 : memref<!tpu.dma_semaphore, #tpu.memory_space<semaphore_mem>>)
        %dma_wait3A_751 = arith.constant 0 : i32
        %dma_wait3A_752 = tpu.memref_slice %arg20[%add3A, %dma_wait3A_751] : memref<10240x64xf32, #tpu.memory_space<vmem_shared>> -> memref<128x64xf32, #tpu.memory_space<vmem_shared>>
        %dma_wait3A_753 = arith.constant 0 : i32
        %dma_wait3A_754 = tpu.memref_slice %arg20[%add3A, %dma_wait3A_753] : memref<10240x64xf32, #tpu.memory_space<vmem_shared>> -> memref<128x64xf32, #tpu.memory_space<vmem_shared>>
        tpu.wait_dma2 semaphore(%run_scoped3A_746 : memref<!tpu.dma_semaphore, #tpu.memory_space<semaphore_mem>>) src(%dma_wait3A_754 : memref<128x64xf32, #tpu.memory_space<vmem_shared>>) dst(%arg10 : memref<128x64xf32, #tpu.memory_space<vmem>>)
        tpu.yield
      }) : () -> ()
      "tpu.region"() ({
        %run_scoped3A_746 = tpu.sem_alloc : memref<!tpu.dma_semaphore, #tpu.memory_space<semaphore_mem>>
        %dma_start3A_747 = arith.constant 0 : i32
        %dma_start3A_748 = tpu.memref_slice %arg2[%add3A_739, %dma_start3A_747] : memref<20480x64xf32, #tpu.memory_space<hbm>> -> memref<128x64xf32, #tpu.memory_space<hbm>>
        %dma_start3A_749 = arith.constant 0 : i32
        %dma_start3A_750 = tpu.memref_slice %arg2[%add3A_739, %dma_start3A_749] : memref<20480x64xf32, #tpu.memory_space<hbm>> -> memref<128x64xf32, #tpu.memory_space<hbm>>
        tpu.enqueue_dma source(%dma_start3A_750 : memref<128x64xf32, #tpu.memory_space<hbm>>) target(%arg14 : memref<128x64xf32, #tpu.memory_space<vmem>>) target_semaphore(%run_scoped3A_746 : memref<!tpu.dma_semaphore, #tpu.memory_space<semaphore_mem>>)
        %dma_wait3A_751 = arith.constant 0 : i32
        %dma_wait3A_752 = tpu.memref_slice %arg2[%add3A_739, %dma_wait3A_751] : memref<20480x64xf32, #tpu.memory_space<hbm>> -> memref<128x64xf32, #tpu.memory_space<hbm>>
        %dma_wait3A_753 = arith.constant 0 : i32
        %dma_wait3A_754 = tpu.memref_slice %arg2[%add3A_739, %dma_wait3A_753] : memref<20480x64xf32, #tpu.memory_space<hbm>> -> memref<128x64xf32, #tpu.memory_space<hbm>>
        tpu.wait_dma2 semaphore(%run_scoped3A_746 : memref<!tpu.dma_semaphore, #tpu.memory_space<semaphore_mem>>) src(%dma_wait3A_754 : memref<128x64xf32, #tpu.memory_space<hbm>>) dst(%arg14 : memref<128x64xf32, #tpu.memory_space<vmem>>)
        tpu.yield
      }) : () -> ()
      %scan3A_740 = arith.constant 0 : i32
      %scan3A_741 = arith.constant 0 : i32
      %scan3A_742 = arith.constant 128 : i32
      %scan3A_743 = arith.addi %scan3A_741, %scan3A_742 : i32
      %scan3A_744 = arith.constant 1 : i32
      scf.for %scan3A_746 = %scan3A_741 to %scan3A_743 step %scan3A_744  : i32 {
        %mul3A_747 = arith.constant 128 : i32
        %mul3A_748 = arith.muli %scan3A_732, %mul3A_747 : i32
        %add3A_749 = arith.addi %mul3A_748, %scan3A_746 : i32
        %get3A = arith.index_cast %add3A_749 : i32 to index
        %get3A_750 = arith.constant 0 : index
        %get3A_751 = tpu.vector_load %arg19[%get3A, %get3A_750] {strides = array<i32>} : memref<640x16xf32, #tpu.memory_space<vmem>>, vector<16xf32>,
        %get3A_752 = arith.index_cast %scan3A_746 : i32 to index
        %get3A_753 = arith.constant 0 : index
        %get3A_754 = tpu.vector_load %arg10[%get3A_752, %get3A_753] {strides = array<i32>} : memref<128x64xf32, #tpu.memory_space<vmem>>, vector<16xf32>,
        %mul3A_755 = arith.mulf %get3A_751, %get3A_754 : vector<16xf32>
        %get3A_756 = arith.index_cast %scan3A_746 : i32 to index
        %get3A_757 = arith.constant 0 : index
        %get3A_758 = tpu.vector_load %arg14[%get3A_756, %get3A_757] {strides = array<i32>} : memref<128x64xf32, #tpu.memory_space<vmem>>, vector<16xf32>,
        %add3A_759 = arith.addf %mul3A_755, %get3A_758 : vector<16xf32>
        %max3A = arith.constant 0.000000e+00 : f32
        %max3A_760 = vector.broadcast %max3A : f32 to vector<16xf32>
        %max3A_761 = arith.maximumf %add3A_759, %max3A_760 : vector<16xf32>
        %swap3A = arith.index_cast %scan3A_746 : i32 to index
        %swap3A_762 = arith.constant 0 : index
        %swap3A_763 = tpu.vector_load %arg10[%swap3A, %swap3A_762] {strides = array<i32>} : memref<128x64xf32, #tpu.memory_space<vmem>>, vector<16xf32>,
        tpu.vector_store %arg10[%swap3A, %swap3A_762], %max3A_761 {strides = array<i32>} : memref<128x64xf32, #tpu.memory_space<vmem>>, vector<16xf32>,
        %get3A_764 = arith.index_cast %scan3A_746 : i32 to index
        %get3A_765 = arith.constant 16 : index
        %get3A_766 = tpu.vector_load %arg10[%get3A_764, %get3A_765] {strides = array<i32>} : memref<128x64xf32, #tpu.memory_space<vmem>>, vector<16xf32>,
        %mul3A_767 = arith.mulf %get3A_751, %get3A_766 : vector<16xf32>
        %get3A_768 = arith.index_cast %scan3A_746 : i32 to index
        %get3A_769 = arith.constant 16 : index
        %get3A_770 = tpu.vector_load %arg14[%get3A_768, %get3A_769] {strides = array<i32>} : memref<128x64xf32, #tpu.memory_space<vmem>>, vector<16xf32>,
        %add3A_771 = arith.addf %mul3A_767, %get3A_770 : vector<16xf32>
        %max3A_772 = arith.constant 0.000000e+00 : f32
        %max3A_773 = vector.broadcast %max3A_772 : f32 to vector<16xf32>
        %max3A_774 = arith.maximumf %add3A_771, %max3A_773 : vector<16xf32>
        %swap3A_775 = arith.index_cast %scan3A_746 : i32 to index
        %swap3A_776 = arith.constant 16 : index
        %swap3A_777 = tpu.vector_load %arg10[%swap3A_775, %swap3A_776] {strides = array<i32>} : memref<128x64xf32, #tpu.memory_space<vmem>>, vector<16xf32>,
        tpu.vector_store %arg10[%swap3A_775, %swap3A_776], %max3A_774 {strides = array<i32>} : memref<128x64xf32, #tpu.memory_space<vmem>>, vector<16xf32>,
        %get3A_778 = arith.index_cast %scan3A_746 : i32 to index
        %get3A_779 = arith.constant 32 : index
        %get3A_780 = tpu.vector_load %arg10[%get3A_778, %get3A_779] {strides = array<i32>} : memref<128x64xf32, #tpu.memory_space<vmem>>, vector<16xf32>,
        %mul3A_781 = arith.mulf %get3A_751, %get3A_780 : vector<16xf32>
        %get3A_782 = arith.index_cast %scan3A_746 : i32 to index
        %get3A_783 = arith.constant 32 : index
        %get3A_784 = tpu.vector_load %arg14[%get3A_782, %get3A_783] {strides = array<i32>} : memref<128x64xf32, #tpu.memory_space<vmem>>, vector<16xf32>,
        %add3A_785 = arith.addf %mul3A_781, %get3A_784 : vector<16xf32>
        %max3A_786 = arith.constant 0.000000e+00 : f32
        %max3A_787 = vector.broadcast %max3A_786 : f32 to vector<16xf32>
        %max3A_788 = arith.maximumf %add3A_785, %max3A_787 : vector<16xf32>
        %swap3A_789 = arith.index_cast %scan3A_746 : i32 to index
        %swap3A_790 = arith.constant 32 : index
        %swap3A_791 = tpu.vector_load %arg10[%swap3A_789, %swap3A_790] {strides = array<i32>} : memref<128x64xf32, #tpu.memory_space<vmem>>, vector<16xf32>,
        tpu.vector_store %arg10[%swap3A_789, %swap3A_790], %max3A_788 {strides = array<i32>} : memref<128x64xf32, #tpu.memory_space<vmem>>, vector<16xf32>,
        %get3A_792 = arith.index_cast %scan3A_746 : i32 to index
        %get3A_793 = arith.constant 48 : index
        %get3A_794 = tpu.vector_load %arg10[%get3A_792, %get3A_793] {strides = array<i32>} : memref<128x64xf32, #tpu.memory_space<vmem>>, vector<16xf32>,
        %mul3A_795 = arith.mulf %get3A_751, %get3A_794 : vector<16xf32>
        %get3A_796 = arith.index_cast %scan3A_746 : i32 to index
        %get3A_797 = arith.constant 48 : index
        %get3A_798 = tpu.vector_load %arg14[%get3A_796, %get3A_797] {strides = array<i32>} : memref<128x64xf32, #tpu.memory_space<vmem>>, vector<16xf32>,
        %add3A_799 = arith.addf %mul3A_795, %get3A_798 : vector<16xf32>
        %max3A_800 = arith.constant 0.000000e+00 : f32
        %max3A_801 = vector.broadcast %max3A_800 : f32 to vector<16xf32>
        %max3A_802 = arith.maximumf %add3A_799, %max3A_801 : vector<16xf32>
        %swap3A_803 = arith.index_cast %scan3A_746 : i32 to index
        %swap3A_804 = arith.constant 48 : index
        %swap3A_805 = tpu.vector_load %arg10[%swap3A_803, %swap3A_804] {strides = array<i32>} : memref<128x64xf32, #tpu.memory_space<vmem>>, vector<16xf32>,
        tpu.vector_store %arg10[%swap3A_803, %swap3A_804], %max3A_802 {strides = array<i32>} : memref<128x64xf32, #tpu.memory_space<vmem>>, vector<16xf32>,
      }
      %scan3A_745 = arith.constant 128 : i32
      "tpu.region"() ({
        %run_scoped3A_746 = tpu.sem_alloc : memref<!tpu.dma_semaphore, #tpu.memory_space<semaphore_mem>>
        %dma_start3A_747 = arith.constant 0 : i32
        %dma_start3A_748 = tpu.memref_slice %arg7[%arg0, %add3A, %dma_start3A_747] : memref<2x10240x64xf32, #tpu.memory_space<hbm>> -> memref<1x128x64xf32, #tpu.memory_space<hbm>>
        %dma_start3A_749 = tpu.memref_squeeze %dma_start3A_748 : memref<1x128x64xf32, #tpu.memory_space<hbm>> -> memref<128x64xf32, #tpu.memory_space<hbm>>
        %dma_start3A_750 = arith.constant 0 : i32
        %dma_start3A_751 = tpu.memref_slice %arg7[%arg0, %add3A, %dma_start3A_750] : memref<2x10240x64xf32, #tpu.memory_space<hbm>> -> memref<1x128x64xf32, #tpu.memory_space<hbm>>
        %dma_start3A_752 = tpu.memref_squeeze %dma_start3A_751 : memref<1x128x64xf32, #tpu.memory_space<hbm>> -> memref<128x64xf32, #tpu.memory_space<hbm>>
        tpu.enqueue_dma source(%arg10 : memref<128x64xf32, #tpu.memory_space<vmem>>) target(%dma_start3A_752 : memref<128x64xf32, #tpu.memory_space<hbm>>) target_semaphore(%run_scoped3A_746 : memref<!tpu.dma_semaphore, #tpu.memory_space<semaphore_mem>>)
        %dma_wait3A_753 = arith.constant 0 : i32
        %dma_wait3A_754 = tpu.memref_slice %arg7[%arg0, %add3A, %dma_wait3A_753] : memref<2x10240x64xf32, #tpu.memory_space<hbm>> -> memref<1x128x64xf32, #tpu.memory_space<hbm>>
        %dma_wait3A_755 = tpu.memref_squeeze %dma_wait3A_754 : memref<1x128x64xf32, #tpu.memory_space<hbm>> -> memref<128x64xf32, #tpu.memory_space<hbm>>
        %dma_wait3A_756 = arith.constant 0 : i32
        %dma_wait3A_757 = tpu.memref_slice %arg7[%arg0, %add3A, %dma_wait3A_756] : memref<2x10240x64xf32, #tpu.memory_space<hbm>> -> memref<1x128x64xf32, #tpu.memory_space<hbm>>
        %dma_wait3A_758 = tpu.memref_squeeze %dma_wait3A_757 : memref<1x128x64xf32, #tpu.memory_space<hbm>> -> memref<128x64xf32, #tpu.memory_space<hbm>>
        tpu.wait_dma2 semaphore(%run_scoped3A_746 : memref<!tpu.dma_semaphore, #tpu.memory_space<semaphore_mem>>) src(%arg10 : memref<128x64xf32, #tpu.memory_space<vmem>>) dst(%dma_wait3A_758 : memref<128x64xf32, #tpu.memory_space<hbm>>)
        tpu.yield
      }) : () -> ()
    }
    %scan3A_731 = arith.constant 5 : i32
    return
  }
}

</mosaic_0001>

<sc_bundles>
// kernel: kernel.4.cloned.1.call-start
scs
__scs_entry_jumppad:
0x0: {  	(pc) =	sbr.rel $0x88, $3  }
0x1: {  	(tag) =	ssettag $0x0;
	lr =	simm.s32 $0x1  }
0x2: {  	[smem:$0x3F9F] =	sst lr;
	_ =	strace $0xD0000000  }
0x3: {  	_ = 	snop  }
0x4: {  	_ = 	snop  }
0x5: {  	_ = 	snop  }
0x6: {  	_ = 	snop  }
0x7: {  	_ = 	snop  }
__scs_overlays_trampoline_lowered:
0x8: {  	[smem:$0x3FAE] =	sst s0  }
0x9: {  	[smem:$0x3FAF] =	sst s1  }
0xa: {  	[smem:$0x3FB0] =	sst s2  }
0xb: {  	[smem:$0x3FB1] =	sst s3  }
0xc: {  	[smem:$0x3FB2] =	sst s4  }
0xd: {  	[smem:$0x3FB3] =	sst s5  }
0xe: {  	[smem:$0x3FB4] =	sst s6  }
0xf: {  	[smem:$0x3FB5] =	sst s7  }
0x10: {  	[smem:$0x3FB6] =	sst s8  }
0x11: {  	[smem:$0x3FB7] =	sst s9;
	s0 =	simm.s32 @!p0 $0x0  }
0x12: {  	s1 =	sld [smem:$0x3F9D];
	s0 =	simm.s32 @p0 $0x1  }
0x13: {  	[smem:$0x3FB8] =	sst s0;
	s0 =	simm.s32 @!p1 $0x0  }
0x14: {  	s2 =	sld [smem:$0x3F9C];
	s0 =	simm.s32 @p1 $0x1  }
0x15: {  	[smem:$0x3FB9] =	sst s0;
	s0 =	simm.s32 @!p2 $0x0  }
0x16: {  	s3 =	sld [smem:$0x3FDB];
	s0 =	simm.s32 @p2 $0x1  }
0x17: {  	s4 =	simm.s32 $0x1BF5;
	[smem:$0x3FBB] =	sst s0  }
0x18: {  	s0 =	sld [smem:$0x3F9E];
	_ =	swait.ge [sflag:s4], $0x0  }
0x19: {  	s7 =	sld [smem:$0x3F9F]  }
0x1a: {  	s8 =	sadd.s32 $0xFFFFE003, lr  }
0x1b: {  	s9 =	sadd.s32 $0xFFFFFEF7, lr;
	s5 =	simm.s32 $0xFFFFFFFF;
	p2 =	slt.u32 s8, $0xFFFFF086  }
0x1c: {  	p1 =	slt.u32 s9, $0xF7A;
	s5 =	simm.s32 @!p2 $0x0  }
0x1d: {  	s5 =	simm.s32 @p1 $0x1;
	p0 =	seq.s32 s7, s2  }
0x1e: {  	s7 =	smul.u32 @!p0 $0xF7A, s2;
	p2 =	seq.s32 @!p0 s5, $0x0  }
0x1f: {  	s9 =	smul.u32 $0xF7A, s1;
	s8 =	simm.s32 @!p0 $0x1BF5;
	p2 =	por !p2, p0  }
0x20: {  	[sflag:s8] =	ssyncset.s32 @!p0 $0xFFFFF086;
	s6 =	sadd.s32 @!p0 s3, s7;
	s7 =	simm.s32 @!p0 $0x108  }
0x21: {  	s3 =	sadd.s32 s3, s9;
	s6 =	sadd.s32 @!p0 $0x88, s6;
	s7 =	simm.s32 @p2 $0x1082  }
0x22: {  	[simem:s7], [sflag:s8] =	dma.local @!p0 [hbm:s6], $0xF7A  }
0x23: {  	s9 =	sor.u32 $0xD0000000, s2;
	s6 =	simm.s32 $0x108;
	_ =	swait.ge @!p0 [sflag:s8], $0x0  }
0x24: {  	s3 =	sadd.s32 $0x88, s3;
	s6 =	simm.s32 @!p1 $0x1082;
	[sflag:s4] =	ssyncset.s32 $0xFFFFF086  }
0x25: {  	[simem:s6], [sflag:s4] =	dma.local [hbm:s3], $0xF7A  }
0x26: {  	[smem:$0x3F9F] =	sst s1;
	(tag) =	ssettag s2;
	_ =	strace s9  }
0x27: {  	s1 =	sld [smem:$0x3FAF]  }
0x28: {  	s2 =	sld [smem:$0x3FB0]  }
0x29: {  	s4 =	sld [smem:$0x3FB2]  }
0x2a: {  	p0 =	seq.s32 s5, $0x0;
	s5 =	sld [smem:$0x3FB3]  }
0x2b: {  	s6 =	sld [smem:$0x3FB4]  }
0x2c: {  	s7 =	sld [smem:$0x3FB5]  }
0x2d: {  	s3 =	simm.s32 $0x108;
	s8 =	sld [smem:$0x3FB6]  }
0x2e: {  	s3 =	simm.s32 @!p0 $0x1082;
	s9 =	sld [smem:$0x3FB7]  }
0x2f: {  	lr =	sadd.s32 s0, s3;
	s0 =	sld [smem:$0x3FAE]  }
0x30: {  	s3 =	sld [smem:$0x3FB1]  }
0x31: {  	[smem:$0x3FBA] =	sst s10  }
0x32: {  	s10 =	sld [smem:$0x3FB8];
	_ =	sdelay $0x3  }
0x33: {  	p0 =	seq.s32 s10, $0x1;
	s10 =	sld [smem:$0x3FBA];
	_ =	sdelay $0x3  }
0x34: {  	[smem:$0x3FBA] =	sst s10  }
0x35: {  	s10 =	sld [smem:$0x3FB9];
	_ =	sdelay $0x3  }
0x36: {  	p1 =	seq.s32 s10, $0x1;
	s10 =	sld [smem:$0x3FBA];
	_ =	sdelay $0x3  }
0x37: {  	[smem:$0x3FBA] =	sst s10  }
0x38: {  	s10 =	sld [smem:$0x3FBB]  }
0x39: {  	_ = 	snop;
	(pc) =	sbr.ind lr, $3  }
0x3a: {  	_ = 	snop  }
0x3b: {  	_ = 	snop  }
0x3c: {  	p2 =	seq.s32 s10, $0x1;
	s10 =	sld [smem:$0x3FBA]  }
0x3d: {  	_ =	shalt  }
0x3e: {  	_ =	shalt  }
0x3f: {  	_ =	shalt  }
0x40: {  	_ =	shalt  }
0x41: {  	_ =	shalt  }
0x42: {  	_ =	shalt  }
0x43: {  	_ =	shalt  }
0x44: {  	_ =	shalt  }
0x45: {  	_ =	shalt  }
0x46: {  	_ =	shalt  }
0x47: {  	_ =	shalt  }
0x48: {  	_ =	shalt  }
0x49: {  	_ =	shalt  }
0x4a: {  	_ =	shalt  }
0x4b: {  	_ =	shalt  }
0x4c: {  	_ =	shalt  }
0x4d: {  	_ =	shalt  }
0x4e: {  	_ =	shalt  }
0x4f: {  	_ =	shalt  }
0x50: {  	_ =	shalt  }
0x51: {  	_ =	shalt  }
0x52: {  	_ =	shalt  }
0x53: {  	_ =	shalt  }
0x54: {  	_ =	shalt  }
0x55: {  	_ =	shalt  }
0x56: {  	_ =	shalt  }
0x57: {  	_ =	shalt  }
0x58: {  	_ =	shalt  }
0x59: {  	_ =	shalt  }
0x5a: {  	_ =	shalt  }
0x5b: {  	_ =	shalt  }
0x5c: {  	_ =	shalt  }
0x5d: {  	_ =	shalt  }
0x5e: {  	_ =	shalt  }
0x5f: {  	_ =	shalt  }
0x60: {  	_ =	shalt  }
0x61: {  	_ =	shalt  }
0x62: {  	_ =	shalt  }
0x63: {  	_ =	shalt  }
0x64: {  	_ =	shalt  }
0x65: {  	_ =	shalt  }
0x66: {  	_ =	shalt  }
0x67: {  	_ =	shalt  }
0x68: {  	_ =	shalt  }
0x69: {  	_ =	shalt  }
0x6a: {  	_ =	shalt  }
0x6b: {  	_ =	shalt  }
0x6c: {  	_ =	shalt  }
0x6d: {  	_ =	shalt  }
0x6e: {  	_ =	shalt  }
0x6f: {  	_ =	shalt  }
0x70: {  	_ =	shalt  }
0x71: {  	_ =	shalt  }
0x72: {  	_ =	shalt  }
0x73: {  	_ =	shalt  }
0x74: {  	_ =	shalt  }
0x75: {  	_ =	shalt  }
0x76: {  	_ =	shalt  }
0x77: {  	_ =	shalt  }
0x78: {  	_ =	shalt  }
0x79: {  	_ =	shalt  }
0x7a: {  	_ =	shalt  }
0x7b: {  	_ =	shalt  }
0x7c: {  	_ =	shalt  }
0x7d: {  	_ =	shalt  }
0x7e: {  	_ =	shalt  }
0x7f: {  	_ =	shalt  }
0x80: {  	_ =	shalt  }
0x81: {  	_ =	shalt  }
0x82: {  	_ =	shalt  }
0x83: {  	_ =	shalt  }
0x84: {  	_ =	shalt  }
0x85: {  	_ =	shalt  }
0x86: {  	_ =	shalt  }
0x87: {  	_ =	shalt  }
.Lfunc_end0:
.L_simem_size_0:
called_computation_lowered:
.L_overlay_start_0:
0x88: {  	s2 =	sld [smem:$0x3FD9]  }
0x89: {  	s3 =	sld [smem:$0x3FFE];
	_ =	sdelay $0x1  }
0x8a: {  	s1 =	srdreg.scid  }
0x8b: {  	s0 =	sand.u32 $0x1, s1  }
0x8c: {  	s17 =	sshll.u32 s0, $0xA;
	s2 =	sadd.s32 s3, s2  }
0x8d: {  	s2 =	sadd.s32 s2, s17  }
0x8e: {  	[smem:$0x3FC6] =	sst s2  }
0x8f: {  	_ = 	snop  }
0x90: {  	s2 =	sld [smem:$0x3FD0];
	(tm) =	ssettm $0x1  }
0x91: {  	s18 =	sld [smem:$0x3FFB];
	_ =	sdelay $0x3  }
0x92: {  	_ =	strace s18  }
0x93: {  	s3 =	sld [smem:$0x3FFC];
	_ =	sdelay $0x3  }
0x94: {  	_ =	strace s3  }
0x95: {  	s3 =	sld [smem:$0x3FFD];
	_ =	sdelay $0x3  }
0x96: {  	_ =	strace s3  }
0x97: {  	_ =	strace $0x8FFFFFFF  }
0x98: {  	s19 =	sld [smem:$0x3FDB];
	_ =	sdelay $0x1  }
0x99: {  	s4 =	simm.s32 $_scs_section_size  }
0x9a: {  	s5 =	simm.s32 $_size__tile_overlayer_lowered;
	s6 =	simm.s32 $_tile_overlayer_lowered  }
0x9b: {  	s22 =	simm.s32 $0x1BFF;
	s21 =	sshll.u32 s6, $0x1;
	s3 =	sadd.s32 s4, s19  }
0x9c: {  	s7 =	simm.s32 $0x0;
	s20 =	sshll.u32 s5, $0x1;
	s5 =	sadd.s32 s21, s3  }
0x9d: {  	[timem:s7], [sflag:s22] =	dma.local [hbm:s5], s20  }
0x9e: {  	_ =	swait.ge [sflag:s22], s20  }
0x9f: {  	s4 =	ssub.s32 $0x0, s20;
	[sflag:s22] =	ssyncset.done $0x0  }
0xa0: {  	[sflag:s22] =	ssyncadd.s32 s4;
	_ =	sdelay $0x1  }
0xa1: {  	s23 =	simm.s32 $0x1B8B  }
0xa2: {  	_ =	swait.ge [sflag:s23], $0x1  }
0xa3: {  	[sflag:s23] =	ssyncset.done $0x0  }
0xa4: {  	s25 =	simm.s32 $0x1B8E;
	s24 =	sld [smem:$0x3FFE];
	[sflag:s23] =	ssyncadd.s32 $0xFFFFFFFF  }
0xa5: {  	s26 =	simm.s32 $execute0_lowered;
	[smem:$0x3FD2] =	sst s25  }
0xa6: {  	s5 =	sshll.u32 s26, $0x1;
	_ =	strace $0x80000046;
	[dreg:$0x1] =	wrdreg $0xFFFFFFFF  }
0xa7: {  	s28 =	simm.s32 $_size_execute0_lowered;
	s3 =	sadd.s32 s3, s5;
	[dreg:$0x0] =	wrdreg $0x0  }
0xa8: {  	s5 =	sshll.u32 s28, $0x1;
	[dreg:$0x2] =	wrdreg s3  }
0xa9: {  	[dreg:$0x3] =	wrdreg s5  }
0xaa: {  	[dreg:$0x4] =	wrdreg $0xC0  }
0xab: {  	_ =	task [dreg:s7], $0x5FFFF  }
0xac: {  	[dreg:$0x1] =	wrdreg $0xFFFFFFFF  }
0xad: {  	[dreg:$0x0] =	wrdreg $0x60  }
0xae: {  	[dreg:$0x2] =	wrdreg s2  }
0xaf: {  	[dreg:$0x3] =	wrdreg s24  }
0xb0: {  	[dreg:$0x4] =	wrdreg $0x30000  }
0xb1: {  	[dreg:$0x5] =	wrdreg $0x9  }
0xb2: {  	_ =	task.clear_ibuf [dreg:s7], $0x6FFFF;
	_ =	strace $0x90000046  }
0xb3: {  	s29 =	simm.s32 $0x9;
	_ =	strace $0x80000048  }
0xb4: {  	_ =	swait.ge [sflag:s29], $0x1  }
0xb5: {  	[sflag:s29] =	ssyncadd.s32 $0xFFFFFFFF  }
0xb6: {  	_ =	strace $0x90000048  }
0xb7: {  	_ =	sfence  }
0xb8: {  	s30 =	sld [smem:$0x0];
	_ =	sdelay $0x2  }
0xb9: {  	s31 =	sshll.u32 s1, $0xD;
	s1 =	sshrl.u32 s1, $0x2  }
0xba: {  	s3 =	sand.u32 $0x4000, s31;
	s1 =	sadd.s32 s1, s30  }
0xbb: {  	s0 =	sor.u32 s3, s0;
	s1 =	sshll.u32 s1, $0x11  }
0xbc: {  	s0 =	sor.u32 s1, s0  }
0xbd: {  	s0 =	sadd.s32 $0x8F2B, s0  }
0xbe: {  	[sflag:s0] =	ssyncadd.remote.s32 $0x1  }
0xbf: {  	_ =	sfence.sel $0xFFFF  }
0xc0: {  	[dreg:$0x0] =	wrdreg $0xFFFFFFFF;
	(pc) =	sbr.abs _section_cstart, $3  }
0xc1: {  	[dreg:$0x1] =	wrdreg $0xFFFFFFFF  }
0xc2: {  	_ =	task.clear_ibuf [dreg:s7], $0x2FFFF;
	_ =	strace $0x9FFFFFFF  }
0xc3: {  	(tm) =	ssettm $0x7FFFFFFF  }
tec
execute0_lowered:
.L_overlay_start_1:
0x0: {  	(tag) =	ssettag $0x1  }
0x1: {  	s4 =	rddreg [dreg:$0x0]  }
0x2: {  	s5 =	rddreg [dreg:$0x1]  }
0x3: {  	s2 =	rddreg [dreg:$0x2]  }
0x4: {  	s0 =	rddreg [dreg:$0x3]  }
0x5: {  	s1 =	stileid.u32;
	s6 =	srdreg.scid;
	s3 =	simm.s32 $0x0  }
0x6: {  	s13 =	simm.s32 $0x1;
	s14 =	simm.s32 $0x2;
	s15 =	simm.s32 $0x0  }
0x7: {  	s7 =	smul.u32 $0x2800, s1;
	s6 =	sand.u32 $0x1, s6;
	[smem:$0x7FF] =	sst s3  }
0x8: {  	s31 =	sshll.u32 s1, $0x6;
	s8 =	smul.u32 $0x28000, s6;
	_ =	strace $0x80000047  }
0x9: {  	s9 =	sshll.u32 s6, $0x4;
	s6 =	ssub.s32 $0x2, s6;
	s10 =	sshrl.u32 s7, $0x3  }
0xa: {  	s9 =	sor.u32 s1, s9;
	s30 =	sshrl.u32 s6, $0x1;
	s12 =	sadd.s32 s7, s2  }
0xb: {  	s8 =	sadd.s32 s7, s8;
	s9 =	smul.u32 $0x500, s9;
	s11 =	ssub.s32 s6, s30  }
0xc: {  	s10 =	sadd.s32 s10, s5;
	s8 =	sshrl.u32 s8, $0x3;
	s7 =	smax.u32 s11, $0x1  }
0xd: {  	s11 =	simm.s32 $0x80;
	s8 =	sadd.s32 s8, s5;
	s4 =	sadd.s32 s4, s9  }
0xe: {  	s5 =	sadd.s32 $0x1400, s10;
	s9 =	sor.u32 $0x1C03, s31;
	s10 =	sshrl.u32 s12, $0x3  }
0xf: {  	v0 =	vimm.f32 $1.000000000e+00;
	s12 =	simm.s32 $0x2800;
	s6 =	sadd.s32 $0x6400, s8;
	s8 =	simm.s32 $0x3  }
.LBB2_1:
0x10: {  	[tilespmem:s3], [sflag:$0x3] =	stream.linear.gather [hbm4b:s4+s3], $0x2800, $0x38;
	[tilespmem:$0x5800] =	vst v63  }
0x11: {  	_ =	swait.ge [sflag:s8], $0x2800  }
0x12: {  	[sflag:s8] =	ssyncset.done $0x0  }
0x13: {  	s16 =	simm.s32 $0x40;
	s17 =	simm.s32 $0x0;
	[sflag:s8] =	ssyncadd.s32 $0xFFFFD800  }
.LBB2_2:
0x14: {  	p0 =	sne.s32 s16, $0x1FC0;
	[tilespmem:s17+$0x2800] =	vst v0;
	s17 =	smov.u32 s16;
	s16 =	sadd.s32 $0x40, s16  }
.Ltmp0:
0x15: {  	(pc) =	sbr.rel @p0 .LBB2_2-.Ltmp0, $2  }
0x16: {  	_ =	sdelay $0x2  }
0x17: {  	s17 =	sshra.s32 s17, $0x2  }
0x18: {  	[tilespmem:s17+$0x2800] =	vst v0  }
0x19: {  	[spmem:s10], [sflag:s9] =	dma.local [hbm:s5], $0x500  }
0x1a: {  	_ =	swait.ge [sflag:s8], $0x500  }
0x1b: {  	[sflag:s8] =	ssyncset.done $0x0  }
0x1c: {  	[sflag:s8] =	ssyncadd.s32 $0xFFFFFB00  }
0x1d: {  	s16 =	simm.s32 $0x0;
	[bflag:$0x0] =	sbarrier.arrive $0xFFFF  }
0x1e: {  	[spmem:s2] =	stream.indirect.scatter.add.f32 [tilespmem:s12], [sflag:$0x1], $0x10, s16, s11, $0xb8;
	[tilespmem:$0x5800] =	vst v63  }
0x1f: {  	s31 =	simm.s32 $0x80  }
0x20: {  	[spmem:s2] =	stream.indirect.scatter.add.f32 [tilespmem:s12], [sflag:$0x2], $0x10, s31, s11, $0xb8;
	[tilespmem:$0x5800] =	vst v63  }
0x21: {  	_ =	swait.ge [sflag:s13], $0x800  }
0x22: {  	[sflag:s13] =	ssyncset.done $0x0  }
0x23: {  	[sflag:s13] =	ssyncadd.s32 $0xFFFFF800  }
0x24: {  	_ =	swait.ge [sflag:s14], $0x800  }
0x25: {  	s17 =	simm.s32 $0x800;
	s16 =	simm.s32 $0x400;
	[sflag:s14] =	ssyncset.done $0x0  }
.LBB2_4:
0x26: {  	s18 =	sshra.s32 s16, $0x2  }
0x27: {  	[sflag:s14] =	ssyncadd.s32 $0xFFFFF800;
	s16 =	smov.u32 s17;
	s19 =	sadd.s32 $0x400, s17  }
0x28: {  	[spmem:s2] =	stream.indirect.scatter.add.f32 [tilespmem:s12], [sflag:$0x1], $0x10, s18, s11, $0xb8;
	[tilespmem:$0x5800] =	vst v63  }
0x29: {  	p0 =	sne.s32 s17, $0x9C00;
	s17 =	sadd.s32 $0x80, s18  }
0x2a: {  	[spmem:s2] =	stream.indirect.scatter.add.f32 [tilespmem:s12], [sflag:$0x2], $0x10, s17, s11, $0xb8;
	[tilespmem:$0x5800] =	vst v63  }
.Ltmp1:
0x2b: {  	_ =	swait.ge [sflag:s13], $0x800;
	(pc) =	sbr.rel @p0 .LBB2_4-.Ltmp1, $4  }
0x2c: {  	[sflag:s13] =	ssyncset.done $0x0  }
0x2d: {  	[sflag:s13] =	ssyncadd.s32 $0xFFFFF800  }
0x2e: {  	_ =	swait.ge [sflag:s14], $0x800  }
0x2f: {  	s17 =	smov.u32 s19;
	[sflag:s14] =	ssyncset.done $0x0  }
0x30: {  	s16 =	sshra.s32 s16, $0x2;
	[sflag:s14] =	ssyncadd.s32 $0xFFFFF800  }
0x31: {  	[spmem:s2] =	stream.indirect.scatter.add.f32 [tilespmem:s12], [sflag:$0x1], $0x10, s16, s11, $0xb8;
	[tilespmem:$0x5800] =	vst v63  }
0x32: {  	s16 =	sadd.s32 $0x80, s16  }
0x33: {  	[spmem:s2] =	stream.indirect.scatter.add.f32 [tilespmem:s12], [sflag:$0x2], $0x10, s16, s11, $0xb8;
	[tilespmem:$0x5800] =	vst v63  }
0x34: {  	_ =	swait.ge [sflag:s13], $0x800  }
0x35: {  	[sflag:s13] =	ssyncset.done $0x0  }
0x36: {  	[sflag:s13] =	ssyncadd.s32 $0xFFFFF800  }
0x37: {  	_ =	swait.ge [sflag:s14], $0x800  }
0x38: {  	s15 =	sadd.s32 $0x1, s15;
	[sflag:s14] =	ssyncset.done $0x0  }
0x39: {  	p0 =	sne.s32 s15, s7;
	[sflag:s14] =	ssyncadd.s32 $0xFFFFF800  }
.Ltmp2:
0x3a: {  	[bflag:$0x0] =	sbarrier.arrive $0xFFFF;
	(pc) =	sbr.rel @p0 .LBB2_1-.Ltmp2, $4  }
0x3b: {  	[hbm:s6], [sflag:s9] =	dma.local [spmem:s10], $0x500  }
0x3c: {  	_ =	swait.ge [sflag:s8], $0x500  }
0x3d: {  	[sflag:s8] =	ssyncset.done $0x0  }
0x3e: {  	[sflag:s8] =	ssyncadd.s32 $0xFFFFFB00  }
0x3f: {  	_ =	sfence.sel $0x180000  }
0x40: {  	[bflag:$0x0] =	sbarrier.arrive $0xFFFF  }
0x41: {  	p0 =	sne.s32 s1, $0x0;
	_ =	strace $0x90000047  }
0x42: {  	s0 =	sadd.s32 @!p0 $0x100000, s0;
	[bflag:$0x2] =	sbarrier.arrive $0xFFFF  }
0x43: {  	[sflag:s0] =	ssyncadd.tile.s32 @!p0 $0x1;
	_ =	shalt  }
.Lfunc_end2:
_tile_overlayer_lowered:
.L_overlay_start_2:
0x44: {  	(tag) =	ssettag $0x2  }
0x45: {  	s0 =	rddreg [dreg:$0x0];
	s2 =	stileid.u32  }
0x46: {  	s1 =	rddreg [dreg:$0x1];
	p0 =	sne.s32 s2, $0x0  }
0x47: {  	s3 =	rddreg [dreg:$0x2];
	[bflag:$0x3] =	sbarrier.arrive $0xFFFF;
	s2 =	simm.s32 @!p0 $0x1C03  }
0x48: {  	[timem:s3], [sflag:s2] =	dma.local @!p0 [hbm:s0], s1  }
0x49: {  	s0 =	simm.s32 @!p0 $0x3  }
0x4a: {  	_ =	swait.ge @!p0 [sflag:s0], s1  }
0x4b: {  	s1 =	ssub.s32 @!p0 $0x0, s1;
	[sflag:s0] =	ssyncset.done @!p0 $0x0  }
0x4c: {  	[sflag:s0] =	ssyncadd.s32 @!p0 s1  }
0x4d: {  	[bflag:$0x3] =	sbarrier.arrive $0xFFFF  }
0x4e: {  	_ =	shalt  }

// kernel: kernel.7.cloned.1.call-start
scs
__scs_entry_jumppad:
0x0: {  	(pc) =	sbr.rel $0x88, $3  }
0x1: {  	(tag) =	ssettag $0x0;
	lr =	simm.s32 $0x1  }
0x2: {  	[smem:$0x3F9F] =	sst lr;
	_ =	strace $0xD0000000  }
0x3: {  	_ = 	snop  }
0x4: {  	_ = 	snop  }
0x5: {  	_ = 	snop  }
0x6: {  	_ = 	snop  }
0x7: {  	_ = 	snop  }
__scs_overlays_trampoline_lowered:
0x8: {  	[smem:$0x3FAE] =	sst s0  }
0x9: {  	[smem:$0x3FAF] =	sst s1  }
0xa: {  	[smem:$0x3FB0] =	sst s2  }
0xb: {  	[smem:$0x3FB1] =	sst s3  }
0xc: {  	[smem:$0x3FB2] =	sst s4  }
0xd: {  	[smem:$0x3FB3] =	sst s5  }
0xe: {  	[smem:$0x3FB4] =	sst s6  }
0xf: {  	[smem:$0x3FB5] =	sst s7  }
0x10: {  	[smem:$0x3FB6] =	sst s8  }
0x11: {  	[smem:$0x3FB7] =	sst s9;
	s0 =	simm.s32 @!p0 $0x0  }
0x12: {  	s1 =	sld [smem:$0x3F9D];
	s0 =	simm.s32 @p0 $0x1  }
0x13: {  	[smem:$0x3FB8] =	sst s0;
	s0 =	simm.s32 @!p1 $0x0  }
0x14: {  	s2 =	sld [smem:$0x3F9C];
	s0 =	simm.s32 @p1 $0x1  }
0x15: {  	[smem:$0x3FB9] =	sst s0;
	s0 =	simm.s32 @!p2 $0x0  }
0x16: {  	s3 =	sld [smem:$0x3FDB];
	s0 =	simm.s32 @p2 $0x1  }
0x17: {  	s4 =	simm.s32 $0x1BF5;
	[smem:$0x3FBB] =	sst s0  }
0x18: {  	s0 =	sld [smem:$0x3F9E];
	_ =	swait.ge [sflag:s4], $0x0  }
0x19: {  	s7 =	sld [smem:$0x3F9F]  }
0x1a: {  	s8 =	sadd.s32 $0xFFFFE003, lr  }
0x1b: {  	s9 =	sadd.s32 $0xFFFFFEF7, lr;
	s5 =	simm.s32 $0xFFFFFFFF;
	p2 =	slt.u32 s8, $0xFFFFF086  }
0x1c: {  	p1 =	slt.u32 s9, $0xF7A;
	s5 =	simm.s32 @!p2 $0x0  }
0x1d: {  	s5 =	simm.s32 @p1 $0x1;
	p0 =	seq.s32 s7, s2  }
0x1e: {  	s7 =	smul.u32 @!p0 $0xF7A, s2;
	p2 =	seq.s32 @!p0 s5, $0x0  }
0x1f: {  	s9 =	smul.u32 $0xF7A, s1;
	s8 =	simm.s32 @!p0 $0x1BF5;
	p2 =	por !p2, p0  }
0x20: {  	[sflag:s8] =	ssyncset.s32 @!p0 $0xFFFFF086;
	s6 =	sadd.s32 @!p0 s3, s7;
	s7 =	simm.s32 @!p0 $0x108  }
0x21: {  	s3 =	sadd.s32 s3, s9;
	s6 =	sadd.s32 @!p0 $0x88, s6;
	s7 =	simm.s32 @p2 $0x1082  }
0x22: {  	[simem:s7], [sflag:s8] =	dma.local @!p0 [hbm:s6], $0xF7A  }
0x23: {  	s9 =	sor.u32 $0xD0000000, s2;
	s6 =	simm.s32 $0x108;
	_ =	swait.ge @!p0 [sflag:s8], $0x0  }
0x24: {  	s3 =	sadd.s32 $0x88, s3;
	s6 =	simm.s32 @!p1 $0x1082;
	[sflag:s4] =	ssyncset.s32 $0xFFFFF086  }
0x25: {  	[simem:s6], [sflag:s4] =	dma.local [hbm:s3], $0xF7A  }
0x26: {  	[smem:$0x3F9F] =	sst s1;
	(tag) =	ssettag s2;
	_ =	strace s9  }
0x27: {  	s1 =	sld [smem:$0x3FAF]  }
0x28: {  	s2 =	sld [smem:$0x3FB0]  }
0x29: {  	s4 =	sld [smem:$0x3FB2]  }
0x2a: {  	p0 =	seq.s32 s5, $0x0;
	s5 =	sld [smem:$0x3FB3]  }
0x2b: {  	s6 =	sld [smem:$0x3FB4]  }
0x2c: {  	s7 =	sld [smem:$0x3FB5]  }
0x2d: {  	s3 =	simm.s32 $0x108;
	s8 =	sld [smem:$0x3FB6]  }
0x2e: {  	s3 =	simm.s32 @!p0 $0x1082;
	s9 =	sld [smem:$0x3FB7]  }
0x2f: {  	lr =	sadd.s32 s0, s3;
	s0 =	sld [smem:$0x3FAE]  }
0x30: {  	s3 =	sld [smem:$0x3FB1]  }
0x31: {  	[smem:$0x3FBA] =	sst s10  }
0x32: {  	s10 =	sld [smem:$0x3FB8];
	_ =	sdelay $0x3  }
0x33: {  	p0 =	seq.s32 s10, $0x1;
	s10 =	sld [smem:$0x3FBA];
	_ =	sdelay $0x3  }
0x34: {  	[smem:$0x3FBA] =	sst s10  }
0x35: {  	s10 =	sld [smem:$0x3FB9];
	_ =	sdelay $0x3  }
0x36: {  	p1 =	seq.s32 s10, $0x1;
	s10 =	sld [smem:$0x3FBA];
	_ =	sdelay $0x3  }
0x37: {  	[smem:$0x3FBA] =	sst s10  }
0x38: {  	s10 =	sld [smem:$0x3FBB]  }
0x39: {  	_ = 	snop;
	(pc) =	sbr.ind lr, $3  }
0x3a: {  	_ = 	snop  }
0x3b: {  	_ = 	snop  }
0x3c: {  	p2 =	seq.s32 s10, $0x1;
	s10 =	sld [smem:$0x3FBA]  }
0x3d: {  	_ =	shalt  }
0x3e: {  	_ =	shalt  }
0x3f: {  	_ =	shalt  }
0x40: {  	_ =	shalt  }
0x41: {  	_ =	shalt  }
0x42: {  	_ =	shalt  }
0x43: {  	_ =	shalt  }
0x44: {  	_ =	shalt  }
0x45: {  	_ =	shalt  }
0x46: {  	_ =	shalt  }
0x47: {  	_ =	shalt  }
0x48: {  	_ =	shalt  }
0x49: {  	_ =	shalt  }
0x4a: {  	_ =	shalt  }
0x4b: {  	_ =	shalt  }
0x4c: {  	_ =	shalt  }
0x4d: {  	_ =	shalt  }
0x4e: {  	_ =	shalt  }
0x4f: {  	_ =	shalt  }
0x50: {  	_ =	shalt  }
0x51: {  	_ =	shalt  }
0x52: {  	_ =	shalt  }
0x53: {  	_ =	shalt  }
0x54: {  	_ =	shalt  }
0x55: {  	_ =	shalt  }
0x56: {  	_ =	shalt  }
0x57: {  	_ =	shalt  }
0x58: {  	_ =	shalt  }
0x59: {  	_ =	shalt  }
0x5a: {  	_ =	shalt  }
0x5b: {  	_ =	shalt  }
0x5c: {  	_ =	shalt  }
0x5d: {  	_ =	shalt  }
0x5e: {  	_ =	shalt  }
0x5f: {  	_ =	shalt  }
0x60: {  	_ =	shalt  }
0x61: {  	_ =	shalt  }
0x62: {  	_ =	shalt  }
0x63: {  	_ =	shalt  }
0x64: {  	_ =	shalt  }
0x65: {  	_ =	shalt  }
0x66: {  	_ =	shalt  }
0x67: {  	_ =	shalt  }
0x68: {  	_ =	shalt  }
0x69: {  	_ =	shalt  }
0x6a: {  	_ =	shalt  }
0x6b: {  	_ =	shalt  }
0x6c: {  	_ =	shalt  }
0x6d: {  	_ =	shalt  }
0x6e: {  	_ =	shalt  }
0x6f: {  	_ =	shalt  }
0x70: {  	_ =	shalt  }
0x71: {  	_ =	shalt  }
0x72: {  	_ =	shalt  }
0x73: {  	_ =	shalt  }
0x74: {  	_ =	shalt  }
0x75: {  	_ =	shalt  }
0x76: {  	_ =	shalt  }
0x77: {  	_ =	shalt  }
0x78: {  	_ =	shalt  }
0x79: {  	_ =	shalt  }
0x7a: {  	_ =	shalt  }
0x7b: {  	_ =	shalt  }
0x7c: {  	_ =	shalt  }
0x7d: {  	_ =	shalt  }
0x7e: {  	_ =	shalt  }
0x7f: {  	_ =	shalt  }
0x80: {  	_ =	shalt  }
0x81: {  	_ =	shalt  }
0x82: {  	_ =	shalt  }
0x83: {  	_ =	shalt  }
0x84: {  	_ =	shalt  }
0x85: {  	_ =	shalt  }
0x86: {  	_ =	shalt  }
0x87: {  	_ =	shalt  }
.Lfunc_end0:
.L_simem_size_0:
called_computation.1_lowered:
.L_overlay_start_0:
0x88: {  	s2 =	sld [smem:$0x3FD9]  }
0x89: {  	s3 =	sld [smem:$0x3FFE];
	_ =	sdelay $0x1  }
0x8a: {  	s1 =	srdreg.scid  }
0x8b: {  	s0 =	sand.u32 $0x1, s1  }
0x8c: {  	s16 =	sshll.u32 s0, $0xA;
	s2 =	sadd.s32 s3, s2  }
0x8d: {  	s2 =	sadd.s32 s2, s16  }
0x8e: {  	[smem:$0x3FC6] =	sst s2  }
0x8f: {  	_ = 	snop  }
0x90: {  	(tm) =	ssettm $0x1  }
0x91: {  	s17 =	sld [smem:$0x3FFB];
	_ =	sdelay $0x3  }
0x92: {  	_ =	strace s17  }
0x93: {  	s2 =	sld [smem:$0x3FFC];
	_ =	sdelay $0x3  }
0x94: {  	_ =	strace s2  }
0x95: {  	s2 =	sld [smem:$0x3FFD];
	_ =	sdelay $0x3  }
0x96: {  	_ =	strace s2  }
0x97: {  	_ =	strace $0x8FFFFFFF  }
0x98: {  	s18 =	sld [smem:$0x3FDB];
	_ =	sdelay $0x1  }
0x99: {  	s19 =	simm.s32 $_scs_section_size  }
0x9a: {  	s4 =	simm.s32 $_size__tile_overlayer_lowered;
	s5 =	simm.s32 $_tile_overlayer_lowered  }
0x9b: {  	s22 =	simm.s32 $0x1BFF;
	s21 =	sshll.u32 s5, $0x1;
	s2 =	sadd.s32 s19, s18  }
0x9c: {  	s6 =	simm.s32 $0x0;
	s20 =	sshll.u32 s4, $0x1;
	s4 =	sadd.s32 s21, s2  }
0x9d: {  	[timem:s6], [sflag:s22] =	dma.local [hbm:s4], s20  }
0x9e: {  	_ =	swait.ge [sflag:s22], s20  }
0x9f: {  	s3 =	ssub.s32 $0x0, s20;
	[sflag:s22] =	ssyncset.done $0x0  }
0xa0: {  	[sflag:s22] =	ssyncadd.s32 s3;
	_ =	sdelay $0x1  }
0xa1: {  	s23 =	simm.s32 $0x1B8B  }
0xa2: {  	_ =	swait.ge [sflag:s23], $0x1  }
0xa3: {  	[sflag:s23] =	ssyncset.done $0x0  }
0xa4: {  	s25 =	simm.s32 $0x1B8E;
	s24 =	sld [smem:$0x3FFE];
	[sflag:s23] =	ssyncadd.s32 $0xFFFFFFFF  }
0xa5: {  	s26 =	simm.s32 $execute0_lowered;
	[smem:$0x3FD2] =	sst s25  }
0xa6: {  	s4 =	sshll.u32 s26, $0x1;
	_ =	strace $0x80000049;
	[dreg:$0x1] =	wrdreg $0xFFFFFFFF  }
0xa7: {  	s28 =	simm.s32 $_size_execute0_lowered;
	s2 =	sadd.s32 s2, s4;
	[dreg:$0x0] =	wrdreg $0x0  }
0xa8: {  	s4 =	sshll.u32 s28, $0x1;
	[dreg:$0x2] =	wrdreg s2  }
0xa9: {  	[dreg:$0x3] =	wrdreg s4  }
0xaa: {  	[dreg:$0x4] =	wrdreg $0xC0  }
0xab: {  	_ =	task [dreg:s6], $0x5FFFF  }
0xac: {  	[dreg:$0x1] =	wrdreg $0xFFFFFFFF  }
0xad: {  	[dreg:$0x0] =	wrdreg $0x60  }
0xae: {  	[dreg:$0x2] =	wrdreg s24  }
0xaf: {  	[dreg:$0x3] =	wrdreg $0x158000  }
0xb0: {  	[dreg:$0x4] =	wrdreg $0x9  }
0xb1: {  	_ =	task.clear_ibuf [dreg:s6], $0x5FFFF;
	_ =	strace $0x90000049  }
0xb2: {  	s29 =	simm.s32 $0x9;
	_ =	strace $0x8000004B  }
0xb3: {  	_ =	swait.ge [sflag:s29], $0x1  }
0xb4: {  	[sflag:s29] =	ssyncadd.s32 $0xFFFFFFFF  }
0xb5: {  	_ =	strace $0x9000004B  }
0xb6: {  	_ =	sfence  }
0xb7: {  	s30 =	sld [smem:$0x0];
	_ =	sdelay $0x2  }
0xb8: {  	s31 =	sshll.u32 s1, $0xD;
	s1 =	sshrl.u32 s1, $0x2  }
0xb9: {  	s3 =	sand.u32 $0x4000, s31;
	s1 =	sadd.s32 s1, s30  }
0xba: {  	s0 =	sor.u32 s3, s0;
	s1 =	sshll.u32 s1, $0x11  }
0xbb: {  	s0 =	sor.u32 s1, s0  }
0xbc: {  	s0 =	sadd.s32 $0x8F2B, s0  }
0xbd: {  	[sflag:s0] =	ssyncadd.remote.s32 $0x1  }
0xbe: {  	_ =	sfence.sel $0xFFFF  }
0xbf: {  	[dreg:$0x0] =	wrdreg $0xFFFFFFFF;
	(pc) =	sbr.abs _section_cstart, $3  }
0xc0: {  	[dreg:$0x1] =	wrdreg $0xFFFFFFFF  }
0xc1: {  	_ =	task.clear_ibuf [dreg:s6], $0x2FFFF;
	_ =	strace $0x9FFFFFFF  }
0xc2: {  	(tm) =	ssettm $0x7FFFFFFF  }
0xc3: {  	_ =	shalt  }
tec
execute0_lowered:
.L_overlay_start_1:
0x0: {  	(tag) =	ssettag $0x1  }
0x1: {  	s0 =	rddreg [dreg:$0x0]  }
0x2: {  	s2 =	rddreg [dreg:$0x1]  }
0x3: {  	s3 =	simm.s32 $0x0;
	s10 =	stileid.u32;
	s4 =	srdreg.scid  }
0x4: {  	s13 =	simm.s32 $0x7;
	s29 =	simm.s32 $0x1;
	s14 =	simm.s32 $0xC800  }
0x5: {  	s31 =	simm.s32 $0x6;
	[smem:$0x7FF] =	sst s3;
	s1 =	smul.u32 $0x2800, s10  }
0x6: {  	s20 =	sadd.s32 $0x10400, s0;
	s5 =	sadd.s32 $0x38400, s0;
	s9 =	smul.u32 $0xA000, s10  }
0x7: {  	s4 =	sand.u32 $0x1, s4;
	s6 =	sadd.s32 $0x60400, s0;
	s16 =	smul.u32 $0x280, s10  }
0x8: {  	s11 =	sadd.s32 $0x88400, s0;
	_ =	strace $0x8000004A;
	s18 =	smul.u32 $0xA0000, s4  }
0x9: {  	s7 =	ssub.s32 $0x2, s4;
	[dreg:$0x5] =	wrdreg s11;
	s21 =	smul.u32 $0x2800, s4  }
0xa: {  	s11 =	simm.s32 $0xA800;
	[dreg:$0x3] =	wrdreg s20;
	s1 =	sshrl.u32 s1, $0x3  }
0xb: {  	s8 =	sshrl.u32 s7, $0x1;
	[dreg:$0x7] =	wrdreg s16;
	s16 =	simm.s32 $0x8800  }
0xc: {  	s1 =	sadd.s32 s1, s0;
	s0 =	sadd.s32 $0xB0400, s0;
	[dreg:$0xa] =	wrdreg s21  }
0xd: {  	s15 =	ssub.s32 s7, s8;
	s19 =	sadd.s32 s9, s18;
	[dreg:$0x4] =	wrdreg s18  }
0xe: {  	s8 =	simm.s32 $0x2;
	s7 =	simm.s32 $0x3;
	[dreg:$0x6] =	wrdreg s0  }
0xf: {  	s17 =	sadd.s32 $0x6400, s1;
	s1 =	sadd.s32 $0xB400, s1;
	s22 =	sshrl.u32 s19, $0x3  }
0x10: {  	s24 =	sor.u32 $0xC00, s19;
	s25 =	sor.u32 $0x800, s19;
	[dreg:$0x8] =	wrdreg s17  }
0x11: {  	s0 =	smax.u32 s15, $0x1;
	s19 =	simm.s32 $0x800;
	[dreg:$0x9] =	wrdreg s1  }
0x12: {  	s23 =	sadd.s32 s5, s22;
	s1 =	sshrl.u32 s24, $0x3;
	s4 =	sshrl.u32 s25, $0x3  }
0x13: {  	[dreg:$0xd] =	wrdreg s0;
	s22 =	simm.s32 $0x80;
	s24 =	simm.s32 $0x5  }
0x14: {  	[dreg:$0xb] =	wrdreg s23;
	s26 =	sadd.s32 $0x80, s23;
	s28 =	sadd.s32 s1, s5  }
0x15: {  	s30 =	sadd.s32 s4, s5;
	s5 =	simm.s32 $0xE800;
	[dreg:$0xc] =	wrdreg s26  }
0x16: {  	v0 =	vimm.f32 $0.0e+00;
	s1 =	simm.s32 $0x0;
	s26 =	simm.s32 $0x4;
	[dreg:$0xe] =	wrdreg s28  }
.LBB2_1:
0x17: {  	[dreg:$0xf] =	wrdreg s1  }
0x18: {  	s0 =	rddreg [dreg:$0x8];
	s23 =	simm.s32 $0x10800  }
0x19: {  	[tilespmem:s23], [sflag:$0x7] =	stream.linear.gather [hbm4b:s0+s3], $0x2800, $0x38;
	[tilespmem:$0x1F800] =	vst v63  }
0x1a: {  	_ =	swait.ge [sflag:s13], $0x2800  }
0x1b: {  	[sflag:s13] =	ssyncset.done $0x0  }
0x1c: {  	s28 =	simm.s32 $0x13000;
	s25 =	rddreg [dreg:$0x9];
	[sflag:s13] =	ssyncadd.s32 $0xFFFFD800  }
0x1d: {  	[tilespmem:s28], [sflag:$0x7] =	stream.linear.gather [hbm4b:s25+s3], $0x2800, $0x38;
	[tilespmem:$0x1F800] =	vst v63  }
0x1e: {  	_ =	swait.ge [sflag:s13], $0x2800  }
0x1f: {  	[sflag:s13] =	ssyncset.done $0x0  }
0x20: {  	s0 =	simm.s32 $0x0;
	[sflag:s13] =	ssyncadd.s32 $0xFFFFD800  }
0x21: {  	s1 =	simm.s32 $0x40;
	v1 =	vld [tilespmem:s0+$0x13000]  }
.LBB2_2:
0x22: {  	p0 =	sne.s32 s1, $0x9FC0;
	v2 =	vld [tilespmem:s0+$0x10800];
	_ =	sdelay $0x4  }
0x23: {  	v1 =	vadd.f32 v1, v2;
	_ =	sdelay $0x1  }
0x24: {  	v2 =	vadd.f32 $1.000000000e+00, v1;
	v1 =	vmax.f32 v1, $1.000000000e+00  }
0x25: {  	(erf) = vrcp.f32 v1  }
0x26: {  	v1 =	vshrl.u32 v2, $0x1;
	v2 =	vmul.f32 $5.000000000e-01, v2  }
0x27: {  	v1 =	vsub.s32 $0x5F3759DF, v1  }
0x28: {  	v3 =	vmul.f32 v1, v2;
	_ =	sdelay $0x1  }
0x29: {  	v3 =	vmul.f32 v1, v3;
	_ =	sdelay $0x1  }
0x2a: {  	v4 =	vsub.f32 $1.500000000e+00, v3;
	_ =	sdelay $0x1  }
0x2b: {  	v1 =	vmul.f32 v1, v4;
	v3 =	vpop (erf)  }
0x2c: {  	[tilespmem:s0+$0x13000] =	vst v3  }
0x2d: {  	v3 =	vmul.f32 v1, v2;
	_ =	sdelay $0x1  }
0x2e: {  	v3 =	vmul.f32 v3, v1;
	_ =	sdelay $0x1  }
0x2f: {  	v3 =	vsub.f32 $1.500000000e+00, v3;
	_ =	sdelay $0x1  }
0x30: {  	v1 =	vmul.f32 v3, v1;
	_ =	sdelay $0x1  }
0x31: {  	v2 =	vmul.f32 v1, v2;
	_ =	sdelay $0x1  }
0x32: {  	v2 =	vmul.f32 v2, v1;
	_ =	sdelay $0x1  }
.Ltmp0:
0x33: {  	v2 =	vsub.f32 $1.500000000e+00, v2;
	(pc) =	sbr.rel @p0 .LBB2_2-.Ltmp0, $4  }
0x34: {  	_ = 	snop  }
0x35: {  	v2 =	vmul.f32 v2, v1  }
0x36: {  	s4 =	sshra.s32 s1, $0x2  }
0x37: {  	s1 =	sadd.s32 $0x40, s1;
	v1 =	vld [tilespmem:s4+$0x13000];
	[tilespmem:s0+$0x10800] =	vst v2;
	s0 =	smov.u32 s4  }
0x38: {  	v2 =	vld [tilespmem:s0+$0x10800];
	_ =	sdelay $0x4  }
0x39: {  	v1 =	vadd.f32 v1, v2;
	_ =	sdelay $0x1  }
0x3a: {  	v2 =	vadd.f32 $1.000000000e+00, v1;
	_ =	sdelay $0x1  }
0x3b: {  	v3 =	vshrl.u32 v2, $0x1;
	v2 =	vmul.f32 $5.000000000e-01, v2  }
0x3c: {  	v3 =	vsub.s32 $0x5F3759DF, v3  }
0x3d: {  	v4 =	vmul.f32 v3, v2;
	_ =	sdelay $0x1  }
0x3e: {  	v4 =	vmul.f32 v3, v4;
	_ =	sdelay $0x1  }
0x3f: {  	v4 =	vsub.f32 $1.500000000e+00, v4;
	_ =	sdelay $0x1  }
0x40: {  	v3 =	vmul.f32 v3, v4;
	_ =	sdelay $0x1  }
0x41: {  	v4 =	vmul.f32 v3, v2;
	_ =	sdelay $0x1  }
0x42: {  	v4 =	vmul.f32 v4, v3;
	_ =	sdelay $0x1  }
0x43: {  	v1 =	vmax.f32 v1, $1.000000000e+00;
	v4 =	vsub.f32 $1.500000000e+00, v4  }
0x44: {  	(erf) = vrcp.f32 v1  }
0x45: {  	v1 =	vmul.f32 v4, v3;
	_ =	sdelay $0x1  }
0x46: {  	v2 =	vmul.f32 v1, v2;
	_ =	sdelay $0x1  }
0x47: {  	v2 =	vmul.f32 v2, v1;
	_ =	sdelay $0x1  }
0x48: {  	v2 =	vsub.f32 $1.500000000e+00, v2;
	_ =	sdelay $0x1  }
0x49: {  	v3 =	vpop (erf);
	v1 =	vmul.f32 v2, v1  }
0x4a: {  	[tilespmem:s0+$0x13000] =	vst v3  }
0x4b: {  	s1 =	simm.s32 $0x10800;
	s4 =	simm.s32 $0x0;
	[tilespmem:s0+$0x10800] =	vst v1;
	s0 =	simm.s32 $0x0  }
.LBB2_4:
0x4c: {  	s9 =	sshll.u32 s4, $0x7;
	s10 =	rddreg [dreg:$0x7]  }
0x4d: {  	s25 =	rddreg [dreg:$0xa];
	s9 =	sadd.s32 s10, s9  }
0x4e: {  	s10 =	sadd.s32 s25, s9  }
0x4f: {  	s10 =	sshll.u32 s10, $0x3  }
0x50: {  	s12 =	sadd.s32 s20, s10  }
0x51: {  	[tilespmem:s19], [sflag:$0x7] =	stream.linear.gather [hbm4b:s12+s0], $0x2000, $0x38;
	[tilespmem:$0x1F800] =	vst v63  }
0x52: {  	v1 =	vmov s1;
	_ =	swait.ge [sflag:s13], $0x2000  }
0x53: {  	[sflag:s13] =	ssyncset.done $0x0  }
0x54: {  	s12 =	simm.s32 $0x820;
	[sflag:s13] =	ssyncadd.s32 $0xFFFFE000  }
0x55: {  	v2 =	vld [tilespmem:s12+$0xFFFFFFF0]  }
0x56: {  	s28 =	simm.s32 $0x0;
	v4 =	vld [tilespmem:s12+$0x10]  }
0x57: {  	v6 =	vld.idx.msk [tilespmem:v1+s28+$0x0 ss:$0x1], $0xffff  }
0x58: {  	v3 =	vld [tilespmem:s12+$0xFFFFFFE0]  }
0x59: {  	v7 =	vld [tilespmem:s12+$0x0];
	_ =	sdelay $0x3  }
0x5a: {  	v3 =	vmul.f32 v3, v6;
	v5 =	vmul.f32 v4, v6  }
0x5b: {  	s15 =	simm.s32 $0x820;
	s13 =	simm.s32 $0x40;
	v4 =	vmul.f32 v2, v6;
	v2 =	vmul.f32 v7, v6  }
.LBB2_5:
0x5c: {  	p0 =	sne.s32 s13, $0x1FC0  }
0x5d: {  	[tilespmem:s12+$0x10] =	vst v5;
	s15 =	sadd.s32 $0x40, s15;
	s18 =	smov.u32 s13;
	s13 =	sadd.s32 $0x40, s13  }
0x5e: {  	[tilespmem:s12+$0xFFFFFFE0] =	vst v3  }
0x5f: {  	v6 =	vld [tilespmem:s15+$0xFFFFFFF0];
	[tilespmem:s12+$0xFFFFFFF0] =	vst v4  }
0x60: {  	s18 =	sshra.s32 s18, $0x2;
	v4 =	vld [tilespmem:s15+$0x10];
	[tilespmem:s12+$0x0] =	vst v2;
	s12 =	smov.u32 s15  }
0x61: {  	v2 =	vld.idx.msk [tilespmem:v1+s18+$0x0 ss:$0x1], $0xffff  }
0x62: {  	v3 =	vld [tilespmem:s15+$0xFFFFFFE0]  }
0x63: {  	v7 =	vld [tilespmem:s15+$0x0]  }
.Ltmp1:
0x64: {  	(pc) =	sbr.rel @p0 .LBB2_5-.Ltmp1, $3  }
0x65: {  	_ =	sdelay $0x1  }
0x66: {  	v5 =	vmul.f32 v4, v2;
	v3 =	vmul.f32 v3, v2  }
0x67: {  	v4 =	vmul.f32 v6, v2;
	v2 =	vmul.f32 v7, v2  }
0x68: {  	[tilespmem:s12+$0x10] =	vst v5  }
0x69: {  	[tilespmem:s12+$0xFFFFFFE0] =	vst v3  }
0x6a: {  	[tilespmem:s12+$0xFFFFFFF0] =	vst v4  }
0x6b: {  	s10 =	sadd.s32 s6, s10;
	s13 =	simm.s32 $0x7;
	[tilespmem:s12+$0x0] =	vst v2  }
0x6c: {  	[hbm4b:s10+s3] =	stream.linear.scatter [tilespmem:s19], [sflag:$0x7], $0x2000, $0x38;
	[tilespmem:$0x1F800] =	vst v63  }
0x6d: {  	s9 =	sshll.u32 s9, $0x6;
	s4 =	sadd.s32 $0x1, s4;
	_ =	swait.ge [sflag:s13], $0x2000  }
0x6e: {  	s9 =	sand.u32 $0x3FFFFFC0, s9;
	p0 =	sne.s32 s4, $0x5;
	[sflag:s13] =	ssyncset.done $0x0  }
.Ltmp2:
0x6f: {  	s9 =	sadd.s32 s9, s2;
	[sflag:s13] =	ssyncadd.s32 $0xFFFFE000;
	(pc) =	sbr.rel @p0 .LBB2_4-.Ltmp2, $4  }
0x70: {  	[spmem:s9] =	stream.linear.scatter [tilespmem:s19], [sflag:$0x7], $0x2000, $0x38;
	[tilespmem:$0x1F800] =	vst v63  }
0x71: {  	_ =	swait.ge [sflag:s13], $0x2000  }
0x72: {  	[sflag:s13] =	ssyncset.done $0x0  }
0x73: {  	s1 =	sadd.s32 $0x800, s1;
	[sflag:s13] =	ssyncadd.s32 $0xFFFFE000  }
0x74: {  	[bflag:$0x0] =	sbarrier.arrive $0xFFFF  }
0x75: {  	s0 =	simm.s32 $0x0;
	s1 =	rddreg [dreg:$0xb]  }
0x76: {  	[tilespmem:s0], [sflag:$0x7] =	stream.linear.gather [hbm4b:s1+s0], $0x400, $0x38;
	[tilespmem:$0x1F800] =	vst v63  }
0x77: {  	_ =	swait.ge [sflag:s13], $0x400  }
0x78: {  	[sflag:s13] =	ssyncset.done $0x0  }
0x79: {  	[sflag:s13] =	ssyncadd.s32 $0xFFFFFC00  }
0x7a: {  	[tilespmem:s19], [sflag:$0x1] =	stream.indirect.gather [hbm4b:s6+s22], $0x40, s0, s22, $0xb8;
	[tilespmem:$0x1F800] =	vst v63  }
0x7b: {  	s25 =	simm.s32 $0x2800  }
0x7c: {  	[tilespmem:s25], [sflag:$0x1] =	stream.indirect.gather [hbm4b:s6+s22], $0x40, s22, s22, $0xb8;
	[tilespmem:$0x1F800] =	vst v63  }
0x7d: {  	s23 =	simm.s32 $0x100;
	s28 =	simm.s32 $0x4800  }
0x7e: {  	[tilespmem:s28], [sflag:$0x1] =	stream.indirect.gather [hbm4b:s6+s22], $0x40, s23, s22, $0xb8;
	[tilespmem:$0x1F800] =	vst v63  }
0x7f: {  	s17 =	simm.s32 $0x180;
	s9 =	simm.s32 $0x6800  }
0x80: {  	[tilespmem:s9], [sflag:$0x1] =	stream.indirect.gather [hbm4b:s6+s22], $0x40, s17, s22, $0xb8;
	[tilespmem:$0x1F800] =	vst v63  }
0x81: {  	_ =	swait.ge [sflag:s29], $0x2000  }
0x82: {  	[sflag:s29] =	ssyncset.done $0x0  }
0x83: {  	[sflag:s29] =	ssyncadd.s32 $0xFFFFE000  }
0x84: {  	_ =	swait.ge [sflag:s29], $0x2000  }
0x85: {  	[sflag:s29] =	ssyncset.done $0x0  }
0x86: {  	[sflag:s29] =	ssyncadd.s32 $0xFFFFE000  }
0x87: {  	_ =	swait.ge [sflag:s29], $0x2000  }
0x88: {  	[sflag:s29] =	ssyncset.done $0x0  }
0x89: {  	[sflag:s29] =	ssyncadd.s32 $0xFFFFE000  }
0x8a: {  	_ =	swait.ge [sflag:s29], $0x2000  }
0x8b: {  	[sflag:s29] =	ssyncset.done $0x0  }
0x8c: {  	s10 =	simm.s32 $0x400;
	s4 =	rddreg [dreg:$0xc];
	[sflag:s29] =	ssyncadd.s32 $0xFFFFE000  }
0x8d: {  	[tilespmem:s10], [sflag:$0x7] =	stream.linear.gather [hbm4b:s4+s0], $0x400, $0x38;
	[tilespmem:$0x1F800] =	vst v63  }
0x8e: {  	_ =	swait.ge [sflag:s13], $0x400  }
0x8f: {  	[sflag:s13] =	ssyncset.done $0x0  }
0x90: {  	s12 =	simm.s32 $0x200;
	[sflag:s13] =	ssyncadd.s32 $0xFFFFFC00  }
0x91: {  	[spmem:s2] =	stream.indirect.scatter.add.f32 [tilespmem:s19], [sflag:$0x2], $0x40, s12, s22, $0xb8;
	[tilespmem:$0x1F800] =	vst v63  }
0x92: {  	s13 =	simm.s32 $0x280  }
0x93: {  	[spmem:s2] =	stream.indirect.scatter.add.f32 [tilespmem:s25], [sflag:$0x2], $0x40, s13, s22, $0xb8;
	[tilespmem:$0x1F800] =	vst v63  }
0x94: {  	s15 =	simm.s32 $0x300  }
0x95: {  	[spmem:s2] =	stream.indirect.scatter.add.f32 [tilespmem:s28], [sflag:$0x2], $0x40, s15, s22, $0xb8;
	[tilespmem:$0x1F800] =	vst v63  }
0x96: {  	s4 =	simm.s32 $0x380  }
0x97: {  	[spmem:s2] =	stream.indirect.scatter.add.f32 [tilespmem:s9], [sflag:$0x2], $0x40, s4, s22, $0xb8;
	[tilespmem:$0x1F800] =	vst v63  }
0x98: {  	_ = 	snop  }
0x99: {  	[tilespmem:s16], [sflag:$0x3] =	stream.indirect.gather [hbm4b:s6+s22], $0x40, s10, s22, $0xb8;
	[tilespmem:$0x1F800] =	vst v63  }
0x9a: {  	s16 =	simm.s32 $0x480  }
0x9b: {  	[tilespmem:s11], [sflag:$0x3] =	stream.indirect.gather [hbm4b:s6+s22], $0x40, s16, s22, $0xb8;
	[tilespmem:$0x1F800] =	vst v63  }
0x9c: {  	s18 =	simm.s32 $0x500  }
0x9d: {  	[tilespmem:s14], [sflag:$0x3] =	stream.indirect.gather [hbm4b:s6+s22], $0x40, s18, s22, $0xb8;
	[tilespmem:$0x1F800] =	vst v63  }
0x9e: {  	s19 =	simm.s32 $0x580  }
0x9f: {  	[tilespmem:s5], [sflag:$0x3] =	stream.indirect.gather [hbm4b:s6+s22], $0x40, s19, s22, $0xb8;
	[tilespmem:$0x1F800] =	vst v63  }
0xa0: {  	_ =	swait.ge [sflag:s8], $0x2000  }
0xa1: {  	[sflag:s8] =	ssyncset.done $0x0  }
0xa2: {  	[sflag:s8] =	ssyncadd.s32 $0xFFFFE000  }
0xa3: {  	_ =	swait.ge [sflag:s8], $0x2000  }
0xa4: {  	[sflag:s8] =	ssyncset.done $0x0  }
0xa5: {  	[sflag:s8] =	ssyncadd.s32 $0xFFFFE000  }
0xa6: {  	_ =	swait.ge [sflag:s8], $0x2000  }
0xa7: {  	[sflag:s8] =	ssyncset.done $0x0  }
0xa8: {  	[sflag:s8] =	ssyncadd.s32 $0xFFFFE000  }
0xa9: {  	_ =	swait.ge [sflag:s8], $0x2000  }
0xaa: {  	[sflag:s8] =	ssyncset.done $0x0  }
0xab: {  	s20 =	sadd.s32 $0x0, s30;
	[sflag:s8] =	ssyncadd.s32 $0xFFFFE000  }
0xac: {  	[tilespmem:s3], [sflag:$0x5] =	stream.linear.gather [hbm4b:s20+s3], $0x400, $0x38;
	[tilespmem:$0x1F800] =	vst v63  }
0xad: {  	_ =	swait.ge [sflag:s7], $0x2000  }
0xae: {  	[sflag:s7] =	ssyncset.done $0x0  }
0xaf: {  	[sflag:s7] =	ssyncadd.s32 $0xFFFFE000  }
0xb0: {  	_ =	swait.ge [sflag:s7], $0x2000  }
0xb1: {  	[sflag:s7] =	ssyncset.done $0x0  }
0xb2: {  	[sflag:s7] =	ssyncadd.s32 $0xFFFFE000  }
0xb3: {  	_ =	swait.ge [sflag:s7], $0x2000  }
0xb4: {  	[sflag:s7] =	ssyncset.done $0x0  }
0xb5: {  	[sflag:s7] =	ssyncadd.s32 $0xFFFFE000  }
0xb6: {  	_ =	swait.ge [sflag:s7], $0x2000  }
0xb7: {  	s21 =	simm.s32 $0x8800;
	[sflag:s7] =	ssyncset.done $0x0  }
0xb8: {  	s1 =	smov.u32 s30;
	s30 =	simm.s32 $0x600;
	[sflag:s7] =	ssyncadd.s32 $0xFFFFE000  }
0xb9: {  	[spmem:s2] =	stream.indirect.scatter.add.f32 [tilespmem:s21], [sflag:$0x4], $0x40, s30, s22, $0xb8;
	[tilespmem:$0x1F800] =	vst v63  }
0xba: {  	s11 =	simm.s32 $0x680;
	s14 =	simm.s32 $0xA800  }
0xbb: {  	[spmem:s2] =	stream.indirect.scatter.add.f32 [tilespmem:s14], [sflag:$0x4], $0x40, s11, s22, $0xb8;
	[tilespmem:$0x1F800] =	vst v63  }
0xbc: {  	s13 =	simm.s32 $0x700;
	s5 =	simm.s32 $0xC800  }
0xbd: {  	[spmem:s2] =	stream.indirect.scatter.add.f32 [tilespmem:s5], [sflag:$0x4], $0x40, s13, s22, $0xb8;
	[tilespmem:$0x1F800] =	vst v63  }
0xbe: {  	s15 =	simm.s32 $0x780;
	s20 =	simm.s32 $0xE800  }
0xbf: {  	[spmem:s2] =	stream.indirect.scatter.add.f32 [tilespmem:s20], [sflag:$0x4], $0x40, s15, s22, $0xb8;
	[tilespmem:$0x1F800] =	vst v63  }
0xc0: {  	_ =	swait.ge [sflag:s24], $0x400  }
0xc1: {  	[sflag:s24] =	ssyncset.done $0x0  }
0xc2: {  	s12 =	simm.s32 $0x800;
	[sflag:s24] =	ssyncadd.s32 $0xFFFFFC00  }
0xc3: {  	[tilespmem:s12], [sflag:$0x1] =	stream.indirect.gather [hbm4b:s6+s22], $0x40, s3, s22, $0xb8;
	[tilespmem:$0x1F800] =	vst v63  }
0xc4: {  	_ = 	snop  }
0xc5: {  	[tilespmem:s25], [sflag:$0x1] =	stream.indirect.gather [hbm4b:s6+s22], $0x40, s22, s22, $0xb8;
	[tilespmem:$0x1F800] =	vst v63  }
0xc6: {  	_ = 	snop  }
0xc7: {  	[tilespmem:s28], [sflag:$0x1] =	stream.indirect.gather [hbm4b:s6+s22], $0x40, s23, s22, $0xb8;
	[tilespmem:$0x1F800] =	vst v63  }
0xc8: {  	_ = 	snop  }
0xc9: {  	[tilespmem:s9], [sflag:$0x1] =	stream.indirect.gather [hbm4b:s6+s22], $0x40, s17, s22, $0xb8;
	[tilespmem:$0x1F800] =	vst v63  }
0xca: {  	_ =	swait.ge [sflag:s26], $0x2000  }
0xcb: {  	[sflag:s26] =	ssyncset.done $0x0  }
0xcc: {  	[sflag:s26] =	ssyncadd.s32 $0xFFFFE000  }
0xcd: {  	_ =	swait.ge [sflag:s26], $0x2000  }
0xce: {  	[sflag:s26] =	ssyncset.done $0x0  }
0xcf: {  	[sflag:s26] =	ssyncadd.s32 $0xFFFFE000  }
0xd0: {  	_ =	swait.ge [sflag:s26], $0x2000  }
0xd1: {  	[sflag:s26] =	ssyncset.done $0x0  }
0xd2: {  	[sflag:s26] =	ssyncadd.s32 $0xFFFFE000  }
0xd3: {  	_ =	swait.ge [sflag:s26], $0x2000  }
0xd4: {  	[sflag:s26] =	ssyncset.done $0x0;
	s17 =	rddreg [dreg:$0xe]  }
0xd5: {  	[sflag:s26] =	ssyncadd.s32 $0xFFFFE000;
	s19 =	sadd.s32 $0x0, s17  }
0xd6: {  	[tilespmem:s10], [sflag:$0x6] =	stream.linear.gather [hbm4b:s19+s3], $0x400, $0x38;
	[tilespmem:$0x1F800] =	vst v63  }
0xd7: {  	_ =	swait.ge [sflag:s29], $0x2000  }
0xd8: {  	[sflag:s29] =	ssyncset.done $0x0  }
0xd9: {  	[sflag:s29] =	ssyncadd.s32 $0xFFFFE000  }
0xda: {  	_ =	swait.ge [sflag:s29], $0x2000  }
0xdb: {  	[sflag:s29] =	ssyncset.done $0x0  }
0xdc: {  	[sflag:s29] =	ssyncadd.s32 $0xFFFFE000  }
0xdd: {  	_ =	swait.ge [sflag:s29], $0x2000  }
0xde: {  	[sflag:s29] =	ssyncset.done $0x0  }
0xdf: {  	[sflag:s29] =	ssyncadd.s32 $0xFFFFE000  }
0xe0: {  	_ =	swait.ge [sflag:s29], $0x2000  }
0xe1: {  	[sflag:s29] =	ssyncset.done $0x0  }
0xe2: {  	[sflag:s29] =	ssyncadd.s32 $0xFFFFE000  }
0xe3: {  	s0 =	simm.s32 $0x100;
	s16 =	simm.s32 $0x100;
	_ =	swait.ge [sflag:s31], $0x400  }
0xe4: {  	s18 =	simm.s32 $0x180;
	s23 =	smov.u32 s1;
	[sflag:s31] =	ssyncset.done $0x0  }
.LBB2_8:
0xe5: {  	p0 =	sne.s32 s0, $0x1200;
	[sflag:s31] =	ssyncadd.s32 $0xFFFFFC00  }
0xe6: {  	s1 =	smov.u32 s0;
	s0 =	sadd.s32 $0x100, s0;
	s19 =	simm.s32 $0x200  }
0xe7: {  	[spmem:s2] =	stream.indirect.scatter.add.f32 [tilespmem:s12], [sflag:$0x2], $0x40, s19, s22, $0xb8;
	[tilespmem:$0x1F800] =	vst v63  }
0xe8: {  	s19 =	simm.s32 $0x280  }
0xe9: {  	[spmem:s2] =	stream.indirect.scatter.add.f32 [tilespmem:s25], [sflag:$0x2], $0x40, s19, s22, $0xb8;
	[tilespmem:$0x1F800] =	vst v63  }
0xea: {  	s19 =	simm.s32 $0x300  }
0xeb: {  	[spmem:s2] =	stream.indirect.scatter.add.f32 [tilespmem:s28], [sflag:$0x2], $0x40, s19, s22, $0xb8;
	[tilespmem:$0x1F800] =	vst v63  }
0xec: {  	_ = 	snop  }
0xed: {  	[spmem:s2] =	stream.indirect.scatter.add.f32 [tilespmem:s9], [sflag:$0x2], $0x40, s4, s22, $0xb8;
	[tilespmem:$0x1F800] =	vst v63  }
0xee: {  	_ = 	snop  }
0xef: {  	[tilespmem:s21], [sflag:$0x3] =	stream.indirect.gather [hbm4b:s6+s22], $0x40, s10, s22, $0xb8;
	[tilespmem:$0x1F800] =	vst v63  }
0xf0: {  	s4 =	simm.s32 $0x480  }
0xf1: {  	[tilespmem:s14], [sflag:$0x3] =	stream.indirect.gather [hbm4b:s6+s22], $0x40, s4, s22, $0xb8;
	[tilespmem:$0x1F800] =	vst v63  }
0xf2: {  	s4 =	simm.s32 $0x500  }
0xf3: {  	[tilespmem:s5], [sflag:$0x3] =	stream.indirect.gather [hbm4b:s6+s22], $0x40, s4, s22, $0xb8;
	[tilespmem:$0x1F800] =	vst v63  }
0xf4: {  	s4 =	simm.s32 $0x580  }
0xf5: {  	[tilespmem:s20], [sflag:$0x3] =	stream.indirect.gather [hbm4b:s6+s22], $0x40, s4, s22, $0xb8;
	[tilespmem:$0x1F800] =	vst v63  }
0xf6: {  	_ =	swait.ge [sflag:s8], $0x2000  }
0xf7: {  	[sflag:s8] =	ssyncset.done $0x0  }
0xf8: {  	[sflag:s8] =	ssyncadd.s32 $0xFFFFE000  }
0xf9: {  	_ =	swait.ge [sflag:s8], $0x2000  }
0xfa: {  	[sflag:s8] =	ssyncset.done $0x0  }
0xfb: {  	[sflag:s8] =	ssyncadd.s32 $0xFFFFE000  }
0xfc: {  	_ =	swait.ge [sflag:s8], $0x2000  }
0xfd: {  	[sflag:s8] =	ssyncset.done $0x0  }
0xfe: {  	[sflag:s8] =	ssyncadd.s32 $0xFFFFE000  }
0xff: {  	_ =	swait.ge [sflag:s8], $0x2000  }
0x100: {  	[sflag:s8] =	ssyncset.done $0x0  }
0x101: {  	s4 =	sadd.s32 s1, s23;
	[sflag:s8] =	ssyncadd.s32 $0xFFFFE000  }
0x102: {  	[tilespmem:s3], [sflag:$0x5] =	stream.linear.gather [hbm4b:s4+s3], $0x400, $0x38;
	[tilespmem:$0x1F800] =	vst v63  }
0x103: {  	s4 =	simm.s32 $0x380  }
0x104: {  	_ =	swait.ge [sflag:s7], $0x2000  }
0x105: {  	[sflag:s7] =	ssyncset.done $0x0  }
0x106: {  	[sflag:s7] =	ssyncadd.s32 $0xFFFFE000  }
0x107: {  	_ =	swait.ge [sflag:s7], $0x2000  }
0x108: {  	[sflag:s7] =	ssyncset.done $0x0  }
0x109: {  	[sflag:s7] =	ssyncadd.s32 $0xFFFFE000  }
0x10a: {  	_ =	swait.ge [sflag:s7], $0x2000  }
0x10b: {  	[sflag:s7] =	ssyncset.done $0x0  }
0x10c: {  	[sflag:s7] =	ssyncadd.s32 $0xFFFFE000  }
0x10d: {  	_ =	swait.ge [sflag:s7], $0x2000  }
0x10e: {  	[sflag:s7] =	ssyncset.done $0x0  }
0x10f: {  	[sflag:s7] =	ssyncadd.s32 $0xFFFFE000  }
0x110: {  	[spmem:s2] =	stream.indirect.scatter.add.f32 [tilespmem:s21], [sflag:$0x4], $0x40, s30, s22, $0xb8;
	[tilespmem:$0x1F800] =	vst v63  }
0x111: {  	_ = 	snop  }
0x112: {  	[spmem:s2] =	stream.indirect.scatter.add.f32 [tilespmem:s14], [sflag:$0x4], $0x40, s11, s22, $0xb8;
	[tilespmem:$0x1F800] =	vst v63  }
0x113: {  	_ = 	snop  }
0x114: {  	[spmem:s2] =	stream.indirect.scatter.add.f32 [tilespmem:s5], [sflag:$0x4], $0x40, s13, s22, $0xb8;
	[tilespmem:$0x1F800] =	vst v63  }
0x115: {  	_ = 	snop  }
0x116: {  	[spmem:s2] =	stream.indirect.scatter.add.f32 [tilespmem:s20], [sflag:$0x4], $0x40, s15, s22, $0xb8;
	[tilespmem:$0x1F800] =	vst v63  }
0x117: {  	_ =	swait.ge [sflag:s24], $0x400  }
0x118: {  	[sflag:s24] =	ssyncset.done $0x0  }
0x119: {  	[sflag:s24] =	ssyncadd.s32 $0xFFFFFC00  }
0x11a: {  	[tilespmem:s12], [sflag:$0x1] =	stream.indirect.gather [hbm4b:s6+s22], $0x40, s3, s22, $0xb8;
	[tilespmem:$0x1F800] =	vst v63  }
0x11b: {  	_ = 	snop  }
0x11c: {  	[tilespmem:s25], [sflag:$0x1] =	stream.indirect.gather [hbm4b:s6+s22], $0x40, s22, s22, $0xb8;
	[tilespmem:$0x1F800] =	vst v63  }
0x11d: {  	_ = 	snop  }
0x11e: {  	[tilespmem:s28], [sflag:$0x1] =	stream.indirect.gather [hbm4b:s6+s22], $0x40, s16, s22, $0xb8;
	[tilespmem:$0x1F800] =	vst v63  }
0x11f: {  	_ = 	snop  }
0x120: {  	[tilespmem:s9], [sflag:$0x1] =	stream.indirect.gather [hbm4b:s6+s22], $0x40, s18, s22, $0xb8;
	[tilespmem:$0x1F800] =	vst v63  }
0x121: {  	_ =	swait.ge [sflag:s26], $0x2000  }
0x122: {  	[sflag:s26] =	ssyncset.done $0x0  }
0x123: {  	[sflag:s26] =	ssyncadd.s32 $0xFFFFE000  }
0x124: {  	_ =	swait.ge [sflag:s26], $0x2000  }
0x125: {  	[sflag:s26] =	ssyncset.done $0x0  }
0x126: {  	[sflag:s26] =	ssyncadd.s32 $0xFFFFE000  }
0x127: {  	_ =	swait.ge [sflag:s26], $0x2000  }
0x128: {  	[sflag:s26] =	ssyncset.done $0x0  }
0x129: {  	[sflag:s26] =	ssyncadd.s32 $0xFFFFE000  }
0x12a: {  	_ =	swait.ge [sflag:s26], $0x2000  }
0x12b: {  	[sflag:s26] =	ssyncset.done $0x0  }
0x12c: {  	s1 =	sadd.s32 s1, s17;
	[sflag:s26] =	ssyncadd.s32 $0xFFFFE000  }
0x12d: {  	[tilespmem:s10], [sflag:$0x6] =	stream.linear.gather [hbm4b:s1+s3], $0x400, $0x38;
	[tilespmem:$0x1F800] =	vst v63  }
0x12e: {  	_ =	swait.ge [sflag:s29], $0x2000  }
0x12f: {  	[sflag:s29] =	ssyncset.done $0x0  }
0x130: {  	[sflag:s29] =	ssyncadd.s32 $0xFFFFE000  }
0x131: {  	_ =	swait.ge [sflag:s29], $0x2000  }
0x132: {  	[sflag:s29] =	ssyncset.done $0x0  }
0x133: {  	[sflag:s29] =	ssyncadd.s32 $0xFFFFE000  }
0x134: {  	_ =	swait.ge [sflag:s29], $0x2000  }
0x135: {  	[sflag:s29] =	ssyncset.done $0x0  }
0x136: {  	[sflag:s29] =	ssyncadd.s32 $0xFFFFE000  }
.Ltmp3:
0x137: {  	_ =	swait.ge [sflag:s29], $0x2000;
	(pc) =	sbr.rel @p0 .LBB2_8-.Ltmp3, $4  }
0x138: {  	[sflag:s29] =	ssyncset.done $0x0  }
0x139: {  	[sflag:s29] =	ssyncadd.s32 $0xFFFFE000  }
0x13a: {  	_ =	swait.ge [sflag:s31], $0x400  }
0x13b: {  	[sflag:s31] =	ssyncset.done $0x0  }
0x13c: {  	[sflag:s31] =	ssyncadd.s32 $0xFFFFFC00;
	s0 =	simm.s32 $0x200  }
0x13d: {  	[spmem:s2] =	stream.indirect.scatter.add.f32 [tilespmem:s12], [sflag:$0x2], $0x40, s0, s22, $0xb8;
	[tilespmem:$0x1F800] =	vst v63  }
0x13e: {  	s16 =	simm.s32 $0x280  }
0x13f: {  	[spmem:s2] =	stream.indirect.scatter.add.f32 [tilespmem:s25], [sflag:$0x2], $0x40, s16, s22, $0xb8;
	[tilespmem:$0x1F800] =	vst v63  }
0x140: {  	s17 =	simm.s32 $0x300  }
0x141: {  	[spmem:s2] =	stream.indirect.scatter.add.f32 [tilespmem:s28], [sflag:$0x2], $0x40, s17, s22, $0xb8;
	[tilespmem:$0x1F800] =	vst v63  }
0x142: {  	_ = 	snop  }
0x143: {  	[spmem:s2] =	stream.indirect.scatter.add.f32 [tilespmem:s9], [sflag:$0x2], $0x40, s4, s22, $0xb8;
	[tilespmem:$0x1F800] =	vst v63  }
0x144: {  	_ = 	snop  }
0x145: {  	[tilespmem:s21], [sflag:$0x3] =	stream.indirect.gather [hbm4b:s6+s22], $0x40, s10, s22, $0xb8;
	[tilespmem:$0x1F800] =	vst v63  }
0x146: {  	s18 =	simm.s32 $0x480  }
0x147: {  	[tilespmem:s14], [sflag:$0x3] =	stream.indirect.gather [hbm4b:s6+s22], $0x40, s18, s22, $0xb8;
	[tilespmem:$0x1F800] =	vst v63  }
0x148: {  	s19 =	simm.s32 $0x500  }
0x149: {  	[tilespmem:s5], [sflag:$0x3] =	stream.indirect.gather [hbm4b:s6+s22], $0x40, s19, s22, $0xb8;
	[tilespmem:$0x1F800] =	vst v63  }
0x14a: {  	s25 =	simm.s32 $0x580  }
0x14b: {  	[tilespmem:s20], [sflag:$0x3] =	stream.indirect.gather [hbm4b:s6+s22], $0x40, s25, s22, $0xb8;
	[tilespmem:$0x1F800] =	vst v63  }
0x14c: {  	_ =	swait.ge [sflag:s8], $0x2000  }
0x14d: {  	[sflag:s8] =	ssyncset.done $0x0  }
0x14e: {  	[sflag:s8] =	ssyncadd.s32 $0xFFFFE000  }
0x14f: {  	_ =	swait.ge [sflag:s8], $0x2000  }
0x150: {  	[sflag:s8] =	ssyncset.done $0x0  }
0x151: {  	[sflag:s8] =	ssyncadd.s32 $0xFFFFE000  }
0x152: {  	_ =	swait.ge [sflag:s8], $0x2000  }
0x153: {  	[sflag:s8] =	ssyncset.done $0x0  }
0x154: {  	[sflag:s8] =	ssyncadd.s32 $0xFFFFE000  }
0x155: {  	_ =	swait.ge [sflag:s8], $0x2000  }
0x156: {  	[sflag:s8] =	ssyncset.done $0x0  }
0x157: {  	[sflag:s8] =	ssyncadd.s32 $0xFFFFE000  }
0x158: {  	_ =	swait.ge [sflag:s7], $0x2000  }
0x159: {  	[sflag:s7] =	ssyncset.done $0x0  }
0x15a: {  	[sflag:s7] =	ssyncadd.s32 $0xFFFFE000  }
0x15b: {  	_ =	swait.ge [sflag:s7], $0x2000  }
0x15c: {  	[sflag:s7] =	ssyncset.done $0x0  }
0x15d: {  	[sflag:s7] =	ssyncadd.s32 $0xFFFFE000  }
0x15e: {  	_ =	swait.ge [sflag:s7], $0x2000  }
0x15f: {  	[sflag:s7] =	ssyncset.done $0x0  }
0x160: {  	[sflag:s7] =	ssyncadd.s32 $0xFFFFE000  }
0x161: {  	_ =	swait.ge [sflag:s7], $0x2000  }
0x162: {  	[sflag:s7] =	ssyncset.done $0x0  }
0x163: {  	[sflag:s7] =	ssyncadd.s32 $0xFFFFE000  }
0x164: {  	[spmem:s2] =	stream.indirect.scatter.add.f32 [tilespmem:s21], [sflag:$0x4], $0x40, s30, s22, $0xb8;
	[tilespmem:$0x1F800] =	vst v63  }
0x165: {  	_ = 	snop  }
0x166: {  	[spmem:s2] =	stream.indirect.scatter.add.f32 [tilespmem:s14], [sflag:$0x4], $0x40, s11, s22, $0xb8;
	[tilespmem:$0x1F800] =	vst v63  }
0x167: {  	_ = 	snop  }
0x168: {  	[spmem:s2] =	stream.indirect.scatter.add.f32 [tilespmem:s5], [sflag:$0x4], $0x40, s13, s22, $0xb8;
	[tilespmem:$0x1F800] =	vst v63  }
0x169: {  	_ = 	snop  }
0x16a: {  	[spmem:s2] =	stream.indirect.scatter.add.f32 [tilespmem:s20], [sflag:$0x4], $0x40, s15, s22, $0xb8;
	[tilespmem:$0x1F800] =	vst v63  }
0x16b: {  	_ =	swait.ge [sflag:s26], $0x2000  }
0x16c: {  	[sflag:s26] =	ssyncset.done $0x0  }
0x16d: {  	[sflag:s26] =	ssyncadd.s32 $0xFFFFE000  }
0x16e: {  	_ =	swait.ge [sflag:s26], $0x2000  }
0x16f: {  	[sflag:s26] =	ssyncset.done $0x0  }
0x170: {  	[sflag:s26] =	ssyncadd.s32 $0xFFFFE000  }
0x171: {  	_ =	swait.ge [sflag:s26], $0x2000  }
0x172: {  	[sflag:s26] =	ssyncset.done $0x0  }
0x173: {  	[sflag:s26] =	ssyncadd.s32 $0xFFFFE000  }
0x174: {  	s12 =	simm.s32 $0x7;
	s16 =	simm.s32 $0x8800;
	_ =	swait.ge [sflag:s26], $0x2000  }
0x175: {  	s28 =	simm.s32 $0x0;
	s25 =	simm.s32 $0x10800;
	[sflag:s26] =	ssyncset.done $0x0  }
0x176: {  	s21 =	simm.s32 $0x0;
	s30 =	smov.u32 s23;
	[sflag:s26] =	ssyncadd.s32 $0xFFFFE000  }
0x177: {  	s11 =	simm.s32 $0xA800;
	s14 =	simm.s32 $0xC800;
	[bflag:$0x0] =	sbarrier.arrive $0xFFFF  }
0x178: {  	s5 =	simm.s32 $0xE800;
	s20 =	simm.s32 $0x800;
	s4 =	rddreg [dreg:$0x3]  }
.LBB2_10:
0x179: {  	s0 =	sshll.u32 s28, $0x7;
	s1 =	rddreg [dreg:$0x7]  }
0x17a: {  	s0 =	sadd.s32 s1, s0  }
0x17b: {  	s1 =	sshll.u32 s0, $0x6  }
0x17c: {  	s1 =	sand.u32 $0x3FFFFFC0, s1  }
0x17d: {  	s17 =	sadd.s32 s1, s2  }
0x17e: {  	[tilespmem:s20], [sflag:$0x7] =	stream.linear.gather [spmem:s17], $0x2000, $0x38;
	[tilespmem:$0x1F800] =	vst v63  }
0x17f: {  	_ =	swait.ge [sflag:s12], $0x2000  }
0x180: {  	s23 =	rddreg [dreg:$0xa]  }
0x181: {  	s0 =	sadd.s32 s23, s0  }
0x182: {  	[sflag:s12] =	ssyncset.done $0x0;
	s23 =	sshll.u32 s0, $0x3  }
0x183: {  	[sflag:s12] =	ssyncadd.s32 $0xFFFFE000;
	s0 =	sadd.s32 s4, s23  }
0x184: {  	[tilespmem:s16], [sflag:$0x7] =	stream.linear.gather [hbm4b:s0+s21], $0x2000, $0x38;
	[tilespmem:$0x1F800] =	vst v63  }
0x185: {  	_ =	swait.ge [sflag:s12], $0x2000  }
0x186: {  	[sflag:s12] =	ssyncset.done $0x0  }
0x187: {  	s13 =	simm.s32 $0x0;
	[sflag:s12] =	ssyncadd.s32 $0xFFFFE000  }
0x188: {  	v3 =	vld [tilespmem:s13+$0x820]  }
0x189: {  	v5 =	vld [tilespmem:s13+$0x800]  }
0x18a: {  	v4 =	vld [tilespmem:s13+$0x830]  }
0x18b: {  	v6 =	vld [tilespmem:s13+$0x8830]  }
0x18c: {  	s4 =	sadd.s32 $0x10, s25;
	v1 =	vld [tilespmem:s25+$0x0]  }
0x18d: {  	s10 =	sadd.s32 $0x10, s4;
	v7 =	vld [tilespmem:s13+$0x810]  }
0x18e: {  	s15 =	simm.s32 $0x40;
	s18 =	simm.s32 $0x80;
	s1 =	sadd.s32 $0x10, s10;
	v8 =	vld [tilespmem:s13+$0x8810]  }
0x18f: {  	s0 =	simm.s32 $0xC0;
	s9 =	smov.u32 s1;
	s12 =	simm.s32 $0x400;
	v2 =	vld [tilespmem:s13+$0x8800]  }
.LBB2_11:
0x190: {  	p0 =	sne.s32 s12, $0x7F00  }
0x191: {  	s1 =	sadd.s32 $0x10, s1;
	v6 =	vmul.f32 $1.000000010e-01, v6;
	s19 =	smov.u32 s12;
	s12 =	sadd.s32 $0x100, s12  }
0x192: {  	v5 =	vmul.f32 v5, v1;
	v3 =	vmul.f32 v3, v1;
	v9 =	vld [tilespmem:s13+$0x8820]  }
0x193: {  	v4 =	vmul.f32 v4, v1;
	v7 =	vmul.f32 v7, v1  }
0x194: {  	v8 =	vmul.f32 $1.000000010e-01, v8;
	v10 =	vmul.f32 v3, v1  }
0x195: {  	v11 =	vmul.f32 v5, v1;
	v12 =	vmul.f32 $4.499999880e-01, v7  }
0x196: {  	s19 =	sshra.s32 s19, $0x2;
	[tilespmem:s13+$0x820] =	vst v10;
	v10 =	vmul.f32 v4, v1;
	v4 =	vmul.f32 $4.499999880e-01, v4  }
0x197: {  	[tilespmem:s13+$0x800] =	vst v11;
	v11 =	vmul.f32 $4.499999880e-01, v5;
	v5 =	vadd.f32 v8, v12;
	v8 =	vmul.f32 $4.499999880e-01, v3  }
0x198: {  	v1 =	vmul.f32 v7, v1;
	v7 =	vmul.f32 $1.000000010e-01, v9;
	[tilespmem:s13+$0x830] =	vst v10;
	v4 =	vadd.f32 v6, v4  }
0x199: {  	v2 =	vmul.f32 $1.000000010e-01, v2;
	v3 =	vld [tilespmem:s15+$0x820];
	[tilespmem:s13+$0x8810] =	vst v5  }
0x19a: {  	v7 =	vadd.f32 v7, v8;
	v5 =	vld [tilespmem:s15+$0x800];
	[tilespmem:s13+$0x8830] =	vst v4  }
0x19b: {  	v2 =	vadd.f32 v2, v11;
	v4 =	vld [tilespmem:s15+$0x830];
	[tilespmem:s13+$0x810] =	vst v1  }
0x19c: {  	v6 =	vld [tilespmem:s15+$0x8830];
	[tilespmem:s13+$0x8820] =	vst v7  }
.Ltmp4:
0x19d: {  	[tilespmem:s13+$0x8800] =	vst v2;
	s13 =	smov.u32 s15;
	s15 =	smov.u32 s18;
	(pc) =	sbr.rel @p0 .LBB2_11-.Ltmp4, $4  }
0x19e: {  	v1 =	vld [tilespmem:s4+$0x0];
	s4 =	smov.u32 s10;
	s10 =	smov.u32 s9;
	s9 =	smov.u32 s1  }
0x19f: {  	s18 =	smov.u32 s0;
	s0 =	smov.u32 s19;
	v7 =	vld [tilespmem:s13+$0x810]  }
0x1a0: {  	v8 =	vld [tilespmem:s13+$0x8810]  }
0x1a1: {  	v2 =	vld [tilespmem:s13+$0x8800]  }
0x1a2: {  	v6 =	vmul.f32 $1.000000010e-01, v6  }
0x1a3: {  	v3 =	vmul.f32 v3, v1;
	v5 =	vmul.f32 v5, v1  }
0x1a4: {  	v10 =	vld [tilespmem:s13+$0x8820];
	v4 =	vmul.f32 v4, v1;
	v7 =	vmul.f32 v7, v1  }
0x1a5: {  	v9 =	vmul.f32 v3, v1;
	v8 =	vmul.f32 $1.000000010e-01, v8  }
0x1a6: {  	v11 =	vmul.f32 v5, v1;
	v12 =	vmul.f32 $4.499999880e-01, v7  }
0x1a7: {  	v28 =	vmul.f32 v4, v1;
	v4 =	vmul.f32 $4.499999880e-01, v4;
	[tilespmem:s13+$0x820] =	vst v9  }
0x1a8: {  	v3 =	vmul.f32 $4.499999880e-01, v3;
	[tilespmem:s13+$0x800] =	vst v11;
	v8 =	vadd.f32 v8, v12  }
0x1a9: {  	v31 =	vmul.f32 $4.499999880e-01, v5;
	[tilespmem:s13+$0x830] =	vst v28;
	v4 =	vadd.f32 v6, v4;
	v30 =	vmul.f32 $1.000000010e-01, v10  }
0x1aa: {  	v1 =	vmul.f32 v7, v1;
	v2 =	vmul.f32 $1.000000010e-01, v2;
	v9 =	vld [tilespmem:s15+$0x820];
	[tilespmem:s13+$0x8810] =	vst v8  }
0x1ab: {  	v3 =	vadd.f32 v30, v3;
	v29 =	vld [tilespmem:s15+$0x800];
	[tilespmem:s13+$0x8830] =	vst v4  }
0x1ac: {  	v32 =	vld [tilespmem:s15+$0x830];
	[tilespmem:s13+$0x810] =	vst v1;
	v1 =	vadd.f32 v2, v31  }
0x1ad: {  	v2 =	vld [tilespmem:s15+$0x8830];
	[tilespmem:s13+$0x8820] =	vst v3  }
0x1ae: {  	[tilespmem:s13+$0x8800] =	vst v1  }
0x1af: {  	v1 =	vld [tilespmem:s4+$0x0]  }
0x1b0: {  	v3 =	vld [tilespmem:s15+$0x810]  }
0x1b1: {  	v33 =	vld [tilespmem:s15+$0x8810];
	_ =	sdelay $0x1  }
0x1b2: {  	v2 =	vmul.f32 $1.000000010e-01, v2  }
0x1b3: {  	v34 =	vmul.f32 v9, v1;
	v6 =	vmul.f32 v29, v1  }
0x1b4: {  	v3 =	vmul.f32 v3, v1;
	v5 =	vmul.f32 v32, v1  }
0x1b5: {  	v35 =	vld [tilespmem:s15+$0x8820];
	v4 =	vmul.f32 $1.000000010e-01, v33;
	v9 =	vmul.f32 v34, v1  }
0x1b6: {  	v8 =	vld [tilespmem:s15+$0x8800];
	v36 =	vmul.f32 v6, v1;
	v37 =	vmul.f32 $4.499999880e-01, v3  }
0x1b7: {  	v38 =	vmul.f32 v5, v1;
	v5 =	vmul.f32 $4.499999880e-01, v5;
	[tilespmem:s15+$0x820] =	vst v9  }
0x1b8: {  	[tilespmem:s15+$0x800] =	vst v36;
	v4 =	vadd.f32 v4, v37  }
0x1b9: {  	v39 =	vmul.f32 $4.499999880e-01, v34;
	[tilespmem:s15+$0x830] =	vst v38;
	v2 =	vadd.f32 v2, v5  }
0x1ba: {  	v1 =	vmul.f32 v3, v1;
	v3 =	vmul.f32 $1.000000010e-01, v35;
	v9 =	vld [tilespmem:s18+$0x820];
	[tilespmem:s15+$0x8810] =	vst v4  }
0x1bb: {  	v41 =	vmul.f32 $1.000000010e-01, v8;
	v40 =	vld [tilespmem:s18+$0x800];
	[tilespmem:s15+$0x8830] =	vst v2;
	v2 =	vmul.f32 $4.499999880e-01, v6  }
0x1bc: {  	v3 =	vadd.f32 v3, v39  }
0x1bd: {  	v42 =	vld [tilespmem:s18+$0x830];
	[tilespmem:s15+$0x810] =	vst v1;
	v1 =	vadd.f32 v41, v2  }
0x1be: {  	v2 =	vld [tilespmem:s18+$0x8830];
	[tilespmem:s15+$0x8820] =	vst v3  }
0x1bf: {  	[tilespmem:s15+$0x8800] =	vst v1  }
0x1c0: {  	v1 =	vld [tilespmem:s10+$0x0]  }
0x1c1: {  	v3 =	vld [tilespmem:s18+$0x810]  }
0x1c2: {  	v43 =	vld [tilespmem:s18+$0x8810];
	_ =	sdelay $0x1  }
0x1c3: {  	v2 =	vmul.f32 $1.000000010e-01, v2  }
0x1c4: {  	v44 =	vmul.f32 v9, v1;
	v5 =	vmul.f32 v40, v1  }
0x1c5: {  	v3 =	vmul.f32 v3, v1;
	v7 =	vmul.f32 v42, v1  }
0x1c6: {  	v46 =	vld [tilespmem:s18+$0x8820];
	v4 =	vmul.f32 $1.000000010e-01, v43;
	v9 =	vmul.f32 v44, v1  }
0x1c7: {  	v45 =	vld [tilespmem:s18+$0x8800];
	v47 =	vmul.f32 v5, v1;
	v48 =	vmul.f32 $4.499999880e-01, v3  }
0x1c8: {  	v49 =	vmul.f32 v7, v1;
	v7 =	vmul.f32 $4.499999880e-01, v7;
	[tilespmem:s18+$0x820] =	vst v9  }
0x1c9: {  	[tilespmem:s18+$0x800] =	vst v47;
	v4 =	vadd.f32 v4, v48  }
0x1ca: {  	v50 =	vmul.f32 $4.499999880e-01, v44;
	[tilespmem:s18+$0x830] =	vst v49;
	v2 =	vadd.f32 v2, v7  }
0x1cb: {  	v1 =	vmul.f32 v3, v1;
	v3 =	vmul.f32 $1.000000010e-01, v46;
	v9 =	vld [tilespmem:s0+$0x820];
	[tilespmem:s18+$0x8810] =	vst v4  }
0x1cc: {  	v52 =	vmul.f32 $1.000000010e-01, v45;
	v51 =	vld [tilespmem:s0+$0x800];
	[tilespmem:s18+$0x8830] =	vst v2;
	v2 =	vmul.f32 $4.499999880e-01, v5  }
0x1cd: {  	v3 =	vadd.f32 v3, v50  }
0x1ce: {  	v53 =	vld [tilespmem:s0+$0x830];
	[tilespmem:s18+$0x810] =	vst v1;
	v1 =	vadd.f32 v52, v2  }
0x1cf: {  	v2 =	vld [tilespmem:s0+$0x8830];
	[tilespmem:s18+$0x8820] =	vst v3  }
0x1d0: {  	[tilespmem:s18+$0x8800] =	vst v1  }
0x1d1: {  	v1 =	vld [tilespmem:s9+$0x0]  }
0x1d2: {  	v3 =	vld [tilespmem:s0+$0x810];
	_ =	sdelay $0x1  }
0x1d3: {  	v54 =	vld [tilespmem:s0+$0x8810];
	_ =	sdelay $0x1  }
0x1d4: {  	v2 =	vmul.f32 $1.000000010e-01, v2;
	v56 =	vmul.f32 v9, v1  }
0x1d5: {  	v57 =	vld [tilespmem:s0+$0x8820];
	v55 =	vmul.f32 v51, v1;
	v3 =	vmul.f32 v3, v1  }
0x1d6: {  	v58 =	vld [tilespmem:s0+$0x8800];
	v7 =	vmul.f32 v53, v1;
	v59 =	vmul.f32 v56, v1  }
0x1d7: {  	v4 =	vmul.f32 $1.000000010e-01, v54;
	v60 =	vmul.f32 v55, v1  }
0x1d8: {  	v61 =	vmul.f32 $4.499999880e-01, v3;
	v62 =	vmul.f32 v7, v1;
	[tilespmem:s0+$0x820] =	vst v59  }
0x1d9: {  	v7 =	vmul.f32 $4.499999880e-01, v7;
	v1 =	vmul.f32 v3, v1;
	[tilespmem:s0+$0x800] =	vst v60  }
0x1da: {  	v8 =	vmul.f32 $1.000000010e-01, v57;
	v6 =	vmul.f32 $4.499999880e-01, v56;
	v4 =	vadd.f32 v4, v61;
	[tilespmem:s0+$0x830] =	vst v62  }
0x1db: {  	v5 =	vmul.f32 $4.499999880e-01, v55;
	v3 =	vmul.f32 $1.000000010e-01, v58;
	v2 =	vadd.f32 v2, v7;
	[tilespmem:s0+$0x810] =	vst v1  }
0x1dc: {  	v63 =	vadd.f32 v8, v6;
	[tilespmem:s0+$0x8810] =	vst v4  }
0x1dd: {  	[tilespmem:s0+$0x8830] =	vst v2;
	v2 =	vadd.f32 v3, v5  }
0x1de: {  	[tilespmem:s0+$0x8820] =	vst v63  }
0x1df: {  	s12 =	simm.s32 $0x7;
	s18 =	sadd.s32 s6, s23;
	[tilespmem:s0+$0x8800] =	vst v2  }
0x1e0: {  	[hbm4b:s18+s3] =	stream.linear.scatter [tilespmem:s20], [sflag:$0x7], $0x2000, $0x38;
	[tilespmem:$0x1F800] =	vst v63  }
0x1e1: {  	_ =	swait.ge [sflag:s12], $0x2000  }
0x1e2: {  	[sflag:s12] =	ssyncset.done $0x0  }
0x1e3: {  	[sflag:s12] =	ssyncadd.s32 $0xFFFFE000  }
0x1e4: {  	[spmem:s17] =	stream.linear.scatter [tilespmem:s20], [sflag:$0x7], $0x2000, $0x38;
	[tilespmem:$0x1F800] =	vst v63  }
0x1e5: {  	s28 =	sadd.s32 $0x1, s28;
	_ =	swait.ge [sflag:s12], $0x2000  }
0x1e6: {  	p0 =	sne.s32 s28, $0x5;
	[sflag:s12] =	ssyncset.done $0x0;
	s19 =	rddreg [dreg:$0x5]  }
.Ltmp5:
0x1e7: {  	[sflag:s12] =	ssyncadd.s32 $0xFFFFE000;
	s0 =	sadd.s32 s19, s23;
	(pc) =	sbr.rel @p0 .LBB2_10-.Ltmp5, $4  }
0x1e8: {  	[hbm4b:s0+s3] =	stream.linear.scatter [tilespmem:s16], [sflag:$0x7], $0x2000, $0x38;
	[tilespmem:$0x1F800] =	vst v63  }
0x1e9: {  	_ =	swait.ge [sflag:s12], $0x2000  }
0x1ea: {  	[sflag:s12] =	ssyncset.done $0x0  }
0x1eb: {  	s25 =	sadd.s32 $0x800, s25;
	s4 =	rddreg [dreg:$0x3];
	[sflag:s12] =	ssyncadd.s32 $0xFFFFE000  }
0x1ec: {  	[bflag:$0x0] =	sbarrier.arrive $0xFFFF  }
0x1ed: {  	s0 =	simm.s32 $0x0;
	s1 =	rddreg [dreg:$0xb]  }
0x1ee: {  	[tilespmem:s0], [sflag:$0x7] =	stream.linear.gather [hbm4b:s1+s0], $0x400, $0x38;
	[tilespmem:$0x1F800] =	vst v63  }
0x1ef: {  	_ =	swait.ge [sflag:s12], $0x400  }
0x1f0: {  	[sflag:s12] =	ssyncset.done $0x0  }
0x1f1: {  	[sflag:s12] =	ssyncadd.s32 $0xFFFFFC00  }
0x1f2: {  	[tilespmem:s20], [sflag:$0x1] =	stream.indirect.gather [hbm4b:s6+s22], $0x40, s0, s22, $0xb8;
	[tilespmem:$0x1F800] =	vst v63  }
0x1f3: {  	s25 =	simm.s32 $0x2800  }
0x1f4: {  	[tilespmem:s25], [sflag:$0x1] =	stream.indirect.gather [hbm4b:s6+s22], $0x40, s22, s22, $0xb8;
	[tilespmem:$0x1F800] =	vst v63  }
0x1f5: {  	s23 =	simm.s32 $0x100;
	s28 =	simm.s32 $0x4800  }
0x1f6: {  	[tilespmem:s28], [sflag:$0x1] =	stream.indirect.gather [hbm4b:s6+s22], $0x40, s23, s22, $0xb8;
	[tilespmem:$0x1F800] =	vst v63  }
0x1f7: {  	s17 =	simm.s32 $0x180;
	s9 =	simm.s32 $0x6800  }
0x1f8: {  	[tilespmem:s9], [sflag:$0x1] =	stream.indirect.gather [hbm4b:s6+s22], $0x40, s17, s22, $0xb8;
	[tilespmem:$0x1F800] =	vst v63  }
0x1f9: {  	_ =	swait.ge [sflag:s29], $0x2000  }
0x1fa: {  	[sflag:s29] =	ssyncset.done $0x0  }
0x1fb: {  	[sflag:s29] =	ssyncadd.s32 $0xFFFFE000  }
0x1fc: {  	_ =	swait.ge [sflag:s29], $0x2000  }
0x1fd: {  	[sflag:s29] =	ssyncset.done $0x0  }
0x1fe: {  	[sflag:s29] =	ssyncadd.s32 $0xFFFFE000  }
0x1ff: {  	_ =	swait.ge [sflag:s29], $0x2000  }
0x200: {  	[sflag:s29] =	ssyncset.done $0x0  }
0x201: {  	[sflag:s29] =	ssyncadd.s32 $0xFFFFE000  }
0x202: {  	_ =	swait.ge [sflag:s29], $0x2000  }
0x203: {  	[sflag:s29] =	ssyncset.done $0x0  }
0x204: {  	s10 =	simm.s32 $0x400;
	s4 =	rddreg [dreg:$0xc];
	[sflag:s29] =	ssyncadd.s32 $0xFFFFE000  }
0x205: {  	[tilespmem:s10], [sflag:$0x7] =	stream.linear.gather [hbm4b:s4+s0], $0x400, $0x38;
	[tilespmem:$0x1F800] =	vst v63  }
0x206: {  	_ =	swait.ge [sflag:s12], $0x400  }
0x207: {  	[sflag:s12] =	ssyncset.done $0x0  }
0x208: {  	[sflag:s12] =	ssyncadd.s32 $0xFFFFFC00;
	s12 =	simm.s32 $0x200  }
0x209: {  	[spmem:s2] =	stream.indirect.scatter.add.f32 [tilespmem:s20], [sflag:$0x2], $0x40, s12, s22, $0xb8;
	[tilespmem:$0x1F800] =	vst v63  }
0x20a: {  	s13 =	simm.s32 $0x280  }
0x20b: {  	[spmem:s2] =	stream.indirect.scatter.add.f32 [tilespmem:s25], [sflag:$0x2], $0x40, s13, s22, $0xb8;
	[tilespmem:$0x1F800] =	vst v63  }
0x20c: {  	s15 =	simm.s32 $0x300  }
0x20d: {  	[spmem:s2] =	stream.indirect.scatter.add.f32 [tilespmem:s28], [sflag:$0x2], $0x40, s15, s22, $0xb8;
	[tilespmem:$0x1F800] =	vst v63  }
0x20e: {  	s4 =	simm.s32 $0x380  }
0x20f: {  	[spmem:s2] =	stream.indirect.scatter.add.f32 [tilespmem:s9], [sflag:$0x2], $0x40, s4, s22, $0xb8;
	[tilespmem:$0x1F800] =	vst v63  }
0x210: {  	_ = 	snop  }
0x211: {  	[tilespmem:s16], [sflag:$0x3] =	stream.indirect.gather [hbm4b:s6+s22], $0x40, s10, s22, $0xb8;
	[tilespmem:$0x1F800] =	vst v63  }
0x212: {  	s16 =	simm.s32 $0x480  }
0x213: {  	[tilespmem:s11], [sflag:$0x3] =	stream.indirect.gather [hbm4b:s6+s22], $0x40, s16, s22, $0xb8;
	[tilespmem:$0x1F800] =	vst v63  }
0x214: {  	s18 =	simm.s32 $0x500  }
0x215: {  	[tilespmem:s14], [sflag:$0x3] =	stream.indirect.gather [hbm4b:s6+s22], $0x40, s18, s22, $0xb8;
	[tilespmem:$0x1F800] =	vst v63  }
0x216: {  	s19 =	simm.s32 $0x580  }
0x217: {  	[tilespmem:s5], [sflag:$0x3] =	stream.indirect.gather [hbm4b:s6+s22], $0x40, s19, s22, $0xb8;
	[tilespmem:$0x1F800] =	vst v63  }
0x218: {  	_ =	swait.ge [sflag:s8], $0x2000  }
0x219: {  	[sflag:s8] =	ssyncset.done $0x0  }
0x21a: {  	[sflag:s8] =	ssyncadd.s32 $0xFFFFE000  }
0x21b: {  	_ =	swait.ge [sflag:s8], $0x2000  }
0x21c: {  	[sflag:s8] =	ssyncset.done $0x0  }
0x21d: {  	[sflag:s8] =	ssyncadd.s32 $0xFFFFE000  }
0x21e: {  	_ =	swait.ge [sflag:s8], $0x2000  }
0x21f: {  	[sflag:s8] =	ssyncset.done $0x0  }
0x220: {  	[sflag:s8] =	ssyncadd.s32 $0xFFFFE000  }
0x221: {  	_ =	swait.ge [sflag:s8], $0x2000  }
0x222: {  	[sflag:s8] =	ssyncset.done $0x0  }
0x223: {  	s20 =	sadd.s32 $0x0, s30;
	[sflag:s8] =	ssyncadd.s32 $0xFFFFE000  }
0x224: {  	[tilespmem:s3], [sflag:$0x5] =	stream.linear.gather [hbm4b:s20+s3], $0x400, $0x38;
	[tilespmem:$0x1F800] =	vst v63  }
0x225: {  	_ =	swait.ge [sflag:s7], $0x2000  }
0x226: {  	[sflag:s7] =	ssyncset.done $0x0  }
0x227: {  	[sflag:s7] =	ssyncadd.s32 $0xFFFFE000  }
0x228: {  	_ =	swait.ge [sflag:s7], $0x2000  }
0x229: {  	[sflag:s7] =	ssyncset.done $0x0  }
0x22a: {  	[sflag:s7] =	ssyncadd.s32 $0xFFFFE000  }
0x22b: {  	_ =	swait.ge [sflag:s7], $0x2000  }
0x22c: {  	[sflag:s7] =	ssyncset.done $0x0  }
0x22d: {  	[sflag:s7] =	ssyncadd.s32 $0xFFFFE000  }
0x22e: {  	_ =	swait.ge [sflag:s7], $0x2000  }
0x22f: {  	s21 =	simm.s32 $0x8800;
	[sflag:s7] =	ssyncset.done $0x0  }
0x230: {  	s1 =	smov.u32 s30;
	s30 =	simm.s32 $0x600;
	[sflag:s7] =	ssyncadd.s32 $0xFFFFE000  }
0x231: {  	[spmem:s2] =	stream.indirect.scatter.add.f32 [tilespmem:s21], [sflag:$0x4], $0x40, s30, s22, $0xb8;
	[tilespmem:$0x1F800] =	vst v63  }
0x232: {  	s11 =	simm.s32 $0x680;
	s14 =	simm.s32 $0xA800  }
0x233: {  	[spmem:s2] =	stream.indirect.scatter.add.f32 [tilespmem:s14], [sflag:$0x4], $0x40, s11, s22, $0xb8;
	[tilespmem:$0x1F800] =	vst v63  }
0x234: {  	s13 =	simm.s32 $0x700;
	s5 =	simm.s32 $0xC800  }
0x235: {  	[spmem:s2] =	stream.indirect.scatter.add.f32 [tilespmem:s5], [sflag:$0x4], $0x40, s13, s22, $0xb8;
	[tilespmem:$0x1F800] =	vst v63  }
0x236: {  	s15 =	simm.s32 $0x780;
	s20 =	simm.s32 $0xE800  }
0x237: {  	[spmem:s2] =	stream.indirect.scatter.add.f32 [tilespmem:s20], [sflag:$0x4], $0x40, s15, s22, $0xb8;
	[tilespmem:$0x1F800] =	vst v63  }
0x238: {  	_ =	swait.ge [sflag:s24], $0x400  }
0x239: {  	[sflag:s24] =	ssyncset.done $0x0  }
0x23a: {  	s12 =	simm.s32 $0x800;
	[sflag:s24] =	ssyncadd.s32 $0xFFFFFC00  }
0x23b: {  	[tilespmem:s12], [sflag:$0x1] =	stream.indirect.gather [hbm4b:s6+s22], $0x40, s3, s22, $0xb8;
	[tilespmem:$0x1F800] =	vst v63  }
0x23c: {  	_ = 	snop  }
0x23d: {  	[tilespmem:s25], [sflag:$0x1] =	stream.indirect.gather [hbm4b:s6+s22], $0x40, s22, s22, $0xb8;
	[tilespmem:$0x1F800] =	vst v63  }
0x23e: {  	_ = 	snop  }
0x23f: {  	[tilespmem:s28], [sflag:$0x1] =	stream.indirect.gather [hbm4b:s6+s22], $0x40, s23, s22, $0xb8;
	[tilespmem:$0x1F800] =	vst v63  }
0x240: {  	_ = 	snop  }
0x241: {  	[tilespmem:s9], [sflag:$0x1] =	stream.indirect.gather [hbm4b:s6+s22], $0x40, s17, s22, $0xb8;
	[tilespmem:$0x1F800] =	vst v63  }
0x242: {  	_ =	swait.ge [sflag:s26], $0x2000  }
0x243: {  	[sflag:s26] =	ssyncset.done $0x0  }
0x244: {  	[sflag:s26] =	ssyncadd.s32 $0xFFFFE000  }
0x245: {  	_ =	swait.ge [sflag:s26], $0x2000  }
0x246: {  	[sflag:s26] =	ssyncset.done $0x0  }
0x247: {  	[sflag:s26] =	ssyncadd.s32 $0xFFFFE000  }
0x248: {  	_ =	swait.ge [sflag:s26], $0x2000  }
0x249: {  	[sflag:s26] =	ssyncset.done $0x0  }
0x24a: {  	[sflag:s26] =	ssyncadd.s32 $0xFFFFE000  }
0x24b: {  	_ =	swait.ge [sflag:s26], $0x2000  }
0x24c: {  	[sflag:s26] =	ssyncset.done $0x0;
	s17 =	rddreg [dreg:$0xe]  }
0x24d: {  	[sflag:s26] =	ssyncadd.s32 $0xFFFFE000;
	s19 =	sadd.s32 $0x0, s17  }
0x24e: {  	[tilespmem:s10], [sflag:$0x6] =	stream.linear.gather [hbm4b:s19+s3], $0x400, $0x38;
	[tilespmem:$0x1F800] =	vst v63  }
0x24f: {  	_ =	swait.ge [sflag:s29], $0x2000  }
0x250: {  	[sflag:s29] =	ssyncset.done $0x0  }
0x251: {  	[sflag:s29] =	ssyncadd.s32 $0xFFFFE000  }
0x252: {  	_ =	swait.ge [sflag:s29], $0x2000  }
0x253: {  	[sflag:s29] =	ssyncset.done $0x0  }
0x254: {  	[sflag:s29] =	ssyncadd.s32 $0xFFFFE000  }
0x255: {  	_ =	swait.ge [sflag:s29], $0x2000  }
0x256: {  	[sflag:s29] =	ssyncset.done $0x0  }
0x257: {  	[sflag:s29] =	ssyncadd.s32 $0xFFFFE000  }
0x258: {  	_ =	swait.ge [sflag:s29], $0x2000  }
0x259: {  	[sflag:s29] =	ssyncset.done $0x0  }
0x25a: {  	[sflag:s29] =	ssyncadd.s32 $0xFFFFE000  }
0x25b: {  	s0 =	simm.s32 $0x100;
	s16 =	simm.s32 $0x100;
	_ =	swait.ge [sflag:s31], $0x400  }
0x25c: {  	s18 =	simm.s32 $0x180;
	s23 =	smov.u32 s1;
	[sflag:s31] =	ssyncset.done $0x0  }
.LBB2_14:
0x25d: {  	p0 =	sne.s32 s0, $0x1200;
	[sflag:s31] =	ssyncadd.s32 $0xFFFFFC00  }
0x25e: {  	s1 =	smov.u32 s0;
	s0 =	sadd.s32 $0x100, s0;
	s19 =	simm.s32 $0x200  }
0x25f: {  	[spmem:s2] =	stream.indirect.scatter.add.f32 [tilespmem:s12], [sflag:$0x2], $0x40, s19, s22, $0xb8;
	[tilespmem:$0x1F800] =	vst v63  }
0x260: {  	s19 =	simm.s32 $0x280  }
0x261: {  	[spmem:s2] =	stream.indirect.scatter.add.f32 [tilespmem:s25], [sflag:$0x2], $0x40, s19, s22, $0xb8;
	[tilespmem:$0x1F800] =	vst v63  }
0x262: {  	s19 =	simm.s32 $0x300  }
0x263: {  	[spmem:s2] =	stream.indirect.scatter.add.f32 [tilespmem:s28], [sflag:$0x2], $0x40, s19, s22, $0xb8;
	[tilespmem:$0x1F800] =	vst v63  }
0x264: {  	_ = 	snop  }
0x265: {  	[spmem:s2] =	stream.indirect.scatter.add.f32 [tilespmem:s9], [sflag:$0x2], $0x40, s4, s22, $0xb8;
	[tilespmem:$0x1F800] =	vst v63  }
0x266: {  	_ = 	snop  }
0x267: {  	[tilespmem:s21], [sflag:$0x3] =	stream.indirect.gather [hbm4b:s6+s22], $0x40, s10, s22, $0xb8;
	[tilespmem:$0x1F800] =	vst v63  }
0x268: {  	s4 =	simm.s32 $0x480  }
0x269: {  	[tilespmem:s14], [sflag:$0x3] =	stream.indirect.gather [hbm4b:s6+s22], $0x40, s4, s22, $0xb8;
	[tilespmem:$0x1F800] =	vst v63  }
0x26a: {  	s4 =	simm.s32 $0x500  }
0x26b: {  	[tilespmem:s5], [sflag:$0x3] =	stream.indirect.gather [hbm4b:s6+s22], $0x40, s4, s22, $0xb8;
	[tilespmem:$0x1F800] =	vst v63  }
0x26c: {  	s4 =	simm.s32 $0x580  }
0x26d: {  	[tilespmem:s20], [sflag:$0x3] =	stream.indirect.gather [hbm4b:s6+s22], $0x40, s4, s22, $0xb8;
	[tilespmem:$0x1F800] =	vst v63  }
0x26e: {  	_ =	swait.ge [sflag:s8], $0x2000  }
0x26f: {  	[sflag:s8] =	ssyncset.done $0x0  }
0x270: {  	[sflag:s8] =	ssyncadd.s32 $0xFFFFE000  }
0x271: {  	_ =	swait.ge [sflag:s8], $0x2000  }
0x272: {  	[sflag:s8] =	ssyncset.done $0x0  }
0x273: {  	[sflag:s8] =	ssyncadd.s32 $0xFFFFE000  }
0x274: {  	_ =	swait.ge [sflag:s8], $0x2000  }
0x275: {  	[sflag:s8] =	ssyncset.done $0x0  }
0x276: {  	[sflag:s8] =	ssyncadd.s32 $0xFFFFE000  }
0x277: {  	_ =	swait.ge [sflag:s8], $0x2000  }
0x278: {  	[sflag:s8] =	ssyncset.done $0x0  }
0x279: {  	s4 =	sadd.s32 s1, s23;
	[sflag:s8] =	ssyncadd.s32 $0xFFFFE000  }
0x27a: {  	[tilespmem:s3], [sflag:$0x5] =	stream.linear.gather [hbm4b:s4+s3], $0x400, $0x38;
	[tilespmem:$0x1F800] =	vst v63  }
0x27b: {  	s4 =	simm.s32 $0x380  }
0x27c: {  	_ =	swait.ge [sflag:s7], $0x2000  }
0x27d: {  	[sflag:s7] =	ssyncset.done $0x0  }
0x27e: {  	[sflag:s7] =	ssyncadd.s32 $0xFFFFE000  }
0x27f: {  	_ =	swait.ge [sflag:s7], $0x2000  }
0x280: {  	[sflag:s7] =	ssyncset.done $0x0  }
0x281: {  	[sflag:s7] =	ssyncadd.s32 $0xFFFFE000  }
0x282: {  	_ =	swait.ge [sflag:s7], $0x2000  }
0x283: {  	[sflag:s7] =	ssyncset.done $0x0  }
0x284: {  	[sflag:s7] =	ssyncadd.s32 $0xFFFFE000  }
0x285: {  	_ =	swait.ge [sflag:s7], $0x2000  }
0x286: {  	[sflag:s7] =	ssyncset.done $0x0  }
0x287: {  	[sflag:s7] =	ssyncadd.s32 $0xFFFFE000  }
0x288: {  	[spmem:s2] =	stream.indirect.scatter.add.f32 [tilespmem:s21], [sflag:$0x4], $0x40, s30, s22, $0xb8;
	[tilespmem:$0x1F800] =	vst v63  }
0x289: {  	_ = 	snop  }
0x28a: {  	[spmem:s2] =	stream.indirect.scatter.add.f32 [tilespmem:s14], [sflag:$0x4], $0x40, s11, s22, $0xb8;
	[tilespmem:$0x1F800] =	vst v63  }
0x28b: {  	_ = 	snop  }
0x28c: {  	[spmem:s2] =	stream.indirect.scatter.add.f32 [tilespmem:s5], [sflag:$0x4], $0x40, s13, s22, $0xb8;
	[tilespmem:$0x1F800] =	vst v63  }
0x28d: {  	_ = 	snop  }
0x28e: {  	[spmem:s2] =	stream.indirect.scatter.add.f32 [tilespmem:s20], [sflag:$0x4], $0x40, s15, s22, $0xb8;
	[tilespmem:$0x1F800] =	vst v63  }
0x28f: {  	_ =	swait.ge [sflag:s24], $0x400  }
0x290: {  	[sflag:s24] =	ssyncset.done $0x0  }
0x291: {  	[sflag:s24] =	ssyncadd.s32 $0xFFFFFC00  }
0x292: {  	[tilespmem:s12], [sflag:$0x1] =	stream.indirect.gather [hbm4b:s6+s22], $0x40, s3, s22, $0xb8;
	[tilespmem:$0x1F800] =	vst v63  }
0x293: {  	_ = 	snop  }
0x294: {  	[tilespmem:s25], [sflag:$0x1] =	stream.indirect.gather [hbm4b:s6+s22], $0x40, s22, s22, $0xb8;
	[tilespmem:$0x1F800] =	vst v63  }
0x295: {  	_ = 	snop  }
0x296: {  	[tilespmem:s28], [sflag:$0x1] =	stream.indirect.gather [hbm4b:s6+s22], $0x40, s16, s22, $0xb8;
	[tilespmem:$0x1F800] =	vst v63  }
0x297: {  	_ = 	snop  }
0x298: {  	[tilespmem:s9], [sflag:$0x1] =	stream.indirect.gather [hbm4b:s6+s22], $0x40, s18, s22, $0xb8;
	[tilespmem:$0x1F800] =	vst v63  }
0x299: {  	_ =	swait.ge [sflag:s26], $0x2000  }
0x29a: {  	[sflag:s26] =	ssyncset.done $0x0  }
0x29b: {  	[sflag:s26] =	ssyncadd.s32 $0xFFFFE000  }
0x29c: {  	_ =	swait.ge [sflag:s26], $0x2000  }
0x29d: {  	[sflag:s26] =	ssyncset.done $0x0  }
0x29e: {  	[sflag:s26] =	ssyncadd.s32 $0xFFFFE000  }
0x29f: {  	_ =	swait.ge [sflag:s26], $0x2000  }
0x2a0: {  	[sflag:s26] =	ssyncset.done $0x0  }
0x2a1: {  	[sflag:s26] =	ssyncadd.s32 $0xFFFFE000  }
0x2a2: {  	_ =	swait.ge [sflag:s26], $0x2000  }
0x2a3: {  	[sflag:s26] =	ssyncset.done $0x0  }
0x2a4: {  	s1 =	sadd.s32 s1, s17;
	[sflag:s26] =	ssyncadd.s32 $0xFFFFE000  }
0x2a5: {  	[tilespmem:s10], [sflag:$0x6] =	stream.linear.gather [hbm4b:s1+s3], $0x400, $0x38;
	[tilespmem:$0x1F800] =	vst v63  }
0x2a6: {  	_ =	swait.ge [sflag:s29], $0x2000  }
0x2a7: {  	[sflag:s29] =	ssyncset.done $0x0  }
0x2a8: {  	[sflag:s29] =	ssyncadd.s32 $0xFFFFE000  }
0x2a9: {  	_ =	swait.ge [sflag:s29], $0x2000  }
0x2aa: {  	[sflag:s29] =	ssyncset.done $0x0  }
0x2ab: {  	[sflag:s29] =	ssyncadd.s32 $0xFFFFE000  }
0x2ac: {  	_ =	swait.ge [sflag:s29], $0x2000  }
0x2ad: {  	[sflag:s29] =	ssyncset.done $0x0  }
0x2ae: {  	[sflag:s29] =	ssyncadd.s32 $0xFFFFE000  }
.Ltmp6:
0x2af: {  	_ =	swait.ge [sflag:s29], $0x2000;
	(pc) =	sbr.rel @p0 .LBB2_14-.Ltmp6, $4  }
0x2b0: {  	[sflag:s29] =	ssyncset.done $0x0  }
0x2b1: {  	[sflag:s29] =	ssyncadd.s32 $0xFFFFE000  }
0x2b2: {  	_ =	swait.ge [sflag:s31], $0x400  }
0x2b3: {  	[sflag:s31] =	ssyncset.done $0x0  }
0x2b4: {  	[sflag:s31] =	ssyncadd.s32 $0xFFFFFC00;
	s0 =	simm.s32 $0x200  }
0x2b5: {  	[spmem:s2] =	stream.indirect.scatter.add.f32 [tilespmem:s12], [sflag:$0x2], $0x40, s0, s22, $0xb8;
	[tilespmem:$0x1F800] =	vst v63  }
0x2b6: {  	s17 =	simm.s32 $0x280  }
0x2b7: {  	[spmem:s2] =	stream.indirect.scatter.add.f32 [tilespmem:s25], [sflag:$0x2], $0x40, s17, s22, $0xb8;
	[tilespmem:$0x1F800] =	vst v63  }
0x2b8: {  	s18 =	simm.s32 $0x300  }
0x2b9: {  	[spmem:s2] =	stream.indirect.scatter.add.f32 [tilespmem:s28], [sflag:$0x2], $0x40, s18, s22, $0xb8;
	[tilespmem:$0x1F800] =	vst v63  }
0x2ba: {  	_ = 	snop  }
0x2bb: {  	[spmem:s2] =	stream.indirect.scatter.add.f32 [tilespmem:s9], [sflag:$0x2], $0x40, s4, s22, $0xb8;
	[tilespmem:$0x1F800] =	vst v63  }
0x2bc: {  	_ = 	snop  }
0x2bd: {  	[tilespmem:s21], [sflag:$0x3] =	stream.indirect.gather [hbm4b:s6+s22], $0x40, s10, s22, $0xb8;
	[tilespmem:$0x1F800] =	vst v63  }
0x2be: {  	s19 =	simm.s32 $0x480  }
0x2bf: {  	[tilespmem:s14], [sflag:$0x3] =	stream.indirect.gather [hbm4b:s6+s22], $0x40, s19, s22, $0xb8;
	[tilespmem:$0x1F800] =	vst v63  }
0x2c0: {  	s25 =	simm.s32 $0x500  }
0x2c1: {  	[tilespmem:s5], [sflag:$0x3] =	stream.indirect.gather [hbm4b:s6+s22], $0x40, s25, s22, $0xb8;
	[tilespmem:$0x1F800] =	vst v63  }
0x2c2: {  	s28 =	simm.s32 $0x580  }
0x2c3: {  	[tilespmem:s20], [sflag:$0x3] =	stream.indirect.gather [hbm4b:s6+s22], $0x40, s28, s22, $0xb8;
	[tilespmem:$0x1F800] =	vst v63  }
0x2c4: {  	_ =	swait.ge [sflag:s8], $0x2000  }
0x2c5: {  	[sflag:s8] =	ssyncset.done $0x0  }
0x2c6: {  	[sflag:s8] =	ssyncadd.s32 $0xFFFFE000  }
0x2c7: {  	_ =	swait.ge [sflag:s8], $0x2000  }
0x2c8: {  	[sflag:s8] =	ssyncset.done $0x0  }
0x2c9: {  	[sflag:s8] =	ssyncadd.s32 $0xFFFFE000  }
0x2ca: {  	_ =	swait.ge [sflag:s8], $0x2000  }
0x2cb: {  	[sflag:s8] =	ssyncset.done $0x0  }
0x2cc: {  	[sflag:s8] =	ssyncadd.s32 $0xFFFFE000  }
0x2cd: {  	_ =	swait.ge [sflag:s8], $0x2000  }
0x2ce: {  	[sflag:s8] =	ssyncset.done $0x0  }
0x2cf: {  	[sflag:s8] =	ssyncadd.s32 $0xFFFFE000  }
0x2d0: {  	_ =	swait.ge [sflag:s7], $0x2000  }
0x2d1: {  	[sflag:s7] =	ssyncset.done $0x0  }
0x2d2: {  	[sflag:s7] =	ssyncadd.s32 $0xFFFFE000  }
0x2d3: {  	_ =	swait.ge [sflag:s7], $0x2000  }
0x2d4: {  	[sflag:s7] =	ssyncset.done $0x0  }
0x2d5: {  	[sflag:s7] =	ssyncadd.s32 $0xFFFFE000  }
0x2d6: {  	_ =	swait.ge [sflag:s7], $0x2000  }
0x2d7: {  	[sflag:s7] =	ssyncset.done $0x0  }
0x2d8: {  	[sflag:s7] =	ssyncadd.s32 $0xFFFFE000  }
0x2d9: {  	_ =	swait.ge [sflag:s7], $0x2000  }
0x2da: {  	[sflag:s7] =	ssyncset.done $0x0  }
0x2db: {  	[sflag:s7] =	ssyncadd.s32 $0xFFFFE000  }
0x2dc: {  	[spmem:s2] =	stream.indirect.scatter.add.f32 [tilespmem:s21], [sflag:$0x4], $0x40, s30, s22, $0xb8;
	[tilespmem:$0x1F800] =	vst v63  }
0x2dd: {  	_ = 	snop  }
0x2de: {  	[spmem:s2] =	stream.indirect.scatter.add.f32 [tilespmem:s14], [sflag:$0x4], $0x40, s11, s22, $0xb8;
	[tilespmem:$0x1F800] =	vst v63  }
0x2df: {  	_ = 	snop  }
0x2e0: {  	[spmem:s2] =	stream.indirect.scatter.add.f32 [tilespmem:s5], [sflag:$0x4], $0x40, s13, s22, $0xb8;
	[tilespmem:$0x1F800] =	vst v63  }
0x2e1: {  	_ = 	snop  }
0x2e2: {  	[spmem:s2] =	stream.indirect.scatter.add.f32 [tilespmem:s20], [sflag:$0x4], $0x40, s15, s22, $0xb8;
	[tilespmem:$0x1F800] =	vst v63  }
0x2e3: {  	_ =	swait.ge [sflag:s26], $0x2000  }
0x2e4: {  	[sflag:s26] =	ssyncset.done $0x0  }
0x2e5: {  	[sflag:s26] =	ssyncadd.s32 $0xFFFFE000  }
0x2e6: {  	_ =	swait.ge [sflag:s26], $0x2000  }
0x2e7: {  	[sflag:s26] =	ssyncset.done $0x0  }
0x2e8: {  	[sflag:s26] =	ssyncadd.s32 $0xFFFFE000  }
0x2e9: {  	_ =	swait.ge [sflag:s26], $0x2000  }
0x2ea: {  	s1 =	simm.s32 $0x10800;
	[sflag:s26] =	ssyncset.done $0x0  }
0x2eb: {  	s16 =	simm.s32 $0x800;
	s0 =	simm.s32 $0x0;
	[sflag:s26] =	ssyncadd.s32 $0xFFFFE000  }
0x2ec: {  	s17 =	simm.s32 $0x2800;
	s10 =	simm.s32 $0x0;
	_ =	swait.ge [sflag:s26], $0x2000  }
0x2ed: {  	s19 =	simm.s32 $0x6800;
	s25 =	simm.s32 $0x4800;
	[sflag:s26] =	ssyncset.done $0x0  }
0x2ee: {  	s11 =	simm.s32 $0xA800;
	s14 =	simm.s32 $0x8800;
	[sflag:s26] =	ssyncadd.s32 $0xFFFFE000  }
0x2ef: {  	s5 =	simm.s32 $0xC800;
	s15 =	simm.s32 $0x7;
	[bflag:$0x0] =	sbarrier.arrive $0xFFFF  }
.LBB2_16:
0x2f0: {  	s4 =	sshll.u32 s10, $0x7;
	s9 =	rddreg [dreg:$0x7]  }
0x2f1: {  	s9 =	sadd.s32 s9, s4  }
0x2f2: {  	s4 =	sshll.u32 s9, $0x6  }
0x2f3: {  	s4 =	sand.u32 $0x3FFFFFC0, s4  }
0x2f4: {  	s4 =	sadd.s32 s4, s2  }
0x2f5: {  	[tilespmem:s16], [sflag:$0x7] =	stream.linear.gather [spmem:s4], $0x2000, $0x38;
	[tilespmem:$0x1F800] =	vst v63  }
0x2f6: {  	_ =	swait.ge [sflag:s15], $0x2000  }
0x2f7: {  	s12 =	rddreg [dreg:$0xa]  }
0x2f8: {  	s9 =	sadd.s32 s12, s9  }
0x2f9: {  	[sflag:s15] =	ssyncset.done $0x0;
	s30 =	rddreg [dreg:$0x5];
	s13 =	sshll.u32 s9, $0x3  }
0x2fa: {  	[sflag:s15] =	ssyncadd.s32 $0xFFFFE000;
	s9 =	sadd.s32 s30, s13  }
0x2fb: {  	[tilespmem:s14], [sflag:$0x7] =	stream.linear.gather [hbm4b:s9+s0], $0x2000, $0x38;
	[tilespmem:$0x1F800] =	vst v63  }
0x2fc: {  	_ =	swait.ge [sflag:s15], $0x2000  }
0x2fd: {  	[sflag:s15] =	ssyncset.done $0x0  }
0x2fe: {  	[sflag:s15] =	ssyncadd.s32 $0xFFFFE000;
	s15 =	simm.s32 $0x0  }
0x2ff: {  	v2 =	vld [tilespmem:s15+$0x800]  }
0x300: {  	v4 =	vld [tilespmem:s15+$0x820]  }
0x301: {  	v5 =	vld [tilespmem:s1+$0x0]  }
0x302: {  	v6 =	vld [tilespmem:s15+$0x830]  }
0x303: {  	v7 =	vld [tilespmem:s15+$0x810];
	_ =	sdelay $0x1  }
0x304: {  	v8 =	vld [tilespmem:s15+$0x8800]  }
0x305: {  	v1 =	vld [tilespmem:s15+$0x8830];
	v9 =	vmul.f32 v2, v5  }
0x306: {  	[tilespmem:s15+$0x8830] =	vst v0;
	v3 =	vld [tilespmem:s15+$0x8820];
	v4 =	vmul.f32 v4, v5;
	v6 =	vmul.f32 v6, v5  }
0x307: {  	[tilespmem:s15+$0x8800] =	vst v0;
	v2 =	vld [tilespmem:s15+$0x8810];
	v7 =	vmul.f32 v7, v5;
	v9 =	vmul.f32 $4.499999880e-01, v9  }
0x308: {  	[tilespmem:s15+$0x8820] =	vst v0;
	v5 =	vmul.f32 $4.499999880e-01, v4  }
0x309: {  	s12 =	smov.u32 s1;
	s9 =	simm.s32 $0x100;
	[tilespmem:s15+$0x8810] =	vst v0;
	v4 =	vmul.f32 $4.499999880e-01, v6;
	v7 =	vmul.f32 $4.499999880e-01, v7;
	v6 =	vadd.f32 v9, v8  }
.LBB2_17:
0x30a: {  	p0 =	sne.s32 s9, $0x7F00  }
0x30b: {  	v3 =	vadd.f32 v5, v3;
	s12 =	sadd.s32 $0x10, s12;
	s18 =	smov.u32 s9;
	s9 =	sadd.s32 $0x100, s9  }
0x30c: {  	v1 =	vadd.f32 v4, v1;
	v5 =	vmax.f32 v6, $0.0e+00;
	v2 =	vadd.f32 v7, v2  }
0x30d: {  	[tilespmem:s15+$0x800] =	vst v5;
	v3 =	vmax.f32 v3, $0.0e+00  }
0x30e: {  	s18 =	sshra.s32 s18, $0x2;
	v1 =	vmax.f32 v1, $0.0e+00;
	v2 =	vmax.f32 v2, $0.0e+00;
	[tilespmem:s15+$0x820] =	vst v3  }
0x30f: {  	v3 =	vld [tilespmem:s18+$0x800];
	[tilespmem:s15+$0x810] =	vst v2  }
0x310: {  	v2 =	vld [tilespmem:s18+$0x820];
	[tilespmem:s15+$0x830] =	vst v1;
	s15 =	smov.u32 s18  }
0x311: {  	v4 =	vld [tilespmem:s12+$0x0]  }
0x312: {  	v5 =	vld [tilespmem:s15+$0x830]  }
0x313: {  	v6 =	vld [tilespmem:s15+$0x810]  }
0x314: {  	v1 =	vld [tilespmem:s15+$0x8830]  }
0x315: {  	v7 =	vld [tilespmem:s15+$0x8800];
	[tilespmem:s15+$0x8830] =	vst v0  }
.Ltmp7:
0x316: {  	v8 =	vmul.f32 v3, v4;
	[tilespmem:s15+$0x8800] =	vst v0;
	v3 =	vld [tilespmem:s15+$0x8820];
	v9 =	vmul.f32 v2, v4;
	(pc) =	sbr.rel @p0 .LBB2_17-.Ltmp7, $4  }
0x317: {  	v2 =	vld [tilespmem:s15+$0x8810];
	[tilespmem:s15+$0x8820] =	vst v0;
	v10 =	vmul.f32 v5, v4  }
0x318: {  	v8 =	vmul.f32 $4.499999880e-01, v8;
	v11 =	vmul.f32 v6, v4;
	[tilespmem:s15+$0x8810] =	vst v0  }
0x319: {  	v5 =	vmul.f32 $4.499999880e-01, v9;
	v4 =	vmul.f32 $4.499999880e-01, v10  }
0x31a: {  	v6 =	vadd.f32 v8, v7;
	v7 =	vmul.f32 $4.499999880e-01, v11  }
0x31b: {  	v3 =	vadd.f32 v5, v3  }
0x31c: {  	v1 =	vadd.f32 v4, v1;
	v63 =	vmax.f32 v6, $0.0e+00  }
0x31d: {  	v2 =	vadd.f32 v7, v2;
	[tilespmem:s15+$0x800] =	vst v63;
	v3 =	vmax.f32 v3, $0.0e+00  }
0x31e: {  	v1 =	vmax.f32 v1, $0.0e+00;
	[tilespmem:s15+$0x820] =	vst v3  }
0x31f: {  	v2 =	vmax.f32 v2, $0.0e+00;
	[tilespmem:s15+$0x830] =	vst v1  }
0x320: {  	s9 =	sadd.s32 s6, s13;
	[tilespmem:s15+$0x810] =	vst v2;
	s15 =	simm.s32 $0x7  }
0x321: {  	[hbm4b:s9+s3] =	stream.linear.scatter [tilespmem:s16], [sflag:$0x7], $0x2000, $0x38;
	[tilespmem:$0x1F800] =	vst v63  }
0x322: {  	s10 =	sadd.s32 $0x1, s10;
	_ =	swait.ge [sflag:s15], $0x2000  }
0x323: {  	p0 =	sne.s32 s10, $0x5;
	[sflag:s15] =	ssyncset.done $0x0  }
.Ltmp8:
0x324: {  	[sflag:s15] =	ssyncadd.s32 $0xFFFFE000;
	(pc) =	sbr.rel @p0 .LBB2_16-.Ltmp8, $4  }
0x325: {  	[spmem:s4] =	stream.linear.scatter [tilespmem:s14], [sflag:$0x7], $0x2000, $0x38;
	[tilespmem:$0x1F800] =	vst v63  }
0x326: {  	_ =	swait.ge [sflag:s15], $0x2000  }
0x327: {  	[sflag:s15] =	ssyncset.done $0x0  }
0x328: {  	s1 =	sadd.s32 $0x800, s1;
	[sflag:s15] =	ssyncadd.s32 $0xFFFFE000  }
0x329: {  	[bflag:$0x0] =	sbarrier.arrive $0xFFFF  }
0x32a: {  	s0 =	simm.s32 $0x0;
	s1 =	rddreg [dreg:$0xb]  }
0x32b: {  	[tilespmem:s0], [sflag:$0x7] =	stream.linear.gather [hbm4b:s1+s0], $0x400, $0x38;
	[tilespmem:$0x1F800] =	vst v63  }
0x32c: {  	_ =	swait.ge [sflag:s15], $0x400  }
0x32d: {  	[sflag:s15] =	ssyncset.done $0x0  }
0x32e: {  	[sflag:s15] =	ssyncadd.s32 $0xFFFFFC00  }
0x32f: {  	[tilespmem:s16], [sflag:$0x1] =	stream.indirect.gather [hbm4b:s6+s22], $0x40, s0, s22, $0xb8;
	[tilespmem:$0x1F800] =	vst v63  }
0x330: {  	_ = 	snop  }
0x331: {  	[tilespmem:s17], [sflag:$0x1] =	stream.indirect.gather [hbm4b:s6+s22], $0x40, s22, s22, $0xb8;
	[tilespmem:$0x1F800] =	vst v63  }
0x332: {  	s9 =	simm.s32 $0x100  }
0x333: {  	[tilespmem:s25], [sflag:$0x1] =	stream.indirect.gather [hbm4b:s6+s22], $0x40, s9, s22, $0xb8;
	[tilespmem:$0x1F800] =	vst v63  }
0x334: {  	s28 =	simm.s32 $0x180  }
0x335: {  	[tilespmem:s19], [sflag:$0x1] =	stream.indirect.gather [hbm4b:s6+s22], $0x40, s28, s22, $0xb8;
	[tilespmem:$0x1F800] =	vst v63  }
0x336: {  	_ =	swait.ge [sflag:s29], $0x2000  }
0x337: {  	[sflag:s29] =	ssyncset.done $0x0  }
0x338: {  	[sflag:s29] =	ssyncadd.s32 $0xFFFFE000  }
0x339: {  	_ =	swait.ge [sflag:s29], $0x2000  }
0x33a: {  	[sflag:s29] =	ssyncset.done $0x0  }
0x33b: {  	[sflag:s29] =	ssyncadd.s32 $0xFFFFE000  }
0x33c: {  	_ =	swait.ge [sflag:s29], $0x2000  }
0x33d: {  	[sflag:s29] =	ssyncset.done $0x0  }
0x33e: {  	[sflag:s29] =	ssyncadd.s32 $0xFFFFE000  }
0x33f: {  	_ =	swait.ge [sflag:s29], $0x2000  }
0x340: {  	[sflag:s29] =	ssyncset.done $0x0  }
0x341: {  	s10 =	simm.s32 $0x400;
	s21 =	rddreg [dreg:$0xc];
	[sflag:s29] =	ssyncadd.s32 $0xFFFFE000  }
0x342: {  	[tilespmem:s10], [sflag:$0x7] =	stream.linear.gather [hbm4b:s21+s0], $0x400, $0x38;
	[tilespmem:$0x1F800] =	vst v63  }
0x343: {  	_ =	swait.ge [sflag:s15], $0x400  }
0x344: {  	[sflag:s15] =	ssyncset.done $0x0  }
0x345: {  	s4 =	simm.s32 $0x200;
	[sflag:s15] =	ssyncadd.s32 $0xFFFFFC00  }
0x346: {  	[spmem:s2] =	stream.indirect.scatter.add.f32 [tilespmem:s16], [sflag:$0x2], $0x40, s4, s22, $0xb8;
	[tilespmem:$0x1F800] =	vst v63  }
0x347: {  	s12 =	simm.s32 $0x280  }
0x348: {  	[spmem:s2] =	stream.indirect.scatter.add.f32 [tilespmem:s17], [sflag:$0x2], $0x40, s12, s22, $0xb8;
	[tilespmem:$0x1F800] =	vst v63  }
0x349: {  	s13 =	simm.s32 $0x300  }
0x34a: {  	[spmem:s2] =	stream.indirect.scatter.add.f32 [tilespmem:s25], [sflag:$0x2], $0x40, s13, s22, $0xb8;
	[tilespmem:$0x1F800] =	vst v63  }
0x34b: {  	s4 =	simm.s32 $0x380  }
0x34c: {  	[spmem:s2] =	stream.indirect.scatter.add.f32 [tilespmem:s19], [sflag:$0x2], $0x40, s4, s22, $0xb8;
	[tilespmem:$0x1F800] =	vst v63  }
0x34d: {  	_ = 	snop  }
0x34e: {  	[tilespmem:s14], [sflag:$0x3] =	stream.indirect.gather [hbm4b:s6+s22], $0x40, s10, s22, $0xb8;
	[tilespmem:$0x1F800] =	vst v63  }
0x34f: {  	s14 =	simm.s32 $0x480  }
0x350: {  	[tilespmem:s11], [sflag:$0x3] =	stream.indirect.gather [hbm4b:s6+s22], $0x40, s14, s22, $0xb8;
	[tilespmem:$0x1F800] =	vst v63  }
0x351: {  	s15 =	simm.s32 $0x500  }
0x352: {  	[tilespmem:s5], [sflag:$0x3] =	stream.indirect.gather [hbm4b:s6+s22], $0x40, s15, s22, $0xb8;
	[tilespmem:$0x1F800] =	vst v63  }
0x353: {  	s20 =	simm.s32 $0xE800;
	s16 =	simm.s32 $0x580  }
0x354: {  	[tilespmem:s20], [sflag:$0x3] =	stream.indirect.gather [hbm4b:s6+s22], $0x40, s16, s22, $0xb8;
	[tilespmem:$0x1F800] =	vst v63  }
0x355: {  	_ =	swait.ge [sflag:s8], $0x2000  }
0x356: {  	[sflag:s8] =	ssyncset.done $0x0  }
0x357: {  	[sflag:s8] =	ssyncadd.s32 $0xFFFFE000  }
0x358: {  	_ =	swait.ge [sflag:s8], $0x2000  }
0x359: {  	[sflag:s8] =	ssyncset.done $0x0  }
0x35a: {  	[sflag:s8] =	ssyncadd.s32 $0xFFFFE000  }
0x35b: {  	_ =	swait.ge [sflag:s8], $0x2000  }
0x35c: {  	[sflag:s8] =	ssyncset.done $0x0  }
0x35d: {  	[sflag:s8] =	ssyncadd.s32 $0xFFFFE000  }
0x35e: {  	_ =	swait.ge [sflag:s8], $0x2000  }
0x35f: {  	[sflag:s8] =	ssyncset.done $0x0  }
0x360: {  	s18 =	sadd.s32 $0x0, s23;
	[sflag:s8] =	ssyncadd.s32 $0xFFFFE000  }
0x361: {  	[tilespmem:s3], [sflag:$0x5] =	stream.linear.gather [hbm4b:s18+s3], $0x400, $0x38;
	[tilespmem:$0x1F800] =	vst v63  }
0x362: {  	_ =	swait.ge [sflag:s7], $0x2000  }
0x363: {  	[sflag:s7] =	ssyncset.done $0x0  }
0x364: {  	[sflag:s7] =	ssyncadd.s32 $0xFFFFE000  }
0x365: {  	_ =	swait.ge [sflag:s7], $0x2000  }
0x366: {  	[sflag:s7] =	ssyncset.done $0x0  }
0x367: {  	[sflag:s7] =	ssyncadd.s32 $0xFFFFE000  }
0x368: {  	_ =	swait.ge [sflag:s7], $0x2000  }
0x369: {  	[sflag:s7] =	ssyncset.done $0x0  }
0x36a: {  	[sflag:s7] =	ssyncadd.s32 $0xFFFFE000  }
0x36b: {  	_ =	swait.ge [sflag:s7], $0x2000  }
0x36c: {  	[sflag:s7] =	ssyncset.done $0x0  }
0x36d: {  	s30 =	simm.s32 $0x600;
	s21 =	simm.s32 $0x8800;
	[sflag:s7] =	ssyncadd.s32 $0xFFFFE000  }
0x36e: {  	[spmem:s2] =	stream.indirect.scatter.add.f32 [tilespmem:s21], [sflag:$0x4], $0x40, s30, s22, $0xb8;
	[tilespmem:$0x1F800] =	vst v63  }
0x36f: {  	s14 =	simm.s32 $0xA800;
	s11 =	simm.s32 $0x680  }
0x370: {  	[spmem:s2] =	stream.indirect.scatter.add.f32 [tilespmem:s14], [sflag:$0x4], $0x40, s11, s22, $0xb8;
	[tilespmem:$0x1F800] =	vst v63  }
0x371: {  	s13 =	simm.s32 $0x700;
	s5 =	simm.s32 $0xC800  }
0x372: {  	[spmem:s2] =	stream.indirect.scatter.add.f32 [tilespmem:s5], [sflag:$0x4], $0x40, s13, s22, $0xb8;
	[tilespmem:$0x1F800] =	vst v63  }
0x373: {  	s15 =	simm.s32 $0x780  }
0x374: {  	[spmem:s2] =	stream.indirect.scatter.add.f32 [tilespmem:s20], [sflag:$0x4], $0x40, s15, s22, $0xb8;
	[tilespmem:$0x1F800] =	vst v63  }
0x375: {  	_ =	swait.ge [sflag:s24], $0x400  }
0x376: {  	[sflag:s24] =	ssyncset.done $0x0  }
0x377: {  	s12 =	simm.s32 $0x800;
	[sflag:s24] =	ssyncadd.s32 $0xFFFFFC00  }
0x378: {  	[tilespmem:s12], [sflag:$0x1] =	stream.indirect.gather [hbm4b:s6+s22], $0x40, s3, s22, $0xb8;
	[tilespmem:$0x1F800] =	vst v63  }
0x379: {  	_ = 	snop  }
0x37a: {  	[tilespmem:s17], [sflag:$0x1] =	stream.indirect.gather [hbm4b:s6+s22], $0x40, s22, s22, $0xb8;
	[tilespmem:$0x1F800] =	vst v63  }
0x37b: {  	_ = 	snop  }
0x37c: {  	[tilespmem:s25], [sflag:$0x1] =	stream.indirect.gather [hbm4b:s6+s22], $0x40, s9, s22, $0xb8;
	[tilespmem:$0x1F800] =	vst v63  }
0x37d: {  	_ = 	snop  }
0x37e: {  	[tilespmem:s19], [sflag:$0x1] =	stream.indirect.gather [hbm4b:s6+s22], $0x40, s28, s22, $0xb8;
	[tilespmem:$0x1F800] =	vst v63  }
0x37f: {  	_ =	swait.ge [sflag:s26], $0x2000  }
0x380: {  	[sflag:s26] =	ssyncset.done $0x0  }
0x381: {  	[sflag:s26] =	ssyncadd.s32 $0xFFFFE000  }
0x382: {  	_ =	swait.ge [sflag:s26], $0x2000  }
0x383: {  	[sflag:s26] =	ssyncset.done $0x0  }
0x384: {  	[sflag:s26] =	ssyncadd.s32 $0xFFFFE000  }
0x385: {  	_ =	swait.ge [sflag:s26], $0x2000  }
0x386: {  	[sflag:s26] =	ssyncset.done $0x0  }
0x387: {  	[sflag:s26] =	ssyncadd.s32 $0xFFFFE000  }
0x388: {  	_ =	swait.ge [sflag:s26], $0x2000  }
0x389: {  	[sflag:s26] =	ssyncset.done $0x0;
	s17 =	rddreg [dreg:$0xe]  }
0x38a: {  	[sflag:s26] =	ssyncadd.s32 $0xFFFFE000;
	s19 =	sadd.s32 $0x0, s17  }
0x38b: {  	[tilespmem:s10], [sflag:$0x6] =	stream.linear.gather [hbm4b:s19+s3], $0x400, $0x38;
	[tilespmem:$0x1F800] =	vst v63  }
0x38c: {  	_ =	swait.ge [sflag:s29], $0x2000  }
0x38d: {  	[sflag:s29] =	ssyncset.done $0x0  }
0x38e: {  	[sflag:s29] =	ssyncadd.s32 $0xFFFFE000  }
0x38f: {  	_ =	swait.ge [sflag:s29], $0x2000  }
0x390: {  	[sflag:s29] =	ssyncset.done $0x0  }
0x391: {  	[sflag:s29] =	ssyncadd.s32 $0xFFFFE000  }
0x392: {  	_ =	swait.ge [sflag:s29], $0x2000  }
0x393: {  	[sflag:s29] =	ssyncset.done $0x0  }
0x394: {  	[sflag:s29] =	ssyncadd.s32 $0xFFFFE000  }
0x395: {  	_ =	swait.ge [sflag:s29], $0x2000  }
0x396: {  	[sflag:s29] =	ssyncset.done $0x0  }
0x397: {  	s0 =	simm.s32 $0x100;
	s16 =	simm.s32 $0x100;
	[sflag:s29] =	ssyncadd.s32 $0xFFFFE000  }
0x398: {  	s18 =	simm.s32 $0x180;
	s9 =	simm.s32 $0x6800;
	_ =	swait.ge [sflag:s31], $0x400  }
0x399: {  	s25 =	simm.s32 $0x2800;
	s28 =	simm.s32 $0x4800;
	[sflag:s31] =	ssyncset.done $0x0  }
.LBB2_20:
0x39a: {  	p0 =	sne.s32 s0, $0x1200;
	[sflag:s31] =	ssyncadd.s32 $0xFFFFFC00  }
0x39b: {  	s1 =	smov.u32 s0;
	s0 =	sadd.s32 $0x100, s0;
	s19 =	simm.s32 $0x200  }
0x39c: {  	[spmem:s2] =	stream.indirect.scatter.add.f32 [tilespmem:s12], [sflag:$0x2], $0x40, s19, s22, $0xb8;
	[tilespmem:$0x1F800] =	vst v63  }
0x39d: {  	s19 =	simm.s32 $0x280  }
0x39e: {  	[spmem:s2] =	stream.indirect.scatter.add.f32 [tilespmem:s25], [sflag:$0x2], $0x40, s19, s22, $0xb8;
	[tilespmem:$0x1F800] =	vst v63  }
0x39f: {  	s19 =	simm.s32 $0x300  }
0x3a0: {  	[spmem:s2] =	stream.indirect.scatter.add.f32 [tilespmem:s28], [sflag:$0x2], $0x40, s19, s22, $0xb8;
	[tilespmem:$0x1F800] =	vst v63  }
0x3a1: {  	_ = 	snop  }
0x3a2: {  	[spmem:s2] =	stream.indirect.scatter.add.f32 [tilespmem:s9], [sflag:$0x2], $0x40, s4, s22, $0xb8;
	[tilespmem:$0x1F800] =	vst v63  }
0x3a3: {  	_ = 	snop  }
0x3a4: {  	[tilespmem:s21], [sflag:$0x3] =	stream.indirect.gather [hbm4b:s6+s22], $0x40, s10, s22, $0xb8;
	[tilespmem:$0x1F800] =	vst v63  }
0x3a5: {  	s4 =	simm.s32 $0x480  }
0x3a6: {  	[tilespmem:s14], [sflag:$0x3] =	stream.indirect.gather [hbm4b:s6+s22], $0x40, s4, s22, $0xb8;
	[tilespmem:$0x1F800] =	vst v63  }
0x3a7: {  	s4 =	simm.s32 $0x500  }
0x3a8: {  	[tilespmem:s5], [sflag:$0x3] =	stream.indirect.gather [hbm4b:s6+s22], $0x40, s4, s22, $0xb8;
	[tilespmem:$0x1F800] =	vst v63  }
0x3a9: {  	s4 =	simm.s32 $0x580  }
0x3aa: {  	[tilespmem:s20], [sflag:$0x3] =	stream.indirect.gather [hbm4b:s6+s22], $0x40, s4, s22, $0xb8;
	[tilespmem:$0x1F800] =	vst v63  }
0x3ab: {  	_ =	swait.ge [sflag:s8], $0x2000  }
0x3ac: {  	[sflag:s8] =	ssyncset.done $0x0  }
0x3ad: {  	[sflag:s8] =	ssyncadd.s32 $0xFFFFE000  }
0x3ae: {  	_ =	swait.ge [sflag:s8], $0x2000  }
0x3af: {  	[sflag:s8] =	ssyncset.done $0x0  }
0x3b0: {  	[sflag:s8] =	ssyncadd.s32 $0xFFFFE000  }
0x3b1: {  	_ =	swait.ge [sflag:s8], $0x2000  }
0x3b2: {  	[sflag:s8] =	ssyncset.done $0x0  }
0x3b3: {  	[sflag:s8] =	ssyncadd.s32 $0xFFFFE000  }
0x3b4: {  	_ =	swait.ge [sflag:s8], $0x2000  }
0x3b5: {  	[sflag:s8] =	ssyncset.done $0x0  }
0x3b6: {  	s4 =	sadd.s32 s1, s23;
	[sflag:s8] =	ssyncadd.s32 $0xFFFFE000  }
0x3b7: {  	[tilespmem:s3], [sflag:$0x5] =	stream.linear.gather [hbm4b:s4+s3], $0x400, $0x38;
	[tilespmem:$0x1F800] =	vst v63  }
0x3b8: {  	s4 =	simm.s32 $0x380  }
0x3b9: {  	_ =	swait.ge [sflag:s7], $0x2000  }
0x3ba: {  	[sflag:s7] =	ssyncset.done $0x0  }
0x3bb: {  	[sflag:s7] =	ssyncadd.s32 $0xFFFFE000  }
0x3bc: {  	_ =	swait.ge [sflag:s7], $0x2000  }
0x3bd: {  	[sflag:s7] =	ssyncset.done $0x0  }
0x3be: {  	[sflag:s7] =	ssyncadd.s32 $0xFFFFE000  }
0x3bf: {  	_ =	swait.ge [sflag:s7], $0x2000  }
0x3c0: {  	[sflag:s7] =	ssyncset.done $0x0  }
0x3c1: {  	[sflag:s7] =	ssyncadd.s32 $0xFFFFE000  }
0x3c2: {  	_ =	swait.ge [sflag:s7], $0x2000  }
0x3c3: {  	[sflag:s7] =	ssyncset.done $0x0  }
0x3c4: {  	[sflag:s7] =	ssyncadd.s32 $0xFFFFE000  }
0x3c5: {  	[spmem:s2] =	stream.indirect.scatter.add.f32 [tilespmem:s21], [sflag:$0x4], $0x40, s30, s22, $0xb8;
	[tilespmem:$0x1F800] =	vst v63  }
0x3c6: {  	_ = 	snop  }
0x3c7: {  	[spmem:s2] =	stream.indirect.scatter.add.f32 [tilespmem:s14], [sflag:$0x4], $0x40, s11, s22, $0xb8;
	[tilespmem:$0x1F800] =	vst v63  }
0x3c8: {  	_ = 	snop  }
0x3c9: {  	[spmem:s2] =	stream.indirect.scatter.add.f32 [tilespmem:s5], [sflag:$0x4], $0x40, s13, s22, $0xb8;
	[tilespmem:$0x1F800] =	vst v63  }
0x3ca: {  	_ = 	snop  }
0x3cb: {  	[spmem:s2] =	stream.indirect.scatter.add.f32 [tilespmem:s20], [sflag:$0x4], $0x40, s15, s22, $0xb8;
	[tilespmem:$0x1F800] =	vst v63  }
0x3cc: {  	_ =	swait.ge [sflag:s24], $0x400  }
0x3cd: {  	[sflag:s24] =	ssyncset.done $0x0  }
0x3ce: {  	[sflag:s24] =	ssyncadd.s32 $0xFFFFFC00  }
0x3cf: {  	[tilespmem:s12], [sflag:$0x1] =	stream.indirect.gather [hbm4b:s6+s22], $0x40, s3, s22, $0xb8;
	[tilespmem:$0x1F800] =	vst v63  }
0x3d0: {  	_ = 	snop  }
0x3d1: {  	[tilespmem:s25], [sflag:$0x1] =	stream.indirect.gather [hbm4b:s6+s22], $0x40, s22, s22, $0xb8;
	[tilespmem:$0x1F800] =	vst v63  }
0x3d2: {  	_ = 	snop  }
0x3d3: {  	[tilespmem:s28], [sflag:$0x1] =	stream.indirect.gather [hbm4b:s6+s22], $0x40, s16, s22, $0xb8;
	[tilespmem:$0x1F800] =	vst v63  }
0x3d4: {  	_ = 	snop  }
0x3d5: {  	[tilespmem:s9], [sflag:$0x1] =	stream.indirect.gather [hbm4b:s6+s22], $0x40, s18, s22, $0xb8;
	[tilespmem:$0x1F800] =	vst v63  }
0x3d6: {  	_ =	swait.ge [sflag:s26], $0x2000  }
0x3d7: {  	[sflag:s26] =	ssyncset.done $0x0  }
0x3d8: {  	[sflag:s26] =	ssyncadd.s32 $0xFFFFE000  }
0x3d9: {  	_ =	swait.ge [sflag:s26], $0x2000  }
0x3da: {  	[sflag:s26] =	ssyncset.done $0x0  }
0x3db: {  	[sflag:s26] =	ssyncadd.s32 $0xFFFFE000  }
0x3dc: {  	_ =	swait.ge [sflag:s26], $0x2000  }
0x3dd: {  	[sflag:s26] =	ssyncset.done $0x0  }
0x3de: {  	[sflag:s26] =	ssyncadd.s32 $0xFFFFE000  }
0x3df: {  	_ =	swait.ge [sflag:s26], $0x2000  }
0x3e0: {  	[sflag:s26] =	ssyncset.done $0x0  }
0x3e1: {  	s1 =	sadd.s32 s1, s17;
	[sflag:s26] =	ssyncadd.s32 $0xFFFFE000  }
0x3e2: {  	[tilespmem:s10], [sflag:$0x6] =	stream.linear.gather [hbm4b:s1+s3], $0x400, $0x38;
	[tilespmem:$0x1F800] =	vst v63  }
0x3e3: {  	_ =	swait.ge [sflag:s29], $0x2000  }
0x3e4: {  	[sflag:s29] =	ssyncset.done $0x0  }
0x3e5: {  	[sflag:s29] =	ssyncadd.s32 $0xFFFFE000  }
0x3e6: {  	_ =	swait.ge [sflag:s29], $0x2000  }
0x3e7: {  	[sflag:s29] =	ssyncset.done $0x0  }
0x3e8: {  	[sflag:s29] =	ssyncadd.s32 $0xFFFFE000  }
0x3e9: {  	_ =	swait.ge [sflag:s29], $0x2000  }
0x3ea: {  	[sflag:s29] =	ssyncset.done $0x0  }
0x3eb: {  	[sflag:s29] =	ssyncadd.s32 $0xFFFFE000  }
.Ltmp9:
0x3ec: {  	_ =	swait.ge [sflag:s29], $0x2000;
	(pc) =	sbr.rel @p0 .LBB2_20-.Ltmp9, $4  }
0x3ed: {  	[sflag:s29] =	ssyncset.done $0x0  }
0x3ee: {  	[sflag:s29] =	ssyncadd.s32 $0xFFFFE000  }
0x3ef: {  	_ =	swait.ge [sflag:s31], $0x400  }
0x3f0: {  	[sflag:s31] =	ssyncset.done $0x0  }
0x3f1: {  	[sflag:s31] =	ssyncadd.s32 $0xFFFFFC00;
	s0 =	simm.s32 $0x200  }
0x3f2: {  	[spmem:s2] =	stream.indirect.scatter.add.f32 [tilespmem:s12], [sflag:$0x2], $0x40, s0, s22, $0xb8;
	[tilespmem:$0x1F800] =	vst v63  }
0x3f3: {  	s17 =	simm.s32 $0x280  }
0x3f4: {  	[spmem:s2] =	stream.indirect.scatter.add.f32 [tilespmem:s25], [sflag:$0x2], $0x40, s17, s22, $0xb8;
	[tilespmem:$0x1F800] =	vst v63  }
0x3f5: {  	s18 =	simm.s32 $0x300  }
0x3f6: {  	[spmem:s2] =	stream.indirect.scatter.add.f32 [tilespmem:s28], [sflag:$0x2], $0x40, s18, s22, $0xb8;
	[tilespmem:$0x1F800] =	vst v63  }
0x3f7: {  	_ = 	snop  }
0x3f8: {  	[spmem:s2] =	stream.indirect.scatter.add.f32 [tilespmem:s9], [sflag:$0x2], $0x40, s4, s22, $0xb8;
	[tilespmem:$0x1F800] =	vst v63  }
0x3f9: {  	_ = 	snop  }
0x3fa: {  	[tilespmem:s21], [sflag:$0x3] =	stream.indirect.gather [hbm4b:s6+s22], $0x40, s10, s22, $0xb8;
	[tilespmem:$0x1F800] =	vst v63  }
0x3fb: {  	s19 =	simm.s32 $0x480  }
0x3fc: {  	[tilespmem:s14], [sflag:$0x3] =	stream.indirect.gather [hbm4b:s6+s22], $0x40, s19, s22, $0xb8;
	[tilespmem:$0x1F800] =	vst v63  }
0x3fd: {  	s25 =	simm.s32 $0x500  }
0x3fe: {  	[tilespmem:s5], [sflag:$0x3] =	stream.indirect.gather [hbm4b:s6+s22], $0x40, s25, s22, $0xb8;
	[tilespmem:$0x1F800] =	vst v63  }
0x3ff: {  	s28 =	simm.s32 $0x580  }
0x400: {  	[tilespmem:s20], [sflag:$0x3] =	stream.indirect.gather [hbm4b:s6+s22], $0x40, s28, s22, $0xb8;
	[tilespmem:$0x1F800] =	vst v63  }
0x401: {  	_ =	swait.ge [sflag:s8], $0x2000  }
0x402: {  	[sflag:s8] =	ssyncset.done $0x0  }
0x403: {  	[sflag:s8] =	ssyncadd.s32 $0xFFFFE000  }
0x404: {  	_ =	swait.ge [sflag:s8], $0x2000  }
0x405: {  	[sflag:s8] =	ssyncset.done $0x0  }
0x406: {  	[sflag:s8] =	ssyncadd.s32 $0xFFFFE000  }
0x407: {  	_ =	swait.ge [sflag:s8], $0x2000  }
0x408: {  	[sflag:s8] =	ssyncset.done $0x0  }
0x409: {  	[sflag:s8] =	ssyncadd.s32 $0xFFFFE000  }
0x40a: {  	_ =	swait.ge [sflag:s8], $0x2000  }
0x40b: {  	[sflag:s8] =	ssyncset.done $0x0  }
0x40c: {  	[sflag:s8] =	ssyncadd.s32 $0xFFFFE000  }
0x40d: {  	_ =	swait.ge [sflag:s7], $0x2000  }
0x40e: {  	[sflag:s7] =	ssyncset.done $0x0  }
0x40f: {  	[sflag:s7] =	ssyncadd.s32 $0xFFFFE000  }
0x410: {  	_ =	swait.ge [sflag:s7], $0x2000  }
0x411: {  	[sflag:s7] =	ssyncset.done $0x0  }
0x412: {  	[sflag:s7] =	ssyncadd.s32 $0xFFFFE000  }
0x413: {  	_ =	swait.ge [sflag:s7], $0x2000  }
0x414: {  	[sflag:s7] =	ssyncset.done $0x0  }
0x415: {  	[sflag:s7] =	ssyncadd.s32 $0xFFFFE000  }
0x416: {  	_ =	swait.ge [sflag:s7], $0x2000  }
0x417: {  	[sflag:s7] =	ssyncset.done $0x0  }
0x418: {  	[sflag:s7] =	ssyncadd.s32 $0xFFFFE000  }
0x419: {  	[spmem:s2] =	stream.indirect.scatter.add.f32 [tilespmem:s21], [sflag:$0x4], $0x40, s30, s22, $0xb8;
	[tilespmem:$0x1F800] =	vst v63  }
0x41a: {  	_ = 	snop  }
0x41b: {  	[spmem:s2] =	stream.indirect.scatter.add.f32 [tilespmem:s14], [sflag:$0x4], $0x40, s11, s22, $0xb8;
	[tilespmem:$0x1F800] =	vst v63  }
0x41c: {  	_ = 	snop  }
0x41d: {  	[spmem:s2] =	stream.indirect.scatter.add.f32 [tilespmem:s5], [sflag:$0x4], $0x40, s13, s22, $0xb8;
	[tilespmem:$0x1F800] =	vst v63  }
0x41e: {  	_ = 	snop  }
0x41f: {  	[spmem:s2] =	stream.indirect.scatter.add.f32 [tilespmem:s20], [sflag:$0x4], $0x40, s15, s22, $0xb8;
	[tilespmem:$0x1F800] =	vst v63  }
0x420: {  	_ =	swait.ge [sflag:s26], $0x2000  }
0x421: {  	[sflag:s26] =	ssyncset.done $0x0  }
0x422: {  	[sflag:s26] =	ssyncadd.s32 $0xFFFFE000  }
0x423: {  	_ =	swait.ge [sflag:s26], $0x2000  }
0x424: {  	[sflag:s26] =	ssyncset.done $0x0  }
0x425: {  	[sflag:s26] =	ssyncadd.s32 $0xFFFFE000  }
0x426: {  	_ =	swait.ge [sflag:s26], $0x2000  }
0x427: {  	[sflag:s26] =	ssyncset.done $0x0  }
0x428: {  	[sflag:s26] =	ssyncadd.s32 $0xFFFFE000  }
0x429: {  	_ =	swait.ge [sflag:s26], $0x2000  }
0x42a: {  	s1 =	simm.s32 $0x13000;
	s16 =	simm.s32 $0x8800;
	[sflag:s26] =	ssyncset.done $0x0  }
0x42b: {  	s0 =	simm.s32 $0x0;
	s4 =	simm.s32 $0x0;
	[sflag:s26] =	ssyncadd.s32 $0xFFFFE000  }
0x42c: {  	s19 =	simm.s32 $0x800;
	s30 =	smov.u32 s23;
	[bflag:$0x0] =	sbarrier.arrive $0xFFFF  }
0x42d: {  	s11 =	simm.s32 $0xA800;
	s14 =	simm.s32 $0xC800;
	s18 =	rddreg [dreg:$0x4]  }
0x42e: {  	s5 =	simm.s32 $0xE800;
	s13 =	simm.s32 $0x7;
	s20 =	rddreg [dreg:$0x3]  }
.LBB2_22:
0x42f: {  	s9 =	sshll.u32 s4, $0x7;
	s10 =	rddreg [dreg:$0x7]  }
0x430: {  	s9 =	sadd.s32 s10, s9  }
0x431: {  	s10 =	sshll.u32 s9, $0x6  }
0x432: {  	s12 =	sadd.s32 s10, s2  }
0x433: {  	[tilespmem:s19], [sflag:$0x7] =	stream.linear.gather [spmem:s12], $0x2000, $0x38;
	[tilespmem:$0x1F800] =	vst v63  }
0x434: {  	_ =	swait.ge [sflag:s13], $0x2000  }
0x435: {  	s28 =	rddreg [dreg:$0xa]  }
0x436: {  	s9 =	sadd.s32 s28, s9  }
0x437: {  	[sflag:s13] =	ssyncset.done $0x0;
	s9 =	sshll.u32 s9, $0x3  }
0x438: {  	[sflag:s13] =	ssyncadd.s32 $0xFFFFE000;
	s9 =	sadd.s32 s20, s9  }
0x439: {  	[tilespmem:s16], [sflag:$0x7] =	stream.linear.gather [hbm4b:s9+s0], $0x2000, $0x38;
	[tilespmem:$0x1F800] =	vst v63  }
0x43a: {  	_ =	swait.ge [sflag:s13], $0x2000  }
0x43b: {  	[sflag:s13] =	ssyncset.done $0x0  }
0x43c: {  	[sflag:s13] =	ssyncadd.s32 $0xFFFFE000;
	s13 =	simm.s32 $0x0  }
0x43d: {  	v1 =	vld [tilespmem:s13+$0x8820]  }
0x43e: {  	v4 =	vld [tilespmem:s13+$0x820]  }
0x43f: {  	v8 =	vld [tilespmem:s13+$0x810]  }
0x440: {  	v2 =	vld [tilespmem:s1+$0x0]  }
0x441: {  	v5 =	vld [tilespmem:s13+$0x800]  }
0x442: {  	v3 =	vld [tilespmem:s13+$0x830]  }
0x443: {  	v7 =	vld [tilespmem:s13+$0x8810]  }
0x444: {  	v6 =	vld [tilespmem:s13+$0x8800]  }
0x445: {  	s12 =	smov.u32 s1;
	s9 =	simm.s32 $0x100;
	v8 =	vmul.f32 v8, v2;
	v9 =	vmul.f32 v4, v2;
	v4 =	vld [tilespmem:s13+$0x8830]  }
.LBB2_23:
0x446: {  	p0 =	sne.s32 s9, $0x7F00  }
0x447: {  	v5 =	vmul.f32 v5, v2;
	s12 =	sadd.s32 $0x10, s12;
	s15 =	smov.u32 s9;
	s9 =	sadd.s32 $0x100, s9  }
0x448: {  	v7 =	vadd.f32 v7, v8;
	v1 =	vadd.f32 v1, v9  }
0x449: {  	v2 =	vmul.f32 v3, v2;
	v5 =	vadd.f32 v6, v5  }
0x44a: {  	s15 =	sshra.s32 s15, $0x2;
	v3 =	vmax.f32 v7, $0.0e+00;
	v6 =	vmax.f32 v1, $0.0e+00  }
0x44b: {  	v1 =	vld [tilespmem:s15+$0x8820];
	v5 =	vmax.f32 v5, $0.0e+00;
	[tilespmem:s13+$0x820] =	vst v6;
	v2 =	vadd.f32 v4, v2  }
0x44c: {  	v4 =	vld [tilespmem:s15+$0x820];
	[tilespmem:s13+$0x810] =	vst v3  }
0x44d: {  	v8 =	vld [tilespmem:s15+$0x810];
	[tilespmem:s13+$0x800] =	vst v5;
	v2 =	vmax.f32 v2, $0.0e+00  }
0x44e: {  	v5 =	vld [tilespmem:s15+$0x800];
	[tilespmem:s13+$0x830] =	vst v2;
	s13 =	smov.u32 s15  }
0x44f: {  	v2 =	vld [tilespmem:s12+$0x0]  }
.Ltmp10:
0x450: {  	v3 =	vld [tilespmem:s13+$0x830];
	(pc) =	sbr.rel @p0 .LBB2_23-.Ltmp10, $3  }
0x451: {  	v7 =	vld [tilespmem:s13+$0x8810]  }
0x452: {  	v6 =	vld [tilespmem:s13+$0x8800];
	_ =	sdelay $0x1  }
0x453: {  	v8 =	vmul.f32 v8, v2;
	v9 =	vmul.f32 v4, v2;
	v4 =	vld [tilespmem:s13+$0x8830]  }
0x454: {  	_ = 	snop  }
0x455: {  	v5 =	vmul.f32 v5, v2;
	v1 =	vadd.f32 v1, v9  }
0x456: {  	v2 =	vmul.f32 v3, v2;
	v7 =	vadd.f32 v7, v8  }
0x457: {  	v3 =	vadd.f32 v6, v5;
	v1 =	vmax.f32 v1, $0.0e+00  }
0x458: {  	v63 =	vmax.f32 v7, $0.0e+00;
	[tilespmem:s13+$0x820] =	vst v1;
	v1 =	vadd.f32 v4, v2  }
0x459: {  	s9 =	sadd.s32 s18, s10;
	s4 =	sadd.s32 $0x1, s4;
	v2 =	vmax.f32 v3, $0.0e+00;
	[tilespmem:s13+$0x810] =	vst v63  }
0x45a: {  	s28 =	rddreg [dreg:$0x6];
	s9 =	sshrl.u32 s9, $0x3;
	p0 =	sne.s32 s4, $0x5;
	[tilespmem:s13+$0x800] =	vst v2;
	v1 =	vmax.f32 v1, $0.0e+00  }
.Ltmp11:
0x45b: {  	s9 =	sadd.s32 s28, s9;
	[tilespmem:s13+$0x830] =	vst v1;
	s13 =	simm.s32 $0x7;
	(pc) =	sbr.rel @p0 .LBB2_22-.Ltmp11, $4  }
0x45c: {  	[hbm4b:s9+s3] =	stream.linear.scatter [tilespmem:s19], [sflag:$0x7], $0x2000, $0x38;
	[tilespmem:$0x1F800] =	vst v63  }
0x45d: {  	_ =	swait.ge [sflag:s13], $0x2000  }
0x45e: {  	[sflag:s13] =	ssyncset.done $0x0  }
0x45f: {  	s1 =	sadd.s32 $0x800, s1;
	[sflag:s13] =	ssyncadd.s32 $0xFFFFE000  }
0x460: {  	s1 =	rddreg [dreg:$0xf]  }
0x461: {  	s0 =	rddreg [dreg:$0xd];
	s1 =	sadd.s32 $0x1, s1  }
0x462: {  	p0 =	sne.s32 s1, s0  }
.Ltmp12:
0x463: {  	_ = 	snop;
	(pc) =	sbr.rel @p0 .LBB2_1-.Ltmp12, $1  }
0x464: {  	_ =	sdelay $0x3  }
0x465: {  	_ =	sfence.sel $0x180000  }
0x466: {  	[bflag:$0x0] =	sbarrier.arrive $0xFFFF  }
0x467: {  	_ =	strace $0x9000004A  }
0x468: {  	s0 =	stileid.u32;
	[bflag:$0x2] =	sbarrier.arrive $0xFFFF  }
0x469: {  	p0 =	sne.s32 s0, $0x0;
	s0 =	rddreg [dreg:$0x2]  }
0x46a: {  	s0 =	sadd.s32 @!p0 $0x100000, s0  }
0x46b: {  	[sflag:s0] =	ssyncadd.tile.s32 @!p0 $0x1;
	_ =	shalt  }
.Lfunc_end2:
_tile_overlayer_lowered:
.L_overlay_start_2:
0x46c: {  	(tag) =	ssettag $0x2  }
0x46d: {  	s0 =	rddreg [dreg:$0x0];
	s2 =	stileid.u32  }
0x46e: {  	s1 =	rddreg [dreg:$0x1];
	p0 =	sne.s32 s2, $0x0  }
0x46f: {  	s3 =	rddreg [dreg:$0x2];
	[bflag:$0x3] =	sbarrier.arrive $0xFFFF;
	s2 =	simm.s32 @!p0 $0x1C07  }
0x470: {  	[timem:s3], [sflag:s2] =	dma.local @!p0 [hbm:s0], s1  }
0x471: {  	s0 =	simm.s32 @!p0 $0x7  }
0x472: {  	_ =	swait.ge @!p0 [sflag:s0], s1  }
0x473: {  	s1 =	ssub.s32 @!p0 $0x0, s1;
	[sflag:s0] =	ssyncset.done @!p0 $0x0  }
0x474: {  	[sflag:s0] =	ssyncadd.s32 @!p0 s1  }
0x475: {  	[bflag:$0x3] =	sbarrier.arrive $0xFFFF  }
0x476: {  	_ =	shalt  }

</sc_bundles>
